<compile_context>
chip_gen: v7x
topology: tpu7x:2x2x1
jax: 0.10.2.dev20260603
libtpu: 0.0.44.dev20260713+nightly
codegen_flags: <defaults>
</compile_context>

<pallas_src>
import dataclasses
import functools

import jax
import jax.numpy as jnp
from jax import lax
from jax.experimental import pallas as pl
from jax.experimental.pallas import tpu as pltpu
from jax.experimental.pallas import tpu_sc as plsc

HIDDEN = 2048
N_EXP = 8
LANES = 16
K_CHUNKS = HIDDEN // LANES

_BLK = 1024
R_SC = 5120
NW = 32
ROWS_PER_W = R_SC // NW
DMA_ROWS = 16
N_BLOCKS = ROWS_PER_W // DMA_ROWS
R_GRP = 4


def _tc_kernel(x_ref, w_ref, o_ref):
    o_ref[...] = jax.lax.dot_general(
        x_ref[...], w_ref[...],
        dimension_numbers=(((1,), (1,)), ((), ())),
        preferred_element_type=jnp.float32,
    )


def _tc_call_full(xf, weight, rows, rows_tc):
    return pl.pallas_call(
        _tc_kernel,
        grid=(rows_tc // _BLK,),
        in_specs=[
            pl.BlockSpec((_BLK, HIDDEN), lambda i: (i, 0)),
            pl.BlockSpec((N_EXP, HIDDEN), lambda i: (0, 0)),
        ],
        out_specs=pl.BlockSpec((_BLK, N_EXP), lambda i: (i, 0)),
        out_shape=jax.ShapeDtypeStruct((rows, N_EXP), jnp.float32),
    )(xf, weight)


def _sc_call(xf, weight, row_base):
    mesh = plsc.VectorSubcoreMesh(core_axis_name="c", subcore_axis_name="s")
    cp = pltpu.CompilerParams()
    if "needs_layout_passes" in pltpu.CompilerParams.__dataclass_fields__:
        cp = dataclasses.replace(cp, needs_layout_passes=False)

    @functools.partial(
        pl.kernel,
        mesh=mesh,
        compiler_params=cp,
        out_type=jax.ShapeDtypeStruct((R_SC // 2, LANES), jnp.float32),
        scratch_types=[
            pltpu.VMEM((N_EXP, HIDDEN), jnp.float32),
            pltpu.VMEM((2, DMA_ROWS, HIDDEN), jnp.float32),
            pltpu.VMEM((ROWS_PER_W // 2, LANES), jnp.float32),
            pltpu.SemaphoreType.DMA,
            pltpu.SemaphoreType.DMA,
            pltpu.SemaphoreType.DMA,
        ],
    )
    def sc_kernel(x_hbm, w_hbm, o_hbm, w_v, x_v, o_v, sem_w, sem0, sem1):
        wid = lax.axis_index("s") * 2 + lax.axis_index("c")
        base = row_base + wid * ROWS_PER_W
        pltpu.async_copy(w_hbm, w_v, sem_w).wait()
        lane_iota = lax.iota(jnp.int32, LANES)

        def start(b, buf, sem):
            pltpu.async_copy(
                x_hbm.at[pl.ds(base + b * DMA_ROWS, DMA_ROWS)],
                x_v.at[buf], sem)

        def drain(buf, sem):
            pltpu.make_async_copy(
                x_hbm.at[pl.ds(base, DMA_ROWS)], x_v.at[buf], sem).wait()

        def compute_block(buf, b):
            for g0 in range(0, DMA_ROWS, R_GRP):
                def kbody(k, accs):
                    col = k * LANES
                    ws = [w_v[e, pl.ds(col, LANES)] for e in range(N_EXP)]
                    new = []
                    for r in range(R_GRP):
                        xk = x_v[buf, g0 + r, pl.ds(col, LANES)]
                        for e in range(N_EXP):
                            new.append(accs[r * N_EXP + e] + xk * ws[e])
                    return tuple(new)

                init = (jnp.zeros((LANES,), jnp.float32),) * (R_GRP * N_EXP)
                accs = lax.fori_loop(0, K_CHUNKS, kbody, init)
                for r in range(0, R_GRP, 2):
                    row = jnp.zeros((LANES,), jnp.float32)
                    for e in range(N_EXP):
                        s0 = jnp.sum(accs[r * N_EXP + e])
                        s1 = jnp.sum(accs[(r + 1) * N_EXP + e])
                        row = jnp.where(lane_iota == e, s0, row)
                        row = jnp.where(lane_iota == N_EXP + e, s1, row)
                    o_v[(b * DMA_ROWS + g0 + r) // 2, :] = row

        start(0, 0, sem0)

        @pl.loop(0, N_BLOCKS, step=2)
        def _(b):
            drain(0, sem0)
            start(b + 1, 1, sem1)
            compute_block(0, b)
            drain(1, sem1)

            @pl.when(b + 2 < N_BLOCKS)
            def _():
                start(b + 2, 0, sem0)

            compute_block(1, b + 1)

        pltpu.async_copy(
            o_v, o_hbm.at[pl.ds(wid * (ROWS_PER_W // 2), ROWS_PER_W // 2)],
            sem0).wait()

    return sc_kernel(xf, weight)


def kernel(x, weight):
    xf = x.reshape(-1, HIDDEN)
    rows = xf.shape[0]
    rows_tc = rows - R_SC
    out_sc = _sc_call(xf, weight, rows_tc)
    out_full = _tc_call_full(xf, weight, rows, rows_tc)
    return jax.lax.dynamic_update_slice(
        out_full, out_sc.reshape(R_SC, N_EXP), (rows_tc, 0))

# --- scband reference (transcript-rebuilt; emitter-appended) ---
"""Pipeline reference for scband-topk-router-22986664968195 (READ-ONLY COPY).

The authoritative reference and input builder live on the scoring server;
editing this copy changes nothing except your own understanding.
"""

import jax, jax.numpy as jnp
import numpy as np

HIDDEN = 2048
N_EXPERTS = 8

def setup_inputs(seed: int = 0) -> dict:
    key = jax.random.key(seed)
    k1, k2 = jax.random.split(key)
    x = jax.random.normal(k1, (4, 8192, HIDDEN), dtype=jnp.float32)
    weight = jax.random.normal(k2, (N_EXPERTS, HIDDEN), dtype=jnp.float32) * 0.02
    return {"x": x, "weight": weight}

def reference(x, weight):
    # x.view(-1, hidden_size); F.linear(x.float(), weight.float())
    xf = x.reshape(-1, weight.shape[1]).astype(jnp.float32)
    logits = xf @ weight.astype(jnp.float32).T
    return logits

if __name__ == "__main__":
    import jax
    _d = setup_inputs()
    print(jax.jit(kernel)(*tuple(_d.values())))

</pallas_src>

<mosaic_0001>
#map = affine_map<(d0, d1) -> (0, 0)>
module attributes {stable_mosaic.version = 14 : i64} {
  func.func @sc_kernel(%arg0: i32, %arg1: i32, %arg2: memref<32768x2048xf32, #tpu.memory_space<hbm>>, %arg3: memref<8x2048xf32, #tpu.memory_space<hbm>>, %arg4: memref<2560x16xf32, #tpu.memory_space<hbm>>, %arg5: memref<8x2048xf32, #tpu.memory_space<vmem>>, %arg6: memref<2x16x2048xf32, #tpu.memory_space<vmem>>, %arg7: memref<80x16xf32, #tpu.memory_space<vmem>>, %arg8: memref<!tpu.dma_semaphore, #tpu.memory_space<semaphore_mem>>, %arg9: memref<!tpu.dma_semaphore, #tpu.memory_space<semaphore_mem>>, %arg10: memref<!tpu.dma_semaphore, #tpu.memory_space<semaphore_mem>>) attributes {dimension_semantics = [#tpu.dimension_semantics<core_parallel>, #tpu.dimension_semantics<subcore_parallel>], iteration_bounds = array<i64: 2, 16>, scalar_prefetch = 0 : i64, scratch_operands = 6 : i64, tpu.core_type = #tpu.core_type<sc_vector_subcore>, window_params = [{transform_indices = #map}, {transform_indices = #map}, {transform_indices = #map}]} {
    %mul3A = arith.constant 2 : i32
    %mul3A_0 = arith.muli %arg1, %mul3A : i32
    %add3A = arith.addi %mul3A_0, %arg0 : i32
    %mul3A_1 = arith.constant 160 : i32
    %mul3A_2 = arith.muli %add3A, %mul3A_1 : i32
    %add3A_3 = arith.constant 27648 : i32
    %add3A_4 = arith.addi %add3A_3, %mul3A_2 : i32
    tpu.enqueue_dma source(%arg3 : memref<8x2048xf32, #tpu.memory_space<hbm>>) target(%arg5 : memref<8x2048xf32, #tpu.memory_space<vmem>>) target_semaphore(%arg8 : memref<!tpu.dma_semaphore, #tpu.memory_space<semaphore_mem>>)
    tpu.wait_dma2 semaphore(%arg8 : memref<!tpu.dma_semaphore, #tpu.memory_space<semaphore_mem>>) src(%arg3 : memref<8x2048xf32, #tpu.memory_space<hbm>>) dst(%arg5 : memref<8x2048xf32, #tpu.memory_space<vmem>>)
    %iota3A = tpu.iota {dimensions = array<i32: 0>} : vector<16xi32>
    %add3A_5 = arith.constant 0 : i32
    %add3A_6 = arith.addi %add3A_4, %add3A_5 : i32
    %dma_start3A = arith.constant 0 : i32
    %dma_start3A_7 = arith.constant 0 : i32
    %dma_start3A_8 = arith.constant 0 : i32
    %dma_start3A_9 = tpu.memref_slice %arg6[%dma_start3A, %dma_start3A_7, %dma_start3A_8] : memref<2x16x2048xf32, #tpu.memory_space<vmem>> -> memref<1x16x2048xf32, #tpu.memory_space<vmem>>
    %dma_start3A_10 = tpu.memref_squeeze %dma_start3A_9 : memref<1x16x2048xf32, #tpu.memory_space<vmem>> -> memref<16x2048xf32, #tpu.memory_space<vmem>>
    %dma_start3A_11 = arith.constant 0 : i32
    %dma_start3A_12 = tpu.memref_slice %arg2[%add3A_6, %dma_start3A_11] : memref<32768x2048xf32, #tpu.memory_space<hbm>> -> memref<16x2048xf32, #tpu.memory_space<hbm>>
    %dma_start3A_13 = arith.constant 0 : i32
    %dma_start3A_14 = arith.constant 0 : i32
    %dma_start3A_15 = tpu.memref_slice %arg6[%dma_start3A, %dma_start3A_13, %dma_start3A_14] : memref<2x16x2048xf32, #tpu.memory_space<vmem>> -> memref<1x16x2048xf32, #tpu.memory_space<vmem>>
    %dma_start3A_16 = tpu.memref_squeeze %dma_start3A_15 : memref<1x16x2048xf32, #tpu.memory_space<vmem>> -> memref<16x2048xf32, #tpu.memory_space<vmem>>
    %dma_start3A_17 = arith.constant 0 : i32
    %dma_start3A_18 = tpu.memref_slice %arg2[%add3A_6, %dma_start3A_17] : memref<32768x2048xf32, #tpu.memory_space<hbm>> -> memref<16x2048xf32, #tpu.memory_space<hbm>>
    tpu.enqueue_dma source(%dma_start3A_18 : memref<16x2048xf32, #tpu.memory_space<hbm>>) target(%dma_start3A_16 : memref<16x2048xf32, #tpu.memory_space<vmem>>) target_semaphore(%arg9 : memref<!tpu.dma_semaphore, #tpu.memory_space<semaphore_mem>>)
    %scan3A = arith.constant 0 : i32
    %scan3A_19 = arith.constant 5 : i32
    %scan3A_20 = arith.addi %scan3A, %scan3A_19 : i32
    %scan3A_21 = arith.constant 1 : i32
    scf.for %scan3A_32 = %scan3A to %scan3A_20 step %scan3A_21  : i32 {
      %mul3A_33 = arith.constant 2 : i32
      %mul3A_34 = arith.muli %scan3A_32, %mul3A_33 : i32
      %add3A_35 = arith.constant 0 : i32
      %add3A_36 = arith.addi %add3A_35, %mul3A_34 : i32
      %dma_wait3A_37 = arith.constant 0 : i32
      %dma_wait3A_38 = arith.constant 0 : i32
      %dma_wait3A_39 = arith.constant 0 : i32
      %dma_wait3A_40 = tpu.memref_slice %arg6[%dma_wait3A_37, %dma_wait3A_38, %dma_wait3A_39] : memref<2x16x2048xf32, #tpu.memory_space<vmem>> -> memref<1x16x2048xf32, #tpu.memory_space<vmem>>
      %dma_wait3A_41 = tpu.memref_squeeze %dma_wait3A_40 : memref<1x16x2048xf32, #tpu.memory_space<vmem>> -> memref<16x2048xf32, #tpu.memory_space<vmem>>
      %dma_wait3A_42 = arith.constant 0 : i32
      %dma_wait3A_43 = tpu.memref_slice %arg2[%add3A_4, %dma_wait3A_42] : memref<32768x2048xf32, #tpu.memory_space<hbm>> -> memref<16x2048xf32, #tpu.memory_space<hbm>>
      %dma_wait3A_44 = arith.constant 0 : i32
      %dma_wait3A_45 = arith.constant 0 : i32
      %dma_wait3A_46 = tpu.memref_slice %arg6[%dma_wait3A_37, %dma_wait3A_44, %dma_wait3A_45] : memref<2x16x2048xf32, #tpu.memory_space<vmem>> -> memref<1x16x2048xf32, #tpu.memory_space<vmem>>
      %dma_wait3A_47 = tpu.memref_squeeze %dma_wait3A_46 : memref<1x16x2048xf32, #tpu.memory_space<vmem>> -> memref<16x2048xf32, #tpu.memory_space<vmem>>
      %dma_wait3A_48 = arith.constant 0 : i32
      %dma_wait3A_49 = tpu.memref_slice %arg2[%add3A_4, %dma_wait3A_48] : memref<32768x2048xf32, #tpu.memory_space<hbm>> -> memref<16x2048xf32, #tpu.memory_space<hbm>>
      tpu.wait_dma2 semaphore(%arg9 : memref<!tpu.dma_semaphore, #tpu.memory_space<semaphore_mem>>) src(%dma_wait3A_49 : memref<16x2048xf32, #tpu.memory_space<hbm>>) dst(%dma_wait3A_47 : memref<16x2048xf32, #tpu.memory_space<vmem>>)
      %add3A_50 = arith.constant 1 : i32
      %add3A_51 = arith.addi %add3A_36, %add3A_50 : i32
      %mul3A_52 = arith.constant 16 : i32
      %mul3A_53 = arith.muli %add3A_51, %mul3A_52 : i32
      %add3A_54 = arith.addi %add3A_4, %mul3A_53 : i32
      %dma_start3A_55 = arith.constant 1 : i32
      %dma_start3A_56 = arith.constant 0 : i32
      %dma_start3A_57 = arith.constant 0 : i32
      %dma_start3A_58 = tpu.memref_slice %arg6[%dma_start3A_55, %dma_start3A_56, %dma_start3A_57] : memref<2x16x2048xf32, #tpu.memory_space<vmem>> -> memref<1x16x2048xf32, #tpu.memory_space<vmem>>
      %dma_start3A_59 = tpu.memref_squeeze %dma_start3A_58 : memref<1x16x2048xf32, #tpu.memory_space<vmem>> -> memref<16x2048xf32, #tpu.memory_space<vmem>>
      %dma_start3A_60 = arith.constant 0 : i32
      %dma_start3A_61 = tpu.memref_slice %arg2[%add3A_54, %dma_start3A_60] : memref<32768x2048xf32, #tpu.memory_space<hbm>> -> memref<16x2048xf32, #tpu.memory_space<hbm>>
      %dma_start3A_62 = arith.constant 0 : i32
      %dma_start3A_63 = arith.constant 0 : i32
      %dma_start3A_64 = tpu.memref_slice %arg6[%dma_start3A_55, %dma_start3A_62, %dma_start3A_63] : memref<2x16x2048xf32, #tpu.memory_space<vmem>> -> memref<1x16x2048xf32, #tpu.memory_space<vmem>>
      %dma_start3A_65 = tpu.memref_squeeze %dma_start3A_64 : memref<1x16x2048xf32, #tpu.memory_space<vmem>> -> memref<16x2048xf32, #tpu.memory_space<vmem>>
      %dma_start3A_66 = arith.constant 0 : i32
      %dma_start3A_67 = tpu.memref_slice %arg2[%add3A_54, %dma_start3A_66] : memref<32768x2048xf32, #tpu.memory_space<hbm>> -> memref<16x2048xf32, #tpu.memory_space<hbm>>
      tpu.enqueue_dma source(%dma_start3A_67 : memref<16x2048xf32, #tpu.memory_space<hbm>>) target(%dma_start3A_65 : memref<16x2048xf32, #tpu.memory_space<vmem>>) target_semaphore(%arg10 : memref<!tpu.dma_semaphore, #tpu.memory_space<semaphore_mem>>)
      %broadcast_in_dim3A = arith.constant 0.000000e+00 : f32
      %broadcast_in_dim3A_68 = vector.broadcast %broadcast_in_dim3A : f32 to vector<16xf32>
      %scan3A_69 = arith.constant 0 : i32
      %scan3A_70 = arith.constant 128 : i32
      %scan3A_71 = arith.addi %scan3A_69, %scan3A_70 : i32
      %scan3A_72 = arith.constant 1 : i32
      %scan3A_73:32 = scf.for %scan3A_3003 = %scan3A_69 to %scan3A_71 step %scan3A_72 iter_args(%scan3A_3004 = %broadcast_in_dim3A_68, %scan3A_3005 = %broadcast_in_dim3A_68, %scan3A_3006 = %broadcast_in_dim3A_68, %scan3A_3007 = %broadcast_in_dim3A_68, %scan3A_3008 = %broadcast_in_dim3A_68, %scan3A_3009 = %broadcast_in_dim3A_68, %scan3A_3010 = %broadcast_in_dim3A_68, %scan3A_3011 = %broadcast_in_dim3A_68, %scan3A_3012 = %broadcast_in_dim3A_68, %scan3A_3013 = %broadcast_in_dim3A_68, %scan3A_3014 = %broadcast_in_dim3A_68, %scan3A_3015 = %broadcast_in_dim3A_68, %scan3A_3016 = %broadcast_in_dim3A_68, %scan3A_3017 = %broadcast_in_dim3A_68, %scan3A_3018 = %broadcast_in_dim3A_68, %scan3A_3019 = %broadcast_in_dim3A_68, %scan3A_3020 = %broadcast_in_dim3A_68, %scan3A_3021 = %broadcast_in_dim3A_68, %scan3A_3022 = %broadcast_in_dim3A_68, %scan3A_3023 = %broadcast_in_dim3A_68, %scan3A_3024 = %broadcast_in_dim3A_68, %scan3A_3025 = %broadcast_in_dim3A_68, %scan3A_3026 = %broadcast_in_dim3A_68, %scan3A_3027 = %broadcast_in_dim3A_68, %scan3A_3028 = %broadcast_in_dim3A_68, %scan3A_3029 = %broadcast_in_dim3A_68, %scan3A_3030 = %broadcast_in_dim3A_68, %scan3A_3031 = %broadcast_in_dim3A_68, %scan3A_3032 = %broadcast_in_dim3A_68, %scan3A_3033 = %broadcast_in_dim3A_68, %scan3A_3034 = %broadcast_in_dim3A_68, %scan3A_3035 = %broadcast_in_dim3A_68) -> (vector<16xf32>, vector<16xf32>, vector<16xf32>, vector<16xf32>, vector<16xf32>, vector<16xf32>, vector<16xf32>, vector<16xf32>, vector<16xf32>, vector<16xf32>, vector<16xf32>, vector<16xf32>, vector<16xf32>, vector<16xf32>, vector<16xf32>, vector<16xf32>, vector<16xf32>, vector<16xf32>, vector<16xf32>, vector<16xf32>, vector<16xf32>, vector<16xf32>, vector<16xf32>, vector<16xf32>, vector<16xf32>, vector<16xf32>, vector<16xf32>, vector<16xf32>, vector<16xf32>, vector<16xf32>, vector<16xf32>, vector<16xf32>)  : i32 {
        %mul3A_3036 = arith.constant 16 : i32
        %mul3A_3037 = arith.muli %scan3A_3003, %mul3A_3036 : i32
        %get3A = arith.constant 0 : i32
        %get3A_3038 = arith.index_cast %get3A : i32 to index
        %get3A_3039 = arith.index_cast %mul3A_3037 : i32 to index
        %get3A_3040 = tpu.vector_load %arg5[%get3A_3038, %get3A_3039] {strides = array<i32>} : memref<8x2048xf32, #tpu.memory_space<vmem>>, vector<16xf32>,
        %get3A_3041 = arith.constant 1 : i32
        %get3A_3042 = arith.index_cast %get3A_3041 : i32 to index
        %get3A_3043 = arith.index_cast %mul3A_3037 : i32 to index
        %get3A_3044 = tpu.vector_load %arg5[%get3A_3042, %get3A_3043] {strides = array<i32>} : memref<8x2048xf32, #tpu.memory_space<vmem>>, vector<16xf32>,
        %get3A_3045 = arith.constant 2 : i32
        %get3A_3046 = arith.index_cast %get3A_3045 : i32 to index
        %get3A_3047 = arith.index_cast %mul3A_3037 : i32 to index
        %get3A_3048 = tpu.vector_load %arg5[%get3A_3046, %get3A_3047] {strides = array<i32>} : memref<8x2048xf32, #tpu.memory_space<vmem>>, vector<16xf32>,
        %get3A_3049 = arith.constant 3 : i32
        %get3A_3050 = arith.index_cast %get3A_3049 : i32 to index
        %get3A_3051 = arith.index_cast %mul3A_3037 : i32 to index
        %get3A_3052 = tpu.vector_load %arg5[%get3A_3050, %get3A_3051] {strides = array<i32>} : memref<8x2048xf32, #tpu.memory_space<vmem>>, vector<16xf32>,
        %get3A_3053 = arith.constant 4 : i32
        %get3A_3054 = arith.index_cast %get3A_3053 : i32 to index
        %get3A_3055 = arith.index_cast %mul3A_3037 : i32 to index
        %get3A_3056 = tpu.vector_load %arg5[%get3A_3054, %get3A_3055] {strides = array<i32>} : memref<8x2048xf32, #tpu.memory_space<vmem>>, vector<16xf32>,
        %get3A_3057 = arith.constant 5 : i32
        %get3A_3058 = arith.index_cast %get3A_3057 : i32 to index
        %get3A_3059 = arith.index_cast %mul3A_3037 : i32 to index
        %get3A_3060 = tpu.vector_load %arg5[%get3A_3058, %get3A_3059] {strides = array<i32>} : memref<8x2048xf32, #tpu.memory_space<vmem>>, vector<16xf32>,
        %get3A_3061 = arith.constant 6 : i32
        %get3A_3062 = arith.index_cast %get3A_3061 : i32 to index
        %get3A_3063 = arith.index_cast %mul3A_3037 : i32 to index
        %get3A_3064 = tpu.vector_load %arg5[%get3A_3062, %get3A_3063] {strides = array<i32>} : memref<8x2048xf32, #tpu.memory_space<vmem>>, vector<16xf32>,
        %get3A_3065 = arith.constant 7 : i32
        %get3A_3066 = arith.index_cast %get3A_3065 : i32 to index
        %get3A_3067 = arith.index_cast %mul3A_3037 : i32 to index
        %get3A_3068 = tpu.vector_load %arg5[%get3A_3066, %get3A_3067] {strides = array<i32>} : memref<8x2048xf32, #tpu.memory_space<vmem>>, vector<16xf32>,
        %get3A_3069 = arith.constant 0 : i32
        %get3A_3070 = arith.constant 0 : i32
        %get3A_3071 = arith.index_cast %get3A_3069 : i32 to index
        %get3A_3072 = arith.index_cast %get3A_3070 : i32 to index
        %get3A_3073 = arith.index_cast %mul3A_3037 : i32 to index
        %get3A_3074 = tpu.vector_load %arg6[%get3A_3071, %get3A_3072, %get3A_3073] {strides = array<i32>} : memref<2x16x2048xf32, #tpu.memory_space<vmem>>, vector<16xf32>,
        %mul3A_3075 = arith.mulf %get3A_3074, %get3A_3040 : vector<16xf32>
        %add3A_3076 = arith.addf %scan3A_3004, %mul3A_3075 : vector<16xf32>
        %mul3A_3077 = arith.mulf %get3A_3074, %get3A_3044 : vector<16xf32>
        %add3A_3078 = arith.addf %scan3A_3005, %mul3A_3077 : vector<16xf32>
        %mul3A_3079 = arith.mulf %get3A_3074, %get3A_3048 : vector<16xf32>
        %add3A_3080 = arith.addf %scan3A_3006, %mul3A_3079 : vector<16xf32>
        %mul3A_3081 = arith.mulf %get3A_3074, %get3A_3052 : vector<16xf32>
        %add3A_3082 = arith.addf %scan3A_3007, %mul3A_3081 : vector<16xf32>
        %mul3A_3083 = arith.mulf %get3A_3074, %get3A_3056 : vector<16xf32>
        %add3A_3084 = arith.addf %scan3A_3008, %mul3A_3083 : vector<16xf32>
        %mul3A_3085 = arith.mulf %get3A_3074, %get3A_3060 : vector<16xf32>
        %add3A_3086 = arith.addf %scan3A_3009, %mul3A_3085 : vector<16xf32>
        %mul3A_3087 = arith.mulf %get3A_3074, %get3A_3064 : vector<16xf32>
        %add3A_3088 = arith.addf %scan3A_3010, %mul3A_3087 : vector<16xf32>
        %mul3A_3089 = arith.mulf %get3A_3074, %get3A_3068 : vector<16xf32>
        %add3A_3090 = arith.addf %scan3A_3011, %mul3A_3089 : vector<16xf32>
        %get3A_3091 = arith.constant 0 : i32
        %get3A_3092 = arith.constant 1 : i32
        %get3A_3093 = arith.index_cast %get3A_3091 : i32 to index
        %get3A_3094 = arith.index_cast %get3A_3092 : i32 to index
        %get3A_3095 = arith.index_cast %mul3A_3037 : i32 to index
        %get3A_3096 = tpu.vector_load %arg6[%get3A_3093, %get3A_3094, %get3A_3095] {strides = array<i32>} : memref<2x16x2048xf32, #tpu.memory_space<vmem>>, vector<16xf32>,
        %mul3A_3097 = arith.mulf %get3A_3096, %get3A_3040 : vector<16xf32>
        %add3A_3098 = arith.addf %scan3A_3012, %mul3A_3097 : vector<16xf32>
        %mul3A_3099 = arith.mulf %get3A_3096, %get3A_3044 : vector<16xf32>
        %add3A_3100 = arith.addf %scan3A_3013, %mul3A_3099 : vector<16xf32>
        %mul3A_3101 = arith.mulf %get3A_3096, %get3A_3048 : vector<16xf32>
        %add3A_3102 = arith.addf %scan3A_3014, %mul3A_3101 : vector<16xf32>
        %mul3A_3103 = arith.mulf %get3A_3096, %get3A_3052 : vector<16xf32>
        %add3A_3104 = arith.addf %scan3A_3015, %mul3A_3103 : vector<16xf32>
        %mul3A_3105 = arith.mulf %get3A_3096, %get3A_3056 : vector<16xf32>
        %add3A_3106 = arith.addf %scan3A_3016, %mul3A_3105 : vector<16xf32>
        %mul3A_3107 = arith.mulf %get3A_3096, %get3A_3060 : vector<16xf32>
        %add3A_3108 = arith.addf %scan3A_3017, %mul3A_3107 : vector<16xf32>
        %mul3A_3109 = arith.mulf %get3A_3096, %get3A_3064 : vector<16xf32>
        %add3A_3110 = arith.addf %scan3A_3018, %mul3A_3109 : vector<16xf32>
        %mul3A_3111 = arith.mulf %get3A_3096, %get3A_3068 : vector<16xf32>
        %add3A_3112 = arith.addf %scan3A_3019, %mul3A_3111 : vector<16xf32>
        %get3A_3113 = arith.constant 0 : i32
        %get3A_3114 = arith.constant 2 : i32
        %get3A_3115 = arith.index_cast %get3A_3113 : i32 to index
        %get3A_3116 = arith.index_cast %get3A_3114 : i32 to index
        %get3A_3117 = arith.index_cast %mul3A_3037 : i32 to index
        %get3A_3118 = tpu.vector_load %arg6[%get3A_3115, %get3A_3116, %get3A_3117] {strides = array<i32>} : memref<2x16x2048xf32, #tpu.memory_space<vmem>>, vector<16xf32>,
        %mul3A_3119 = arith.mulf %get3A_3118, %get3A_3040 : vector<16xf32>
        %add3A_3120 = arith.addf %scan3A_3020, %mul3A_3119 : vector<16xf32>
        %mul3A_3121 = arith.mulf %get3A_3118, %get3A_3044 : vector<16xf32>
        %add3A_3122 = arith.addf %scan3A_3021, %mul3A_3121 : vector<16xf32>
        %mul3A_3123 = arith.mulf %get3A_3118, %get3A_3048 : vector<16xf32>
        %add3A_3124 = arith.addf %scan3A_3022, %mul3A_3123 : vector<16xf32>
        %mul3A_3125 = arith.mulf %get3A_3118, %get3A_3052 : vector<16xf32>
        %add3A_3126 = arith.addf %scan3A_3023, %mul3A_3125 : vector<16xf32>
        %mul3A_3127 = arith.mulf %get3A_3118, %get3A_3056 : vector<16xf32>
        %add3A_3128 = arith.addf %scan3A_3024, %mul3A_3127 : vector<16xf32>
        %mul3A_3129 = arith.mulf %get3A_3118, %get3A_3060 : vector<16xf32>
        %add3A_3130 = arith.addf %scan3A_3025, %mul3A_3129 : vector<16xf32>
        %mul3A_3131 = arith.mulf %get3A_3118, %get3A_3064 : vector<16xf32>
        %add3A_3132 = arith.addf %scan3A_3026, %mul3A_3131 : vector<16xf32>
        %mul3A_3133 = arith.mulf %get3A_3118, %get3A_3068 : vector<16xf32>
        %add3A_3134 = arith.addf %scan3A_3027, %mul3A_3133 : vector<16xf32>
        %get3A_3135 = arith.constant 0 : i32
        %get3A_3136 = arith.constant 3 : i32
        %get3A_3137 = arith.index_cast %get3A_3135 : i32 to index
        %get3A_3138 = arith.index_cast %get3A_3136 : i32 to index
        %get3A_3139 = arith.index_cast %mul3A_3037 : i32 to index
        %get3A_3140 = tpu.vector_load %arg6[%get3A_3137, %get3A_3138, %get3A_3139] {strides = array<i32>} : memref<2x16x2048xf32, #tpu.memory_space<vmem>>, vector<16xf32>,
        %mul3A_3141 = arith.mulf %get3A_3140, %get3A_3040 : vector<16xf32>
        %add3A_3142 = arith.addf %scan3A_3028, %mul3A_3141 : vector<16xf32>
        %mul3A_3143 = arith.mulf %get3A_3140, %get3A_3044 : vector<16xf32>
        %add3A_3144 = arith.addf %scan3A_3029, %mul3A_3143 : vector<16xf32>
        %mul3A_3145 = arith.mulf %get3A_3140, %get3A_3048 : vector<16xf32>
        %add3A_3146 = arith.addf %scan3A_3030, %mul3A_3145 : vector<16xf32>
        %mul3A_3147 = arith.mulf %get3A_3140, %get3A_3052 : vector<16xf32>
        %add3A_3148 = arith.addf %scan3A_3031, %mul3A_3147 : vector<16xf32>
        %mul3A_3149 = arith.mulf %get3A_3140, %get3A_3056 : vector<16xf32>
        %add3A_3150 = arith.addf %scan3A_3032, %mul3A_3149 : vector<16xf32>
        %mul3A_3151 = arith.mulf %get3A_3140, %get3A_3060 : vector<16xf32>
        %add3A_3152 = arith.addf %scan3A_3033, %mul3A_3151 : vector<16xf32>
        %mul3A_3153 = arith.mulf %get3A_3140, %get3A_3064 : vector<16xf32>
        %add3A_3154 = arith.addf %scan3A_3034, %mul3A_3153 : vector<16xf32>
        %mul3A_3155 = arith.mulf %get3A_3140, %get3A_3068 : vector<16xf32>
        %add3A_3156 = arith.addf %scan3A_3035, %mul3A_3155 : vector<16xf32>
        scf.yield %add3A_3076, %add3A_3078, %add3A_3080, %add3A_3082, %add3A_3084, %add3A_3086, %add3A_3088, %add3A_3090, %add3A_3098, %add3A_3100, %add3A_3102, %add3A_3104, %add3A_3106, %add3A_3108, %add3A_3110, %add3A_3112, %add3A_3120, %add3A_3122, %add3A_3124, %add3A_3126, %add3A_3128, %add3A_3130, %add3A_3132, %add3A_3134, %add3A_3142, %add3A_3144, %add3A_3146, %add3A_3148, %add3A_3150, %add3A_3152, %add3A_3154, %add3A_3156 : vector<16xf32>, vector<16xf32>, vector<16xf32>, vector<16xf32>, vector<16xf32>, vector<16xf32>, vector<16xf32>, vector<16xf32>, vector<16xf32>, vector<16xf32>, vector<16xf32>, vector<16xf32>, vector<16xf32>, vector<16xf32>, vector<16xf32>, vector<16xf32>, vector<16xf32>, vector<16xf32>, vector<16xf32>, vector<16xf32>, vector<16xf32>, vector<16xf32>, vector<16xf32>, vector<16xf32>, vector<16xf32>, vector<16xf32>, vector<16xf32>, vector<16xf32>, vector<16xf32>, vector<16xf32>, vector<16xf32>, vector<16xf32>
      }
      %scan3A_74 = arith.constant 128 : i32
      %broadcast_in_dim3A_75 = arith.constant 0.000000e+00 : f32
      %broadcast_in_dim3A_76 = vector.broadcast %broadcast_in_dim3A_75 : f32 to vector<16xf32>
      %reduce_sum3A = arith.constant true
      %reduce_sum3A_77 = vector.broadcast %reduce_sum3A : i1 to vector<16xi1>
      %reduce_sum3A_78 = tpu.scan <sum>, %scan3A_73#0 masked %reduce_sum3A_77 : vector<16xf32>, vector<16xi1> -> vector<16xf32>
      %reduce_sum3A_79 = vector.extract %reduce_sum3A_78[15] : f32 from vector<16xf32>
      %reduce_sum3A_80 = arith.constant true
      %reduce_sum3A_81 = vector.broadcast %reduce_sum3A_80 : i1 to vector<16xi1>
      %reduce_sum3A_82 = tpu.scan <sum>, %scan3A_73#8 masked %reduce_sum3A_81 : vector<16xf32>, vector<16xi1> -> vector<16xf32>
      %reduce_sum3A_83 = vector.extract %reduce_sum3A_82[15] : f32 from vector<16xf32>
      %eq3A = arith.constant 0 : i32
      %eq3A_84 = vector.broadcast %eq3A : i32 to vector<16xi32>
      %eq3A_85 = arith.cmpi eq, %iota3A, %eq3A_84 : vector<16xi32>
      %broadcast_in_dim3A_86 = vector.broadcast %reduce_sum3A_79 : f32 to vector<16xf32>
      %select_n3A = arith.select %eq3A_85, %broadcast_in_dim3A_86, %broadcast_in_dim3A_76 : vector<16xi1>, vector<16xf32>
      %eq3A_87 = arith.constant 8 : i32
      %eq3A_88 = vector.broadcast %eq3A_87 : i32 to vector<16xi32>
      %eq3A_89 = arith.cmpi eq, %iota3A, %eq3A_88 : vector<16xi32>
      %broadcast_in_dim3A_90 = vector.broadcast %reduce_sum3A_83 : f32 to vector<16xf32>
      %select_n3A_91 = arith.select %eq3A_89, %broadcast_in_dim3A_90, %select_n3A : vector<16xi1>, vector<16xf32>
      %reduce_sum3A_92 = arith.constant true
      %reduce_sum3A_93 = vector.broadcast %reduce_sum3A_92 : i1 to vector<16xi1>
      %reduce_sum3A_94 = tpu.scan <sum>, %scan3A_73#1 masked %reduce_sum3A_93 : vector<16xf32>, vector<16xi1> -> vector<16xf32>
      %reduce_sum3A_95 = vector.extract %reduce_sum3A_94[15] : f32 from vector<16xf32>
      %reduce_sum3A_96 = arith.constant true
      %reduce_sum3A_97 = vector.broadcast %reduce_sum3A_96 : i1 to vector<16xi1>
      %reduce_sum3A_98 = tpu.scan <sum>, %scan3A_73#9 masked %reduce_sum3A_97 : vector<16xf32>, vector<16xi1> -> vector<16xf32>
      %reduce_sum3A_99 = vector.extract %reduce_sum3A_98[15] : f32 from vector<16xf32>
      %eq3A_100 = arith.constant 1 : i32
      %eq3A_101 = vector.broadcast %eq3A_100 : i32 to vector<16xi32>
      %eq3A_102 = arith.cmpi eq, %iota3A, %eq3A_101 : vector<16xi32>
      %broadcast_in_dim3A_103 = vector.broadcast %reduce_sum3A_95 : f32 to vector<16xf32>
      %select_n3A_104 = arith.select %eq3A_102, %broadcast_in_dim3A_103, %select_n3A_91 : vector<16xi1>, vector<16xf32>
      %eq3A_105 = arith.constant 9 : i32
      %eq3A_106 = vector.broadcast %eq3A_105 : i32 to vector<16xi32>
      %eq3A_107 = arith.cmpi eq, %iota3A, %eq3A_106 : vector<16xi32>
      %broadcast_in_dim3A_108 = vector.broadcast %reduce_sum3A_99 : f32 to vector<16xf32>
      %select_n3A_109 = arith.select %eq3A_107, %broadcast_in_dim3A_108, %select_n3A_104 : vector<16xi1>, vector<16xf32>
      %reduce_sum3A_110 = arith.constant true
      %reduce_sum3A_111 = vector.broadcast %reduce_sum3A_110 : i1 to vector<16xi1>
      %reduce_sum3A_112 = tpu.scan <sum>, %scan3A_73#2 masked %reduce_sum3A_111 : vector<16xf32>, vector<16xi1> -> vector<16xf32>
      %reduce_sum3A_113 = vector.extract %reduce_sum3A_112[15] : f32 from vector<16xf32>
      %reduce_sum3A_114 = arith.constant true
      %reduce_sum3A_115 = vector.broadcast %reduce_sum3A_114 : i1 to vector<16xi1>
      %reduce_sum3A_116 = tpu.scan <sum>, %scan3A_73#10 masked %reduce_sum3A_115 : vector<16xf32>, vector<16xi1> -> vector<16xf32>
      %reduce_sum3A_117 = vector.extract %reduce_sum3A_116[15] : f32 from vector<16xf32>
      %eq3A_118 = arith.constant 2 : i32
      %eq3A_119 = vector.broadcast %eq3A_118 : i32 to vector<16xi32>
      %eq3A_120 = arith.cmpi eq, %iota3A, %eq3A_119 : vector<16xi32>
      %broadcast_in_dim3A_121 = vector.broadcast %reduce_sum3A_113 : f32 to vector<16xf32>
      %select_n3A_122 = arith.select %eq3A_120, %broadcast_in_dim3A_121, %select_n3A_109 : vector<16xi1>, vector<16xf32>
      %eq3A_123 = arith.constant 10 : i32
      %eq3A_124 = vector.broadcast %eq3A_123 : i32 to vector<16xi32>
      %eq3A_125 = arith.cmpi eq, %iota3A, %eq3A_124 : vector<16xi32>
      %broadcast_in_dim3A_126 = vector.broadcast %reduce_sum3A_117 : f32 to vector<16xf32>
      %select_n3A_127 = arith.select %eq3A_125, %broadcast_in_dim3A_126, %select_n3A_122 : vector<16xi1>, vector<16xf32>
      %reduce_sum3A_128 = arith.constant true
      %reduce_sum3A_129 = vector.broadcast %reduce_sum3A_128 : i1 to vector<16xi1>
      %reduce_sum3A_130 = tpu.scan <sum>, %scan3A_73#3 masked %reduce_sum3A_129 : vector<16xf32>, vector<16xi1> -> vector<16xf32>
      %reduce_sum3A_131 = vector.extract %reduce_sum3A_130[15] : f32 from vector<16xf32>
      %reduce_sum3A_132 = arith.constant true
      %reduce_sum3A_133 = vector.broadcast %reduce_sum3A_132 : i1 to vector<16xi1>
      %reduce_sum3A_134 = tpu.scan <sum>, %scan3A_73#11 masked %reduce_sum3A_133 : vector<16xf32>, vector<16xi1> -> vector<16xf32>
      %reduce_sum3A_135 = vector.extract %reduce_sum3A_134[15] : f32 from vector<16xf32>
      %eq3A_136 = arith.constant 3 : i32
      %eq3A_137 = vector.broadcast %eq3A_136 : i32 to vector<16xi32>
      %eq3A_138 = arith.cmpi eq, %iota3A, %eq3A_137 : vector<16xi32>
      %broadcast_in_dim3A_139 = vector.broadcast %reduce_sum3A_131 : f32 to vector<16xf32>
      %select_n3A_140 = arith.select %eq3A_138, %broadcast_in_dim3A_139, %select_n3A_127 : vector<16xi1>, vector<16xf32>
      %eq3A_141 = arith.constant 11 : i32
      %eq3A_142 = vector.broadcast %eq3A_141 : i32 to vector<16xi32>
      %eq3A_143 = arith.cmpi eq, %iota3A, %eq3A_142 : vector<16xi32>
      %broadcast_in_dim3A_144 = vector.broadcast %reduce_sum3A_135 : f32 to vector<16xf32>
      %select_n3A_145 = arith.select %eq3A_143, %broadcast_in_dim3A_144, %select_n3A_140 : vector<16xi1>, vector<16xf32>
      %reduce_sum3A_146 = arith.constant true
      %reduce_sum3A_147 = vector.broadcast %reduce_sum3A_146 : i1 to vector<16xi1>
      %reduce_sum3A_148 = tpu.scan <sum>, %scan3A_73#4 masked %reduce_sum3A_147 : vector<16xf32>, vector<16xi1> -> vector<16xf32>
      %reduce_sum3A_149 = vector.extract %reduce_sum3A_148[15] : f32 from vector<16xf32>
      %reduce_sum3A_150 = arith.constant true
      %reduce_sum3A_151 = vector.broadcast %reduce_sum3A_150 : i1 to vector<16xi1>
      %reduce_sum3A_152 = tpu.scan <sum>, %scan3A_73#12 masked %reduce_sum3A_151 : vector<16xf32>, vector<16xi1> -> vector<16xf32>
      %reduce_sum3A_153 = vector.extract %reduce_sum3A_152[15] : f32 from vector<16xf32>
      %eq3A_154 = arith.constant 4 : i32
      %eq3A_155 = vector.broadcast %eq3A_154 : i32 to vector<16xi32>
      %eq3A_156 = arith.cmpi eq, %iota3A, %eq3A_155 : vector<16xi32>
      %broadcast_in_dim3A_157 = vector.broadcast %reduce_sum3A_149 : f32 to vector<16xf32>
      %select_n3A_158 = arith.select %eq3A_156, %broadcast_in_dim3A_157, %select_n3A_145 : vector<16xi1>, vector<16xf32>
      %eq3A_159 = arith.constant 12 : i32
      %eq3A_160 = vector.broadcast %eq3A_159 : i32 to vector<16xi32>
      %eq3A_161 = arith.cmpi eq, %iota3A, %eq3A_160 : vector<16xi32>
      %broadcast_in_dim3A_162 = vector.broadcast %reduce_sum3A_153 : f32 to vector<16xf32>
      %select_n3A_163 = arith.select %eq3A_161, %broadcast_in_dim3A_162, %select_n3A_158 : vector<16xi1>, vector<16xf32>
      %reduce_sum3A_164 = arith.constant true
      %reduce_sum3A_165 = vector.broadcast %reduce_sum3A_164 : i1 to vector<16xi1>
      %reduce_sum3A_166 = tpu.scan <sum>, %scan3A_73#5 masked %reduce_sum3A_165 : vector<16xf32>, vector<16xi1> -> vector<16xf32>
      %reduce_sum3A_167 = vector.extract %reduce_sum3A_166[15] : f32 from vector<16xf32>
      %reduce_sum3A_168 = arith.constant true
      %reduce_sum3A_169 = vector.broadcast %reduce_sum3A_168 : i1 to vector<16xi1>
      %reduce_sum3A_170 = tpu.scan <sum>, %scan3A_73#13 masked %reduce_sum3A_169 : vector<16xf32>, vector<16xi1> -> vector<16xf32>
      %reduce_sum3A_171 = vector.extract %reduce_sum3A_170[15] : f32 from vector<16xf32>
      %eq3A_172 = arith.constant 5 : i32
      %eq3A_173 = vector.broadcast %eq3A_172 : i32 to vector<16xi32>
      %eq3A_174 = arith.cmpi eq, %iota3A, %eq3A_173 : vector<16xi32>
      %broadcast_in_dim3A_175 = vector.broadcast %reduce_sum3A_167 : f32 to vector<16xf32>
      %select_n3A_176 = arith.select %eq3A_174, %broadcast_in_dim3A_175, %select_n3A_163 : vector<16xi1>, vector<16xf32>
      %eq3A_177 = arith.constant 13 : i32
      %eq3A_178 = vector.broadcast %eq3A_177 : i32 to vector<16xi32>
      %eq3A_179 = arith.cmpi eq, %iota3A, %eq3A_178 : vector<16xi32>
      %broadcast_in_dim3A_180 = vector.broadcast %reduce_sum3A_171 : f32 to vector<16xf32>
      %select_n3A_181 = arith.select %eq3A_179, %broadcast_in_dim3A_180, %select_n3A_176 : vector<16xi1>, vector<16xf32>
      %reduce_sum3A_182 = arith.constant true
      %reduce_sum3A_183 = vector.broadcast %reduce_sum3A_182 : i1 to vector<16xi1>
      %reduce_sum3A_184 = tpu.scan <sum>, %scan3A_73#6 masked %reduce_sum3A_183 : vector<16xf32>, vector<16xi1> -> vector<16xf32>
      %reduce_sum3A_185 = vector.extract %reduce_sum3A_184[15] : f32 from vector<16xf32>
      %reduce_sum3A_186 = arith.constant true
      %reduce_sum3A_187 = vector.broadcast %reduce_sum3A_186 : i1 to vector<16xi1>
      %reduce_sum3A_188 = tpu.scan <sum>, %scan3A_73#14 masked %reduce_sum3A_187 : vector<16xf32>, vector<16xi1> -> vector<16xf32>
      %reduce_sum3A_189 = vector.extract %reduce_sum3A_188[15] : f32 from vector<16xf32>
      %eq3A_190 = arith.constant 6 : i32
      %eq3A_191 = vector.broadcast %eq3A_190 : i32 to vector<16xi32>
      %eq3A_192 = arith.cmpi eq, %iota3A, %eq3A_191 : vector<16xi32>
      %broadcast_in_dim3A_193 = vector.broadcast %reduce_sum3A_185 : f32 to vector<16xf32>
      %select_n3A_194 = arith.select %eq3A_192, %broadcast_in_dim3A_193, %select_n3A_181 : vector<16xi1>, vector<16xf32>
      %eq3A_195 = arith.constant 14 : i32
      %eq3A_196 = vector.broadcast %eq3A_195 : i32 to vector<16xi32>
      %eq3A_197 = arith.cmpi eq, %iota3A, %eq3A_196 : vector<16xi32>
      %broadcast_in_dim3A_198 = vector.broadcast %reduce_sum3A_189 : f32 to vector<16xf32>
      %select_n3A_199 = arith.select %eq3A_197, %broadcast_in_dim3A_198, %select_n3A_194 : vector<16xi1>, vector<16xf32>
      %reduce_sum3A_200 = arith.constant true
      %reduce_sum3A_201 = vector.broadcast %reduce_sum3A_200 : i1 to vector<16xi1>
      %reduce_sum3A_202 = tpu.scan <sum>, %scan3A_73#7 masked %reduce_sum3A_201 : vector<16xf32>, vector<16xi1> -> vector<16xf32>
      %reduce_sum3A_203 = vector.extract %reduce_sum3A_202[15] : f32 from vector<16xf32>
      %reduce_sum3A_204 = arith.constant true
      %reduce_sum3A_205 = vector.broadcast %reduce_sum3A_204 : i1 to vector<16xi1>
      %reduce_sum3A_206 = tpu.scan <sum>, %scan3A_73#15 masked %reduce_sum3A_205 : vector<16xf32>, vector<16xi1> -> vector<16xf32>
      %reduce_sum3A_207 = vector.extract %reduce_sum3A_206[15] : f32 from vector<16xf32>
      %eq3A_208 = arith.constant 7 : i32
      %eq3A_209 = vector.broadcast %eq3A_208 : i32 to vector<16xi32>
      %eq3A_210 = arith.cmpi eq, %iota3A, %eq3A_209 : vector<16xi32>
      %broadcast_in_dim3A_211 = vector.broadcast %reduce_sum3A_203 : f32 to vector<16xf32>
      %select_n3A_212 = arith.select %eq3A_210, %broadcast_in_dim3A_211, %select_n3A_199 : vector<16xi1>, vector<16xf32>
      %eq3A_213 = arith.constant 15 : i32
      %eq3A_214 = vector.broadcast %eq3A_213 : i32 to vector<16xi32>
      %eq3A_215 = arith.cmpi eq, %iota3A, %eq3A_214 : vector<16xi32>
      %broadcast_in_dim3A_216 = vector.broadcast %reduce_sum3A_207 : f32 to vector<16xf32>
      %select_n3A_217 = arith.select %eq3A_215, %broadcast_in_dim3A_216, %select_n3A_212 : vector<16xi1>, vector<16xf32>
      %mul3A_218 = arith.constant 16 : i32
      %mul3A_219 = arith.muli %add3A_36, %mul3A_218 : i32
      %add3A_220 = arith.constant 0 : i32
      %add3A_221 = arith.addi %mul3A_219, %add3A_220 : i32
      %add3A_222 = arith.constant 0 : i32
      %add3A_223 = arith.addi %add3A_221, %add3A_222 : i32
      %jit3A = arith.constant 2 : i32
      %div3A = arith.divsi %add3A_223, %jit3A : i32
      %sign3A = arith.constant 0 : i32
      %sign3A_224 = arith.cmpi sgt, %add3A_223, %sign3A : i32
      %sign3A_225 = arith.extui %sign3A_224 : i1 to i32
      %sign3A_226 = arith.constant 0 : i32
      %sign3A_227 = arith.cmpi slt, %add3A_223, %sign3A_226 : i32
      %sign3A_228 = arith.extui %sign3A_227 : i1 to i32
      %sign3A_229 = arith.subi %sign3A_225, %sign3A_228 : i32
      %sign3A_230 = arith.constant 0 : i32
      %sign3A_231 = arith.cmpi sgt, %jit3A, %sign3A_230 : i32
      %sign3A_232 = arith.extui %sign3A_231 : i1 to i32
      %sign3A_233 = arith.constant 0 : i32
      %sign3A_234 = arith.cmpi slt, %jit3A, %sign3A_233 : i32
      %sign3A_235 = arith.extui %sign3A_234 : i1 to i32
      %sign3A_236 = arith.subi %sign3A_232, %sign3A_235 : i32
      %ne3A = arith.cmpi ne, %sign3A_229, %sign3A_236 : i32
      %rem3A = arith.remsi %add3A_223, %jit3A : i32
      %ne3A_237 = arith.constant 0 : i32
      %ne3A_238 = arith.cmpi ne, %rem3A, %ne3A_237 : i32
      %and3A = arith.andi %ne3A, %ne3A_238 : i1
      %sub3A = arith.constant 1 : i32
      %sub3A_239 = arith.subi %div3A, %sub3A : i32
      %select_n3A_240 = arith.select %and3A, %sub3A_239, %div3A : i32
      %swap3A = arith.index_cast %select_n3A_240 : i32 to index
      %swap3A_241 = arith.constant 0 : index
      %swap3A_242 = tpu.vector_load %arg7[%swap3A, %swap3A_241] {strides = array<i32>} : memref<80x16xf32, #tpu.memory_space<vmem>>, vector<16xf32>,
      tpu.vector_store %arg7[%swap3A, %swap3A_241], %select_n3A_217 {strides = array<i32>} : memref<80x16xf32, #tpu.memory_space<vmem>>, vector<16xf32>,
      %broadcast_in_dim3A_243 = arith.constant 0.000000e+00 : f32
      %broadcast_in_dim3A_244 = vector.broadcast %broadcast_in_dim3A_243 : f32 to vector<16xf32>
      %reduce_sum3A_245 = arith.constant true
      %reduce_sum3A_246 = vector.broadcast %reduce_sum3A_245 : i1 to vector<16xi1>
      %reduce_sum3A_247 = tpu.scan <sum>, %scan3A_73#16 masked %reduce_sum3A_246 : vector<16xf32>, vector<16xi1> -> vector<16xf32>
      %reduce_sum3A_248 = vector.extract %reduce_sum3A_247[15] : f32 from vector<16xf32>
      %reduce_sum3A_249 = arith.constant true
      %reduce_sum3A_250 = vector.broadcast %reduce_sum3A_249 : i1 to vector<16xi1>
      %reduce_sum3A_251 = tpu.scan <sum>, %scan3A_73#24 masked %reduce_sum3A_250 : vector<16xf32>, vector<16xi1> -> vector<16xf32>
      %reduce_sum3A_252 = vector.extract %reduce_sum3A_251[15] : f32 from vector<16xf32>
      %eq3A_253 = arith.constant 0 : i32
      %eq3A_254 = vector.broadcast %eq3A_253 : i32 to vector<16xi32>
      %eq3A_255 = arith.cmpi eq, %iota3A, %eq3A_254 : vector<16xi32>
      %broadcast_in_dim3A_256 = vector.broadcast %reduce_sum3A_248 : f32 to vector<16xf32>
      %select_n3A_257 = arith.select %eq3A_255, %broadcast_in_dim3A_256, %broadcast_in_dim3A_244 : vector<16xi1>, vector<16xf32>
      %eq3A_258 = arith.constant 8 : i32
      %eq3A_259 = vector.broadcast %eq3A_258 : i32 to vector<16xi32>
      %eq3A_260 = arith.cmpi eq, %iota3A, %eq3A_259 : vector<16xi32>
      %broadcast_in_dim3A_261 = vector.broadcast %reduce_sum3A_252 : f32 to vector<16xf32>
      %select_n3A_262 = arith.select %eq3A_260, %broadcast_in_dim3A_261, %select_n3A_257 : vector<16xi1>, vector<16xf32>
      %reduce_sum3A_263 = arith.constant true
      %reduce_sum3A_264 = vector.broadcast %reduce_sum3A_263 : i1 to vector<16xi1>
      %reduce_sum3A_265 = tpu.scan <sum>, %scan3A_73#17 masked %reduce_sum3A_264 : vector<16xf32>, vector<16xi1> -> vector<16xf32>
      %reduce_sum3A_266 = vector.extract %reduce_sum3A_265[15] : f32 from vector<16xf32>
      %reduce_sum3A_267 = arith.constant true
      %reduce_sum3A_268 = vector.broadcast %reduce_sum3A_267 : i1 to vector<16xi1>
      %reduce_sum3A_269 = tpu.scan <sum>, %scan3A_73#25 masked %reduce_sum3A_268 : vector<16xf32>, vector<16xi1> -> vector<16xf32>
      %reduce_sum3A_270 = vector.extract %reduce_sum3A_269[15] : f32 from vector<16xf32>
      %eq3A_271 = arith.constant 1 : i32
      %eq3A_272 = vector.broadcast %eq3A_271 : i32 to vector<16xi32>
      %eq3A_273 = arith.cmpi eq, %iota3A, %eq3A_272 : vector<16xi32>
      %broadcast_in_dim3A_274 = vector.broadcast %reduce_sum3A_266 : f32 to vector<16xf32>
      %select_n3A_275 = arith.select %eq3A_273, %broadcast_in_dim3A_274, %select_n3A_262 : vector<16xi1>, vector<16xf32>
      %eq3A_276 = arith.constant 9 : i32
      %eq3A_277 = vector.broadcast %eq3A_276 : i32 to vector<16xi32>
      %eq3A_278 = arith.cmpi eq, %iota3A, %eq3A_277 : vector<16xi32>
      %broadcast_in_dim3A_279 = vector.broadcast %reduce_sum3A_270 : f32 to vector<16xf32>
      %select_n3A_280 = arith.select %eq3A_278, %broadcast_in_dim3A_279, %select_n3A_275 : vector<16xi1>, vector<16xf32>
      %reduce_sum3A_281 = arith.constant true
      %reduce_sum3A_282 = vector.broadcast %reduce_sum3A_281 : i1 to vector<16xi1>
      %reduce_sum3A_283 = tpu.scan <sum>, %scan3A_73#18 masked %reduce_sum3A_282 : vector<16xf32>, vector<16xi1> -> vector<16xf32>
      %reduce_sum3A_284 = vector.extract %reduce_sum3A_283[15] : f32 from vector<16xf32>
      %reduce_sum3A_285 = arith.constant true
      %reduce_sum3A_286 = vector.broadcast %reduce_sum3A_285 : i1 to vector<16xi1>
      %reduce_sum3A_287 = tpu.scan <sum>, %scan3A_73#26 masked %reduce_sum3A_286 : vector<16xf32>, vector<16xi1> -> vector<16xf32>
      %reduce_sum3A_288 = vector.extract %reduce_sum3A_287[15] : f32 from vector<16xf32>
      %eq3A_289 = arith.constant 2 : i32
      %eq3A_290 = vector.broadcast %eq3A_289 : i32 to vector<16xi32>
      %eq3A_291 = arith.cmpi eq, %iota3A, %eq3A_290 : vector<16xi32>
      %broadcast_in_dim3A_292 = vector.broadcast %reduce_sum3A_284 : f32 to vector<16xf32>
      %select_n3A_293 = arith.select %eq3A_291, %broadcast_in_dim3A_292, %select_n3A_280 : vector<16xi1>, vector<16xf32>
      %eq3A_294 = arith.constant 10 : i32
      %eq3A_295 = vector.broadcast %eq3A_294 : i32 to vector<16xi32>
      %eq3A_296 = arith.cmpi eq, %iota3A, %eq3A_295 : vector<16xi32>
      %broadcast_in_dim3A_297 = vector.broadcast %reduce_sum3A_288 : f32 to vector<16xf32>
      %select_n3A_298 = arith.select %eq3A_296, %broadcast_in_dim3A_297, %select_n3A_293 : vector<16xi1>, vector<16xf32>
      %reduce_sum3A_299 = arith.constant true
      %reduce_sum3A_300 = vector.broadcast %reduce_sum3A_299 : i1 to vector<16xi1>
      %reduce_sum3A_301 = tpu.scan <sum>, %scan3A_73#19 masked %reduce_sum3A_300 : vector<16xf32>, vector<16xi1> -> vector<16xf32>
      %reduce_sum3A_302 = vector.extract %reduce_sum3A_301[15] : f32 from vector<16xf32>
      %reduce_sum3A_303 = arith.constant true
      %reduce_sum3A_304 = vector.broadcast %reduce_sum3A_303 : i1 to vector<16xi1>
      %reduce_sum3A_305 = tpu.scan <sum>, %scan3A_73#27 masked %reduce_sum3A_304 : vector<16xf32>, vector<16xi1> -> vector<16xf32>
      %reduce_sum3A_306 = vector.extract %reduce_sum3A_305[15] : f32 from vector<16xf32>
      %eq3A_307 = arith.constant 3 : i32
      %eq3A_308 = vector.broadcast %eq3A_307 : i32 to vector<16xi32>
      %eq3A_309 = arith.cmpi eq, %iota3A, %eq3A_308 : vector<16xi32>
      %broadcast_in_dim3A_310 = vector.broadcast %reduce_sum3A_302 : f32 to vector<16xf32>
      %select_n3A_311 = arith.select %eq3A_309, %broadcast_in_dim3A_310, %select_n3A_298 : vector<16xi1>, vector<16xf32>
      %eq3A_312 = arith.constant 11 : i32
      %eq3A_313 = vector.broadcast %eq3A_312 : i32 to vector<16xi32>
      %eq3A_314 = arith.cmpi eq, %iota3A, %eq3A_313 : vector<16xi32>
      %broadcast_in_dim3A_315 = vector.broadcast %reduce_sum3A_306 : f32 to vector<16xf32>
      %select_n3A_316 = arith.select %eq3A_314, %broadcast_in_dim3A_315, %select_n3A_311 : vector<16xi1>, vector<16xf32>
      %reduce_sum3A_317 = arith.constant true
      %reduce_sum3A_318 = vector.broadcast %reduce_sum3A_317 : i1 to vector<16xi1>
      %reduce_sum3A_319 = tpu.scan <sum>, %scan3A_73#20 masked %reduce_sum3A_318 : vector<16xf32>, vector<16xi1> -> vector<16xf32>
      %reduce_sum3A_320 = vector.extract %reduce_sum3A_319[15] : f32 from vector<16xf32>
      %reduce_sum3A_321 = arith.constant true
      %reduce_sum3A_322 = vector.broadcast %reduce_sum3A_321 : i1 to vector<16xi1>
      %reduce_sum3A_323 = tpu.scan <sum>, %scan3A_73#28 masked %reduce_sum3A_322 : vector<16xf32>, vector<16xi1> -> vector<16xf32>
      %reduce_sum3A_324 = vector.extract %reduce_sum3A_323[15] : f32 from vector<16xf32>
      %eq3A_325 = arith.constant 4 : i32
      %eq3A_326 = vector.broadcast %eq3A_325 : i32 to vector<16xi32>
      %eq3A_327 = arith.cmpi eq, %iota3A, %eq3A_326 : vector<16xi32>
      %broadcast_in_dim3A_328 = vector.broadcast %reduce_sum3A_320 : f32 to vector<16xf32>
      %select_n3A_329 = arith.select %eq3A_327, %broadcast_in_dim3A_328, %select_n3A_316 : vector<16xi1>, vector<16xf32>
      %eq3A_330 = arith.constant 12 : i32
      %eq3A_331 = vector.broadcast %eq3A_330 : i32 to vector<16xi32>
      %eq3A_332 = arith.cmpi eq, %iota3A, %eq3A_331 : vector<16xi32>
      %broadcast_in_dim3A_333 = vector.broadcast %reduce_sum3A_324 : f32 to vector<16xf32>
      %select_n3A_334 = arith.select %eq3A_332, %broadcast_in_dim3A_333, %select_n3A_329 : vector<16xi1>, vector<16xf32>
      %reduce_sum3A_335 = arith.constant true
      %reduce_sum3A_336 = vector.broadcast %reduce_sum3A_335 : i1 to vector<16xi1>
      %reduce_sum3A_337 = tpu.scan <sum>, %scan3A_73#21 masked %reduce_sum3A_336 : vector<16xf32>, vector<16xi1> -> vector<16xf32>
      %reduce_sum3A_338 = vector.extract %reduce_sum3A_337[15] : f32 from vector<16xf32>
      %reduce_sum3A_339 = arith.constant true
      %reduce_sum3A_340 = vector.broadcast %reduce_sum3A_339 : i1 to vector<16xi1>
      %reduce_sum3A_341 = tpu.scan <sum>, %scan3A_73#29 masked %reduce_sum3A_340 : vector<16xf32>, vector<16xi1> -> vector<16xf32>
      %reduce_sum3A_342 = vector.extract %reduce_sum3A_341[15] : f32 from vector<16xf32>
      %eq3A_343 = arith.constant 5 : i32
      %eq3A_344 = vector.broadcast %eq3A_343 : i32 to vector<16xi32>
      %eq3A_345 = arith.cmpi eq, %iota3A, %eq3A_344 : vector<16xi32>
      %broadcast_in_dim3A_346 = vector.broadcast %reduce_sum3A_338 : f32 to vector<16xf32>
      %select_n3A_347 = arith.select %eq3A_345, %broadcast_in_dim3A_346, %select_n3A_334 : vector<16xi1>, vector<16xf32>
      %eq3A_348 = arith.constant 13 : i32
      %eq3A_349 = vector.broadcast %eq3A_348 : i32 to vector<16xi32>
      %eq3A_350 = arith.cmpi eq, %iota3A, %eq3A_349 : vector<16xi32>
      %broadcast_in_dim3A_351 = vector.broadcast %reduce_sum3A_342 : f32 to vector<16xf32>
      %select_n3A_352 = arith.select %eq3A_350, %broadcast_in_dim3A_351, %select_n3A_347 : vector<16xi1>, vector<16xf32>
      %reduce_sum3A_353 = arith.constant true
      %reduce_sum3A_354 = vector.broadcast %reduce_sum3A_353 : i1 to vector<16xi1>
      %reduce_sum3A_355 = tpu.scan <sum>, %scan3A_73#22 masked %reduce_sum3A_354 : vector<16xf32>, vector<16xi1> -> vector<16xf32>
      %reduce_sum3A_356 = vector.extract %reduce_sum3A_355[15] : f32 from vector<16xf32>
      %reduce_sum3A_357 = arith.constant true
      %reduce_sum3A_358 = vector.broadcast %reduce_sum3A_357 : i1 to vector<16xi1>
      %reduce_sum3A_359 = tpu.scan <sum>, %scan3A_73#30 masked %reduce_sum3A_358 : vector<16xf32>, vector<16xi1> -> vector<16xf32>
      %reduce_sum3A_360 = vector.extract %reduce_sum3A_359[15] : f32 from vector<16xf32>
      %eq3A_361 = arith.constant 6 : i32
      %eq3A_362 = vector.broadcast %eq3A_361 : i32 to vector<16xi32>
      %eq3A_363 = arith.cmpi eq, %iota3A, %eq3A_362 : vector<16xi32>
      %broadcast_in_dim3A_364 = vector.broadcast %reduce_sum3A_356 : f32 to vector<16xf32>
      %select_n3A_365 = arith.select %eq3A_363, %broadcast_in_dim3A_364, %select_n3A_352 : vector<16xi1>, vector<16xf32>
      %eq3A_366 = arith.constant 14 : i32
      %eq3A_367 = vector.broadcast %eq3A_366 : i32 to vector<16xi32>
      %eq3A_368 = arith.cmpi eq, %iota3A, %eq3A_367 : vector<16xi32>
      %broadcast_in_dim3A_369 = vector.broadcast %reduce_sum3A_360 : f32 to vector<16xf32>
      %select_n3A_370 = arith.select %eq3A_368, %broadcast_in_dim3A_369, %select_n3A_365 : vector<16xi1>, vector<16xf32>
      %reduce_sum3A_371 = arith.constant true
      %reduce_sum3A_372 = vector.broadcast %reduce_sum3A_371 : i1 to vector<16xi1>
      %reduce_sum3A_373 = tpu.scan <sum>, %scan3A_73#23 masked %reduce_sum3A_372 : vector<16xf32>, vector<16xi1> -> vector<16xf32>
      %reduce_sum3A_374 = vector.extract %reduce_sum3A_373[15] : f32 from vector<16xf32>
      %reduce_sum3A_375 = arith.constant true
      %reduce_sum3A_376 = vector.broadcast %reduce_sum3A_375 : i1 to vector<16xi1>
      %reduce_sum3A_377 = tpu.scan <sum>, %scan3A_73#31 masked %reduce_sum3A_376 : vector<16xf32>, vector<16xi1> -> vector<16xf32>
      %reduce_sum3A_378 = vector.extract %reduce_sum3A_377[15] : f32 from vector<16xf32>
      %eq3A_379 = arith.constant 7 : i32
      %eq3A_380 = vector.broadcast %eq3A_379 : i32 to vector<16xi32>
      %eq3A_381 = arith.cmpi eq, %iota3A, %eq3A_380 : vector<16xi32>
      %broadcast_in_dim3A_382 = vector.broadcast %reduce_sum3A_374 : f32 to vector<16xf32>
      %select_n3A_383 = arith.select %eq3A_381, %broadcast_in_dim3A_382, %select_n3A_370 : vector<16xi1>, vector<16xf32>
      %eq3A_384 = arith.constant 15 : i32
      %eq3A_385 = vector.broadcast %eq3A_384 : i32 to vector<16xi32>
      %eq3A_386 = arith.cmpi eq, %iota3A, %eq3A_385 : vector<16xi32>
      %broadcast_in_dim3A_387 = vector.broadcast %reduce_sum3A_378 : f32 to vector<16xf32>
      %select_n3A_388 = arith.select %eq3A_386, %broadcast_in_dim3A_387, %select_n3A_383 : vector<16xi1>, vector<16xf32>
      %mul3A_389 = arith.constant 16 : i32
      %mul3A_390 = arith.muli %add3A_36, %mul3A_389 : i32
      %add3A_391 = arith.constant 0 : i32
      %add3A_392 = arith.addi %mul3A_390, %add3A_391 : i32
      %add3A_393 = arith.constant 2 : i32
      %add3A_394 = arith.addi %add3A_392, %add3A_393 : i32
      %jit3A_395 = arith.constant 2 : i32
      %div3A_396 = arith.divsi %add3A_394, %jit3A_395 : i32
      %sign3A_397 = arith.constant 0 : i32
      %sign3A_398 = arith.cmpi sgt, %add3A_394, %sign3A_397 : i32
      %sign3A_399 = arith.extui %sign3A_398 : i1 to i32
      %sign3A_400 = arith.constant 0 : i32
      %sign3A_401 = arith.cmpi slt, %add3A_394, %sign3A_400 : i32
      %sign3A_402 = arith.extui %sign3A_401 : i1 to i32
      %sign3A_403 = arith.subi %sign3A_399, %sign3A_402 : i32
      %sign3A_404 = arith.constant 0 : i32
      %sign3A_405 = arith.cmpi sgt, %jit3A_395, %sign3A_404 : i32
      %sign3A_406 = arith.extui %sign3A_405 : i1 to i32
      %sign3A_407 = arith.constant 0 : i32
      %sign3A_408 = arith.cmpi slt, %jit3A_395, %sign3A_407 : i32
      %sign3A_409 = arith.extui %sign3A_408 : i1 to i32
      %sign3A_410 = arith.subi %sign3A_406, %sign3A_409 : i32
      %ne3A_411 = arith.cmpi ne, %sign3A_403, %sign3A_410 : i32
      %rem3A_412 = arith.remsi %add3A_394, %jit3A_395 : i32
      %ne3A_413 = arith.constant 0 : i32
      %ne3A_414 = arith.cmpi ne, %rem3A_412, %ne3A_413 : i32
      %and3A_415 = arith.andi %ne3A_411, %ne3A_414 : i1
      %sub3A_416 = arith.constant 1 : i32
      %sub3A_417 = arith.subi %div3A_396, %sub3A_416 : i32
      %select_n3A_418 = arith.select %and3A_415, %sub3A_417, %div3A_396 : i32
      %swap3A_419 = arith.index_cast %select_n3A_418 : i32 to index
      %swap3A_420 = arith.constant 0 : index
      %swap3A_421 = tpu.vector_load %arg7[%swap3A_419, %swap3A_420] {strides = array<i32>} : memref<80x16xf32, #tpu.memory_space<vmem>>, vector<16xf32>,
      tpu.vector_store %arg7[%swap3A_419, %swap3A_420], %select_n3A_388 {strides = array<i32>} : memref<80x16xf32, #tpu.memory_space<vmem>>, vector<16xf32>,
      %broadcast_in_dim3A_422 = arith.constant 0.000000e+00 : f32
      %broadcast_in_dim3A_423 = vector.broadcast %broadcast_in_dim3A_422 : f32 to vector<16xf32>
      %scan3A_424 = arith.constant 0 : i32
      %scan3A_425 = arith.constant 128 : i32
      %scan3A_426 = arith.addi %scan3A_424, %scan3A_425 : i32
      %scan3A_427 = arith.constant 1 : i32
      %scan3A_428:32 = scf.for %scan3A_3003 = %scan3A_424 to %scan3A_426 step %scan3A_427 iter_args(%scan3A_3004 = %broadcast_in_dim3A_423, %scan3A_3005 = %broadcast_in_dim3A_423, %scan3A_3006 = %broadcast_in_dim3A_423, %scan3A_3007 = %broadcast_in_dim3A_423, %scan3A_3008 = %broadcast_in_dim3A_423, %scan3A_3009 = %broadcast_in_dim3A_423, %scan3A_3010 = %broadcast_in_dim3A_423, %scan3A_3011 = %broadcast_in_dim3A_423, %scan3A_3012 = %broadcast_in_dim3A_423, %scan3A_3013 = %broadcast_in_dim3A_423, %scan3A_3014 = %broadcast_in_dim3A_423, %scan3A_3015 = %broadcast_in_dim3A_423, %scan3A_3016 = %broadcast_in_dim3A_423, %scan3A_3017 = %broadcast_in_dim3A_423, %scan3A_3018 = %broadcast_in_dim3A_423, %scan3A_3019 = %broadcast_in_dim3A_423, %scan3A_3020 = %broadcast_in_dim3A_423, %scan3A_3021 = %broadcast_in_dim3A_423, %scan3A_3022 = %broadcast_in_dim3A_423, %scan3A_3023 = %broadcast_in_dim3A_423, %scan3A_3024 = %broadcast_in_dim3A_423, %scan3A_3025 = %broadcast_in_dim3A_423, %scan3A_3026 = %broadcast_in_dim3A_423, %scan3A_3027 = %broadcast_in_dim3A_423, %scan3A_3028 = %broadcast_in_dim3A_423, %scan3A_3029 = %broadcast_in_dim3A_423, %scan3A_3030 = %broadcast_in_dim3A_423, %scan3A_3031 = %broadcast_in_dim3A_423, %scan3A_3032 = %broadcast_in_dim3A_423, %scan3A_3033 = %broadcast_in_dim3A_423, %scan3A_3034 = %broadcast_in_dim3A_423, %scan3A_3035 = %broadcast_in_dim3A_423) -> (vector<16xf32>, vector<16xf32>, vector<16xf32>, vector<16xf32>, vector<16xf32>, vector<16xf32>, vector<16xf32>, vector<16xf32>, vector<16xf32>, vector<16xf32>, vector<16xf32>, vector<16xf32>, vector<16xf32>, vector<16xf32>, vector<16xf32>, vector<16xf32>, vector<16xf32>, vector<16xf32>, vector<16xf32>, vector<16xf32>, vector<16xf32>, vector<16xf32>, vector<16xf32>, vector<16xf32>, vector<16xf32>, vector<16xf32>, vector<16xf32>, vector<16xf32>, vector<16xf32>, vector<16xf32>, vector<16xf32>, vector<16xf32>)  : i32 {
        %mul3A_3036 = arith.constant 16 : i32
        %mul3A_3037 = arith.muli %scan3A_3003, %mul3A_3036 : i32
        %get3A = arith.constant 0 : i32
        %get3A_3038 = arith.index_cast %get3A : i32 to index
        %get3A_3039 = arith.index_cast %mul3A_3037 : i32 to index
        %get3A_3040 = tpu.vector_load %arg5[%get3A_3038, %get3A_3039] {strides = array<i32>} : memref<8x2048xf32, #tpu.memory_space<vmem>>, vector<16xf32>,
        %get3A_3041 = arith.constant 1 : i32
        %get3A_3042 = arith.index_cast %get3A_3041 : i32 to index
        %get3A_3043 = arith.index_cast %mul3A_3037 : i32 to index
        %get3A_3044 = tpu.vector_load %arg5[%get3A_3042, %get3A_3043] {strides = array<i32>} : memref<8x2048xf32, #tpu.memory_space<vmem>>, vector<16xf32>,
        %get3A_3045 = arith.constant 2 : i32
        %get3A_3046 = arith.index_cast %get3A_3045 : i32 to index
        %get3A_3047 = arith.index_cast %mul3A_3037 : i32 to index
        %get3A_3048 = tpu.vector_load %arg5[%get3A_3046, %get3A_3047] {strides = array<i32>} : memref<8x2048xf32, #tpu.memory_space<vmem>>, vector<16xf32>,
        %get3A_3049 = arith.constant 3 : i32
        %get3A_3050 = arith.index_cast %get3A_3049 : i32 to index
        %get3A_3051 = arith.index_cast %mul3A_3037 : i32 to index
        %get3A_3052 = tpu.vector_load %arg5[%get3A_3050, %get3A_3051] {strides = array<i32>} : memref<8x2048xf32, #tpu.memory_space<vmem>>, vector<16xf32>,
        %get3A_3053 = arith.constant 4 : i32
        %get3A_3054 = arith.index_cast %get3A_3053 : i32 to index
        %get3A_3055 = arith.index_cast %mul3A_3037 : i32 to index
        %get3A_3056 = tpu.vector_load %arg5[%get3A_3054, %get3A_3055] {strides = array<i32>} : memref<8x2048xf32, #tpu.memory_space<vmem>>, vector<16xf32>,
        %get3A_3057 = arith.constant 5 : i32
        %get3A_3058 = arith.index_cast %get3A_3057 : i32 to index
        %get3A_3059 = arith.index_cast %mul3A_3037 : i32 to index
        %get3A_3060 = tpu.vector_load %arg5[%get3A_3058, %get3A_3059] {strides = array<i32>} : memref<8x2048xf32, #tpu.memory_space<vmem>>, vector<16xf32>,
        %get3A_3061 = arith.constant 6 : i32
        %get3A_3062 = arith.index_cast %get3A_3061 : i32 to index
        %get3A_3063 = arith.index_cast %mul3A_3037 : i32 to index
        %get3A_3064 = tpu.vector_load %arg5[%get3A_3062, %get3A_3063] {strides = array<i32>} : memref<8x2048xf32, #tpu.memory_space<vmem>>, vector<16xf32>,
        %get3A_3065 = arith.constant 7 : i32
        %get3A_3066 = arith.index_cast %get3A_3065 : i32 to index
        %get3A_3067 = arith.index_cast %mul3A_3037 : i32 to index
        %get3A_3068 = tpu.vector_load %arg5[%get3A_3066, %get3A_3067] {strides = array<i32>} : memref<8x2048xf32, #tpu.memory_space<vmem>>, vector<16xf32>,
        %get3A_3069 = arith.constant 0 : i32
        %get3A_3070 = arith.constant 4 : i32
        %get3A_3071 = arith.index_cast %get3A_3069 : i32 to index
        %get3A_3072 = arith.index_cast %get3A_3070 : i32 to index
        %get3A_3073 = arith.index_cast %mul3A_3037 : i32 to index
        %get3A_3074 = tpu.vector_load %arg6[%get3A_3071, %get3A_3072, %get3A_3073] {strides = array<i32>} : memref<2x16x2048xf32, #tpu.memory_space<vmem>>, vector<16xf32>,
        %mul3A_3075 = arith.mulf %get3A_3074, %get3A_3040 : vector<16xf32>
        %add3A_3076 = arith.addf %scan3A_3004, %mul3A_3075 : vector<16xf32>
        %mul3A_3077 = arith.mulf %get3A_3074, %get3A_3044 : vector<16xf32>
        %add3A_3078 = arith.addf %scan3A_3005, %mul3A_3077 : vector<16xf32>
        %mul3A_3079 = arith.mulf %get3A_3074, %get3A_3048 : vector<16xf32>
        %add3A_3080 = arith.addf %scan3A_3006, %mul3A_3079 : vector<16xf32>
        %mul3A_3081 = arith.mulf %get3A_3074, %get3A_3052 : vector<16xf32>
        %add3A_3082 = arith.addf %scan3A_3007, %mul3A_3081 : vector<16xf32>
        %mul3A_3083 = arith.mulf %get3A_3074, %get3A_3056 : vector<16xf32>
        %add3A_3084 = arith.addf %scan3A_3008, %mul3A_3083 : vector<16xf32>
        %mul3A_3085 = arith.mulf %get3A_3074, %get3A_3060 : vector<16xf32>
        %add3A_3086 = arith.addf %scan3A_3009, %mul3A_3085 : vector<16xf32>
        %mul3A_3087 = arith.mulf %get3A_3074, %get3A_3064 : vector<16xf32>
        %add3A_3088 = arith.addf %scan3A_3010, %mul3A_3087 : vector<16xf32>
        %mul3A_3089 = arith.mulf %get3A_3074, %get3A_3068 : vector<16xf32>
        %add3A_3090 = arith.addf %scan3A_3011, %mul3A_3089 : vector<16xf32>
        %get3A_3091 = arith.constant 0 : i32
        %get3A_3092 = arith.constant 5 : i32
        %get3A_3093 = arith.index_cast %get3A_3091 : i32 to index
        %get3A_3094 = arith.index_cast %get3A_3092 : i32 to index
        %get3A_3095 = arith.index_cast %mul3A_3037 : i32 to index
        %get3A_3096 = tpu.vector_load %arg6[%get3A_3093, %get3A_3094, %get3A_3095] {strides = array<i32>} : memref<2x16x2048xf32, #tpu.memory_space<vmem>>, vector<16xf32>,
        %mul3A_3097 = arith.mulf %get3A_3096, %get3A_3040 : vector<16xf32>
        %add3A_3098 = arith.addf %scan3A_3012, %mul3A_3097 : vector<16xf32>
        %mul3A_3099 = arith.mulf %get3A_3096, %get3A_3044 : vector<16xf32>
        %add3A_3100 = arith.addf %scan3A_3013, %mul3A_3099 : vector<16xf32>
        %mul3A_3101 = arith.mulf %get3A_3096, %get3A_3048 : vector<16xf32>
        %add3A_3102 = arith.addf %scan3A_3014, %mul3A_3101 : vector<16xf32>
        %mul3A_3103 = arith.mulf %get3A_3096, %get3A_3052 : vector<16xf32>
        %add3A_3104 = arith.addf %scan3A_3015, %mul3A_3103 : vector<16xf32>
        %mul3A_3105 = arith.mulf %get3A_3096, %get3A_3056 : vector<16xf32>
        %add3A_3106 = arith.addf %scan3A_3016, %mul3A_3105 : vector<16xf32>
        %mul3A_3107 = arith.mulf %get3A_3096, %get3A_3060 : vector<16xf32>
        %add3A_3108 = arith.addf %scan3A_3017, %mul3A_3107 : vector<16xf32>
        %mul3A_3109 = arith.mulf %get3A_3096, %get3A_3064 : vector<16xf32>
        %add3A_3110 = arith.addf %scan3A_3018, %mul3A_3109 : vector<16xf32>
        %mul3A_3111 = arith.mulf %get3A_3096, %get3A_3068 : vector<16xf32>
        %add3A_3112 = arith.addf %scan3A_3019, %mul3A_3111 : vector<16xf32>
        %get3A_3113 = arith.constant 0 : i32
        %get3A_3114 = arith.constant 6 : i32
        %get3A_3115 = arith.index_cast %get3A_3113 : i32 to index
        %get3A_3116 = arith.index_cast %get3A_3114 : i32 to index
        %get3A_3117 = arith.index_cast %mul3A_3037 : i32 to index
        %get3A_3118 = tpu.vector_load %arg6[%get3A_3115, %get3A_3116, %get3A_3117] {strides = array<i32>} : memref<2x16x2048xf32, #tpu.memory_space<vmem>>, vector<16xf32>,
        %mul3A_3119 = arith.mulf %get3A_3118, %get3A_3040 : vector<16xf32>
        %add3A_3120 = arith.addf %scan3A_3020, %mul3A_3119 : vector<16xf32>
        %mul3A_3121 = arith.mulf %get3A_3118, %get3A_3044 : vector<16xf32>
        %add3A_3122 = arith.addf %scan3A_3021, %mul3A_3121 : vector<16xf32>
        %mul3A_3123 = arith.mulf %get3A_3118, %get3A_3048 : vector<16xf32>
        %add3A_3124 = arith.addf %scan3A_3022, %mul3A_3123 : vector<16xf32>
        %mul3A_3125 = arith.mulf %get3A_3118, %get3A_3052 : vector<16xf32>
        %add3A_3126 = arith.addf %scan3A_3023, %mul3A_3125 : vector<16xf32>
        %mul3A_3127 = arith.mulf %get3A_3118, %get3A_3056 : vector<16xf32>
        %add3A_3128 = arith.addf %scan3A_3024, %mul3A_3127 : vector<16xf32>
        %mul3A_3129 = arith.mulf %get3A_3118, %get3A_3060 : vector<16xf32>
        %add3A_3130 = arith.addf %scan3A_3025, %mul3A_3129 : vector<16xf32>
        %mul3A_3131 = arith.mulf %get3A_3118, %get3A_3064 : vector<16xf32>
        %add3A_3132 = arith.addf %scan3A_3026, %mul3A_3131 : vector<16xf32>
        %mul3A_3133 = arith.mulf %get3A_3118, %get3A_3068 : vector<16xf32>
        %add3A_3134 = arith.addf %scan3A_3027, %mul3A_3133 : vector<16xf32>
        %get3A_3135 = arith.constant 0 : i32
        %get3A_3136 = arith.constant 7 : i32
        %get3A_3137 = arith.index_cast %get3A_3135 : i32 to index
        %get3A_3138 = arith.index_cast %get3A_3136 : i32 to index
        %get3A_3139 = arith.index_cast %mul3A_3037 : i32 to index
        %get3A_3140 = tpu.vector_load %arg6[%get3A_3137, %get3A_3138, %get3A_3139] {strides = array<i32>} : memref<2x16x2048xf32, #tpu.memory_space<vmem>>, vector<16xf32>,
        %mul3A_3141 = arith.mulf %get3A_3140, %get3A_3040 : vector<16xf32>
        %add3A_3142 = arith.addf %scan3A_3028, %mul3A_3141 : vector<16xf32>
        %mul3A_3143 = arith.mulf %get3A_3140, %get3A_3044 : vector<16xf32>
        %add3A_3144 = arith.addf %scan3A_3029, %mul3A_3143 : vector<16xf32>
        %mul3A_3145 = arith.mulf %get3A_3140, %get3A_3048 : vector<16xf32>
        %add3A_3146 = arith.addf %scan3A_3030, %mul3A_3145 : vector<16xf32>
        %mul3A_3147 = arith.mulf %get3A_3140, %get3A_3052 : vector<16xf32>
        %add3A_3148 = arith.addf %scan3A_3031, %mul3A_3147 : vector<16xf32>
        %mul3A_3149 = arith.mulf %get3A_3140, %get3A_3056 : vector<16xf32>
        %add3A_3150 = arith.addf %scan3A_3032, %mul3A_3149 : vector<16xf32>
        %mul3A_3151 = arith.mulf %get3A_3140, %get3A_3060 : vector<16xf32>
        %add3A_3152 = arith.addf %scan3A_3033, %mul3A_3151 : vector<16xf32>
        %mul3A_3153 = arith.mulf %get3A_3140, %get3A_3064 : vector<16xf32>
        %add3A_3154 = arith.addf %scan3A_3034, %mul3A_3153 : vector<16xf32>
        %mul3A_3155 = arith.mulf %get3A_3140, %get3A_3068 : vector<16xf32>
        %add3A_3156 = arith.addf %scan3A_3035, %mul3A_3155 : vector<16xf32>
        scf.yield %add3A_3076, %add3A_3078, %add3A_3080, %add3A_3082, %add3A_3084, %add3A_3086, %add3A_3088, %add3A_3090, %add3A_3098, %add3A_3100, %add3A_3102, %add3A_3104, %add3A_3106, %add3A_3108, %add3A_3110, %add3A_3112, %add3A_3120, %add3A_3122, %add3A_3124, %add3A_3126, %add3A_3128, %add3A_3130, %add3A_3132, %add3A_3134, %add3A_3142, %add3A_3144, %add3A_3146, %add3A_3148, %add3A_3150, %add3A_3152, %add3A_3154, %add3A_3156 : vector<16xf32>, vector<16xf32>, vector<16xf32>, vector<16xf32>, vector<16xf32>, vector<16xf32>, vector<16xf32>, vector<16xf32>, vector<16xf32>, vector<16xf32>, vector<16xf32>, vector<16xf32>, vector<16xf32>, vector<16xf32>, vector<16xf32>, vector<16xf32>, vector<16xf32>, vector<16xf32>, vector<16xf32>, vector<16xf32>, vector<16xf32>, vector<16xf32>, vector<16xf32>, vector<16xf32>, vector<16xf32>, vector<16xf32>, vector<16xf32>, vector<16xf32>, vector<16xf32>, vector<16xf32>, vector<16xf32>, vector<16xf32>
      }
      %scan3A_429 = arith.constant 128 : i32
      %broadcast_in_dim3A_430 = arith.constant 0.000000e+00 : f32
      %broadcast_in_dim3A_431 = vector.broadcast %broadcast_in_dim3A_430 : f32 to vector<16xf32>
      %reduce_sum3A_432 = arith.constant true
      %reduce_sum3A_433 = vector.broadcast %reduce_sum3A_432 : i1 to vector<16xi1>
      %reduce_sum3A_434 = tpu.scan <sum>, %scan3A_428#0 masked %reduce_sum3A_433 : vector<16xf32>, vector<16xi1> -> vector<16xf32>
      %reduce_sum3A_435 = vector.extract %reduce_sum3A_434[15] : f32 from vector<16xf32>
      %reduce_sum3A_436 = arith.constant true
      %reduce_sum3A_437 = vector.broadcast %reduce_sum3A_436 : i1 to vector<16xi1>
      %reduce_sum3A_438 = tpu.scan <sum>, %scan3A_428#8 masked %reduce_sum3A_437 : vector<16xf32>, vector<16xi1> -> vector<16xf32>
      %reduce_sum3A_439 = vector.extract %reduce_sum3A_438[15] : f32 from vector<16xf32>
      %eq3A_440 = arith.constant 0 : i32
      %eq3A_441 = vector.broadcast %eq3A_440 : i32 to vector<16xi32>
      %eq3A_442 = arith.cmpi eq, %iota3A, %eq3A_441 : vector<16xi32>
      %broadcast_in_dim3A_443 = vector.broadcast %reduce_sum3A_435 : f32 to vector<16xf32>
      %select_n3A_444 = arith.select %eq3A_442, %broadcast_in_dim3A_443, %broadcast_in_dim3A_431 : vector<16xi1>, vector<16xf32>
      %eq3A_445 = arith.constant 8 : i32
      %eq3A_446 = vector.broadcast %eq3A_445 : i32 to vector<16xi32>
      %eq3A_447 = arith.cmpi eq, %iota3A, %eq3A_446 : vector<16xi32>
      %broadcast_in_dim3A_448 = vector.broadcast %reduce_sum3A_439 : f32 to vector<16xf32>
      %select_n3A_449 = arith.select %eq3A_447, %broadcast_in_dim3A_448, %select_n3A_444 : vector<16xi1>, vector<16xf32>
      %reduce_sum3A_450 = arith.constant true
      %reduce_sum3A_451 = vector.broadcast %reduce_sum3A_450 : i1 to vector<16xi1>
      %reduce_sum3A_452 = tpu.scan <sum>, %scan3A_428#1 masked %reduce_sum3A_451 : vector<16xf32>, vector<16xi1> -> vector<16xf32>
      %reduce_sum3A_453 = vector.extract %reduce_sum3A_452[15] : f32 from vector<16xf32>
      %reduce_sum3A_454 = arith.constant true
      %reduce_sum3A_455 = vector.broadcast %reduce_sum3A_454 : i1 to vector<16xi1>
      %reduce_sum3A_456 = tpu.scan <sum>, %scan3A_428#9 masked %reduce_sum3A_455 : vector<16xf32>, vector<16xi1> -> vector<16xf32>
      %reduce_sum3A_457 = vector.extract %reduce_sum3A_456[15] : f32 from vector<16xf32>
      %eq3A_458 = arith.constant 1 : i32
      %eq3A_459 = vector.broadcast %eq3A_458 : i32 to vector<16xi32>
      %eq3A_460 = arith.cmpi eq, %iota3A, %eq3A_459 : vector<16xi32>
      %broadcast_in_dim3A_461 = vector.broadcast %reduce_sum3A_453 : f32 to vector<16xf32>
      %select_n3A_462 = arith.select %eq3A_460, %broadcast_in_dim3A_461, %select_n3A_449 : vector<16xi1>, vector<16xf32>
      %eq3A_463 = arith.constant 9 : i32
      %eq3A_464 = vector.broadcast %eq3A_463 : i32 to vector<16xi32>
      %eq3A_465 = arith.cmpi eq, %iota3A, %eq3A_464 : vector<16xi32>
      %broadcast_in_dim3A_466 = vector.broadcast %reduce_sum3A_457 : f32 to vector<16xf32>
      %select_n3A_467 = arith.select %eq3A_465, %broadcast_in_dim3A_466, %select_n3A_462 : vector<16xi1>, vector<16xf32>
      %reduce_sum3A_468 = arith.constant true
      %reduce_sum3A_469 = vector.broadcast %reduce_sum3A_468 : i1 to vector<16xi1>
      %reduce_sum3A_470 = tpu.scan <sum>, %scan3A_428#2 masked %reduce_sum3A_469 : vector<16xf32>, vector<16xi1> -> vector<16xf32>
      %reduce_sum3A_471 = vector.extract %reduce_sum3A_470[15] : f32 from vector<16xf32>
      %reduce_sum3A_472 = arith.constant true
      %reduce_sum3A_473 = vector.broadcast %reduce_sum3A_472 : i1 to vector<16xi1>
      %reduce_sum3A_474 = tpu.scan <sum>, %scan3A_428#10 masked %reduce_sum3A_473 : vector<16xf32>, vector<16xi1> -> vector<16xf32>
      %reduce_sum3A_475 = vector.extract %reduce_sum3A_474[15] : f32 from vector<16xf32>
      %eq3A_476 = arith.constant 2 : i32
      %eq3A_477 = vector.broadcast %eq3A_476 : i32 to vector<16xi32>
      %eq3A_478 = arith.cmpi eq, %iota3A, %eq3A_477 : vector<16xi32>
      %broadcast_in_dim3A_479 = vector.broadcast %reduce_sum3A_471 : f32 to vector<16xf32>
      %select_n3A_480 = arith.select %eq3A_478, %broadcast_in_dim3A_479, %select_n3A_467 : vector<16xi1>, vector<16xf32>
      %eq3A_481 = arith.constant 10 : i32
      %eq3A_482 = vector.broadcast %eq3A_481 : i32 to vector<16xi32>
      %eq3A_483 = arith.cmpi eq, %iota3A, %eq3A_482 : vector<16xi32>
      %broadcast_in_dim3A_484 = vector.broadcast %reduce_sum3A_475 : f32 to vector<16xf32>
      %select_n3A_485 = arith.select %eq3A_483, %broadcast_in_dim3A_484, %select_n3A_480 : vector<16xi1>, vector<16xf32>
      %reduce_sum3A_486 = arith.constant true
      %reduce_sum3A_487 = vector.broadcast %reduce_sum3A_486 : i1 to vector<16xi1>
      %reduce_sum3A_488 = tpu.scan <sum>, %scan3A_428#3 masked %reduce_sum3A_487 : vector<16xf32>, vector<16xi1> -> vector<16xf32>
      %reduce_sum3A_489 = vector.extract %reduce_sum3A_488[15] : f32 from vector<16xf32>
      %reduce_sum3A_490 = arith.constant true
      %reduce_sum3A_491 = vector.broadcast %reduce_sum3A_490 : i1 to vector<16xi1>
      %reduce_sum3A_492 = tpu.scan <sum>, %scan3A_428#11 masked %reduce_sum3A_491 : vector<16xf32>, vector<16xi1> -> vector<16xf32>
      %reduce_sum3A_493 = vector.extract %reduce_sum3A_492[15] : f32 from vector<16xf32>
      %eq3A_494 = arith.constant 3 : i32
      %eq3A_495 = vector.broadcast %eq3A_494 : i32 to vector<16xi32>
      %eq3A_496 = arith.cmpi eq, %iota3A, %eq3A_495 : vector<16xi32>
      %broadcast_in_dim3A_497 = vector.broadcast %reduce_sum3A_489 : f32 to vector<16xf32>
      %select_n3A_498 = arith.select %eq3A_496, %broadcast_in_dim3A_497, %select_n3A_485 : vector<16xi1>, vector<16xf32>
      %eq3A_499 = arith.constant 11 : i32
      %eq3A_500 = vector.broadcast %eq3A_499 : i32 to vector<16xi32>
      %eq3A_501 = arith.cmpi eq, %iota3A, %eq3A_500 : vector<16xi32>
      %broadcast_in_dim3A_502 = vector.broadcast %reduce_sum3A_493 : f32 to vector<16xf32>
      %select_n3A_503 = arith.select %eq3A_501, %broadcast_in_dim3A_502, %select_n3A_498 : vector<16xi1>, vector<16xf32>
      %reduce_sum3A_504 = arith.constant true
      %reduce_sum3A_505 = vector.broadcast %reduce_sum3A_504 : i1 to vector<16xi1>
      %reduce_sum3A_506 = tpu.scan <sum>, %scan3A_428#4 masked %reduce_sum3A_505 : vector<16xf32>, vector<16xi1> -> vector<16xf32>
      %reduce_sum3A_507 = vector.extract %reduce_sum3A_506[15] : f32 from vector<16xf32>
      %reduce_sum3A_508 = arith.constant true
      %reduce_sum3A_509 = vector.broadcast %reduce_sum3A_508 : i1 to vector<16xi1>
      %reduce_sum3A_510 = tpu.scan <sum>, %scan3A_428#12 masked %reduce_sum3A_509 : vector<16xf32>, vector<16xi1> -> vector<16xf32>
      %reduce_sum3A_511 = vector.extract %reduce_sum3A_510[15] : f32 from vector<16xf32>
      %eq3A_512 = arith.constant 4 : i32
      %eq3A_513 = vector.broadcast %eq3A_512 : i32 to vector<16xi32>
      %eq3A_514 = arith.cmpi eq, %iota3A, %eq3A_513 : vector<16xi32>
      %broadcast_in_dim3A_515 = vector.broadcast %reduce_sum3A_507 : f32 to vector<16xf32>
      %select_n3A_516 = arith.select %eq3A_514, %broadcast_in_dim3A_515, %select_n3A_503 : vector<16xi1>, vector<16xf32>
      %eq3A_517 = arith.constant 12 : i32
      %eq3A_518 = vector.broadcast %eq3A_517 : i32 to vector<16xi32>
      %eq3A_519 = arith.cmpi eq, %iota3A, %eq3A_518 : vector<16xi32>
      %broadcast_in_dim3A_520 = vector.broadcast %reduce_sum3A_511 : f32 to vector<16xf32>
      %select_n3A_521 = arith.select %eq3A_519, %broadcast_in_dim3A_520, %select_n3A_516 : vector<16xi1>, vector<16xf32>
      %reduce_sum3A_522 = arith.constant true
      %reduce_sum3A_523 = vector.broadcast %reduce_sum3A_522 : i1 to vector<16xi1>
      %reduce_sum3A_524 = tpu.scan <sum>, %scan3A_428#5 masked %reduce_sum3A_523 : vector<16xf32>, vector<16xi1> -> vector<16xf32>
      %reduce_sum3A_525 = vector.extract %reduce_sum3A_524[15] : f32 from vector<16xf32>
      %reduce_sum3A_526 = arith.constant true
      %reduce_sum3A_527 = vector.broadcast %reduce_sum3A_526 : i1 to vector<16xi1>
      %reduce_sum3A_528 = tpu.scan <sum>, %scan3A_428#13 masked %reduce_sum3A_527 : vector<16xf32>, vector<16xi1> -> vector<16xf32>
      %reduce_sum3A_529 = vector.extract %reduce_sum3A_528[15] : f32 from vector<16xf32>
      %eq3A_530 = arith.constant 5 : i32
      %eq3A_531 = vector.broadcast %eq3A_530 : i32 to vector<16xi32>
      %eq3A_532 = arith.cmpi eq, %iota3A, %eq3A_531 : vector<16xi32>
      %broadcast_in_dim3A_533 = vector.broadcast %reduce_sum3A_525 : f32 to vector<16xf32>
      %select_n3A_534 = arith.select %eq3A_532, %broadcast_in_dim3A_533, %select_n3A_521 : vector<16xi1>, vector<16xf32>
      %eq3A_535 = arith.constant 13 : i32
      %eq3A_536 = vector.broadcast %eq3A_535 : i32 to vector<16xi32>
      %eq3A_537 = arith.cmpi eq, %iota3A, %eq3A_536 : vector<16xi32>
      %broadcast_in_dim3A_538 = vector.broadcast %reduce_sum3A_529 : f32 to vector<16xf32>
      %select_n3A_539 = arith.select %eq3A_537, %broadcast_in_dim3A_538, %select_n3A_534 : vector<16xi1>, vector<16xf32>
      %reduce_sum3A_540 = arith.constant true
      %reduce_sum3A_541 = vector.broadcast %reduce_sum3A_540 : i1 to vector<16xi1>
      %reduce_sum3A_542 = tpu.scan <sum>, %scan3A_428#6 masked %reduce_sum3A_541 : vector<16xf32>, vector<16xi1> -> vector<16xf32>
      %reduce_sum3A_543 = vector.extract %reduce_sum3A_542[15] : f32 from vector<16xf32>
      %reduce_sum3A_544 = arith.constant true
      %reduce_sum3A_545 = vector.broadcast %reduce_sum3A_544 : i1 to vector<16xi1>
      %reduce_sum3A_546 = tpu.scan <sum>, %scan3A_428#14 masked %reduce_sum3A_545 : vector<16xf32>, vector<16xi1> -> vector<16xf32>
      %reduce_sum3A_547 = vector.extract %reduce_sum3A_546[15] : f32 from vector<16xf32>
      %eq3A_548 = arith.constant 6 : i32
      %eq3A_549 = vector.broadcast %eq3A_548 : i32 to vector<16xi32>
      %eq3A_550 = arith.cmpi eq, %iota3A, %eq3A_549 : vector<16xi32>
      %broadcast_in_dim3A_551 = vector.broadcast %reduce_sum3A_543 : f32 to vector<16xf32>
      %select_n3A_552 = arith.select %eq3A_550, %broadcast_in_dim3A_551, %select_n3A_539 : vector<16xi1>, vector<16xf32>
      %eq3A_553 = arith.constant 14 : i32
      %eq3A_554 = vector.broadcast %eq3A_553 : i32 to vector<16xi32>
      %eq3A_555 = arith.cmpi eq, %iota3A, %eq3A_554 : vector<16xi32>
      %broadcast_in_dim3A_556 = vector.broadcast %reduce_sum3A_547 : f32 to vector<16xf32>
      %select_n3A_557 = arith.select %eq3A_555, %broadcast_in_dim3A_556, %select_n3A_552 : vector<16xi1>, vector<16xf32>
      %reduce_sum3A_558 = arith.constant true
      %reduce_sum3A_559 = vector.broadcast %reduce_sum3A_558 : i1 to vector<16xi1>
      %reduce_sum3A_560 = tpu.scan <sum>, %scan3A_428#7 masked %reduce_sum3A_559 : vector<16xf32>, vector<16xi1> -> vector<16xf32>
      %reduce_sum3A_561 = vector.extract %reduce_sum3A_560[15] : f32 from vector<16xf32>
      %reduce_sum3A_562 = arith.constant true
      %reduce_sum3A_563 = vector.broadcast %reduce_sum3A_562 : i1 to vector<16xi1>
      %reduce_sum3A_564 = tpu.scan <sum>, %scan3A_428#15 masked %reduce_sum3A_563 : vector<16xf32>, vector<16xi1> -> vector<16xf32>
      %reduce_sum3A_565 = vector.extract %reduce_sum3A_564[15] : f32 from vector<16xf32>
      %eq3A_566 = arith.constant 7 : i32
      %eq3A_567 = vector.broadcast %eq3A_566 : i32 to vector<16xi32>
      %eq3A_568 = arith.cmpi eq, %iota3A, %eq3A_567 : vector<16xi32>
      %broadcast_in_dim3A_569 = vector.broadcast %reduce_sum3A_561 : f32 to vector<16xf32>
      %select_n3A_570 = arith.select %eq3A_568, %broadcast_in_dim3A_569, %select_n3A_557 : vector<16xi1>, vector<16xf32>
      %eq3A_571 = arith.constant 15 : i32
      %eq3A_572 = vector.broadcast %eq3A_571 : i32 to vector<16xi32>
      %eq3A_573 = arith.cmpi eq, %iota3A, %eq3A_572 : vector<16xi32>
      %broadcast_in_dim3A_574 = vector.broadcast %reduce_sum3A_565 : f32 to vector<16xf32>
      %select_n3A_575 = arith.select %eq3A_573, %broadcast_in_dim3A_574, %select_n3A_570 : vector<16xi1>, vector<16xf32>
      %mul3A_576 = arith.constant 16 : i32
      %mul3A_577 = arith.muli %add3A_36, %mul3A_576 : i32
      %add3A_578 = arith.constant 4 : i32
      %add3A_579 = arith.addi %mul3A_577, %add3A_578 : i32
      %add3A_580 = arith.constant 0 : i32
      %add3A_581 = arith.addi %add3A_579, %add3A_580 : i32
      %jit3A_582 = arith.constant 2 : i32
      %div3A_583 = arith.divsi %add3A_581, %jit3A_582 : i32
      %sign3A_584 = arith.constant 0 : i32
      %sign3A_585 = arith.cmpi sgt, %add3A_581, %sign3A_584 : i32
      %sign3A_586 = arith.extui %sign3A_585 : i1 to i32
      %sign3A_587 = arith.constant 0 : i32
      %sign3A_588 = arith.cmpi slt, %add3A_581, %sign3A_587 : i32
      %sign3A_589 = arith.extui %sign3A_588 : i1 to i32
      %sign3A_590 = arith.subi %sign3A_586, %sign3A_589 : i32
      %sign3A_591 = arith.constant 0 : i32
      %sign3A_592 = arith.cmpi sgt, %jit3A_582, %sign3A_591 : i32
      %sign3A_593 = arith.extui %sign3A_592 : i1 to i32
      %sign3A_594 = arith.constant 0 : i32
      %sign3A_595 = arith.cmpi slt, %jit3A_582, %sign3A_594 : i32
      %sign3A_596 = arith.extui %sign3A_595 : i1 to i32
      %sign3A_597 = arith.subi %sign3A_593, %sign3A_596 : i32
      %ne3A_598 = arith.cmpi ne, %sign3A_590, %sign3A_597 : i32
      %rem3A_599 = arith.remsi %add3A_581, %jit3A_582 : i32
      %ne3A_600 = arith.constant 0 : i32
      %ne3A_601 = arith.cmpi ne, %rem3A_599, %ne3A_600 : i32
      %and3A_602 = arith.andi %ne3A_598, %ne3A_601 : i1
      %sub3A_603 = arith.constant 1 : i32
      %sub3A_604 = arith.subi %div3A_583, %sub3A_603 : i32
      %select_n3A_605 = arith.select %and3A_602, %sub3A_604, %div3A_583 : i32
      %swap3A_606 = arith.index_cast %select_n3A_605 : i32 to index
      %swap3A_607 = arith.constant 0 : index
      %swap3A_608 = tpu.vector_load %arg7[%swap3A_606, %swap3A_607] {strides = array<i32>} : memref<80x16xf32, #tpu.memory_space<vmem>>, vector<16xf32>,
      tpu.vector_store %arg7[%swap3A_606, %swap3A_607], %select_n3A_575 {strides = array<i32>} : memref<80x16xf32, #tpu.memory_space<vmem>>, vector<16xf32>,
      %broadcast_in_dim3A_609 = arith.constant 0.000000e+00 : f32
      %broadcast_in_dim3A_610 = vector.broadcast %broadcast_in_dim3A_609 : f32 to vector<16xf32>
      %reduce_sum3A_611 = arith.constant true
      %reduce_sum3A_612 = vector.broadcast %reduce_sum3A_611 : i1 to vector<16xi1>
      %reduce_sum3A_613 = tpu.scan <sum>, %scan3A_428#16 masked %reduce_sum3A_612 : vector<16xf32>, vector<16xi1> -> vector<16xf32>
      %reduce_sum3A_614 = vector.extract %reduce_sum3A_613[15] : f32 from vector<16xf32>
      %reduce_sum3A_615 = arith.constant true
      %reduce_sum3A_616 = vector.broadcast %reduce_sum3A_615 : i1 to vector<16xi1>
      %reduce_sum3A_617 = tpu.scan <sum>, %scan3A_428#24 masked %reduce_sum3A_616 : vector<16xf32>, vector<16xi1> -> vector<16xf32>
      %reduce_sum3A_618 = vector.extract %reduce_sum3A_617[15] : f32 from vector<16xf32>
      %eq3A_619 = arith.constant 0 : i32
      %eq3A_620 = vector.broadcast %eq3A_619 : i32 to vector<16xi32>
      %eq3A_621 = arith.cmpi eq, %iota3A, %eq3A_620 : vector<16xi32>
      %broadcast_in_dim3A_622 = vector.broadcast %reduce_sum3A_614 : f32 to vector<16xf32>
      %select_n3A_623 = arith.select %eq3A_621, %broadcast_in_dim3A_622, %broadcast_in_dim3A_610 : vector<16xi1>, vector<16xf32>
      %eq3A_624 = arith.constant 8 : i32
      %eq3A_625 = vector.broadcast %eq3A_624 : i32 to vector<16xi32>
      %eq3A_626 = arith.cmpi eq, %iota3A, %eq3A_625 : vector<16xi32>
      %broadcast_in_dim3A_627 = vector.broadcast %reduce_sum3A_618 : f32 to vector<16xf32>
      %select_n3A_628 = arith.select %eq3A_626, %broadcast_in_dim3A_627, %select_n3A_623 : vector<16xi1>, vector<16xf32>
      %reduce_sum3A_629 = arith.constant true
      %reduce_sum3A_630 = vector.broadcast %reduce_sum3A_629 : i1 to vector<16xi1>
      %reduce_sum3A_631 = tpu.scan <sum>, %scan3A_428#17 masked %reduce_sum3A_630 : vector<16xf32>, vector<16xi1> -> vector<16xf32>
      %reduce_sum3A_632 = vector.extract %reduce_sum3A_631[15] : f32 from vector<16xf32>
      %reduce_sum3A_633 = arith.constant true
      %reduce_sum3A_634 = vector.broadcast %reduce_sum3A_633 : i1 to vector<16xi1>
      %reduce_sum3A_635 = tpu.scan <sum>, %scan3A_428#25 masked %reduce_sum3A_634 : vector<16xf32>, vector<16xi1> -> vector<16xf32>
      %reduce_sum3A_636 = vector.extract %reduce_sum3A_635[15] : f32 from vector<16xf32>
      %eq3A_637 = arith.constant 1 : i32
      %eq3A_638 = vector.broadcast %eq3A_637 : i32 to vector<16xi32>
      %eq3A_639 = arith.cmpi eq, %iota3A, %eq3A_638 : vector<16xi32>
      %broadcast_in_dim3A_640 = vector.broadcast %reduce_sum3A_632 : f32 to vector<16xf32>
      %select_n3A_641 = arith.select %eq3A_639, %broadcast_in_dim3A_640, %select_n3A_628 : vector<16xi1>, vector<16xf32>
      %eq3A_642 = arith.constant 9 : i32
      %eq3A_643 = vector.broadcast %eq3A_642 : i32 to vector<16xi32>
      %eq3A_644 = arith.cmpi eq, %iota3A, %eq3A_643 : vector<16xi32>
      %broadcast_in_dim3A_645 = vector.broadcast %reduce_sum3A_636 : f32 to vector<16xf32>
      %select_n3A_646 = arith.select %eq3A_644, %broadcast_in_dim3A_645, %select_n3A_641 : vector<16xi1>, vector<16xf32>
      %reduce_sum3A_647 = arith.constant true
      %reduce_sum3A_648 = vector.broadcast %reduce_sum3A_647 : i1 to vector<16xi1>
      %reduce_sum3A_649 = tpu.scan <sum>, %scan3A_428#18 masked %reduce_sum3A_648 : vector<16xf32>, vector<16xi1> -> vector<16xf32>
      %reduce_sum3A_650 = vector.extract %reduce_sum3A_649[15] : f32 from vector<16xf32>
      %reduce_sum3A_651 = arith.constant true
      %reduce_sum3A_652 = vector.broadcast %reduce_sum3A_651 : i1 to vector<16xi1>
      %reduce_sum3A_653 = tpu.scan <sum>, %scan3A_428#26 masked %reduce_sum3A_652 : vector<16xf32>, vector<16xi1> -> vector<16xf32>
      %reduce_sum3A_654 = vector.extract %reduce_sum3A_653[15] : f32 from vector<16xf32>
      %eq3A_655 = arith.constant 2 : i32
      %eq3A_656 = vector.broadcast %eq3A_655 : i32 to vector<16xi32>
      %eq3A_657 = arith.cmpi eq, %iota3A, %eq3A_656 : vector<16xi32>
      %broadcast_in_dim3A_658 = vector.broadcast %reduce_sum3A_650 : f32 to vector<16xf32>
      %select_n3A_659 = arith.select %eq3A_657, %broadcast_in_dim3A_658, %select_n3A_646 : vector<16xi1>, vector<16xf32>
      %eq3A_660 = arith.constant 10 : i32
      %eq3A_661 = vector.broadcast %eq3A_660 : i32 to vector<16xi32>
      %eq3A_662 = arith.cmpi eq, %iota3A, %eq3A_661 : vector<16xi32>
      %broadcast_in_dim3A_663 = vector.broadcast %reduce_sum3A_654 : f32 to vector<16xf32>
      %select_n3A_664 = arith.select %eq3A_662, %broadcast_in_dim3A_663, %select_n3A_659 : vector<16xi1>, vector<16xf32>
      %reduce_sum3A_665 = arith.constant true
      %reduce_sum3A_666 = vector.broadcast %reduce_sum3A_665 : i1 to vector<16xi1>
      %reduce_sum3A_667 = tpu.scan <sum>, %scan3A_428#19 masked %reduce_sum3A_666 : vector<16xf32>, vector<16xi1> -> vector<16xf32>
      %reduce_sum3A_668 = vector.extract %reduce_sum3A_667[15] : f32 from vector<16xf32>
      %reduce_sum3A_669 = arith.constant true
      %reduce_sum3A_670 = vector.broadcast %reduce_sum3A_669 : i1 to vector<16xi1>
      %reduce_sum3A_671 = tpu.scan <sum>, %scan3A_428#27 masked %reduce_sum3A_670 : vector<16xf32>, vector<16xi1> -> vector<16xf32>
      %reduce_sum3A_672 = vector.extract %reduce_sum3A_671[15] : f32 from vector<16xf32>
      %eq3A_673 = arith.constant 3 : i32
      %eq3A_674 = vector.broadcast %eq3A_673 : i32 to vector<16xi32>
      %eq3A_675 = arith.cmpi eq, %iota3A, %eq3A_674 : vector<16xi32>
      %broadcast_in_dim3A_676 = vector.broadcast %reduce_sum3A_668 : f32 to vector<16xf32>
      %select_n3A_677 = arith.select %eq3A_675, %broadcast_in_dim3A_676, %select_n3A_664 : vector<16xi1>, vector<16xf32>
      %eq3A_678 = arith.constant 11 : i32
      %eq3A_679 = vector.broadcast %eq3A_678 : i32 to vector<16xi32>
      %eq3A_680 = arith.cmpi eq, %iota3A, %eq3A_679 : vector<16xi32>
      %broadcast_in_dim3A_681 = vector.broadcast %reduce_sum3A_672 : f32 to vector<16xf32>
      %select_n3A_682 = arith.select %eq3A_680, %broadcast_in_dim3A_681, %select_n3A_677 : vector<16xi1>, vector<16xf32>
      %reduce_sum3A_683 = arith.constant true
      %reduce_sum3A_684 = vector.broadcast %reduce_sum3A_683 : i1 to vector<16xi1>
      %reduce_sum3A_685 = tpu.scan <sum>, %scan3A_428#20 masked %reduce_sum3A_684 : vector<16xf32>, vector<16xi1> -> vector<16xf32>
      %reduce_sum3A_686 = vector.extract %reduce_sum3A_685[15] : f32 from vector<16xf32>
      %reduce_sum3A_687 = arith.constant true
      %reduce_sum3A_688 = vector.broadcast %reduce_sum3A_687 : i1 to vector<16xi1>
      %reduce_sum3A_689 = tpu.scan <sum>, %scan3A_428#28 masked %reduce_sum3A_688 : vector<16xf32>, vector<16xi1> -> vector<16xf32>
      %reduce_sum3A_690 = vector.extract %reduce_sum3A_689[15] : f32 from vector<16xf32>
      %eq3A_691 = arith.constant 4 : i32
      %eq3A_692 = vector.broadcast %eq3A_691 : i32 to vector<16xi32>
      %eq3A_693 = arith.cmpi eq, %iota3A, %eq3A_692 : vector<16xi32>
      %broadcast_in_dim3A_694 = vector.broadcast %reduce_sum3A_686 : f32 to vector<16xf32>
      %select_n3A_695 = arith.select %eq3A_693, %broadcast_in_dim3A_694, %select_n3A_682 : vector<16xi1>, vector<16xf32>
      %eq3A_696 = arith.constant 12 : i32
      %eq3A_697 = vector.broadcast %eq3A_696 : i32 to vector<16xi32>
      %eq3A_698 = arith.cmpi eq, %iota3A, %eq3A_697 : vector<16xi32>
      %broadcast_in_dim3A_699 = vector.broadcast %reduce_sum3A_690 : f32 to vector<16xf32>
      %select_n3A_700 = arith.select %eq3A_698, %broadcast_in_dim3A_699, %select_n3A_695 : vector<16xi1>, vector<16xf32>
      %reduce_sum3A_701 = arith.constant true
      %reduce_sum3A_702 = vector.broadcast %reduce_sum3A_701 : i1 to vector<16xi1>
      %reduce_sum3A_703 = tpu.scan <sum>, %scan3A_428#21 masked %reduce_sum3A_702 : vector<16xf32>, vector<16xi1> -> vector<16xf32>
      %reduce_sum3A_704 = vector.extract %reduce_sum3A_703[15] : f32 from vector<16xf32>
      %reduce_sum3A_705 = arith.constant true
      %reduce_sum3A_706 = vector.broadcast %reduce_sum3A_705 : i1 to vector<16xi1>
      %reduce_sum3A_707 = tpu.scan <sum>, %scan3A_428#29 masked %reduce_sum3A_706 : vector<16xf32>, vector<16xi1> -> vector<16xf32>
      %reduce_sum3A_708 = vector.extract %reduce_sum3A_707[15] : f32 from vector<16xf32>
      %eq3A_709 = arith.constant 5 : i32
      %eq3A_710 = vector.broadcast %eq3A_709 : i32 to vector<16xi32>
      %eq3A_711 = arith.cmpi eq, %iota3A, %eq3A_710 : vector<16xi32>
      %broadcast_in_dim3A_712 = vector.broadcast %reduce_sum3A_704 : f32 to vector<16xf32>
      %select_n3A_713 = arith.select %eq3A_711, %broadcast_in_dim3A_712, %select_n3A_700 : vector<16xi1>, vector<16xf32>
      %eq3A_714 = arith.constant 13 : i32
      %eq3A_715 = vector.broadcast %eq3A_714 : i32 to vector<16xi32>
      %eq3A_716 = arith.cmpi eq, %iota3A, %eq3A_715 : vector<16xi32>
      %broadcast_in_dim3A_717 = vector.broadcast %reduce_sum3A_708 : f32 to vector<16xf32>
      %select_n3A_718 = arith.select %eq3A_716, %broadcast_in_dim3A_717, %select_n3A_713 : vector<16xi1>, vector<16xf32>
      %reduce_sum3A_719 = arith.constant true
      %reduce_sum3A_720 = vector.broadcast %reduce_sum3A_719 : i1 to vector<16xi1>
      %reduce_sum3A_721 = tpu.scan <sum>, %scan3A_428#22 masked %reduce_sum3A_720 : vector<16xf32>, vector<16xi1> -> vector<16xf32>
      %reduce_sum3A_722 = vector.extract %reduce_sum3A_721[15] : f32 from vector<16xf32>
      %reduce_sum3A_723 = arith.constant true
      %reduce_sum3A_724 = vector.broadcast %reduce_sum3A_723 : i1 to vector<16xi1>
      %reduce_sum3A_725 = tpu.scan <sum>, %scan3A_428#30 masked %reduce_sum3A_724 : vector<16xf32>, vector<16xi1> -> vector<16xf32>
      %reduce_sum3A_726 = vector.extract %reduce_sum3A_725[15] : f32 from vector<16xf32>
      %eq3A_727 = arith.constant 6 : i32
      %eq3A_728 = vector.broadcast %eq3A_727 : i32 to vector<16xi32>
      %eq3A_729 = arith.cmpi eq, %iota3A, %eq3A_728 : vector<16xi32>
      %broadcast_in_dim3A_730 = vector.broadcast %reduce_sum3A_722 : f32 to vector<16xf32>
      %select_n3A_731 = arith.select %eq3A_729, %broadcast_in_dim3A_730, %select_n3A_718 : vector<16xi1>, vector<16xf32>
      %eq3A_732 = arith.constant 14 : i32
      %eq3A_733 = vector.broadcast %eq3A_732 : i32 to vector<16xi32>
      %eq3A_734 = arith.cmpi eq, %iota3A, %eq3A_733 : vector<16xi32>
      %broadcast_in_dim3A_735 = vector.broadcast %reduce_sum3A_726 : f32 to vector<16xf32>
      %select_n3A_736 = arith.select %eq3A_734, %broadcast_in_dim3A_735, %select_n3A_731 : vector<16xi1>, vector<16xf32>
      %reduce_sum3A_737 = arith.constant true
      %reduce_sum3A_738 = vector.broadcast %reduce_sum3A_737 : i1 to vector<16xi1>
      %reduce_sum3A_739 = tpu.scan <sum>, %scan3A_428#23 masked %reduce_sum3A_738 : vector<16xf32>, vector<16xi1> -> vector<16xf32>
      %reduce_sum3A_740 = vector.extract %reduce_sum3A_739[15] : f32 from vector<16xf32>
      %reduce_sum3A_741 = arith.constant true
      %reduce_sum3A_742 = vector.broadcast %reduce_sum3A_741 : i1 to vector<16xi1>
      %reduce_sum3A_743 = tpu.scan <sum>, %scan3A_428#31 masked %reduce_sum3A_742 : vector<16xf32>, vector<16xi1> -> vector<16xf32>
      %reduce_sum3A_744 = vector.extract %reduce_sum3A_743[15] : f32 from vector<16xf32>
      %eq3A_745 = arith.constant 7 : i32
      %eq3A_746 = vector.broadcast %eq3A_745 : i32 to vector<16xi32>
      %eq3A_747 = arith.cmpi eq, %iota3A, %eq3A_746 : vector<16xi32>
      %broadcast_in_dim3A_748 = vector.broadcast %reduce_sum3A_740 : f32 to vector<16xf32>
      %select_n3A_749 = arith.select %eq3A_747, %broadcast_in_dim3A_748, %select_n3A_736 : vector<16xi1>, vector<16xf32>
      %eq3A_750 = arith.constant 15 : i32
      %eq3A_751 = vector.broadcast %eq3A_750 : i32 to vector<16xi32>
      %eq3A_752 = arith.cmpi eq, %iota3A, %eq3A_751 : vector<16xi32>
      %broadcast_in_dim3A_753 = vector.broadcast %reduce_sum3A_744 : f32 to vector<16xf32>
      %select_n3A_754 = arith.select %eq3A_752, %broadcast_in_dim3A_753, %select_n3A_749 : vector<16xi1>, vector<16xf32>
      %mul3A_755 = arith.constant 16 : i32
      %mul3A_756 = arith.muli %add3A_36, %mul3A_755 : i32
      %add3A_757 = arith.constant 4 : i32
      %add3A_758 = arith.addi %mul3A_756, %add3A_757 : i32
      %add3A_759 = arith.constant 2 : i32
      %add3A_760 = arith.addi %add3A_758, %add3A_759 : i32
      %jit3A_761 = arith.constant 2 : i32
      %div3A_762 = arith.divsi %add3A_760, %jit3A_761 : i32
      %sign3A_763 = arith.constant 0 : i32
      %sign3A_764 = arith.cmpi sgt, %add3A_760, %sign3A_763 : i32
      %sign3A_765 = arith.extui %sign3A_764 : i1 to i32
      %sign3A_766 = arith.constant 0 : i32
      %sign3A_767 = arith.cmpi slt, %add3A_760, %sign3A_766 : i32
      %sign3A_768 = arith.extui %sign3A_767 : i1 to i32
      %sign3A_769 = arith.subi %sign3A_765, %sign3A_768 : i32
      %sign3A_770 = arith.constant 0 : i32
      %sign3A_771 = arith.cmpi sgt, %jit3A_761, %sign3A_770 : i32
      %sign3A_772 = arith.extui %sign3A_771 : i1 to i32
      %sign3A_773 = arith.constant 0 : i32
      %sign3A_774 = arith.cmpi slt, %jit3A_761, %sign3A_773 : i32
      %sign3A_775 = arith.extui %sign3A_774 : i1 to i32
      %sign3A_776 = arith.subi %sign3A_772, %sign3A_775 : i32
      %ne3A_777 = arith.cmpi ne, %sign3A_769, %sign3A_776 : i32
      %rem3A_778 = arith.remsi %add3A_760, %jit3A_761 : i32
      %ne3A_779 = arith.constant 0 : i32
      %ne3A_780 = arith.cmpi ne, %rem3A_778, %ne3A_779 : i32
      %and3A_781 = arith.andi %ne3A_777, %ne3A_780 : i1
      %sub3A_782 = arith.constant 1 : i32
      %sub3A_783 = arith.subi %div3A_762, %sub3A_782 : i32
      %select_n3A_784 = arith.select %and3A_781, %sub3A_783, %div3A_762 : i32
      %swap3A_785 = arith.index_cast %select_n3A_784 : i32 to index
      %swap3A_786 = arith.constant 0 : index
      %swap3A_787 = tpu.vector_load %arg7[%swap3A_785, %swap3A_786] {strides = array<i32>} : memref<80x16xf32, #tpu.memory_space<vmem>>, vector<16xf32>,
      tpu.vector_store %arg7[%swap3A_785, %swap3A_786], %select_n3A_754 {strides = array<i32>} : memref<80x16xf32, #tpu.memory_space<vmem>>, vector<16xf32>,
      %broadcast_in_dim3A_788 = arith.constant 0.000000e+00 : f32
      %broadcast_in_dim3A_789 = vector.broadcast %broadcast_in_dim3A_788 : f32 to vector<16xf32>
      %scan3A_790 = arith.constant 0 : i32
      %scan3A_791 = arith.constant 128 : i32
      %scan3A_792 = arith.addi %scan3A_790, %scan3A_791 : i32
      %scan3A_793 = arith.constant 1 : i32
      %scan3A_794:32 = scf.for %scan3A_3003 = %scan3A_790 to %scan3A_792 step %scan3A_793 iter_args(%scan3A_3004 = %broadcast_in_dim3A_789, %scan3A_3005 = %broadcast_in_dim3A_789, %scan3A_3006 = %broadcast_in_dim3A_789, %scan3A_3007 = %broadcast_in_dim3A_789, %scan3A_3008 = %broadcast_in_dim3A_789, %scan3A_3009 = %broadcast_in_dim3A_789, %scan3A_3010 = %broadcast_in_dim3A_789, %scan3A_3011 = %broadcast_in_dim3A_789, %scan3A_3012 = %broadcast_in_dim3A_789, %scan3A_3013 = %broadcast_in_dim3A_789, %scan3A_3014 = %broadcast_in_dim3A_789, %scan3A_3015 = %broadcast_in_dim3A_789, %scan3A_3016 = %broadcast_in_dim3A_789, %scan3A_3017 = %broadcast_in_dim3A_789, %scan3A_3018 = %broadcast_in_dim3A_789, %scan3A_3019 = %broadcast_in_dim3A_789, %scan3A_3020 = %broadcast_in_dim3A_789, %scan3A_3021 = %broadcast_in_dim3A_789, %scan3A_3022 = %broadcast_in_dim3A_789, %scan3A_3023 = %broadcast_in_dim3A_789, %scan3A_3024 = %broadcast_in_dim3A_789, %scan3A_3025 = %broadcast_in_dim3A_789, %scan3A_3026 = %broadcast_in_dim3A_789, %scan3A_3027 = %broadcast_in_dim3A_789, %scan3A_3028 = %broadcast_in_dim3A_789, %scan3A_3029 = %broadcast_in_dim3A_789, %scan3A_3030 = %broadcast_in_dim3A_789, %scan3A_3031 = %broadcast_in_dim3A_789, %scan3A_3032 = %broadcast_in_dim3A_789, %scan3A_3033 = %broadcast_in_dim3A_789, %scan3A_3034 = %broadcast_in_dim3A_789, %scan3A_3035 = %broadcast_in_dim3A_789) -> (vector<16xf32>, vector<16xf32>, vector<16xf32>, vector<16xf32>, vector<16xf32>, vector<16xf32>, vector<16xf32>, vector<16xf32>, vector<16xf32>, vector<16xf32>, vector<16xf32>, vector<16xf32>, vector<16xf32>, vector<16xf32>, vector<16xf32>, vector<16xf32>, vector<16xf32>, vector<16xf32>, vector<16xf32>, vector<16xf32>, vector<16xf32>, vector<16xf32>, vector<16xf32>, vector<16xf32>, vector<16xf32>, vector<16xf32>, vector<16xf32>, vector<16xf32>, vector<16xf32>, vector<16xf32>, vector<16xf32>, vector<16xf32>)  : i32 {
        %mul3A_3036 = arith.constant 16 : i32
        %mul3A_3037 = arith.muli %scan3A_3003, %mul3A_3036 : i32
        %get3A = arith.constant 0 : i32
        %get3A_3038 = arith.index_cast %get3A : i32 to index
        %get3A_3039 = arith.index_cast %mul3A_3037 : i32 to index
        %get3A_3040 = tpu.vector_load %arg5[%get3A_3038, %get3A_3039] {strides = array<i32>} : memref<8x2048xf32, #tpu.memory_space<vmem>>, vector<16xf32>,
        %get3A_3041 = arith.constant 1 : i32
        %get3A_3042 = arith.index_cast %get3A_3041 : i32 to index
        %get3A_3043 = arith.index_cast %mul3A_3037 : i32 to index
        %get3A_3044 = tpu.vector_load %arg5[%get3A_3042, %get3A_3043] {strides = array<i32>} : memref<8x2048xf32, #tpu.memory_space<vmem>>, vector<16xf32>,
        %get3A_3045 = arith.constant 2 : i32
        %get3A_3046 = arith.index_cast %get3A_3045 : i32 to index
        %get3A_3047 = arith.index_cast %mul3A_3037 : i32 to index
        %get3A_3048 = tpu.vector_load %arg5[%get3A_3046, %get3A_3047] {strides = array<i32>} : memref<8x2048xf32, #tpu.memory_space<vmem>>, vector<16xf32>,
        %get3A_3049 = arith.constant 3 : i32
        %get3A_3050 = arith.index_cast %get3A_3049 : i32 to index
        %get3A_3051 = arith.index_cast %mul3A_3037 : i32 to index
        %get3A_3052 = tpu.vector_load %arg5[%get3A_3050, %get3A_3051] {strides = array<i32>} : memref<8x2048xf32, #tpu.memory_space<vmem>>, vector<16xf32>,
        %get3A_3053 = arith.constant 4 : i32
        %get3A_3054 = arith.index_cast %get3A_3053 : i32 to index
        %get3A_3055 = arith.index_cast %mul3A_3037 : i32 to index
        %get3A_3056 = tpu.vector_load %arg5[%get3A_3054, %get3A_3055] {strides = array<i32>} : memref<8x2048xf32, #tpu.memory_space<vmem>>, vector<16xf32>,
        %get3A_3057 = arith.constant 5 : i32
        %get3A_3058 = arith.index_cast %get3A_3057 : i32 to index
        %get3A_3059 = arith.index_cast %mul3A_3037 : i32 to index
        %get3A_3060 = tpu.vector_load %arg5[%get3A_3058, %get3A_3059] {strides = array<i32>} : memref<8x2048xf32, #tpu.memory_space<vmem>>, vector<16xf32>,
        %get3A_3061 = arith.constant 6 : i32
        %get3A_3062 = arith.index_cast %get3A_3061 : i32 to index
        %get3A_3063 = arith.index_cast %mul3A_3037 : i32 to index
        %get3A_3064 = tpu.vector_load %arg5[%get3A_3062, %get3A_3063] {strides = array<i32>} : memref<8x2048xf32, #tpu.memory_space<vmem>>, vector<16xf32>,
        %get3A_3065 = arith.constant 7 : i32
        %get3A_3066 = arith.index_cast %get3A_3065 : i32 to index
        %get3A_3067 = arith.index_cast %mul3A_3037 : i32 to index
        %get3A_3068 = tpu.vector_load %arg5[%get3A_3066, %get3A_3067] {strides = array<i32>} : memref<8x2048xf32, #tpu.memory_space<vmem>>, vector<16xf32>,
        %get3A_3069 = arith.constant 0 : i32
        %get3A_3070 = arith.constant 8 : i32
        %get3A_3071 = arith.index_cast %get3A_3069 : i32 to index
        %get3A_3072 = arith.index_cast %get3A_3070 : i32 to index
        %get3A_3073 = arith.index_cast %mul3A_3037 : i32 to index
        %get3A_3074 = tpu.vector_load %arg6[%get3A_3071, %get3A_3072, %get3A_3073] {strides = array<i32>} : memref<2x16x2048xf32, #tpu.memory_space<vmem>>, vector<16xf32>,
        %mul3A_3075 = arith.mulf %get3A_3074, %get3A_3040 : vector<16xf32>
        %add3A_3076 = arith.addf %scan3A_3004, %mul3A_3075 : vector<16xf32>
        %mul3A_3077 = arith.mulf %get3A_3074, %get3A_3044 : vector<16xf32>
        %add3A_3078 = arith.addf %scan3A_3005, %mul3A_3077 : vector<16xf32>
        %mul3A_3079 = arith.mulf %get3A_3074, %get3A_3048 : vector<16xf32>
        %add3A_3080 = arith.addf %scan3A_3006, %mul3A_3079 : vector<16xf32>
        %mul3A_3081 = arith.mulf %get3A_3074, %get3A_3052 : vector<16xf32>
        %add3A_3082 = arith.addf %scan3A_3007, %mul3A_3081 : vector<16xf32>
        %mul3A_3083 = arith.mulf %get3A_3074, %get3A_3056 : vector<16xf32>
        %add3A_3084 = arith.addf %scan3A_3008, %mul3A_3083 : vector<16xf32>
        %mul3A_3085 = arith.mulf %get3A_3074, %get3A_3060 : vector<16xf32>
        %add3A_3086 = arith.addf %scan3A_3009, %mul3A_3085 : vector<16xf32>
        %mul3A_3087 = arith.mulf %get3A_3074, %get3A_3064 : vector<16xf32>
        %add3A_3088 = arith.addf %scan3A_3010, %mul3A_3087 : vector<16xf32>
        %mul3A_3089 = arith.mulf %get3A_3074, %get3A_3068 : vector<16xf32>
        %add3A_3090 = arith.addf %scan3A_3011, %mul3A_3089 : vector<16xf32>
        %get3A_3091 = arith.constant 0 : i32
        %get3A_3092 = arith.constant 9 : i32
        %get3A_3093 = arith.index_cast %get3A_3091 : i32 to index
        %get3A_3094 = arith.index_cast %get3A_3092 : i32 to index
        %get3A_3095 = arith.index_cast %mul3A_3037 : i32 to index
        %get3A_3096 = tpu.vector_load %arg6[%get3A_3093, %get3A_3094, %get3A_3095] {strides = array<i32>} : memref<2x16x2048xf32, #tpu.memory_space<vmem>>, vector<16xf32>,
        %mul3A_3097 = arith.mulf %get3A_3096, %get3A_3040 : vector<16xf32>
        %add3A_3098 = arith.addf %scan3A_3012, %mul3A_3097 : vector<16xf32>
        %mul3A_3099 = arith.mulf %get3A_3096, %get3A_3044 : vector<16xf32>
        %add3A_3100 = arith.addf %scan3A_3013, %mul3A_3099 : vector<16xf32>
        %mul3A_3101 = arith.mulf %get3A_3096, %get3A_3048 : vector<16xf32>
        %add3A_3102 = arith.addf %scan3A_3014, %mul3A_3101 : vector<16xf32>
        %mul3A_3103 = arith.mulf %get3A_3096, %get3A_3052 : vector<16xf32>
        %add3A_3104 = arith.addf %scan3A_3015, %mul3A_3103 : vector<16xf32>
        %mul3A_3105 = arith.mulf %get3A_3096, %get3A_3056 : vector<16xf32>
        %add3A_3106 = arith.addf %scan3A_3016, %mul3A_3105 : vector<16xf32>
        %mul3A_3107 = arith.mulf %get3A_3096, %get3A_3060 : vector<16xf32>
        %add3A_3108 = arith.addf %scan3A_3017, %mul3A_3107 : vector<16xf32>
        %mul3A_3109 = arith.mulf %get3A_3096, %get3A_3064 : vector<16xf32>
        %add3A_3110 = arith.addf %scan3A_3018, %mul3A_3109 : vector<16xf32>
        %mul3A_3111 = arith.mulf %get3A_3096, %get3A_3068 : vector<16xf32>
        %add3A_3112 = arith.addf %scan3A_3019, %mul3A_3111 : vector<16xf32>
        %get3A_3113 = arith.constant 0 : i32
        %get3A_3114 = arith.constant 10 : i32
        %get3A_3115 = arith.index_cast %get3A_3113 : i32 to index
        %get3A_3116 = arith.index_cast %get3A_3114 : i32 to index
        %get3A_3117 = arith.index_cast %mul3A_3037 : i32 to index
        %get3A_3118 = tpu.vector_load %arg6[%get3A_3115, %get3A_3116, %get3A_3117] {strides = array<i32>} : memref<2x16x2048xf32, #tpu.memory_space<vmem>>, vector<16xf32>,
        %mul3A_3119 = arith.mulf %get3A_3118, %get3A_3040 : vector<16xf32>
        %add3A_3120 = arith.addf %scan3A_3020, %mul3A_3119 : vector<16xf32>
        %mul3A_3121 = arith.mulf %get3A_3118, %get3A_3044 : vector<16xf32>
        %add3A_3122 = arith.addf %scan3A_3021, %mul3A_3121 : vector<16xf32>
        %mul3A_3123 = arith.mulf %get3A_3118, %get3A_3048 : vector<16xf32>
        %add3A_3124 = arith.addf %scan3A_3022, %mul3A_3123 : vector<16xf32>
        %mul3A_3125 = arith.mulf %get3A_3118, %get3A_3052 : vector<16xf32>
        %add3A_3126 = arith.addf %scan3A_3023, %mul3A_3125 : vector<16xf32>
        %mul3A_3127 = arith.mulf %get3A_3118, %get3A_3056 : vector<16xf32>
        %add3A_3128 = arith.addf %scan3A_3024, %mul3A_3127 : vector<16xf32>
        %mul3A_3129 = arith.mulf %get3A_3118, %get3A_3060 : vector<16xf32>
        %add3A_3130 = arith.addf %scan3A_3025, %mul3A_3129 : vector<16xf32>
        %mul3A_3131 = arith.mulf %get3A_3118, %get3A_3064 : vector<16xf32>
        %add3A_3132 = arith.addf %scan3A_3026, %mul3A_3131 : vector<16xf32>
        %mul3A_3133 = arith.mulf %get3A_3118, %get3A_3068 : vector<16xf32>
        %add3A_3134 = arith.addf %scan3A_3027, %mul3A_3133 : vector<16xf32>
        %get3A_3135 = arith.constant 0 : i32
        %get3A_3136 = arith.constant 11 : i32
        %get3A_3137 = arith.index_cast %get3A_3135 : i32 to index
        %get3A_3138 = arith.index_cast %get3A_3136 : i32 to index
        %get3A_3139 = arith.index_cast %mul3A_3037 : i32 to index
        %get3A_3140 = tpu.vector_load %arg6[%get3A_3137, %get3A_3138, %get3A_3139] {strides = array<i32>} : memref<2x16x2048xf32, #tpu.memory_space<vmem>>, vector<16xf32>,
        %mul3A_3141 = arith.mulf %get3A_3140, %get3A_3040 : vector<16xf32>
        %add3A_3142 = arith.addf %scan3A_3028, %mul3A_3141 : vector<16xf32>
        %mul3A_3143 = arith.mulf %get3A_3140, %get3A_3044 : vector<16xf32>
        %add3A_3144 = arith.addf %scan3A_3029, %mul3A_3143 : vector<16xf32>
        %mul3A_3145 = arith.mulf %get3A_3140, %get3A_3048 : vector<16xf32>
        %add3A_3146 = arith.addf %scan3A_3030, %mul3A_3145 : vector<16xf32>
        %mul3A_3147 = arith.mulf %get3A_3140, %get3A_3052 : vector<16xf32>
        %add3A_3148 = arith.addf %scan3A_3031, %mul3A_3147 : vector<16xf32>
        %mul3A_3149 = arith.mulf %get3A_3140, %get3A_3056 : vector<16xf32>
        %add3A_3150 = arith.addf %scan3A_3032, %mul3A_3149 : vector<16xf32>
        %mul3A_3151 = arith.mulf %get3A_3140, %get3A_3060 : vector<16xf32>
        %add3A_3152 = arith.addf %scan3A_3033, %mul3A_3151 : vector<16xf32>
        %mul3A_3153 = arith.mulf %get3A_3140, %get3A_3064 : vector<16xf32>
        %add3A_3154 = arith.addf %scan3A_3034, %mul3A_3153 : vector<16xf32>
        %mul3A_3155 = arith.mulf %get3A_3140, %get3A_3068 : vector<16xf32>
        %add3A_3156 = arith.addf %scan3A_3035, %mul3A_3155 : vector<16xf32>
        scf.yield %add3A_3076, %add3A_3078, %add3A_3080, %add3A_3082, %add3A_3084, %add3A_3086, %add3A_3088, %add3A_3090, %add3A_3098, %add3A_3100, %add3A_3102, %add3A_3104, %add3A_3106, %add3A_3108, %add3A_3110, %add3A_3112, %add3A_3120, %add3A_3122, %add3A_3124, %add3A_3126, %add3A_3128, %add3A_3130, %add3A_3132, %add3A_3134, %add3A_3142, %add3A_3144, %add3A_3146, %add3A_3148, %add3A_3150, %add3A_3152, %add3A_3154, %add3A_3156 : vector<16xf32>, vector<16xf32>, vector<16xf32>, vector<16xf32>, vector<16xf32>, vector<16xf32>, vector<16xf32>, vector<16xf32>, vector<16xf32>, vector<16xf32>, vector<16xf32>, vector<16xf32>, vector<16xf32>, vector<16xf32>, vector<16xf32>, vector<16xf32>, vector<16xf32>, vector<16xf32>, vector<16xf32>, vector<16xf32>, vector<16xf32>, vector<16xf32>, vector<16xf32>, vector<16xf32>, vector<16xf32>, vector<16xf32>, vector<16xf32>, vector<16xf32>, vector<16xf32>, vector<16xf32>, vector<16xf32>, vector<16xf32>
      }
      %scan3A_795 = arith.constant 128 : i32
      %broadcast_in_dim3A_796 = arith.constant 0.000000e+00 : f32
      %broadcast_in_dim3A_797 = vector.broadcast %broadcast_in_dim3A_796 : f32 to vector<16xf32>
      %reduce_sum3A_798 = arith.constant true
      %reduce_sum3A_799 = vector.broadcast %reduce_sum3A_798 : i1 to vector<16xi1>
      %reduce_sum3A_800 = tpu.scan <sum>, %scan3A_794#0 masked %reduce_sum3A_799 : vector<16xf32>, vector<16xi1> -> vector<16xf32>
      %reduce_sum3A_801 = vector.extract %reduce_sum3A_800[15] : f32 from vector<16xf32>
      %reduce_sum3A_802 = arith.constant true
      %reduce_sum3A_803 = vector.broadcast %reduce_sum3A_802 : i1 to vector<16xi1>
      %reduce_sum3A_804 = tpu.scan <sum>, %scan3A_794#8 masked %reduce_sum3A_803 : vector<16xf32>, vector<16xi1> -> vector<16xf32>
      %reduce_sum3A_805 = vector.extract %reduce_sum3A_804[15] : f32 from vector<16xf32>
      %eq3A_806 = arith.constant 0 : i32
      %eq3A_807 = vector.broadcast %eq3A_806 : i32 to vector<16xi32>
      %eq3A_808 = arith.cmpi eq, %iota3A, %eq3A_807 : vector<16xi32>
      %broadcast_in_dim3A_809 = vector.broadcast %reduce_sum3A_801 : f32 to vector<16xf32>
      %select_n3A_810 = arith.select %eq3A_808, %broadcast_in_dim3A_809, %broadcast_in_dim3A_797 : vector<16xi1>, vector<16xf32>
      %eq3A_811 = arith.constant 8 : i32
      %eq3A_812 = vector.broadcast %eq3A_811 : i32 to vector<16xi32>
      %eq3A_813 = arith.cmpi eq, %iota3A, %eq3A_812 : vector<16xi32>
      %broadcast_in_dim3A_814 = vector.broadcast %reduce_sum3A_805 : f32 to vector<16xf32>
      %select_n3A_815 = arith.select %eq3A_813, %broadcast_in_dim3A_814, %select_n3A_810 : vector<16xi1>, vector<16xf32>
      %reduce_sum3A_816 = arith.constant true
      %reduce_sum3A_817 = vector.broadcast %reduce_sum3A_816 : i1 to vector<16xi1>
      %reduce_sum3A_818 = tpu.scan <sum>, %scan3A_794#1 masked %reduce_sum3A_817 : vector<16xf32>, vector<16xi1> -> vector<16xf32>
      %reduce_sum3A_819 = vector.extract %reduce_sum3A_818[15] : f32 from vector<16xf32>
      %reduce_sum3A_820 = arith.constant true
      %reduce_sum3A_821 = vector.broadcast %reduce_sum3A_820 : i1 to vector<16xi1>
      %reduce_sum3A_822 = tpu.scan <sum>, %scan3A_794#9 masked %reduce_sum3A_821 : vector<16xf32>, vector<16xi1> -> vector<16xf32>
      %reduce_sum3A_823 = vector.extract %reduce_sum3A_822[15] : f32 from vector<16xf32>
      %eq3A_824 = arith.constant 1 : i32
      %eq3A_825 = vector.broadcast %eq3A_824 : i32 to vector<16xi32>
      %eq3A_826 = arith.cmpi eq, %iota3A, %eq3A_825 : vector<16xi32>
      %broadcast_in_dim3A_827 = vector.broadcast %reduce_sum3A_819 : f32 to vector<16xf32>
      %select_n3A_828 = arith.select %eq3A_826, %broadcast_in_dim3A_827, %select_n3A_815 : vector<16xi1>, vector<16xf32>
      %eq3A_829 = arith.constant 9 : i32
      %eq3A_830 = vector.broadcast %eq3A_829 : i32 to vector<16xi32>
      %eq3A_831 = arith.cmpi eq, %iota3A, %eq3A_830 : vector<16xi32>
      %broadcast_in_dim3A_832 = vector.broadcast %reduce_sum3A_823 : f32 to vector<16xf32>
      %select_n3A_833 = arith.select %eq3A_831, %broadcast_in_dim3A_832, %select_n3A_828 : vector<16xi1>, vector<16xf32>
      %reduce_sum3A_834 = arith.constant true
      %reduce_sum3A_835 = vector.broadcast %reduce_sum3A_834 : i1 to vector<16xi1>
      %reduce_sum3A_836 = tpu.scan <sum>, %scan3A_794#2 masked %reduce_sum3A_835 : vector<16xf32>, vector<16xi1> -> vector<16xf32>
      %reduce_sum3A_837 = vector.extract %reduce_sum3A_836[15] : f32 from vector<16xf32>
      %reduce_sum3A_838 = arith.constant true
      %reduce_sum3A_839 = vector.broadcast %reduce_sum3A_838 : i1 to vector<16xi1>
      %reduce_sum3A_840 = tpu.scan <sum>, %scan3A_794#10 masked %reduce_sum3A_839 : vector<16xf32>, vector<16xi1> -> vector<16xf32>
      %reduce_sum3A_841 = vector.extract %reduce_sum3A_840[15] : f32 from vector<16xf32>
      %eq3A_842 = arith.constant 2 : i32
      %eq3A_843 = vector.broadcast %eq3A_842 : i32 to vector<16xi32>
      %eq3A_844 = arith.cmpi eq, %iota3A, %eq3A_843 : vector<16xi32>
      %broadcast_in_dim3A_845 = vector.broadcast %reduce_sum3A_837 : f32 to vector<16xf32>
      %select_n3A_846 = arith.select %eq3A_844, %broadcast_in_dim3A_845, %select_n3A_833 : vector<16xi1>, vector<16xf32>
      %eq3A_847 = arith.constant 10 : i32
      %eq3A_848 = vector.broadcast %eq3A_847 : i32 to vector<16xi32>
      %eq3A_849 = arith.cmpi eq, %iota3A, %eq3A_848 : vector<16xi32>
      %broadcast_in_dim3A_850 = vector.broadcast %reduce_sum3A_841 : f32 to vector<16xf32>
      %select_n3A_851 = arith.select %eq3A_849, %broadcast_in_dim3A_850, %select_n3A_846 : vector<16xi1>, vector<16xf32>
      %reduce_sum3A_852 = arith.constant true
      %reduce_sum3A_853 = vector.broadcast %reduce_sum3A_852 : i1 to vector<16xi1>
      %reduce_sum3A_854 = tpu.scan <sum>, %scan3A_794#3 masked %reduce_sum3A_853 : vector<16xf32>, vector<16xi1> -> vector<16xf32>
      %reduce_sum3A_855 = vector.extract %reduce_sum3A_854[15] : f32 from vector<16xf32>
      %reduce_sum3A_856 = arith.constant true
      %reduce_sum3A_857 = vector.broadcast %reduce_sum3A_856 : i1 to vector<16xi1>
      %reduce_sum3A_858 = tpu.scan <sum>, %scan3A_794#11 masked %reduce_sum3A_857 : vector<16xf32>, vector<16xi1> -> vector<16xf32>
      %reduce_sum3A_859 = vector.extract %reduce_sum3A_858[15] : f32 from vector<16xf32>
      %eq3A_860 = arith.constant 3 : i32
      %eq3A_861 = vector.broadcast %eq3A_860 : i32 to vector<16xi32>
      %eq3A_862 = arith.cmpi eq, %iota3A, %eq3A_861 : vector<16xi32>
      %broadcast_in_dim3A_863 = vector.broadcast %reduce_sum3A_855 : f32 to vector<16xf32>
      %select_n3A_864 = arith.select %eq3A_862, %broadcast_in_dim3A_863, %select_n3A_851 : vector<16xi1>, vector<16xf32>
      %eq3A_865 = arith.constant 11 : i32
      %eq3A_866 = vector.broadcast %eq3A_865 : i32 to vector<16xi32>
      %eq3A_867 = arith.cmpi eq, %iota3A, %eq3A_866 : vector<16xi32>
      %broadcast_in_dim3A_868 = vector.broadcast %reduce_sum3A_859 : f32 to vector<16xf32>
      %select_n3A_869 = arith.select %eq3A_867, %broadcast_in_dim3A_868, %select_n3A_864 : vector<16xi1>, vector<16xf32>
      %reduce_sum3A_870 = arith.constant true
      %reduce_sum3A_871 = vector.broadcast %reduce_sum3A_870 : i1 to vector<16xi1>
      %reduce_sum3A_872 = tpu.scan <sum>, %scan3A_794#4 masked %reduce_sum3A_871 : vector<16xf32>, vector<16xi1> -> vector<16xf32>
      %reduce_sum3A_873 = vector.extract %reduce_sum3A_872[15] : f32 from vector<16xf32>
      %reduce_sum3A_874 = arith.constant true
      %reduce_sum3A_875 = vector.broadcast %reduce_sum3A_874 : i1 to vector<16xi1>
      %reduce_sum3A_876 = tpu.scan <sum>, %scan3A_794#12 masked %reduce_sum3A_875 : vector<16xf32>, vector<16xi1> -> vector<16xf32>
      %reduce_sum3A_877 = vector.extract %reduce_sum3A_876[15] : f32 from vector<16xf32>
      %eq3A_878 = arith.constant 4 : i32
      %eq3A_879 = vector.broadcast %eq3A_878 : i32 to vector<16xi32>
      %eq3A_880 = arith.cmpi eq, %iota3A, %eq3A_879 : vector<16xi32>
      %broadcast_in_dim3A_881 = vector.broadcast %reduce_sum3A_873 : f32 to vector<16xf32>
      %select_n3A_882 = arith.select %eq3A_880, %broadcast_in_dim3A_881, %select_n3A_869 : vector<16xi1>, vector<16xf32>
      %eq3A_883 = arith.constant 12 : i32
      %eq3A_884 = vector.broadcast %eq3A_883 : i32 to vector<16xi32>
      %eq3A_885 = arith.cmpi eq, %iota3A, %eq3A_884 : vector<16xi32>
      %broadcast_in_dim3A_886 = vector.broadcast %reduce_sum3A_877 : f32 to vector<16xf32>
      %select_n3A_887 = arith.select %eq3A_885, %broadcast_in_dim3A_886, %select_n3A_882 : vector<16xi1>, vector<16xf32>
      %reduce_sum3A_888 = arith.constant true
      %reduce_sum3A_889 = vector.broadcast %reduce_sum3A_888 : i1 to vector<16xi1>
      %reduce_sum3A_890 = tpu.scan <sum>, %scan3A_794#5 masked %reduce_sum3A_889 : vector<16xf32>, vector<16xi1> -> vector<16xf32>
      %reduce_sum3A_891 = vector.extract %reduce_sum3A_890[15] : f32 from vector<16xf32>
      %reduce_sum3A_892 = arith.constant true
      %reduce_sum3A_893 = vector.broadcast %reduce_sum3A_892 : i1 to vector<16xi1>
      %reduce_sum3A_894 = tpu.scan <sum>, %scan3A_794#13 masked %reduce_sum3A_893 : vector<16xf32>, vector<16xi1> -> vector<16xf32>
      %reduce_sum3A_895 = vector.extract %reduce_sum3A_894[15] : f32 from vector<16xf32>
      %eq3A_896 = arith.constant 5 : i32
      %eq3A_897 = vector.broadcast %eq3A_896 : i32 to vector<16xi32>
      %eq3A_898 = arith.cmpi eq, %iota3A, %eq3A_897 : vector<16xi32>
      %broadcast_in_dim3A_899 = vector.broadcast %reduce_sum3A_891 : f32 to vector<16xf32>
      %select_n3A_900 = arith.select %eq3A_898, %broadcast_in_dim3A_899, %select_n3A_887 : vector<16xi1>, vector<16xf32>
      %eq3A_901 = arith.constant 13 : i32
      %eq3A_902 = vector.broadcast %eq3A_901 : i32 to vector<16xi32>
      %eq3A_903 = arith.cmpi eq, %iota3A, %eq3A_902 : vector<16xi32>
      %broadcast_in_dim3A_904 = vector.broadcast %reduce_sum3A_895 : f32 to vector<16xf32>
      %select_n3A_905 = arith.select %eq3A_903, %broadcast_in_dim3A_904, %select_n3A_900 : vector<16xi1>, vector<16xf32>
      %reduce_sum3A_906 = arith.constant true
      %reduce_sum3A_907 = vector.broadcast %reduce_sum3A_906 : i1 to vector<16xi1>
      %reduce_sum3A_908 = tpu.scan <sum>, %scan3A_794#6 masked %reduce_sum3A_907 : vector<16xf32>, vector<16xi1> -> vector<16xf32>
      %reduce_sum3A_909 = vector.extract %reduce_sum3A_908[15] : f32 from vector<16xf32>
      %reduce_sum3A_910 = arith.constant true
      %reduce_sum3A_911 = vector.broadcast %reduce_sum3A_910 : i1 to vector<16xi1>
      %reduce_sum3A_912 = tpu.scan <sum>, %scan3A_794#14 masked %reduce_sum3A_911 : vector<16xf32>, vector<16xi1> -> vector<16xf32>
      %reduce_sum3A_913 = vector.extract %reduce_sum3A_912[15] : f32 from vector<16xf32>
      %eq3A_914 = arith.constant 6 : i32
      %eq3A_915 = vector.broadcast %eq3A_914 : i32 to vector<16xi32>
      %eq3A_916 = arith.cmpi eq, %iota3A, %eq3A_915 : vector<16xi32>
      %broadcast_in_dim3A_917 = vector.broadcast %reduce_sum3A_909 : f32 to vector<16xf32>
      %select_n3A_918 = arith.select %eq3A_916, %broadcast_in_dim3A_917, %select_n3A_905 : vector<16xi1>, vector<16xf32>
      %eq3A_919 = arith.constant 14 : i32
      %eq3A_920 = vector.broadcast %eq3A_919 : i32 to vector<16xi32>
      %eq3A_921 = arith.cmpi eq, %iota3A, %eq3A_920 : vector<16xi32>
      %broadcast_in_dim3A_922 = vector.broadcast %reduce_sum3A_913 : f32 to vector<16xf32>
      %select_n3A_923 = arith.select %eq3A_921, %broadcast_in_dim3A_922, %select_n3A_918 : vector<16xi1>, vector<16xf32>
      %reduce_sum3A_924 = arith.constant true
      %reduce_sum3A_925 = vector.broadcast %reduce_sum3A_924 : i1 to vector<16xi1>
      %reduce_sum3A_926 = tpu.scan <sum>, %scan3A_794#7 masked %reduce_sum3A_925 : vector<16xf32>, vector<16xi1> -> vector<16xf32>
      %reduce_sum3A_927 = vector.extract %reduce_sum3A_926[15] : f32 from vector<16xf32>
      %reduce_sum3A_928 = arith.constant true
      %reduce_sum3A_929 = vector.broadcast %reduce_sum3A_928 : i1 to vector<16xi1>
      %reduce_sum3A_930 = tpu.scan <sum>, %scan3A_794#15 masked %reduce_sum3A_929 : vector<16xf32>, vector<16xi1> -> vector<16xf32>
      %reduce_sum3A_931 = vector.extract %reduce_sum3A_930[15] : f32 from vector<16xf32>
      %eq3A_932 = arith.constant 7 : i32
      %eq3A_933 = vector.broadcast %eq3A_932 : i32 to vector<16xi32>
      %eq3A_934 = arith.cmpi eq, %iota3A, %eq3A_933 : vector<16xi32>
      %broadcast_in_dim3A_935 = vector.broadcast %reduce_sum3A_927 : f32 to vector<16xf32>
      %select_n3A_936 = arith.select %eq3A_934, %broadcast_in_dim3A_935, %select_n3A_923 : vector<16xi1>, vector<16xf32>
      %eq3A_937 = arith.constant 15 : i32
      %eq3A_938 = vector.broadcast %eq3A_937 : i32 to vector<16xi32>
      %eq3A_939 = arith.cmpi eq, %iota3A, %eq3A_938 : vector<16xi32>
      %broadcast_in_dim3A_940 = vector.broadcast %reduce_sum3A_931 : f32 to vector<16xf32>
      %select_n3A_941 = arith.select %eq3A_939, %broadcast_in_dim3A_940, %select_n3A_936 : vector<16xi1>, vector<16xf32>
      %mul3A_942 = arith.constant 16 : i32
      %mul3A_943 = arith.muli %add3A_36, %mul3A_942 : i32
      %add3A_944 = arith.constant 8 : i32
      %add3A_945 = arith.addi %mul3A_943, %add3A_944 : i32
      %add3A_946 = arith.constant 0 : i32
      %add3A_947 = arith.addi %add3A_945, %add3A_946 : i32
      %jit3A_948 = arith.constant 2 : i32
      %div3A_949 = arith.divsi %add3A_947, %jit3A_948 : i32
      %sign3A_950 = arith.constant 0 : i32
      %sign3A_951 = arith.cmpi sgt, %add3A_947, %sign3A_950 : i32
      %sign3A_952 = arith.extui %sign3A_951 : i1 to i32
      %sign3A_953 = arith.constant 0 : i32
      %sign3A_954 = arith.cmpi slt, %add3A_947, %sign3A_953 : i32
      %sign3A_955 = arith.extui %sign3A_954 : i1 to i32
      %sign3A_956 = arith.subi %sign3A_952, %sign3A_955 : i32
      %sign3A_957 = arith.constant 0 : i32
      %sign3A_958 = arith.cmpi sgt, %jit3A_948, %sign3A_957 : i32
      %sign3A_959 = arith.extui %sign3A_958 : i1 to i32
      %sign3A_960 = arith.constant 0 : i32
      %sign3A_961 = arith.cmpi slt, %jit3A_948, %sign3A_960 : i32
      %sign3A_962 = arith.extui %sign3A_961 : i1 to i32
      %sign3A_963 = arith.subi %sign3A_959, %sign3A_962 : i32
      %ne3A_964 = arith.cmpi ne, %sign3A_956, %sign3A_963 : i32
      %rem3A_965 = arith.remsi %add3A_947, %jit3A_948 : i32
      %ne3A_966 = arith.constant 0 : i32
      %ne3A_967 = arith.cmpi ne, %rem3A_965, %ne3A_966 : i32
      %and3A_968 = arith.andi %ne3A_964, %ne3A_967 : i1
      %sub3A_969 = arith.constant 1 : i32
      %sub3A_970 = arith.subi %div3A_949, %sub3A_969 : i32
      %select_n3A_971 = arith.select %and3A_968, %sub3A_970, %div3A_949 : i32
      %swap3A_972 = arith.index_cast %select_n3A_971 : i32 to index
      %swap3A_973 = arith.constant 0 : index
      %swap3A_974 = tpu.vector_load %arg7[%swap3A_972, %swap3A_973] {strides = array<i32>} : memref<80x16xf32, #tpu.memory_space<vmem>>, vector<16xf32>,
      tpu.vector_store %arg7[%swap3A_972, %swap3A_973], %select_n3A_941 {strides = array<i32>} : memref<80x16xf32, #tpu.memory_space<vmem>>, vector<16xf32>,
      %broadcast_in_dim3A_975 = arith.constant 0.000000e+00 : f32
      %broadcast_in_dim3A_976 = vector.broadcast %broadcast_in_dim3A_975 : f32 to vector<16xf32>
      %reduce_sum3A_977 = arith.constant true
      %reduce_sum3A_978 = vector.broadcast %reduce_sum3A_977 : i1 to vector<16xi1>
      %reduce_sum3A_979 = tpu.scan <sum>, %scan3A_794#16 masked %reduce_sum3A_978 : vector<16xf32>, vector<16xi1> -> vector<16xf32>
      %reduce_sum3A_980 = vector.extract %reduce_sum3A_979[15] : f32 from vector<16xf32>
      %reduce_sum3A_981 = arith.constant true
      %reduce_sum3A_982 = vector.broadcast %reduce_sum3A_981 : i1 to vector<16xi1>
      %reduce_sum3A_983 = tpu.scan <sum>, %scan3A_794#24 masked %reduce_sum3A_982 : vector<16xf32>, vector<16xi1> -> vector<16xf32>
      %reduce_sum3A_984 = vector.extract %reduce_sum3A_983[15] : f32 from vector<16xf32>
      %eq3A_985 = arith.constant 0 : i32
      %eq3A_986 = vector.broadcast %eq3A_985 : i32 to vector<16xi32>
      %eq3A_987 = arith.cmpi eq, %iota3A, %eq3A_986 : vector<16xi32>
      %broadcast_in_dim3A_988 = vector.broadcast %reduce_sum3A_980 : f32 to vector<16xf32>
      %select_n3A_989 = arith.select %eq3A_987, %broadcast_in_dim3A_988, %broadcast_in_dim3A_976 : vector<16xi1>, vector<16xf32>
      %eq3A_990 = arith.constant 8 : i32
      %eq3A_991 = vector.broadcast %eq3A_990 : i32 to vector<16xi32>
      %eq3A_992 = arith.cmpi eq, %iota3A, %eq3A_991 : vector<16xi32>
      %broadcast_in_dim3A_993 = vector.broadcast %reduce_sum3A_984 : f32 to vector<16xf32>
      %select_n3A_994 = arith.select %eq3A_992, %broadcast_in_dim3A_993, %select_n3A_989 : vector<16xi1>, vector<16xf32>
      %reduce_sum3A_995 = arith.constant true
      %reduce_sum3A_996 = vector.broadcast %reduce_sum3A_995 : i1 to vector<16xi1>
      %reduce_sum3A_997 = tpu.scan <sum>, %scan3A_794#17 masked %reduce_sum3A_996 : vector<16xf32>, vector<16xi1> -> vector<16xf32>
      %reduce_sum3A_998 = vector.extract %reduce_sum3A_997[15] : f32 from vector<16xf32>
      %reduce_sum3A_999 = arith.constant true
      %reduce_sum3A_1000 = vector.broadcast %reduce_sum3A_999 : i1 to vector<16xi1>
      %reduce_sum3A_1001 = tpu.scan <sum>, %scan3A_794#25 masked %reduce_sum3A_1000 : vector<16xf32>, vector<16xi1> -> vector<16xf32>
      %reduce_sum3A_1002 = vector.extract %reduce_sum3A_1001[15] : f32 from vector<16xf32>
      %eq3A_1003 = arith.constant 1 : i32
      %eq3A_1004 = vector.broadcast %eq3A_1003 : i32 to vector<16xi32>
      %eq3A_1005 = arith.cmpi eq, %iota3A, %eq3A_1004 : vector<16xi32>
      %broadcast_in_dim3A_1006 = vector.broadcast %reduce_sum3A_998 : f32 to vector<16xf32>
      %select_n3A_1007 = arith.select %eq3A_1005, %broadcast_in_dim3A_1006, %select_n3A_994 : vector<16xi1>, vector<16xf32>
      %eq3A_1008 = arith.constant 9 : i32
      %eq3A_1009 = vector.broadcast %eq3A_1008 : i32 to vector<16xi32>
      %eq3A_1010 = arith.cmpi eq, %iota3A, %eq3A_1009 : vector<16xi32>
      %broadcast_in_dim3A_1011 = vector.broadcast %reduce_sum3A_1002 : f32 to vector<16xf32>
      %select_n3A_1012 = arith.select %eq3A_1010, %broadcast_in_dim3A_1011, %select_n3A_1007 : vector<16xi1>, vector<16xf32>
      %reduce_sum3A_1013 = arith.constant true
      %reduce_sum3A_1014 = vector.broadcast %reduce_sum3A_1013 : i1 to vector<16xi1>
      %reduce_sum3A_1015 = tpu.scan <sum>, %scan3A_794#18 masked %reduce_sum3A_1014 : vector<16xf32>, vector<16xi1> -> vector<16xf32>
      %reduce_sum3A_1016 = vector.extract %reduce_sum3A_1015[15] : f32 from vector<16xf32>
      %reduce_sum3A_1017 = arith.constant true
      %reduce_sum3A_1018 = vector.broadcast %reduce_sum3A_1017 : i1 to vector<16xi1>
      %reduce_sum3A_1019 = tpu.scan <sum>, %scan3A_794#26 masked %reduce_sum3A_1018 : vector<16xf32>, vector<16xi1> -> vector<16xf32>
      %reduce_sum3A_1020 = vector.extract %reduce_sum3A_1019[15] : f32 from vector<16xf32>
      %eq3A_1021 = arith.constant 2 : i32
      %eq3A_1022 = vector.broadcast %eq3A_1021 : i32 to vector<16xi32>
      %eq3A_1023 = arith.cmpi eq, %iota3A, %eq3A_1022 : vector<16xi32>
      %broadcast_in_dim3A_1024 = vector.broadcast %reduce_sum3A_1016 : f32 to vector<16xf32>
      %select_n3A_1025 = arith.select %eq3A_1023, %broadcast_in_dim3A_1024, %select_n3A_1012 : vector<16xi1>, vector<16xf32>
      %eq3A_1026 = arith.constant 10 : i32
      %eq3A_1027 = vector.broadcast %eq3A_1026 : i32 to vector<16xi32>
      %eq3A_1028 = arith.cmpi eq, %iota3A, %eq3A_1027 : vector<16xi32>
      %broadcast_in_dim3A_1029 = vector.broadcast %reduce_sum3A_1020 : f32 to vector<16xf32>
      %select_n3A_1030 = arith.select %eq3A_1028, %broadcast_in_dim3A_1029, %select_n3A_1025 : vector<16xi1>, vector<16xf32>
      %reduce_sum3A_1031 = arith.constant true
      %reduce_sum3A_1032 = vector.broadcast %reduce_sum3A_1031 : i1 to vector<16xi1>
      %reduce_sum3A_1033 = tpu.scan <sum>, %scan3A_794#19 masked %reduce_sum3A_1032 : vector<16xf32>, vector<16xi1> -> vector<16xf32>
      %reduce_sum3A_1034 = vector.extract %reduce_sum3A_1033[15] : f32 from vector<16xf32>
      %reduce_sum3A_1035 = arith.constant true
      %reduce_sum3A_1036 = vector.broadcast %reduce_sum3A_1035 : i1 to vector<16xi1>
      %reduce_sum3A_1037 = tpu.scan <sum>, %scan3A_794#27 masked %reduce_sum3A_1036 : vector<16xf32>, vector<16xi1> -> vector<16xf32>
      %reduce_sum3A_1038 = vector.extract %reduce_sum3A_1037[15] : f32 from vector<16xf32>
      %eq3A_1039 = arith.constant 3 : i32
      %eq3A_1040 = vector.broadcast %eq3A_1039 : i32 to vector<16xi32>
      %eq3A_1041 = arith.cmpi eq, %iota3A, %eq3A_1040 : vector<16xi32>
      %broadcast_in_dim3A_1042 = vector.broadcast %reduce_sum3A_1034 : f32 to vector<16xf32>
      %select_n3A_1043 = arith.select %eq3A_1041, %broadcast_in_dim3A_1042, %select_n3A_1030 : vector<16xi1>, vector<16xf32>
      %eq3A_1044 = arith.constant 11 : i32
      %eq3A_1045 = vector.broadcast %eq3A_1044 : i32 to vector<16xi32>
      %eq3A_1046 = arith.cmpi eq, %iota3A, %eq3A_1045 : vector<16xi32>
      %broadcast_in_dim3A_1047 = vector.broadcast %reduce_sum3A_1038 : f32 to vector<16xf32>
      %select_n3A_1048 = arith.select %eq3A_1046, %broadcast_in_dim3A_1047, %select_n3A_1043 : vector<16xi1>, vector<16xf32>
      %reduce_sum3A_1049 = arith.constant true
      %reduce_sum3A_1050 = vector.broadcast %reduce_sum3A_1049 : i1 to vector<16xi1>
      %reduce_sum3A_1051 = tpu.scan <sum>, %scan3A_794#20 masked %reduce_sum3A_1050 : vector<16xf32>, vector<16xi1> -> vector<16xf32>
      %reduce_sum3A_1052 = vector.extract %reduce_sum3A_1051[15] : f32 from vector<16xf32>
      %reduce_sum3A_1053 = arith.constant true
      %reduce_sum3A_1054 = vector.broadcast %reduce_sum3A_1053 : i1 to vector<16xi1>
      %reduce_sum3A_1055 = tpu.scan <sum>, %scan3A_794#28 masked %reduce_sum3A_1054 : vector<16xf32>, vector<16xi1> -> vector<16xf32>
      %reduce_sum3A_1056 = vector.extract %reduce_sum3A_1055[15] : f32 from vector<16xf32>
      %eq3A_1057 = arith.constant 4 : i32
      %eq3A_1058 = vector.broadcast %eq3A_1057 : i32 to vector<16xi32>
      %eq3A_1059 = arith.cmpi eq, %iota3A, %eq3A_1058 : vector<16xi32>
      %broadcast_in_dim3A_1060 = vector.broadcast %reduce_sum3A_1052 : f32 to vector<16xf32>
      %select_n3A_1061 = arith.select %eq3A_1059, %broadcast_in_dim3A_1060, %select_n3A_1048 : vector<16xi1>, vector<16xf32>
      %eq3A_1062 = arith.constant 12 : i32
      %eq3A_1063 = vector.broadcast %eq3A_1062 : i32 to vector<16xi32>
      %eq3A_1064 = arith.cmpi eq, %iota3A, %eq3A_1063 : vector<16xi32>
      %broadcast_in_dim3A_1065 = vector.broadcast %reduce_sum3A_1056 : f32 to vector<16xf32>
      %select_n3A_1066 = arith.select %eq3A_1064, %broadcast_in_dim3A_1065, %select_n3A_1061 : vector<16xi1>, vector<16xf32>
      %reduce_sum3A_1067 = arith.constant true
      %reduce_sum3A_1068 = vector.broadcast %reduce_sum3A_1067 : i1 to vector<16xi1>
      %reduce_sum3A_1069 = tpu.scan <sum>, %scan3A_794#21 masked %reduce_sum3A_1068 : vector<16xf32>, vector<16xi1> -> vector<16xf32>
      %reduce_sum3A_1070 = vector.extract %reduce_sum3A_1069[15] : f32 from vector<16xf32>
      %reduce_sum3A_1071 = arith.constant true
      %reduce_sum3A_1072 = vector.broadcast %reduce_sum3A_1071 : i1 to vector<16xi1>
      %reduce_sum3A_1073 = tpu.scan <sum>, %scan3A_794#29 masked %reduce_sum3A_1072 : vector<16xf32>, vector<16xi1> -> vector<16xf32>
      %reduce_sum3A_1074 = vector.extract %reduce_sum3A_1073[15] : f32 from vector<16xf32>
      %eq3A_1075 = arith.constant 5 : i32
      %eq3A_1076 = vector.broadcast %eq3A_1075 : i32 to vector<16xi32>
      %eq3A_1077 = arith.cmpi eq, %iota3A, %eq3A_1076 : vector<16xi32>
      %broadcast_in_dim3A_1078 = vector.broadcast %reduce_sum3A_1070 : f32 to vector<16xf32>
      %select_n3A_1079 = arith.select %eq3A_1077, %broadcast_in_dim3A_1078, %select_n3A_1066 : vector<16xi1>, vector<16xf32>
      %eq3A_1080 = arith.constant 13 : i32
      %eq3A_1081 = vector.broadcast %eq3A_1080 : i32 to vector<16xi32>
      %eq3A_1082 = arith.cmpi eq, %iota3A, %eq3A_1081 : vector<16xi32>
      %broadcast_in_dim3A_1083 = vector.broadcast %reduce_sum3A_1074 : f32 to vector<16xf32>
      %select_n3A_1084 = arith.select %eq3A_1082, %broadcast_in_dim3A_1083, %select_n3A_1079 : vector<16xi1>, vector<16xf32>
      %reduce_sum3A_1085 = arith.constant true
      %reduce_sum3A_1086 = vector.broadcast %reduce_sum3A_1085 : i1 to vector<16xi1>
      %reduce_sum3A_1087 = tpu.scan <sum>, %scan3A_794#22 masked %reduce_sum3A_1086 : vector<16xf32>, vector<16xi1> -> vector<16xf32>
      %reduce_sum3A_1088 = vector.extract %reduce_sum3A_1087[15] : f32 from vector<16xf32>
      %reduce_sum3A_1089 = arith.constant true
      %reduce_sum3A_1090 = vector.broadcast %reduce_sum3A_1089 : i1 to vector<16xi1>
      %reduce_sum3A_1091 = tpu.scan <sum>, %scan3A_794#30 masked %reduce_sum3A_1090 : vector<16xf32>, vector<16xi1> -> vector<16xf32>
      %reduce_sum3A_1092 = vector.extract %reduce_sum3A_1091[15] : f32 from vector<16xf32>
      %eq3A_1093 = arith.constant 6 : i32
      %eq3A_1094 = vector.broadcast %eq3A_1093 : i32 to vector<16xi32>
      %eq3A_1095 = arith.cmpi eq, %iota3A, %eq3A_1094 : vector<16xi32>
      %broadcast_in_dim3A_1096 = vector.broadcast %reduce_sum3A_1088 : f32 to vector<16xf32>
      %select_n3A_1097 = arith.select %eq3A_1095, %broadcast_in_dim3A_1096, %select_n3A_1084 : vector<16xi1>, vector<16xf32>
      %eq3A_1098 = arith.constant 14 : i32
      %eq3A_1099 = vector.broadcast %eq3A_1098 : i32 to vector<16xi32>
      %eq3A_1100 = arith.cmpi eq, %iota3A, %eq3A_1099 : vector<16xi32>
      %broadcast_in_dim3A_1101 = vector.broadcast %reduce_sum3A_1092 : f32 to vector<16xf32>
      %select_n3A_1102 = arith.select %eq3A_1100, %broadcast_in_dim3A_1101, %select_n3A_1097 : vector<16xi1>, vector<16xf32>
      %reduce_sum3A_1103 = arith.constant true
      %reduce_sum3A_1104 = vector.broadcast %reduce_sum3A_1103 : i1 to vector<16xi1>
      %reduce_sum3A_1105 = tpu.scan <sum>, %scan3A_794#23 masked %reduce_sum3A_1104 : vector<16xf32>, vector<16xi1> -> vector<16xf32>
      %reduce_sum3A_1106 = vector.extract %reduce_sum3A_1105[15] : f32 from vector<16xf32>
      %reduce_sum3A_1107 = arith.constant true
      %reduce_sum3A_1108 = vector.broadcast %reduce_sum3A_1107 : i1 to vector<16xi1>
      %reduce_sum3A_1109 = tpu.scan <sum>, %scan3A_794#31 masked %reduce_sum3A_1108 : vector<16xf32>, vector<16xi1> -> vector<16xf32>
      %reduce_sum3A_1110 = vector.extract %reduce_sum3A_1109[15] : f32 from vector<16xf32>
      %eq3A_1111 = arith.constant 7 : i32
      %eq3A_1112 = vector.broadcast %eq3A_1111 : i32 to vector<16xi32>
      %eq3A_1113 = arith.cmpi eq, %iota3A, %eq3A_1112 : vector<16xi32>
      %broadcast_in_dim3A_1114 = vector.broadcast %reduce_sum3A_1106 : f32 to vector<16xf32>
      %select_n3A_1115 = arith.select %eq3A_1113, %broadcast_in_dim3A_1114, %select_n3A_1102 : vector<16xi1>, vector<16xf32>
      %eq3A_1116 = arith.constant 15 : i32
      %eq3A_1117 = vector.broadcast %eq3A_1116 : i32 to vector<16xi32>
      %eq3A_1118 = arith.cmpi eq, %iota3A, %eq3A_1117 : vector<16xi32>
      %broadcast_in_dim3A_1119 = vector.broadcast %reduce_sum3A_1110 : f32 to vector<16xf32>
      %select_n3A_1120 = arith.select %eq3A_1118, %broadcast_in_dim3A_1119, %select_n3A_1115 : vector<16xi1>, vector<16xf32>
      %mul3A_1121 = arith.constant 16 : i32
      %mul3A_1122 = arith.muli %add3A_36, %mul3A_1121 : i32
      %add3A_1123 = arith.constant 8 : i32
      %add3A_1124 = arith.addi %mul3A_1122, %add3A_1123 : i32
      %add3A_1125 = arith.constant 2 : i32
      %add3A_1126 = arith.addi %add3A_1124, %add3A_1125 : i32
      %jit3A_1127 = arith.constant 2 : i32
      %div3A_1128 = arith.divsi %add3A_1126, %jit3A_1127 : i32
      %sign3A_1129 = arith.constant 0 : i32
      %sign3A_1130 = arith.cmpi sgt, %add3A_1126, %sign3A_1129 : i32
      %sign3A_1131 = arith.extui %sign3A_1130 : i1 to i32
      %sign3A_1132 = arith.constant 0 : i32
      %sign3A_1133 = arith.cmpi slt, %add3A_1126, %sign3A_1132 : i32
      %sign3A_1134 = arith.extui %sign3A_1133 : i1 to i32
      %sign3A_1135 = arith.subi %sign3A_1131, %sign3A_1134 : i32
      %sign3A_1136 = arith.constant 0 : i32
      %sign3A_1137 = arith.cmpi sgt, %jit3A_1127, %sign3A_1136 : i32
      %sign3A_1138 = arith.extui %sign3A_1137 : i1 to i32
      %sign3A_1139 = arith.constant 0 : i32
      %sign3A_1140 = arith.cmpi slt, %jit3A_1127, %sign3A_1139 : i32
      %sign3A_1141 = arith.extui %sign3A_1140 : i1 to i32
      %sign3A_1142 = arith.subi %sign3A_1138, %sign3A_1141 : i32
      %ne3A_1143 = arith.cmpi ne, %sign3A_1135, %sign3A_1142 : i32
      %rem3A_1144 = arith.remsi %add3A_1126, %jit3A_1127 : i32
      %ne3A_1145 = arith.constant 0 : i32
      %ne3A_1146 = arith.cmpi ne, %rem3A_1144, %ne3A_1145 : i32
      %and3A_1147 = arith.andi %ne3A_1143, %ne3A_1146 : i1
      %sub3A_1148 = arith.constant 1 : i32
      %sub3A_1149 = arith.subi %div3A_1128, %sub3A_1148 : i32
      %select_n3A_1150 = arith.select %and3A_1147, %sub3A_1149, %div3A_1128 : i32
      %swap3A_1151 = arith.index_cast %select_n3A_1150 : i32 to index
      %swap3A_1152 = arith.constant 0 : index
      %swap3A_1153 = tpu.vector_load %arg7[%swap3A_1151, %swap3A_1152] {strides = array<i32>} : memref<80x16xf32, #tpu.memory_space<vmem>>, vector<16xf32>,
      tpu.vector_store %arg7[%swap3A_1151, %swap3A_1152], %select_n3A_1120 {strides = array<i32>} : memref<80x16xf32, #tpu.memory_space<vmem>>, vector<16xf32>,
      %broadcast_in_dim3A_1154 = arith.constant 0.000000e+00 : f32
      %broadcast_in_dim3A_1155 = vector.broadcast %broadcast_in_dim3A_1154 : f32 to vector<16xf32>
      %scan3A_1156 = arith.constant 0 : i32
      %scan3A_1157 = arith.constant 128 : i32
      %scan3A_1158 = arith.addi %scan3A_1156, %scan3A_1157 : i32
      %scan3A_1159 = arith.constant 1 : i32
      %scan3A_1160:32 = scf.for %scan3A_3003 = %scan3A_1156 to %scan3A_1158 step %scan3A_1159 iter_args(%scan3A_3004 = %broadcast_in_dim3A_1155, %scan3A_3005 = %broadcast_in_dim3A_1155, %scan3A_3006 = %broadcast_in_dim3A_1155, %scan3A_3007 = %broadcast_in_dim3A_1155, %scan3A_3008 = %broadcast_in_dim3A_1155, %scan3A_3009 = %broadcast_in_dim3A_1155, %scan3A_3010 = %broadcast_in_dim3A_1155, %scan3A_3011 = %broadcast_in_dim3A_1155, %scan3A_3012 = %broadcast_in_dim3A_1155, %scan3A_3013 = %broadcast_in_dim3A_1155, %scan3A_3014 = %broadcast_in_dim3A_1155, %scan3A_3015 = %broadcast_in_dim3A_1155, %scan3A_3016 = %broadcast_in_dim3A_1155, %scan3A_3017 = %broadcast_in_dim3A_1155, %scan3A_3018 = %broadcast_in_dim3A_1155, %scan3A_3019 = %broadcast_in_dim3A_1155, %scan3A_3020 = %broadcast_in_dim3A_1155, %scan3A_3021 = %broadcast_in_dim3A_1155, %scan3A_3022 = %broadcast_in_dim3A_1155, %scan3A_3023 = %broadcast_in_dim3A_1155, %scan3A_3024 = %broadcast_in_dim3A_1155, %scan3A_3025 = %broadcast_in_dim3A_1155, %scan3A_3026 = %broadcast_in_dim3A_1155, %scan3A_3027 = %broadcast_in_dim3A_1155, %scan3A_3028 = %broadcast_in_dim3A_1155, %scan3A_3029 = %broadcast_in_dim3A_1155, %scan3A_3030 = %broadcast_in_dim3A_1155, %scan3A_3031 = %broadcast_in_dim3A_1155, %scan3A_3032 = %broadcast_in_dim3A_1155, %scan3A_3033 = %broadcast_in_dim3A_1155, %scan3A_3034 = %broadcast_in_dim3A_1155, %scan3A_3035 = %broadcast_in_dim3A_1155) -> (vector<16xf32>, vector<16xf32>, vector<16xf32>, vector<16xf32>, vector<16xf32>, vector<16xf32>, vector<16xf32>, vector<16xf32>, vector<16xf32>, vector<16xf32>, vector<16xf32>, vector<16xf32>, vector<16xf32>, vector<16xf32>, vector<16xf32>, vector<16xf32>, vector<16xf32>, vector<16xf32>, vector<16xf32>, vector<16xf32>, vector<16xf32>, vector<16xf32>, vector<16xf32>, vector<16xf32>, vector<16xf32>, vector<16xf32>, vector<16xf32>, vector<16xf32>, vector<16xf32>, vector<16xf32>, vector<16xf32>, vector<16xf32>)  : i32 {
        %mul3A_3036 = arith.constant 16 : i32
        %mul3A_3037 = arith.muli %scan3A_3003, %mul3A_3036 : i32
        %get3A = arith.constant 0 : i32
        %get3A_3038 = arith.index_cast %get3A : i32 to index
        %get3A_3039 = arith.index_cast %mul3A_3037 : i32 to index
        %get3A_3040 = tpu.vector_load %arg5[%get3A_3038, %get3A_3039] {strides = array<i32>} : memref<8x2048xf32, #tpu.memory_space<vmem>>, vector<16xf32>,
        %get3A_3041 = arith.constant 1 : i32
        %get3A_3042 = arith.index_cast %get3A_3041 : i32 to index
        %get3A_3043 = arith.index_cast %mul3A_3037 : i32 to index
        %get3A_3044 = tpu.vector_load %arg5[%get3A_3042, %get3A_3043] {strides = array<i32>} : memref<8x2048xf32, #tpu.memory_space<vmem>>, vector<16xf32>,
        %get3A_3045 = arith.constant 2 : i32
        %get3A_3046 = arith.index_cast %get3A_3045 : i32 to index
        %get3A_3047 = arith.index_cast %mul3A_3037 : i32 to index
        %get3A_3048 = tpu.vector_load %arg5[%get3A_3046, %get3A_3047] {strides = array<i32>} : memref<8x2048xf32, #tpu.memory_space<vmem>>, vector<16xf32>,
        %get3A_3049 = arith.constant 3 : i32
        %get3A_3050 = arith.index_cast %get3A_3049 : i32 to index
        %get3A_3051 = arith.index_cast %mul3A_3037 : i32 to index
        %get3A_3052 = tpu.vector_load %arg5[%get3A_3050, %get3A_3051] {strides = array<i32>} : memref<8x2048xf32, #tpu.memory_space<vmem>>, vector<16xf32>,
        %get3A_3053 = arith.constant 4 : i32
        %get3A_3054 = arith.index_cast %get3A_3053 : i32 to index
        %get3A_3055 = arith.index_cast %mul3A_3037 : i32 to index
        %get3A_3056 = tpu.vector_load %arg5[%get3A_3054, %get3A_3055] {strides = array<i32>} : memref<8x2048xf32, #tpu.memory_space<vmem>>, vector<16xf32>,
        %get3A_3057 = arith.constant 5 : i32
        %get3A_3058 = arith.index_cast %get3A_3057 : i32 to index
        %get3A_3059 = arith.index_cast %mul3A_3037 : i32 to index
        %get3A_3060 = tpu.vector_load %arg5[%get3A_3058, %get3A_3059] {strides = array<i32>} : memref<8x2048xf32, #tpu.memory_space<vmem>>, vector<16xf32>,
        %get3A_3061 = arith.constant 6 : i32
        %get3A_3062 = arith.index_cast %get3A_3061 : i32 to index
        %get3A_3063 = arith.index_cast %mul3A_3037 : i32 to index
        %get3A_3064 = tpu.vector_load %arg5[%get3A_3062, %get3A_3063] {strides = array<i32>} : memref<8x2048xf32, #tpu.memory_space<vmem>>, vector<16xf32>,
        %get3A_3065 = arith.constant 7 : i32
        %get3A_3066 = arith.index_cast %get3A_3065 : i32 to index
        %get3A_3067 = arith.index_cast %mul3A_3037 : i32 to index
        %get3A_3068 = tpu.vector_load %arg5[%get3A_3066, %get3A_3067] {strides = array<i32>} : memref<8x2048xf32, #tpu.memory_space<vmem>>, vector<16xf32>,
        %get3A_3069 = arith.constant 0 : i32
        %get3A_3070 = arith.constant 12 : i32
        %get3A_3071 = arith.index_cast %get3A_3069 : i32 to index
        %get3A_3072 = arith.index_cast %get3A_3070 : i32 to index
        %get3A_3073 = arith.index_cast %mul3A_3037 : i32 to index
        %get3A_3074 = tpu.vector_load %arg6[%get3A_3071, %get3A_3072, %get3A_3073] {strides = array<i32>} : memref<2x16x2048xf32, #tpu.memory_space<vmem>>, vector<16xf32>,
        %mul3A_3075 = arith.mulf %get3A_3074, %get3A_3040 : vector<16xf32>
        %add3A_3076 = arith.addf %scan3A_3004, %mul3A_3075 : vector<16xf32>
        %mul3A_3077 = arith.mulf %get3A_3074, %get3A_3044 : vector<16xf32>
        %add3A_3078 = arith.addf %scan3A_3005, %mul3A_3077 : vector<16xf32>
        %mul3A_3079 = arith.mulf %get3A_3074, %get3A_3048 : vector<16xf32>
        %add3A_3080 = arith.addf %scan3A_3006, %mul3A_3079 : vector<16xf32>
        %mul3A_3081 = arith.mulf %get3A_3074, %get3A_3052 : vector<16xf32>
        %add3A_3082 = arith.addf %scan3A_3007, %mul3A_3081 : vector<16xf32>
        %mul3A_3083 = arith.mulf %get3A_3074, %get3A_3056 : vector<16xf32>
        %add3A_3084 = arith.addf %scan3A_3008, %mul3A_3083 : vector<16xf32>
        %mul3A_3085 = arith.mulf %get3A_3074, %get3A_3060 : vector<16xf32>
        %add3A_3086 = arith.addf %scan3A_3009, %mul3A_3085 : vector<16xf32>
        %mul3A_3087 = arith.mulf %get3A_3074, %get3A_3064 : vector<16xf32>
        %add3A_3088 = arith.addf %scan3A_3010, %mul3A_3087 : vector<16xf32>
        %mul3A_3089 = arith.mulf %get3A_3074, %get3A_3068 : vector<16xf32>
        %add3A_3090 = arith.addf %scan3A_3011, %mul3A_3089 : vector<16xf32>
        %get3A_3091 = arith.constant 0 : i32
        %get3A_3092 = arith.constant 13 : i32
        %get3A_3093 = arith.index_cast %get3A_3091 : i32 to index
        %get3A_3094 = arith.index_cast %get3A_3092 : i32 to index
        %get3A_3095 = arith.index_cast %mul3A_3037 : i32 to index
        %get3A_3096 = tpu.vector_load %arg6[%get3A_3093, %get3A_3094, %get3A_3095] {strides = array<i32>} : memref<2x16x2048xf32, #tpu.memory_space<vmem>>, vector<16xf32>,
        %mul3A_3097 = arith.mulf %get3A_3096, %get3A_3040 : vector<16xf32>
        %add3A_3098 = arith.addf %scan3A_3012, %mul3A_3097 : vector<16xf32>
        %mul3A_3099 = arith.mulf %get3A_3096, %get3A_3044 : vector<16xf32>
        %add3A_3100 = arith.addf %scan3A_3013, %mul3A_3099 : vector<16xf32>
        %mul3A_3101 = arith.mulf %get3A_3096, %get3A_3048 : vector<16xf32>
        %add3A_3102 = arith.addf %scan3A_3014, %mul3A_3101 : vector<16xf32>
        %mul3A_3103 = arith.mulf %get3A_3096, %get3A_3052 : vector<16xf32>
        %add3A_3104 = arith.addf %scan3A_3015, %mul3A_3103 : vector<16xf32>
        %mul3A_3105 = arith.mulf %get3A_3096, %get3A_3056 : vector<16xf32>
        %add3A_3106 = arith.addf %scan3A_3016, %mul3A_3105 : vector<16xf32>
        %mul3A_3107 = arith.mulf %get3A_3096, %get3A_3060 : vector<16xf32>
        %add3A_3108 = arith.addf %scan3A_3017, %mul3A_3107 : vector<16xf32>
        %mul3A_3109 = arith.mulf %get3A_3096, %get3A_3064 : vector<16xf32>
        %add3A_3110 = arith.addf %scan3A_3018, %mul3A_3109 : vector<16xf32>
        %mul3A_3111 = arith.mulf %get3A_3096, %get3A_3068 : vector<16xf32>
        %add3A_3112 = arith.addf %scan3A_3019, %mul3A_3111 : vector<16xf32>
        %get3A_3113 = arith.constant 0 : i32
        %get3A_3114 = arith.constant 14 : i32
        %get3A_3115 = arith.index_cast %get3A_3113 : i32 to index
        %get3A_3116 = arith.index_cast %get3A_3114 : i32 to index
        %get3A_3117 = arith.index_cast %mul3A_3037 : i32 to index
        %get3A_3118 = tpu.vector_load %arg6[%get3A_3115, %get3A_3116, %get3A_3117] {strides = array<i32>} : memref<2x16x2048xf32, #tpu.memory_space<vmem>>, vector<16xf32>,
        %mul3A_3119 = arith.mulf %get3A_3118, %get3A_3040 : vector<16xf32>
        %add3A_3120 = arith.addf %scan3A_3020, %mul3A_3119 : vector<16xf32>
        %mul3A_3121 = arith.mulf %get3A_3118, %get3A_3044 : vector<16xf32>
        %add3A_3122 = arith.addf %scan3A_3021, %mul3A_3121 : vector<16xf32>
        %mul3A_3123 = arith.mulf %get3A_3118, %get3A_3048 : vector<16xf32>
        %add3A_3124 = arith.addf %scan3A_3022, %mul3A_3123 : vector<16xf32>
        %mul3A_3125 = arith.mulf %get3A_3118, %get3A_3052 : vector<16xf32>
        %add3A_3126 = arith.addf %scan3A_3023, %mul3A_3125 : vector<16xf32>
        %mul3A_3127 = arith.mulf %get3A_3118, %get3A_3056 : vector<16xf32>
        %add3A_3128 = arith.addf %scan3A_3024, %mul3A_3127 : vector<16xf32>
        %mul3A_3129 = arith.mulf %get3A_3118, %get3A_3060 : vector<16xf32>
        %add3A_3130 = arith.addf %scan3A_3025, %mul3A_3129 : vector<16xf32>
        %mul3A_3131 = arith.mulf %get3A_3118, %get3A_3064 : vector<16xf32>
        %add3A_3132 = arith.addf %scan3A_3026, %mul3A_3131 : vector<16xf32>
        %mul3A_3133 = arith.mulf %get3A_3118, %get3A_3068 : vector<16xf32>
        %add3A_3134 = arith.addf %scan3A_3027, %mul3A_3133 : vector<16xf32>
        %get3A_3135 = arith.constant 0 : i32
        %get3A_3136 = arith.constant 15 : i32
        %get3A_3137 = arith.index_cast %get3A_3135 : i32 to index
        %get3A_3138 = arith.index_cast %get3A_3136 : i32 to index
        %get3A_3139 = arith.index_cast %mul3A_3037 : i32 to index
        %get3A_3140 = tpu.vector_load %arg6[%get3A_3137, %get3A_3138, %get3A_3139] {strides = array<i32>} : memref<2x16x2048xf32, #tpu.memory_space<vmem>>, vector<16xf32>,
        %mul3A_3141 = arith.mulf %get3A_3140, %get3A_3040 : vector<16xf32>
        %add3A_3142 = arith.addf %scan3A_3028, %mul3A_3141 : vector<16xf32>
        %mul3A_3143 = arith.mulf %get3A_3140, %get3A_3044 : vector<16xf32>
        %add3A_3144 = arith.addf %scan3A_3029, %mul3A_3143 : vector<16xf32>
        %mul3A_3145 = arith.mulf %get3A_3140, %get3A_3048 : vector<16xf32>
        %add3A_3146 = arith.addf %scan3A_3030, %mul3A_3145 : vector<16xf32>
        %mul3A_3147 = arith.mulf %get3A_3140, %get3A_3052 : vector<16xf32>
        %add3A_3148 = arith.addf %scan3A_3031, %mul3A_3147 : vector<16xf32>
        %mul3A_3149 = arith.mulf %get3A_3140, %get3A_3056 : vector<16xf32>
        %add3A_3150 = arith.addf %scan3A_3032, %mul3A_3149 : vector<16xf32>
        %mul3A_3151 = arith.mulf %get3A_3140, %get3A_3060 : vector<16xf32>
        %add3A_3152 = arith.addf %scan3A_3033, %mul3A_3151 : vector<16xf32>
        %mul3A_3153 = arith.mulf %get3A_3140, %get3A_3064 : vector<16xf32>
        %add3A_3154 = arith.addf %scan3A_3034, %mul3A_3153 : vector<16xf32>
        %mul3A_3155 = arith.mulf %get3A_3140, %get3A_3068 : vector<16xf32>
        %add3A_3156 = arith.addf %scan3A_3035, %mul3A_3155 : vector<16xf32>
        scf.yield %add3A_3076, %add3A_3078, %add3A_3080, %add3A_3082, %add3A_3084, %add3A_3086, %add3A_3088, %add3A_3090, %add3A_3098, %add3A_3100, %add3A_3102, %add3A_3104, %add3A_3106, %add3A_3108, %add3A_3110, %add3A_3112, %add3A_3120, %add3A_3122, %add3A_3124, %add3A_3126, %add3A_3128, %add3A_3130, %add3A_3132, %add3A_3134, %add3A_3142, %add3A_3144, %add3A_3146, %add3A_3148, %add3A_3150, %add3A_3152, %add3A_3154, %add3A_3156 : vector<16xf32>, vector<16xf32>, vector<16xf32>, vector<16xf32>, vector<16xf32>, vector<16xf32>, vector<16xf32>, vector<16xf32>, vector<16xf32>, vector<16xf32>, vector<16xf32>, vector<16xf32>, vector<16xf32>, vector<16xf32>, vector<16xf32>, vector<16xf32>, vector<16xf32>, vector<16xf32>, vector<16xf32>, vector<16xf32>, vector<16xf32>, vector<16xf32>, vector<16xf32>, vector<16xf32>, vector<16xf32>, vector<16xf32>, vector<16xf32>, vector<16xf32>, vector<16xf32>, vector<16xf32>, vector<16xf32>, vector<16xf32>
      }
      %scan3A_1161 = arith.constant 128 : i32
      %broadcast_in_dim3A_1162 = arith.constant 0.000000e+00 : f32
      %broadcast_in_dim3A_1163 = vector.broadcast %broadcast_in_dim3A_1162 : f32 to vector<16xf32>
      %reduce_sum3A_1164 = arith.constant true
      %reduce_sum3A_1165 = vector.broadcast %reduce_sum3A_1164 : i1 to vector<16xi1>
      %reduce_sum3A_1166 = tpu.scan <sum>, %scan3A_1160#0 masked %reduce_sum3A_1165 : vector<16xf32>, vector<16xi1> -> vector<16xf32>
      %reduce_sum3A_1167 = vector.extract %reduce_sum3A_1166[15] : f32 from vector<16xf32>
      %reduce_sum3A_1168 = arith.constant true
      %reduce_sum3A_1169 = vector.broadcast %reduce_sum3A_1168 : i1 to vector<16xi1>
      %reduce_sum3A_1170 = tpu.scan <sum>, %scan3A_1160#8 masked %reduce_sum3A_1169 : vector<16xf32>, vector<16xi1> -> vector<16xf32>
      %reduce_sum3A_1171 = vector.extract %reduce_sum3A_1170[15] : f32 from vector<16xf32>
      %eq3A_1172 = arith.constant 0 : i32
      %eq3A_1173 = vector.broadcast %eq3A_1172 : i32 to vector<16xi32>
      %eq3A_1174 = arith.cmpi eq, %iota3A, %eq3A_1173 : vector<16xi32>
      %broadcast_in_dim3A_1175 = vector.broadcast %reduce_sum3A_1167 : f32 to vector<16xf32>
      %select_n3A_1176 = arith.select %eq3A_1174, %broadcast_in_dim3A_1175, %broadcast_in_dim3A_1163 : vector<16xi1>, vector<16xf32>
      %eq3A_1177 = arith.constant 8 : i32
      %eq3A_1178 = vector.broadcast %eq3A_1177 : i32 to vector<16xi32>
      %eq3A_1179 = arith.cmpi eq, %iota3A, %eq3A_1178 : vector<16xi32>
      %broadcast_in_dim3A_1180 = vector.broadcast %reduce_sum3A_1171 : f32 to vector<16xf32>
      %select_n3A_1181 = arith.select %eq3A_1179, %broadcast_in_dim3A_1180, %select_n3A_1176 : vector<16xi1>, vector<16xf32>
      %reduce_sum3A_1182 = arith.constant true
      %reduce_sum3A_1183 = vector.broadcast %reduce_sum3A_1182 : i1 to vector<16xi1>
      %reduce_sum3A_1184 = tpu.scan <sum>, %scan3A_1160#1 masked %reduce_sum3A_1183 : vector<16xf32>, vector<16xi1> -> vector<16xf32>
      %reduce_sum3A_1185 = vector.extract %reduce_sum3A_1184[15] : f32 from vector<16xf32>
      %reduce_sum3A_1186 = arith.constant true
      %reduce_sum3A_1187 = vector.broadcast %reduce_sum3A_1186 : i1 to vector<16xi1>
      %reduce_sum3A_1188 = tpu.scan <sum>, %scan3A_1160#9 masked %reduce_sum3A_1187 : vector<16xf32>, vector<16xi1> -> vector<16xf32>
      %reduce_sum3A_1189 = vector.extract %reduce_sum3A_1188[15] : f32 from vector<16xf32>
      %eq3A_1190 = arith.constant 1 : i32
      %eq3A_1191 = vector.broadcast %eq3A_1190 : i32 to vector<16xi32>
      %eq3A_1192 = arith.cmpi eq, %iota3A, %eq3A_1191 : vector<16xi32>
      %broadcast_in_dim3A_1193 = vector.broadcast %reduce_sum3A_1185 : f32 to vector<16xf32>
      %select_n3A_1194 = arith.select %eq3A_1192, %broadcast_in_dim3A_1193, %select_n3A_1181 : vector<16xi1>, vector<16xf32>
      %eq3A_1195 = arith.constant 9 : i32
      %eq3A_1196 = vector.broadcast %eq3A_1195 : i32 to vector<16xi32>
      %eq3A_1197 = arith.cmpi eq, %iota3A, %eq3A_1196 : vector<16xi32>
      %broadcast_in_dim3A_1198 = vector.broadcast %reduce_sum3A_1189 : f32 to vector<16xf32>
      %select_n3A_1199 = arith.select %eq3A_1197, %broadcast_in_dim3A_1198, %select_n3A_1194 : vector<16xi1>, vector<16xf32>
      %reduce_sum3A_1200 = arith.constant true
      %reduce_sum3A_1201 = vector.broadcast %reduce_sum3A_1200 : i1 to vector<16xi1>
      %reduce_sum3A_1202 = tpu.scan <sum>, %scan3A_1160#2 masked %reduce_sum3A_1201 : vector<16xf32>, vector<16xi1> -> vector<16xf32>
      %reduce_sum3A_1203 = vector.extract %reduce_sum3A_1202[15] : f32 from vector<16xf32>
      %reduce_sum3A_1204 = arith.constant true
      %reduce_sum3A_1205 = vector.broadcast %reduce_sum3A_1204 : i1 to vector<16xi1>
      %reduce_sum3A_1206 = tpu.scan <sum>, %scan3A_1160#10 masked %reduce_sum3A_1205 : vector<16xf32>, vector<16xi1> -> vector<16xf32>
      %reduce_sum3A_1207 = vector.extract %reduce_sum3A_1206[15] : f32 from vector<16xf32>
      %eq3A_1208 = arith.constant 2 : i32
      %eq3A_1209 = vector.broadcast %eq3A_1208 : i32 to vector<16xi32>
      %eq3A_1210 = arith.cmpi eq, %iota3A, %eq3A_1209 : vector<16xi32>
      %broadcast_in_dim3A_1211 = vector.broadcast %reduce_sum3A_1203 : f32 to vector<16xf32>
      %select_n3A_1212 = arith.select %eq3A_1210, %broadcast_in_dim3A_1211, %select_n3A_1199 : vector<16xi1>, vector<16xf32>
      %eq3A_1213 = arith.constant 10 : i32
      %eq3A_1214 = vector.broadcast %eq3A_1213 : i32 to vector<16xi32>
      %eq3A_1215 = arith.cmpi eq, %iota3A, %eq3A_1214 : vector<16xi32>
      %broadcast_in_dim3A_1216 = vector.broadcast %reduce_sum3A_1207 : f32 to vector<16xf32>
      %select_n3A_1217 = arith.select %eq3A_1215, %broadcast_in_dim3A_1216, %select_n3A_1212 : vector<16xi1>, vector<16xf32>
      %reduce_sum3A_1218 = arith.constant true
      %reduce_sum3A_1219 = vector.broadcast %reduce_sum3A_1218 : i1 to vector<16xi1>
      %reduce_sum3A_1220 = tpu.scan <sum>, %scan3A_1160#3 masked %reduce_sum3A_1219 : vector<16xf32>, vector<16xi1> -> vector<16xf32>
      %reduce_sum3A_1221 = vector.extract %reduce_sum3A_1220[15] : f32 from vector<16xf32>
      %reduce_sum3A_1222 = arith.constant true
      %reduce_sum3A_1223 = vector.broadcast %reduce_sum3A_1222 : i1 to vector<16xi1>
      %reduce_sum3A_1224 = tpu.scan <sum>, %scan3A_1160#11 masked %reduce_sum3A_1223 : vector<16xf32>, vector<16xi1> -> vector<16xf32>
      %reduce_sum3A_1225 = vector.extract %reduce_sum3A_1224[15] : f32 from vector<16xf32>
      %eq3A_1226 = arith.constant 3 : i32
      %eq3A_1227 = vector.broadcast %eq3A_1226 : i32 to vector<16xi32>
      %eq3A_1228 = arith.cmpi eq, %iota3A, %eq3A_1227 : vector<16xi32>
      %broadcast_in_dim3A_1229 = vector.broadcast %reduce_sum3A_1221 : f32 to vector<16xf32>
      %select_n3A_1230 = arith.select %eq3A_1228, %broadcast_in_dim3A_1229, %select_n3A_1217 : vector<16xi1>, vector<16xf32>
      %eq3A_1231 = arith.constant 11 : i32
      %eq3A_1232 = vector.broadcast %eq3A_1231 : i32 to vector<16xi32>
      %eq3A_1233 = arith.cmpi eq, %iota3A, %eq3A_1232 : vector<16xi32>
      %broadcast_in_dim3A_1234 = vector.broadcast %reduce_sum3A_1225 : f32 to vector<16xf32>
      %select_n3A_1235 = arith.select %eq3A_1233, %broadcast_in_dim3A_1234, %select_n3A_1230 : vector<16xi1>, vector<16xf32>
      %reduce_sum3A_1236 = arith.constant true
      %reduce_sum3A_1237 = vector.broadcast %reduce_sum3A_1236 : i1 to vector<16xi1>
      %reduce_sum3A_1238 = tpu.scan <sum>, %scan3A_1160#4 masked %reduce_sum3A_1237 : vector<16xf32>, vector<16xi1> -> vector<16xf32>
      %reduce_sum3A_1239 = vector.extract %reduce_sum3A_1238[15] : f32 from vector<16xf32>
      %reduce_sum3A_1240 = arith.constant true
      %reduce_sum3A_1241 = vector.broadcast %reduce_sum3A_1240 : i1 to vector<16xi1>
      %reduce_sum3A_1242 = tpu.scan <sum>, %scan3A_1160#12 masked %reduce_sum3A_1241 : vector<16xf32>, vector<16xi1> -> vector<16xf32>
      %reduce_sum3A_1243 = vector.extract %reduce_sum3A_1242[15] : f32 from vector<16xf32>
      %eq3A_1244 = arith.constant 4 : i32
      %eq3A_1245 = vector.broadcast %eq3A_1244 : i32 to vector<16xi32>
      %eq3A_1246 = arith.cmpi eq, %iota3A, %eq3A_1245 : vector<16xi32>
      %broadcast_in_dim3A_1247 = vector.broadcast %reduce_sum3A_1239 : f32 to vector<16xf32>
      %select_n3A_1248 = arith.select %eq3A_1246, %broadcast_in_dim3A_1247, %select_n3A_1235 : vector<16xi1>, vector<16xf32>
      %eq3A_1249 = arith.constant 12 : i32
      %eq3A_1250 = vector.broadcast %eq3A_1249 : i32 to vector<16xi32>
      %eq3A_1251 = arith.cmpi eq, %iota3A, %eq3A_1250 : vector<16xi32>
      %broadcast_in_dim3A_1252 = vector.broadcast %reduce_sum3A_1243 : f32 to vector<16xf32>
      %select_n3A_1253 = arith.select %eq3A_1251, %broadcast_in_dim3A_1252, %select_n3A_1248 : vector<16xi1>, vector<16xf32>
      %reduce_sum3A_1254 = arith.constant true
      %reduce_sum3A_1255 = vector.broadcast %reduce_sum3A_1254 : i1 to vector<16xi1>
      %reduce_sum3A_1256 = tpu.scan <sum>, %scan3A_1160#5 masked %reduce_sum3A_1255 : vector<16xf32>, vector<16xi1> -> vector<16xf32>
      %reduce_sum3A_1257 = vector.extract %reduce_sum3A_1256[15] : f32 from vector<16xf32>
      %reduce_sum3A_1258 = arith.constant true
      %reduce_sum3A_1259 = vector.broadcast %reduce_sum3A_1258 : i1 to vector<16xi1>
      %reduce_sum3A_1260 = tpu.scan <sum>, %scan3A_1160#13 masked %reduce_sum3A_1259 : vector<16xf32>, vector<16xi1> -> vector<16xf32>
      %reduce_sum3A_1261 = vector.extract %reduce_sum3A_1260[15] : f32 from vector<16xf32>
      %eq3A_1262 = arith.constant 5 : i32
      %eq3A_1263 = vector.broadcast %eq3A_1262 : i32 to vector<16xi32>
      %eq3A_1264 = arith.cmpi eq, %iota3A, %eq3A_1263 : vector<16xi32>
      %broadcast_in_dim3A_1265 = vector.broadcast %reduce_sum3A_1257 : f32 to vector<16xf32>
      %select_n3A_1266 = arith.select %eq3A_1264, %broadcast_in_dim3A_1265, %select_n3A_1253 : vector<16xi1>, vector<16xf32>
      %eq3A_1267 = arith.constant 13 : i32
      %eq3A_1268 = vector.broadcast %eq3A_1267 : i32 to vector<16xi32>
      %eq3A_1269 = arith.cmpi eq, %iota3A, %eq3A_1268 : vector<16xi32>
      %broadcast_in_dim3A_1270 = vector.broadcast %reduce_sum3A_1261 : f32 to vector<16xf32>
      %select_n3A_1271 = arith.select %eq3A_1269, %broadcast_in_dim3A_1270, %select_n3A_1266 : vector<16xi1>, vector<16xf32>
      %reduce_sum3A_1272 = arith.constant true
      %reduce_sum3A_1273 = vector.broadcast %reduce_sum3A_1272 : i1 to vector<16xi1>
      %reduce_sum3A_1274 = tpu.scan <sum>, %scan3A_1160#6 masked %reduce_sum3A_1273 : vector<16xf32>, vector<16xi1> -> vector<16xf32>
      %reduce_sum3A_1275 = vector.extract %reduce_sum3A_1274[15] : f32 from vector<16xf32>
      %reduce_sum3A_1276 = arith.constant true
      %reduce_sum3A_1277 = vector.broadcast %reduce_sum3A_1276 : i1 to vector<16xi1>
      %reduce_sum3A_1278 = tpu.scan <sum>, %scan3A_1160#14 masked %reduce_sum3A_1277 : vector<16xf32>, vector<16xi1> -> vector<16xf32>
      %reduce_sum3A_1279 = vector.extract %reduce_sum3A_1278[15] : f32 from vector<16xf32>
      %eq3A_1280 = arith.constant 6 : i32
      %eq3A_1281 = vector.broadcast %eq3A_1280 : i32 to vector<16xi32>
      %eq3A_1282 = arith.cmpi eq, %iota3A, %eq3A_1281 : vector<16xi32>
      %broadcast_in_dim3A_1283 = vector.broadcast %reduce_sum3A_1275 : f32 to vector<16xf32>
      %select_n3A_1284 = arith.select %eq3A_1282, %broadcast_in_dim3A_1283, %select_n3A_1271 : vector<16xi1>, vector<16xf32>
      %eq3A_1285 = arith.constant 14 : i32
      %eq3A_1286 = vector.broadcast %eq3A_1285 : i32 to vector<16xi32>
      %eq3A_1287 = arith.cmpi eq, %iota3A, %eq3A_1286 : vector<16xi32>
      %broadcast_in_dim3A_1288 = vector.broadcast %reduce_sum3A_1279 : f32 to vector<16xf32>
      %select_n3A_1289 = arith.select %eq3A_1287, %broadcast_in_dim3A_1288, %select_n3A_1284 : vector<16xi1>, vector<16xf32>
      %reduce_sum3A_1290 = arith.constant true
      %reduce_sum3A_1291 = vector.broadcast %reduce_sum3A_1290 : i1 to vector<16xi1>
      %reduce_sum3A_1292 = tpu.scan <sum>, %scan3A_1160#7 masked %reduce_sum3A_1291 : vector<16xf32>, vector<16xi1> -> vector<16xf32>
      %reduce_sum3A_1293 = vector.extract %reduce_sum3A_1292[15] : f32 from vector<16xf32>
      %reduce_sum3A_1294 = arith.constant true
      %reduce_sum3A_1295 = vector.broadcast %reduce_sum3A_1294 : i1 to vector<16xi1>
      %reduce_sum3A_1296 = tpu.scan <sum>, %scan3A_1160#15 masked %reduce_sum3A_1295 : vector<16xf32>, vector<16xi1> -> vector<16xf32>
      %reduce_sum3A_1297 = vector.extract %reduce_sum3A_1296[15] : f32 from vector<16xf32>
      %eq3A_1298 = arith.constant 7 : i32
      %eq3A_1299 = vector.broadcast %eq3A_1298 : i32 to vector<16xi32>
      %eq3A_1300 = arith.cmpi eq, %iota3A, %eq3A_1299 : vector<16xi32>
      %broadcast_in_dim3A_1301 = vector.broadcast %reduce_sum3A_1293 : f32 to vector<16xf32>
      %select_n3A_1302 = arith.select %eq3A_1300, %broadcast_in_dim3A_1301, %select_n3A_1289 : vector<16xi1>, vector<16xf32>
      %eq3A_1303 = arith.constant 15 : i32
      %eq3A_1304 = vector.broadcast %eq3A_1303 : i32 to vector<16xi32>
      %eq3A_1305 = arith.cmpi eq, %iota3A, %eq3A_1304 : vector<16xi32>
      %broadcast_in_dim3A_1306 = vector.broadcast %reduce_sum3A_1297 : f32 to vector<16xf32>
      %select_n3A_1307 = arith.select %eq3A_1305, %broadcast_in_dim3A_1306, %select_n3A_1302 : vector<16xi1>, vector<16xf32>
      %mul3A_1308 = arith.constant 16 : i32
      %mul3A_1309 = arith.muli %add3A_36, %mul3A_1308 : i32
      %add3A_1310 = arith.constant 12 : i32
      %add3A_1311 = arith.addi %mul3A_1309, %add3A_1310 : i32
      %add3A_1312 = arith.constant 0 : i32
      %add3A_1313 = arith.addi %add3A_1311, %add3A_1312 : i32
      %jit3A_1314 = arith.constant 2 : i32
      %div3A_1315 = arith.divsi %add3A_1313, %jit3A_1314 : i32
      %sign3A_1316 = arith.constant 0 : i32
      %sign3A_1317 = arith.cmpi sgt, %add3A_1313, %sign3A_1316 : i32
      %sign3A_1318 = arith.extui %sign3A_1317 : i1 to i32
      %sign3A_1319 = arith.constant 0 : i32
      %sign3A_1320 = arith.cmpi slt, %add3A_1313, %sign3A_1319 : i32
      %sign3A_1321 = arith.extui %sign3A_1320 : i1 to i32
      %sign3A_1322 = arith.subi %sign3A_1318, %sign3A_1321 : i32
      %sign3A_1323 = arith.constant 0 : i32
      %sign3A_1324 = arith.cmpi sgt, %jit3A_1314, %sign3A_1323 : i32
      %sign3A_1325 = arith.extui %sign3A_1324 : i1 to i32
      %sign3A_1326 = arith.constant 0 : i32
      %sign3A_1327 = arith.cmpi slt, %jit3A_1314, %sign3A_1326 : i32
      %sign3A_1328 = arith.extui %sign3A_1327 : i1 to i32
      %sign3A_1329 = arith.subi %sign3A_1325, %sign3A_1328 : i32
      %ne3A_1330 = arith.cmpi ne, %sign3A_1322, %sign3A_1329 : i32
      %rem3A_1331 = arith.remsi %add3A_1313, %jit3A_1314 : i32
      %ne3A_1332 = arith.constant 0 : i32
      %ne3A_1333 = arith.cmpi ne, %rem3A_1331, %ne3A_1332 : i32
      %and3A_1334 = arith.andi %ne3A_1330, %ne3A_1333 : i1
      %sub3A_1335 = arith.constant 1 : i32
      %sub3A_1336 = arith.subi %div3A_1315, %sub3A_1335 : i32
      %select_n3A_1337 = arith.select %and3A_1334, %sub3A_1336, %div3A_1315 : i32
      %swap3A_1338 = arith.index_cast %select_n3A_1337 : i32 to index
      %swap3A_1339 = arith.constant 0 : index
      %swap3A_1340 = tpu.vector_load %arg7[%swap3A_1338, %swap3A_1339] {strides = array<i32>} : memref<80x16xf32, #tpu.memory_space<vmem>>, vector<16xf32>,
      tpu.vector_store %arg7[%swap3A_1338, %swap3A_1339], %select_n3A_1307 {strides = array<i32>} : memref<80x16xf32, #tpu.memory_space<vmem>>, vector<16xf32>,
      %broadcast_in_dim3A_1341 = arith.constant 0.000000e+00 : f32
      %broadcast_in_dim3A_1342 = vector.broadcast %broadcast_in_dim3A_1341 : f32 to vector<16xf32>
      %reduce_sum3A_1343 = arith.constant true
      %reduce_sum3A_1344 = vector.broadcast %reduce_sum3A_1343 : i1 to vector<16xi1>
      %reduce_sum3A_1345 = tpu.scan <sum>, %scan3A_1160#16 masked %reduce_sum3A_1344 : vector<16xf32>, vector<16xi1> -> vector<16xf32>
      %reduce_sum3A_1346 = vector.extract %reduce_sum3A_1345[15] : f32 from vector<16xf32>
      %reduce_sum3A_1347 = arith.constant true
      %reduce_sum3A_1348 = vector.broadcast %reduce_sum3A_1347 : i1 to vector<16xi1>
      %reduce_sum3A_1349 = tpu.scan <sum>, %scan3A_1160#24 masked %reduce_sum3A_1348 : vector<16xf32>, vector<16xi1> -> vector<16xf32>
      %reduce_sum3A_1350 = vector.extract %reduce_sum3A_1349[15] : f32 from vector<16xf32>
      %eq3A_1351 = arith.constant 0 : i32
      %eq3A_1352 = vector.broadcast %eq3A_1351 : i32 to vector<16xi32>
      %eq3A_1353 = arith.cmpi eq, %iota3A, %eq3A_1352 : vector<16xi32>
      %broadcast_in_dim3A_1354 = vector.broadcast %reduce_sum3A_1346 : f32 to vector<16xf32>
      %select_n3A_1355 = arith.select %eq3A_1353, %broadcast_in_dim3A_1354, %broadcast_in_dim3A_1342 : vector<16xi1>, vector<16xf32>
      %eq3A_1356 = arith.constant 8 : i32
      %eq3A_1357 = vector.broadcast %eq3A_1356 : i32 to vector<16xi32>
      %eq3A_1358 = arith.cmpi eq, %iota3A, %eq3A_1357 : vector<16xi32>
      %broadcast_in_dim3A_1359 = vector.broadcast %reduce_sum3A_1350 : f32 to vector<16xf32>
      %select_n3A_1360 = arith.select %eq3A_1358, %broadcast_in_dim3A_1359, %select_n3A_1355 : vector<16xi1>, vector<16xf32>
      %reduce_sum3A_1361 = arith.constant true
      %reduce_sum3A_1362 = vector.broadcast %reduce_sum3A_1361 : i1 to vector<16xi1>
      %reduce_sum3A_1363 = tpu.scan <sum>, %scan3A_1160#17 masked %reduce_sum3A_1362 : vector<16xf32>, vector<16xi1> -> vector<16xf32>
      %reduce_sum3A_1364 = vector.extract %reduce_sum3A_1363[15] : f32 from vector<16xf32>
      %reduce_sum3A_1365 = arith.constant true
      %reduce_sum3A_1366 = vector.broadcast %reduce_sum3A_1365 : i1 to vector<16xi1>
      %reduce_sum3A_1367 = tpu.scan <sum>, %scan3A_1160#25 masked %reduce_sum3A_1366 : vector<16xf32>, vector<16xi1> -> vector<16xf32>
      %reduce_sum3A_1368 = vector.extract %reduce_sum3A_1367[15] : f32 from vector<16xf32>
      %eq3A_1369 = arith.constant 1 : i32
      %eq3A_1370 = vector.broadcast %eq3A_1369 : i32 to vector<16xi32>
      %eq3A_1371 = arith.cmpi eq, %iota3A, %eq3A_1370 : vector<16xi32>
      %broadcast_in_dim3A_1372 = vector.broadcast %reduce_sum3A_1364 : f32 to vector<16xf32>
      %select_n3A_1373 = arith.select %eq3A_1371, %broadcast_in_dim3A_1372, %select_n3A_1360 : vector<16xi1>, vector<16xf32>
      %eq3A_1374 = arith.constant 9 : i32
      %eq3A_1375 = vector.broadcast %eq3A_1374 : i32 to vector<16xi32>
      %eq3A_1376 = arith.cmpi eq, %iota3A, %eq3A_1375 : vector<16xi32>
      %broadcast_in_dim3A_1377 = vector.broadcast %reduce_sum3A_1368 : f32 to vector<16xf32>
      %select_n3A_1378 = arith.select %eq3A_1376, %broadcast_in_dim3A_1377, %select_n3A_1373 : vector<16xi1>, vector<16xf32>
      %reduce_sum3A_1379 = arith.constant true
      %reduce_sum3A_1380 = vector.broadcast %reduce_sum3A_1379 : i1 to vector<16xi1>
      %reduce_sum3A_1381 = tpu.scan <sum>, %scan3A_1160#18 masked %reduce_sum3A_1380 : vector<16xf32>, vector<16xi1> -> vector<16xf32>
      %reduce_sum3A_1382 = vector.extract %reduce_sum3A_1381[15] : f32 from vector<16xf32>
      %reduce_sum3A_1383 = arith.constant true
      %reduce_sum3A_1384 = vector.broadcast %reduce_sum3A_1383 : i1 to vector<16xi1>
      %reduce_sum3A_1385 = tpu.scan <sum>, %scan3A_1160#26 masked %reduce_sum3A_1384 : vector<16xf32>, vector<16xi1> -> vector<16xf32>
      %reduce_sum3A_1386 = vector.extract %reduce_sum3A_1385[15] : f32 from vector<16xf32>
      %eq3A_1387 = arith.constant 2 : i32
      %eq3A_1388 = vector.broadcast %eq3A_1387 : i32 to vector<16xi32>
      %eq3A_1389 = arith.cmpi eq, %iota3A, %eq3A_1388 : vector<16xi32>
      %broadcast_in_dim3A_1390 = vector.broadcast %reduce_sum3A_1382 : f32 to vector<16xf32>
      %select_n3A_1391 = arith.select %eq3A_1389, %broadcast_in_dim3A_1390, %select_n3A_1378 : vector<16xi1>, vector<16xf32>
      %eq3A_1392 = arith.constant 10 : i32
      %eq3A_1393 = vector.broadcast %eq3A_1392 : i32 to vector<16xi32>
      %eq3A_1394 = arith.cmpi eq, %iota3A, %eq3A_1393 : vector<16xi32>
      %broadcast_in_dim3A_1395 = vector.broadcast %reduce_sum3A_1386 : f32 to vector<16xf32>
      %select_n3A_1396 = arith.select %eq3A_1394, %broadcast_in_dim3A_1395, %select_n3A_1391 : vector<16xi1>, vector<16xf32>
      %reduce_sum3A_1397 = arith.constant true
      %reduce_sum3A_1398 = vector.broadcast %reduce_sum3A_1397 : i1 to vector<16xi1>
      %reduce_sum3A_1399 = tpu.scan <sum>, %scan3A_1160#19 masked %reduce_sum3A_1398 : vector<16xf32>, vector<16xi1> -> vector<16xf32>
      %reduce_sum3A_1400 = vector.extract %reduce_sum3A_1399[15] : f32 from vector<16xf32>
      %reduce_sum3A_1401 = arith.constant true
      %reduce_sum3A_1402 = vector.broadcast %reduce_sum3A_1401 : i1 to vector<16xi1>
      %reduce_sum3A_1403 = tpu.scan <sum>, %scan3A_1160#27 masked %reduce_sum3A_1402 : vector<16xf32>, vector<16xi1> -> vector<16xf32>
      %reduce_sum3A_1404 = vector.extract %reduce_sum3A_1403[15] : f32 from vector<16xf32>
      %eq3A_1405 = arith.constant 3 : i32
      %eq3A_1406 = vector.broadcast %eq3A_1405 : i32 to vector<16xi32>
      %eq3A_1407 = arith.cmpi eq, %iota3A, %eq3A_1406 : vector<16xi32>
      %broadcast_in_dim3A_1408 = vector.broadcast %reduce_sum3A_1400 : f32 to vector<16xf32>
      %select_n3A_1409 = arith.select %eq3A_1407, %broadcast_in_dim3A_1408, %select_n3A_1396 : vector<16xi1>, vector<16xf32>
      %eq3A_1410 = arith.constant 11 : i32
      %eq3A_1411 = vector.broadcast %eq3A_1410 : i32 to vector<16xi32>
      %eq3A_1412 = arith.cmpi eq, %iota3A, %eq3A_1411 : vector<16xi32>
      %broadcast_in_dim3A_1413 = vector.broadcast %reduce_sum3A_1404 : f32 to vector<16xf32>
      %select_n3A_1414 = arith.select %eq3A_1412, %broadcast_in_dim3A_1413, %select_n3A_1409 : vector<16xi1>, vector<16xf32>
      %reduce_sum3A_1415 = arith.constant true
      %reduce_sum3A_1416 = vector.broadcast %reduce_sum3A_1415 : i1 to vector<16xi1>
      %reduce_sum3A_1417 = tpu.scan <sum>, %scan3A_1160#20 masked %reduce_sum3A_1416 : vector<16xf32>, vector<16xi1> -> vector<16xf32>
      %reduce_sum3A_1418 = vector.extract %reduce_sum3A_1417[15] : f32 from vector<16xf32>
      %reduce_sum3A_1419 = arith.constant true
      %reduce_sum3A_1420 = vector.broadcast %reduce_sum3A_1419 : i1 to vector<16xi1>
      %reduce_sum3A_1421 = tpu.scan <sum>, %scan3A_1160#28 masked %reduce_sum3A_1420 : vector<16xf32>, vector<16xi1> -> vector<16xf32>
      %reduce_sum3A_1422 = vector.extract %reduce_sum3A_1421[15] : f32 from vector<16xf32>
      %eq3A_1423 = arith.constant 4 : i32
      %eq3A_1424 = vector.broadcast %eq3A_1423 : i32 to vector<16xi32>
      %eq3A_1425 = arith.cmpi eq, %iota3A, %eq3A_1424 : vector<16xi32>
      %broadcast_in_dim3A_1426 = vector.broadcast %reduce_sum3A_1418 : f32 to vector<16xf32>
      %select_n3A_1427 = arith.select %eq3A_1425, %broadcast_in_dim3A_1426, %select_n3A_1414 : vector<16xi1>, vector<16xf32>
      %eq3A_1428 = arith.constant 12 : i32
      %eq3A_1429 = vector.broadcast %eq3A_1428 : i32 to vector<16xi32>
      %eq3A_1430 = arith.cmpi eq, %iota3A, %eq3A_1429 : vector<16xi32>
      %broadcast_in_dim3A_1431 = vector.broadcast %reduce_sum3A_1422 : f32 to vector<16xf32>
      %select_n3A_1432 = arith.select %eq3A_1430, %broadcast_in_dim3A_1431, %select_n3A_1427 : vector<16xi1>, vector<16xf32>
      %reduce_sum3A_1433 = arith.constant true
      %reduce_sum3A_1434 = vector.broadcast %reduce_sum3A_1433 : i1 to vector<16xi1>
      %reduce_sum3A_1435 = tpu.scan <sum>, %scan3A_1160#21 masked %reduce_sum3A_1434 : vector<16xf32>, vector<16xi1> -> vector<16xf32>
      %reduce_sum3A_1436 = vector.extract %reduce_sum3A_1435[15] : f32 from vector<16xf32>
      %reduce_sum3A_1437 = arith.constant true
      %reduce_sum3A_1438 = vector.broadcast %reduce_sum3A_1437 : i1 to vector<16xi1>
      %reduce_sum3A_1439 = tpu.scan <sum>, %scan3A_1160#29 masked %reduce_sum3A_1438 : vector<16xf32>, vector<16xi1> -> vector<16xf32>
      %reduce_sum3A_1440 = vector.extract %reduce_sum3A_1439[15] : f32 from vector<16xf32>
      %eq3A_1441 = arith.constant 5 : i32
      %eq3A_1442 = vector.broadcast %eq3A_1441 : i32 to vector<16xi32>
      %eq3A_1443 = arith.cmpi eq, %iota3A, %eq3A_1442 : vector<16xi32>
      %broadcast_in_dim3A_1444 = vector.broadcast %reduce_sum3A_1436 : f32 to vector<16xf32>
      %select_n3A_1445 = arith.select %eq3A_1443, %broadcast_in_dim3A_1444, %select_n3A_1432 : vector<16xi1>, vector<16xf32>
      %eq3A_1446 = arith.constant 13 : i32
      %eq3A_1447 = vector.broadcast %eq3A_1446 : i32 to vector<16xi32>
      %eq3A_1448 = arith.cmpi eq, %iota3A, %eq3A_1447 : vector<16xi32>
      %broadcast_in_dim3A_1449 = vector.broadcast %reduce_sum3A_1440 : f32 to vector<16xf32>
      %select_n3A_1450 = arith.select %eq3A_1448, %broadcast_in_dim3A_1449, %select_n3A_1445 : vector<16xi1>, vector<16xf32>
      %reduce_sum3A_1451 = arith.constant true
      %reduce_sum3A_1452 = vector.broadcast %reduce_sum3A_1451 : i1 to vector<16xi1>
      %reduce_sum3A_1453 = tpu.scan <sum>, %scan3A_1160#22 masked %reduce_sum3A_1452 : vector<16xf32>, vector<16xi1> -> vector<16xf32>
      %reduce_sum3A_1454 = vector.extract %reduce_sum3A_1453[15] : f32 from vector<16xf32>
      %reduce_sum3A_1455 = arith.constant true
      %reduce_sum3A_1456 = vector.broadcast %reduce_sum3A_1455 : i1 to vector<16xi1>
      %reduce_sum3A_1457 = tpu.scan <sum>, %scan3A_1160#30 masked %reduce_sum3A_1456 : vector<16xf32>, vector<16xi1> -> vector<16xf32>
      %reduce_sum3A_1458 = vector.extract %reduce_sum3A_1457[15] : f32 from vector<16xf32>
      %eq3A_1459 = arith.constant 6 : i32
      %eq3A_1460 = vector.broadcast %eq3A_1459 : i32 to vector<16xi32>
      %eq3A_1461 = arith.cmpi eq, %iota3A, %eq3A_1460 : vector<16xi32>
      %broadcast_in_dim3A_1462 = vector.broadcast %reduce_sum3A_1454 : f32 to vector<16xf32>
      %select_n3A_1463 = arith.select %eq3A_1461, %broadcast_in_dim3A_1462, %select_n3A_1450 : vector<16xi1>, vector<16xf32>
      %eq3A_1464 = arith.constant 14 : i32
      %eq3A_1465 = vector.broadcast %eq3A_1464 : i32 to vector<16xi32>
      %eq3A_1466 = arith.cmpi eq, %iota3A, %eq3A_1465 : vector<16xi32>
      %broadcast_in_dim3A_1467 = vector.broadcast %reduce_sum3A_1458 : f32 to vector<16xf32>
      %select_n3A_1468 = arith.select %eq3A_1466, %broadcast_in_dim3A_1467, %select_n3A_1463 : vector<16xi1>, vector<16xf32>
      %reduce_sum3A_1469 = arith.constant true
      %reduce_sum3A_1470 = vector.broadcast %reduce_sum3A_1469 : i1 to vector<16xi1>
      %reduce_sum3A_1471 = tpu.scan <sum>, %scan3A_1160#23 masked %reduce_sum3A_1470 : vector<16xf32>, vector<16xi1> -> vector<16xf32>
      %reduce_sum3A_1472 = vector.extract %reduce_sum3A_1471[15] : f32 from vector<16xf32>
      %reduce_sum3A_1473 = arith.constant true
      %reduce_sum3A_1474 = vector.broadcast %reduce_sum3A_1473 : i1 to vector<16xi1>
      %reduce_sum3A_1475 = tpu.scan <sum>, %scan3A_1160#31 masked %reduce_sum3A_1474 : vector<16xf32>, vector<16xi1> -> vector<16xf32>
      %reduce_sum3A_1476 = vector.extract %reduce_sum3A_1475[15] : f32 from vector<16xf32>
      %eq3A_1477 = arith.constant 7 : i32
      %eq3A_1478 = vector.broadcast %eq3A_1477 : i32 to vector<16xi32>
      %eq3A_1479 = arith.cmpi eq, %iota3A, %eq3A_1478 : vector<16xi32>
      %broadcast_in_dim3A_1480 = vector.broadcast %reduce_sum3A_1472 : f32 to vector<16xf32>
      %select_n3A_1481 = arith.select %eq3A_1479, %broadcast_in_dim3A_1480, %select_n3A_1468 : vector<16xi1>, vector<16xf32>
      %eq3A_1482 = arith.constant 15 : i32
      %eq3A_1483 = vector.broadcast %eq3A_1482 : i32 to vector<16xi32>
      %eq3A_1484 = arith.cmpi eq, %iota3A, %eq3A_1483 : vector<16xi32>
      %broadcast_in_dim3A_1485 = vector.broadcast %reduce_sum3A_1476 : f32 to vector<16xf32>
      %select_n3A_1486 = arith.select %eq3A_1484, %broadcast_in_dim3A_1485, %select_n3A_1481 : vector<16xi1>, vector<16xf32>
      %mul3A_1487 = arith.constant 16 : i32
      %mul3A_1488 = arith.muli %add3A_36, %mul3A_1487 : i32
      %add3A_1489 = arith.constant 12 : i32
      %add3A_1490 = arith.addi %mul3A_1488, %add3A_1489 : i32
      %add3A_1491 = arith.constant 2 : i32
      %add3A_1492 = arith.addi %add3A_1490, %add3A_1491 : i32
      %jit3A_1493 = arith.constant 2 : i32
      %div3A_1494 = arith.divsi %add3A_1492, %jit3A_1493 : i32
      %sign3A_1495 = arith.constant 0 : i32
      %sign3A_1496 = arith.cmpi sgt, %add3A_1492, %sign3A_1495 : i32
      %sign3A_1497 = arith.extui %sign3A_1496 : i1 to i32
      %sign3A_1498 = arith.constant 0 : i32
      %sign3A_1499 = arith.cmpi slt, %add3A_1492, %sign3A_1498 : i32
      %sign3A_1500 = arith.extui %sign3A_1499 : i1 to i32
      %sign3A_1501 = arith.subi %sign3A_1497, %sign3A_1500 : i32
      %sign3A_1502 = arith.constant 0 : i32
      %sign3A_1503 = arith.cmpi sgt, %jit3A_1493, %sign3A_1502 : i32
      %sign3A_1504 = arith.extui %sign3A_1503 : i1 to i32
      %sign3A_1505 = arith.constant 0 : i32
      %sign3A_1506 = arith.cmpi slt, %jit3A_1493, %sign3A_1505 : i32
      %sign3A_1507 = arith.extui %sign3A_1506 : i1 to i32
      %sign3A_1508 = arith.subi %sign3A_1504, %sign3A_1507 : i32
      %ne3A_1509 = arith.cmpi ne, %sign3A_1501, %sign3A_1508 : i32
      %rem3A_1510 = arith.remsi %add3A_1492, %jit3A_1493 : i32
      %ne3A_1511 = arith.constant 0 : i32
      %ne3A_1512 = arith.cmpi ne, %rem3A_1510, %ne3A_1511 : i32
      %and3A_1513 = arith.andi %ne3A_1509, %ne3A_1512 : i1
      %sub3A_1514 = arith.constant 1 : i32
      %sub3A_1515 = arith.subi %div3A_1494, %sub3A_1514 : i32
      %select_n3A_1516 = arith.select %and3A_1513, %sub3A_1515, %div3A_1494 : i32
      %swap3A_1517 = arith.index_cast %select_n3A_1516 : i32 to index
      %swap3A_1518 = arith.constant 0 : index
      %swap3A_1519 = tpu.vector_load %arg7[%swap3A_1517, %swap3A_1518] {strides = array<i32>} : memref<80x16xf32, #tpu.memory_space<vmem>>, vector<16xf32>,
      tpu.vector_store %arg7[%swap3A_1517, %swap3A_1518], %select_n3A_1486 {strides = array<i32>} : memref<80x16xf32, #tpu.memory_space<vmem>>, vector<16xf32>,
      %dma_wait3A_1520 = arith.constant 1 : i32
      %dma_wait3A_1521 = arith.constant 0 : i32
      %dma_wait3A_1522 = arith.constant 0 : i32
      %dma_wait3A_1523 = tpu.memref_slice %arg6[%dma_wait3A_1520, %dma_wait3A_1521, %dma_wait3A_1522] : memref<2x16x2048xf32, #tpu.memory_space<vmem>> -> memref<1x16x2048xf32, #tpu.memory_space<vmem>>
      %dma_wait3A_1524 = tpu.memref_squeeze %dma_wait3A_1523 : memref<1x16x2048xf32, #tpu.memory_space<vmem>> -> memref<16x2048xf32, #tpu.memory_space<vmem>>
      %dma_wait3A_1525 = arith.constant 0 : i32
      %dma_wait3A_1526 = tpu.memref_slice %arg2[%add3A_4, %dma_wait3A_1525] : memref<32768x2048xf32, #tpu.memory_space<hbm>> -> memref<16x2048xf32, #tpu.memory_space<hbm>>
      %dma_wait3A_1527 = arith.constant 0 : i32
      %dma_wait3A_1528 = arith.constant 0 : i32
      %dma_wait3A_1529 = tpu.memref_slice %arg6[%dma_wait3A_1520, %dma_wait3A_1527, %dma_wait3A_1528] : memref<2x16x2048xf32, #tpu.memory_space<vmem>> -> memref<1x16x2048xf32, #tpu.memory_space<vmem>>
      %dma_wait3A_1530 = tpu.memref_squeeze %dma_wait3A_1529 : memref<1x16x2048xf32, #tpu.memory_space<vmem>> -> memref<16x2048xf32, #tpu.memory_space<vmem>>
      %dma_wait3A_1531 = arith.constant 0 : i32
      %dma_wait3A_1532 = tpu.memref_slice %arg2[%add3A_4, %dma_wait3A_1531] : memref<32768x2048xf32, #tpu.memory_space<hbm>> -> memref<16x2048xf32, #tpu.memory_space<hbm>>
      tpu.wait_dma2 semaphore(%arg10 : memref<!tpu.dma_semaphore, #tpu.memory_space<semaphore_mem>>) src(%dma_wait3A_1532 : memref<16x2048xf32, #tpu.memory_space<hbm>>) dst(%dma_wait3A_1530 : memref<16x2048xf32, #tpu.memory_space<vmem>>)
      %add3A_1533 = arith.constant 2 : i32
      %add3A_1534 = arith.addi %add3A_36, %add3A_1533 : i32
      %lt3A = arith.constant 10 : i32
      %lt3A_1535 = arith.cmpi slt, %add3A_1534, %lt3A : i32
      %convert_element_type3A = arith.extui %lt3A_1535 : i1 to i32
      %cond3A = arith.constant 0 : i32
      %cond3A_1536 = arith.cmpi ne, %convert_element_type3A, %cond3A : i32
      scf.if %cond3A_1536 {
        %add3A_3003 = arith.constant 2 : i32
        %add3A_3004 = arith.addi %add3A_36, %add3A_3003 : i32
        %mul3A_3005 = arith.constant 16 : i32
        %mul3A_3006 = arith.muli %add3A_3004, %mul3A_3005 : i32
        %add3A_3007 = arith.addi %add3A_4, %mul3A_3006 : i32
        %dma_start3A_3008 = arith.constant 0 : i32
        %dma_start3A_3009 = arith.constant 0 : i32
        %dma_start3A_3010 = arith.constant 0 : i32
        %dma_start3A_3011 = tpu.memref_slice %arg6[%dma_start3A_3008, %dma_start3A_3009, %dma_start3A_3010] : memref<2x16x2048xf32, #tpu.memory_space<vmem>> -> memref<1x16x2048xf32, #tpu.memory_space<vmem>>
        %dma_start3A_3012 = tpu.memref_squeeze %dma_start3A_3011 : memref<1x16x2048xf32, #tpu.memory_space<vmem>> -> memref<16x2048xf32, #tpu.memory_space<vmem>>
        %dma_start3A_3013 = arith.constant 0 : i32
        %dma_start3A_3014 = tpu.memref_slice %arg2[%add3A_3007, %dma_start3A_3013] : memref<32768x2048xf32, #tpu.memory_space<hbm>> -> memref<16x2048xf32, #tpu.memory_space<hbm>>
        %dma_start3A_3015 = arith.constant 0 : i32
        %dma_start3A_3016 = arith.constant 0 : i32
        %dma_start3A_3017 = tpu.memref_slice %arg6[%dma_start3A_3008, %dma_start3A_3015, %dma_start3A_3016] : memref<2x16x2048xf32, #tpu.memory_space<vmem>> -> memref<1x16x2048xf32, #tpu.memory_space<vmem>>
        %dma_start3A_3018 = tpu.memref_squeeze %dma_start3A_3017 : memref<1x16x2048xf32, #tpu.memory_space<vmem>> -> memref<16x2048xf32, #tpu.memory_space<vmem>>
        %dma_start3A_3019 = arith.constant 0 : i32
        %dma_start3A_3020 = tpu.memref_slice %arg2[%add3A_3007, %dma_start3A_3019] : memref<32768x2048xf32, #tpu.memory_space<hbm>> -> memref<16x2048xf32, #tpu.memory_space<hbm>>
        tpu.enqueue_dma source(%dma_start3A_3020 : memref<16x2048xf32, #tpu.memory_space<hbm>>) target(%dma_start3A_3018 : memref<16x2048xf32, #tpu.memory_space<vmem>>) target_semaphore(%arg9 : memref<!tpu.dma_semaphore, #tpu.memory_space<semaphore_mem>>)
      } else {
      }
      %add3A_1537 = arith.constant 1 : i32
      %add3A_1538 = arith.addi %add3A_36, %add3A_1537 : i32
      %broadcast_in_dim3A_1539 = arith.constant 0.000000e+00 : f32
      %broadcast_in_dim3A_1540 = vector.broadcast %broadcast_in_dim3A_1539 : f32 to vector<16xf32>
      %scan3A_1541 = arith.constant 0 : i32
      %scan3A_1542 = arith.constant 128 : i32
      %scan3A_1543 = arith.addi %scan3A_1541, %scan3A_1542 : i32
      %scan3A_1544 = arith.constant 1 : i32
      %scan3A_1545:32 = scf.for %scan3A_3003 = %scan3A_1541 to %scan3A_1543 step %scan3A_1544 iter_args(%scan3A_3004 = %broadcast_in_dim3A_1540, %scan3A_3005 = %broadcast_in_dim3A_1540, %scan3A_3006 = %broadcast_in_dim3A_1540, %scan3A_3007 = %broadcast_in_dim3A_1540, %scan3A_3008 = %broadcast_in_dim3A_1540, %scan3A_3009 = %broadcast_in_dim3A_1540, %scan3A_3010 = %broadcast_in_dim3A_1540, %scan3A_3011 = %broadcast_in_dim3A_1540, %scan3A_3012 = %broadcast_in_dim3A_1540, %scan3A_3013 = %broadcast_in_dim3A_1540, %scan3A_3014 = %broadcast_in_dim3A_1540, %scan3A_3015 = %broadcast_in_dim3A_1540, %scan3A_3016 = %broadcast_in_dim3A_1540, %scan3A_3017 = %broadcast_in_dim3A_1540, %scan3A_3018 = %broadcast_in_dim3A_1540, %scan3A_3019 = %broadcast_in_dim3A_1540, %scan3A_3020 = %broadcast_in_dim3A_1540, %scan3A_3021 = %broadcast_in_dim3A_1540, %scan3A_3022 = %broadcast_in_dim3A_1540, %scan3A_3023 = %broadcast_in_dim3A_1540, %scan3A_3024 = %broadcast_in_dim3A_1540, %scan3A_3025 = %broadcast_in_dim3A_1540, %scan3A_3026 = %broadcast_in_dim3A_1540, %scan3A_3027 = %broadcast_in_dim3A_1540, %scan3A_3028 = %broadcast_in_dim3A_1540, %scan3A_3029 = %broadcast_in_dim3A_1540, %scan3A_3030 = %broadcast_in_dim3A_1540, %scan3A_3031 = %broadcast_in_dim3A_1540, %scan3A_3032 = %broadcast_in_dim3A_1540, %scan3A_3033 = %broadcast_in_dim3A_1540, %scan3A_3034 = %broadcast_in_dim3A_1540, %scan3A_3035 = %broadcast_in_dim3A_1540) -> (vector<16xf32>, vector<16xf32>, vector<16xf32>, vector<16xf32>, vector<16xf32>, vector<16xf32>, vector<16xf32>, vector<16xf32>, vector<16xf32>, vector<16xf32>, vector<16xf32>, vector<16xf32>, vector<16xf32>, vector<16xf32>, vector<16xf32>, vector<16xf32>, vector<16xf32>, vector<16xf32>, vector<16xf32>, vector<16xf32>, vector<16xf32>, vector<16xf32>, vector<16xf32>, vector<16xf32>, vector<16xf32>, vector<16xf32>, vector<16xf32>, vector<16xf32>, vector<16xf32>, vector<16xf32>, vector<16xf32>, vector<16xf32>)  : i32 {
        %mul3A_3036 = arith.constant 16 : i32
        %mul3A_3037 = arith.muli %scan3A_3003, %mul3A_3036 : i32
        %get3A = arith.constant 0 : i32
        %get3A_3038 = arith.index_cast %get3A : i32 to index
        %get3A_3039 = arith.index_cast %mul3A_3037 : i32 to index
        %get3A_3040 = tpu.vector_load %arg5[%get3A_3038, %get3A_3039] {strides = array<i32>} : memref<8x2048xf32, #tpu.memory_space<vmem>>, vector<16xf32>,
        %get3A_3041 = arith.constant 1 : i32
        %get3A_3042 = arith.index_cast %get3A_3041 : i32 to index
        %get3A_3043 = arith.index_cast %mul3A_3037 : i32 to index
        %get3A_3044 = tpu.vector_load %arg5[%get3A_3042, %get3A_3043] {strides = array<i32>} : memref<8x2048xf32, #tpu.memory_space<vmem>>, vector<16xf32>,
        %get3A_3045 = arith.constant 2 : i32
        %get3A_3046 = arith.index_cast %get3A_3045 : i32 to index
        %get3A_3047 = arith.index_cast %mul3A_3037 : i32 to index
        %get3A_3048 = tpu.vector_load %arg5[%get3A_3046, %get3A_3047] {strides = array<i32>} : memref<8x2048xf32, #tpu.memory_space<vmem>>, vector<16xf32>,
        %get3A_3049 = arith.constant 3 : i32
        %get3A_3050 = arith.index_cast %get3A_3049 : i32 to index
        %get3A_3051 = arith.index_cast %mul3A_3037 : i32 to index
        %get3A_3052 = tpu.vector_load %arg5[%get3A_3050, %get3A_3051] {strides = array<i32>} : memref<8x2048xf32, #tpu.memory_space<vmem>>, vector<16xf32>,
        %get3A_3053 = arith.constant 4 : i32
        %get3A_3054 = arith.index_cast %get3A_3053 : i32 to index
        %get3A_3055 = arith.index_cast %mul3A_3037 : i32 to index
        %get3A_3056 = tpu.vector_load %arg5[%get3A_3054, %get3A_3055] {strides = array<i32>} : memref<8x2048xf32, #tpu.memory_space<vmem>>, vector<16xf32>,
        %get3A_3057 = arith.constant 5 : i32
        %get3A_3058 = arith.index_cast %get3A_3057 : i32 to index
        %get3A_3059 = arith.index_cast %mul3A_3037 : i32 to index
        %get3A_3060 = tpu.vector_load %arg5[%get3A_3058, %get3A_3059] {strides = array<i32>} : memref<8x2048xf32, #tpu.memory_space<vmem>>, vector<16xf32>,
        %get3A_3061 = arith.constant 6 : i32
        %get3A_3062 = arith.index_cast %get3A_3061 : i32 to index
        %get3A_3063 = arith.index_cast %mul3A_3037 : i32 to index
        %get3A_3064 = tpu.vector_load %arg5[%get3A_3062, %get3A_3063] {strides = array<i32>} : memref<8x2048xf32, #tpu.memory_space<vmem>>, vector<16xf32>,
        %get3A_3065 = arith.constant 7 : i32
        %get3A_3066 = arith.index_cast %get3A_3065 : i32 to index
        %get3A_3067 = arith.index_cast %mul3A_3037 : i32 to index
        %get3A_3068 = tpu.vector_load %arg5[%get3A_3066, %get3A_3067] {strides = array<i32>} : memref<8x2048xf32, #tpu.memory_space<vmem>>, vector<16xf32>,
        %get3A_3069 = arith.constant 1 : i32
        %get3A_3070 = arith.constant 0 : i32
        %get3A_3071 = arith.index_cast %get3A_3069 : i32 to index
        %get3A_3072 = arith.index_cast %get3A_3070 : i32 to index
        %get3A_3073 = arith.index_cast %mul3A_3037 : i32 to index
        %get3A_3074 = tpu.vector_load %arg6[%get3A_3071, %get3A_3072, %get3A_3073] {strides = array<i32>} : memref<2x16x2048xf32, #tpu.memory_space<vmem>>, vector<16xf32>,
        %mul3A_3075 = arith.mulf %get3A_3074, %get3A_3040 : vector<16xf32>
        %add3A_3076 = arith.addf %scan3A_3004, %mul3A_3075 : vector<16xf32>
        %mul3A_3077 = arith.mulf %get3A_3074, %get3A_3044 : vector<16xf32>
        %add3A_3078 = arith.addf %scan3A_3005, %mul3A_3077 : vector<16xf32>
        %mul3A_3079 = arith.mulf %get3A_3074, %get3A_3048 : vector<16xf32>
        %add3A_3080 = arith.addf %scan3A_3006, %mul3A_3079 : vector<16xf32>
        %mul3A_3081 = arith.mulf %get3A_3074, %get3A_3052 : vector<16xf32>
        %add3A_3082 = arith.addf %scan3A_3007, %mul3A_3081 : vector<16xf32>
        %mul3A_3083 = arith.mulf %get3A_3074, %get3A_3056 : vector<16xf32>
        %add3A_3084 = arith.addf %scan3A_3008, %mul3A_3083 : vector<16xf32>
        %mul3A_3085 = arith.mulf %get3A_3074, %get3A_3060 : vector<16xf32>
        %add3A_3086 = arith.addf %scan3A_3009, %mul3A_3085 : vector<16xf32>
        %mul3A_3087 = arith.mulf %get3A_3074, %get3A_3064 : vector<16xf32>
        %add3A_3088 = arith.addf %scan3A_3010, %mul3A_3087 : vector<16xf32>
        %mul3A_3089 = arith.mulf %get3A_3074, %get3A_3068 : vector<16xf32>
        %add3A_3090 = arith.addf %scan3A_3011, %mul3A_3089 : vector<16xf32>
        %get3A_3091 = arith.constant 1 : i32
        %get3A_3092 = arith.constant 1 : i32
        %get3A_3093 = arith.index_cast %get3A_3091 : i32 to index
        %get3A_3094 = arith.index_cast %get3A_3092 : i32 to index
        %get3A_3095 = arith.index_cast %mul3A_3037 : i32 to index
        %get3A_3096 = tpu.vector_load %arg6[%get3A_3093, %get3A_3094, %get3A_3095] {strides = array<i32>} : memref<2x16x2048xf32, #tpu.memory_space<vmem>>, vector<16xf32>,
        %mul3A_3097 = arith.mulf %get3A_3096, %get3A_3040 : vector<16xf32>
        %add3A_3098 = arith.addf %scan3A_3012, %mul3A_3097 : vector<16xf32>
        %mul3A_3099 = arith.mulf %get3A_3096, %get3A_3044 : vector<16xf32>
        %add3A_3100 = arith.addf %scan3A_3013, %mul3A_3099 : vector<16xf32>
        %mul3A_3101 = arith.mulf %get3A_3096, %get3A_3048 : vector<16xf32>
        %add3A_3102 = arith.addf %scan3A_3014, %mul3A_3101 : vector<16xf32>
        %mul3A_3103 = arith.mulf %get3A_3096, %get3A_3052 : vector<16xf32>
        %add3A_3104 = arith.addf %scan3A_3015, %mul3A_3103 : vector<16xf32>
        %mul3A_3105 = arith.mulf %get3A_3096, %get3A_3056 : vector<16xf32>
        %add3A_3106 = arith.addf %scan3A_3016, %mul3A_3105 : vector<16xf32>
        %mul3A_3107 = arith.mulf %get3A_3096, %get3A_3060 : vector<16xf32>
        %add3A_3108 = arith.addf %scan3A_3017, %mul3A_3107 : vector<16xf32>
        %mul3A_3109 = arith.mulf %get3A_3096, %get3A_3064 : vector<16xf32>
        %add3A_3110 = arith.addf %scan3A_3018, %mul3A_3109 : vector<16xf32>
        %mul3A_3111 = arith.mulf %get3A_3096, %get3A_3068 : vector<16xf32>
        %add3A_3112 = arith.addf %scan3A_3019, %mul3A_3111 : vector<16xf32>
        %get3A_3113 = arith.constant 1 : i32
        %get3A_3114 = arith.constant 2 : i32
        %get3A_3115 = arith.index_cast %get3A_3113 : i32 to index
        %get3A_3116 = arith.index_cast %get3A_3114 : i32 to index
        %get3A_3117 = arith.index_cast %mul3A_3037 : i32 to index
        %get3A_3118 = tpu.vector_load %arg6[%get3A_3115, %get3A_3116, %get3A_3117] {strides = array<i32>} : memref<2x16x2048xf32, #tpu.memory_space<vmem>>, vector<16xf32>,
        %mul3A_3119 = arith.mulf %get3A_3118, %get3A_3040 : vector<16xf32>
        %add3A_3120 = arith.addf %scan3A_3020, %mul3A_3119 : vector<16xf32>
        %mul3A_3121 = arith.mulf %get3A_3118, %get3A_3044 : vector<16xf32>
        %add3A_3122 = arith.addf %scan3A_3021, %mul3A_3121 : vector<16xf32>
        %mul3A_3123 = arith.mulf %get3A_3118, %get3A_3048 : vector<16xf32>
        %add3A_3124 = arith.addf %scan3A_3022, %mul3A_3123 : vector<16xf32>
        %mul3A_3125 = arith.mulf %get3A_3118, %get3A_3052 : vector<16xf32>
        %add3A_3126 = arith.addf %scan3A_3023, %mul3A_3125 : vector<16xf32>
        %mul3A_3127 = arith.mulf %get3A_3118, %get3A_3056 : vector<16xf32>
        %add3A_3128 = arith.addf %scan3A_3024, %mul3A_3127 : vector<16xf32>
        %mul3A_3129 = arith.mulf %get3A_3118, %get3A_3060 : vector<16xf32>
        %add3A_3130 = arith.addf %scan3A_3025, %mul3A_3129 : vector<16xf32>
        %mul3A_3131 = arith.mulf %get3A_3118, %get3A_3064 : vector<16xf32>
        %add3A_3132 = arith.addf %scan3A_3026, %mul3A_3131 : vector<16xf32>
        %mul3A_3133 = arith.mulf %get3A_3118, %get3A_3068 : vector<16xf32>
        %add3A_3134 = arith.addf %scan3A_3027, %mul3A_3133 : vector<16xf32>
        %get3A_3135 = arith.constant 1 : i32
        %get3A_3136 = arith.constant 3 : i32
        %get3A_3137 = arith.index_cast %get3A_3135 : i32 to index
        %get3A_3138 = arith.index_cast %get3A_3136 : i32 to index
        %get3A_3139 = arith.index_cast %mul3A_3037 : i32 to index
        %get3A_3140 = tpu.vector_load %arg6[%get3A_3137, %get3A_3138, %get3A_3139] {strides = array<i32>} : memref<2x16x2048xf32, #tpu.memory_space<vmem>>, vector<16xf32>,
        %mul3A_3141 = arith.mulf %get3A_3140, %get3A_3040 : vector<16xf32>
        %add3A_3142 = arith.addf %scan3A_3028, %mul3A_3141 : vector<16xf32>
        %mul3A_3143 = arith.mulf %get3A_3140, %get3A_3044 : vector<16xf32>
        %add3A_3144 = arith.addf %scan3A_3029, %mul3A_3143 : vector<16xf32>
        %mul3A_3145 = arith.mulf %get3A_3140, %get3A_3048 : vector<16xf32>
        %add3A_3146 = arith.addf %scan3A_3030, %mul3A_3145 : vector<16xf32>
        %mul3A_3147 = arith.mulf %get3A_3140, %get3A_3052 : vector<16xf32>
        %add3A_3148 = arith.addf %scan3A_3031, %mul3A_3147 : vector<16xf32>
        %mul3A_3149 = arith.mulf %get3A_3140, %get3A_3056 : vector<16xf32>
        %add3A_3150 = arith.addf %scan3A_3032, %mul3A_3149 : vector<16xf32>
        %mul3A_3151 = arith.mulf %get3A_3140, %get3A_3060 : vector<16xf32>
        %add3A_3152 = arith.addf %scan3A_3033, %mul3A_3151 : vector<16xf32>
        %mul3A_3153 = arith.mulf %get3A_3140, %get3A_3064 : vector<16xf32>
        %add3A_3154 = arith.addf %scan3A_3034, %mul3A_3153 : vector<16xf32>
        %mul3A_3155 = arith.mulf %get3A_3140, %get3A_3068 : vector<16xf32>
        %add3A_3156 = arith.addf %scan3A_3035, %mul3A_3155 : vector<16xf32>
        scf.yield %add3A_3076, %add3A_3078, %add3A_3080, %add3A_3082, %add3A_3084, %add3A_3086, %add3A_3088, %add3A_3090, %add3A_3098, %add3A_3100, %add3A_3102, %add3A_3104, %add3A_3106, %add3A_3108, %add3A_3110, %add3A_3112, %add3A_3120, %add3A_3122, %add3A_3124, %add3A_3126, %add3A_3128, %add3A_3130, %add3A_3132, %add3A_3134, %add3A_3142, %add3A_3144, %add3A_3146, %add3A_3148, %add3A_3150, %add3A_3152, %add3A_3154, %add3A_3156 : vector<16xf32>, vector<16xf32>, vector<16xf32>, vector<16xf32>, vector<16xf32>, vector<16xf32>, vector<16xf32>, vector<16xf32>, vector<16xf32>, vector<16xf32>, vector<16xf32>, vector<16xf32>, vector<16xf32>, vector<16xf32>, vector<16xf32>, vector<16xf32>, vector<16xf32>, vector<16xf32>, vector<16xf32>, vector<16xf32>, vector<16xf32>, vector<16xf32>, vector<16xf32>, vector<16xf32>, vector<16xf32>, vector<16xf32>, vector<16xf32>, vector<16xf32>, vector<16xf32>, vector<16xf32>, vector<16xf32>, vector<16xf32>
      }
      %scan3A_1546 = arith.constant 128 : i32
      %broadcast_in_dim3A_1547 = arith.constant 0.000000e+00 : f32
      %broadcast_in_dim3A_1548 = vector.broadcast %broadcast_in_dim3A_1547 : f32 to vector<16xf32>
      %reduce_sum3A_1549 = arith.constant true
      %reduce_sum3A_1550 = vector.broadcast %reduce_sum3A_1549 : i1 to vector<16xi1>
      %reduce_sum3A_1551 = tpu.scan <sum>, %scan3A_1545#0 masked %reduce_sum3A_1550 : vector<16xf32>, vector<16xi1> -> vector<16xf32>
      %reduce_sum3A_1552 = vector.extract %reduce_sum3A_1551[15] : f32 from vector<16xf32>
      %reduce_sum3A_1553 = arith.constant true
      %reduce_sum3A_1554 = vector.broadcast %reduce_sum3A_1553 : i1 to vector<16xi1>
      %reduce_sum3A_1555 = tpu.scan <sum>, %scan3A_1545#8 masked %reduce_sum3A_1554 : vector<16xf32>, vector<16xi1> -> vector<16xf32>
      %reduce_sum3A_1556 = vector.extract %reduce_sum3A_1555[15] : f32 from vector<16xf32>
      %eq3A_1557 = arith.constant 0 : i32
      %eq3A_1558 = vector.broadcast %eq3A_1557 : i32 to vector<16xi32>
      %eq3A_1559 = arith.cmpi eq, %iota3A, %eq3A_1558 : vector<16xi32>
      %broadcast_in_dim3A_1560 = vector.broadcast %reduce_sum3A_1552 : f32 to vector<16xf32>
      %select_n3A_1561 = arith.select %eq3A_1559, %broadcast_in_dim3A_1560, %broadcast_in_dim3A_1548 : vector<16xi1>, vector<16xf32>
      %eq3A_1562 = arith.constant 8 : i32
      %eq3A_1563 = vector.broadcast %eq3A_1562 : i32 to vector<16xi32>
      %eq3A_1564 = arith.cmpi eq, %iota3A, %eq3A_1563 : vector<16xi32>
      %broadcast_in_dim3A_1565 = vector.broadcast %reduce_sum3A_1556 : f32 to vector<16xf32>
      %select_n3A_1566 = arith.select %eq3A_1564, %broadcast_in_dim3A_1565, %select_n3A_1561 : vector<16xi1>, vector<16xf32>
      %reduce_sum3A_1567 = arith.constant true
      %reduce_sum3A_1568 = vector.broadcast %reduce_sum3A_1567 : i1 to vector<16xi1>
      %reduce_sum3A_1569 = tpu.scan <sum>, %scan3A_1545#1 masked %reduce_sum3A_1568 : vector<16xf32>, vector<16xi1> -> vector<16xf32>
      %reduce_sum3A_1570 = vector.extract %reduce_sum3A_1569[15] : f32 from vector<16xf32>
      %reduce_sum3A_1571 = arith.constant true
      %reduce_sum3A_1572 = vector.broadcast %reduce_sum3A_1571 : i1 to vector<16xi1>
      %reduce_sum3A_1573 = tpu.scan <sum>, %scan3A_1545#9 masked %reduce_sum3A_1572 : vector<16xf32>, vector<16xi1> -> vector<16xf32>
      %reduce_sum3A_1574 = vector.extract %reduce_sum3A_1573[15] : f32 from vector<16xf32>
      %eq3A_1575 = arith.constant 1 : i32
      %eq3A_1576 = vector.broadcast %eq3A_1575 : i32 to vector<16xi32>
      %eq3A_1577 = arith.cmpi eq, %iota3A, %eq3A_1576 : vector<16xi32>
      %broadcast_in_dim3A_1578 = vector.broadcast %reduce_sum3A_1570 : f32 to vector<16xf32>
      %select_n3A_1579 = arith.select %eq3A_1577, %broadcast_in_dim3A_1578, %select_n3A_1566 : vector<16xi1>, vector<16xf32>
      %eq3A_1580 = arith.constant 9 : i32
      %eq3A_1581 = vector.broadcast %eq3A_1580 : i32 to vector<16xi32>
      %eq3A_1582 = arith.cmpi eq, %iota3A, %eq3A_1581 : vector<16xi32>
      %broadcast_in_dim3A_1583 = vector.broadcast %reduce_sum3A_1574 : f32 to vector<16xf32>
      %select_n3A_1584 = arith.select %eq3A_1582, %broadcast_in_dim3A_1583, %select_n3A_1579 : vector<16xi1>, vector<16xf32>
      %reduce_sum3A_1585 = arith.constant true
      %reduce_sum3A_1586 = vector.broadcast %reduce_sum3A_1585 : i1 to vector<16xi1>
      %reduce_sum3A_1587 = tpu.scan <sum>, %scan3A_1545#2 masked %reduce_sum3A_1586 : vector<16xf32>, vector<16xi1> -> vector<16xf32>
      %reduce_sum3A_1588 = vector.extract %reduce_sum3A_1587[15] : f32 from vector<16xf32>
      %reduce_sum3A_1589 = arith.constant true
      %reduce_sum3A_1590 = vector.broadcast %reduce_sum3A_1589 : i1 to vector<16xi1>
      %reduce_sum3A_1591 = tpu.scan <sum>, %scan3A_1545#10 masked %reduce_sum3A_1590 : vector<16xf32>, vector<16xi1> -> vector<16xf32>
      %reduce_sum3A_1592 = vector.extract %reduce_sum3A_1591[15] : f32 from vector<16xf32>
      %eq3A_1593 = arith.constant 2 : i32
      %eq3A_1594 = vector.broadcast %eq3A_1593 : i32 to vector<16xi32>
      %eq3A_1595 = arith.cmpi eq, %iota3A, %eq3A_1594 : vector<16xi32>
      %broadcast_in_dim3A_1596 = vector.broadcast %reduce_sum3A_1588 : f32 to vector<16xf32>
      %select_n3A_1597 = arith.select %eq3A_1595, %broadcast_in_dim3A_1596, %select_n3A_1584 : vector<16xi1>, vector<16xf32>
      %eq3A_1598 = arith.constant 10 : i32
      %eq3A_1599 = vector.broadcast %eq3A_1598 : i32 to vector<16xi32>
      %eq3A_1600 = arith.cmpi eq, %iota3A, %eq3A_1599 : vector<16xi32>
      %broadcast_in_dim3A_1601 = vector.broadcast %reduce_sum3A_1592 : f32 to vector<16xf32>
      %select_n3A_1602 = arith.select %eq3A_1600, %broadcast_in_dim3A_1601, %select_n3A_1597 : vector<16xi1>, vector<16xf32>
      %reduce_sum3A_1603 = arith.constant true
      %reduce_sum3A_1604 = vector.broadcast %reduce_sum3A_1603 : i1 to vector<16xi1>
      %reduce_sum3A_1605 = tpu.scan <sum>, %scan3A_1545#3 masked %reduce_sum3A_1604 : vector<16xf32>, vector<16xi1> -> vector<16xf32>
      %reduce_sum3A_1606 = vector.extract %reduce_sum3A_1605[15] : f32 from vector<16xf32>
      %reduce_sum3A_1607 = arith.constant true
      %reduce_sum3A_1608 = vector.broadcast %reduce_sum3A_1607 : i1 to vector<16xi1>
      %reduce_sum3A_1609 = tpu.scan <sum>, %scan3A_1545#11 masked %reduce_sum3A_1608 : vector<16xf32>, vector<16xi1> -> vector<16xf32>
      %reduce_sum3A_1610 = vector.extract %reduce_sum3A_1609[15] : f32 from vector<16xf32>
      %eq3A_1611 = arith.constant 3 : i32
      %eq3A_1612 = vector.broadcast %eq3A_1611 : i32 to vector<16xi32>
      %eq3A_1613 = arith.cmpi eq, %iota3A, %eq3A_1612 : vector<16xi32>
      %broadcast_in_dim3A_1614 = vector.broadcast %reduce_sum3A_1606 : f32 to vector<16xf32>
      %select_n3A_1615 = arith.select %eq3A_1613, %broadcast_in_dim3A_1614, %select_n3A_1602 : vector<16xi1>, vector<16xf32>
      %eq3A_1616 = arith.constant 11 : i32
      %eq3A_1617 = vector.broadcast %eq3A_1616 : i32 to vector<16xi32>
      %eq3A_1618 = arith.cmpi eq, %iota3A, %eq3A_1617 : vector<16xi32>
      %broadcast_in_dim3A_1619 = vector.broadcast %reduce_sum3A_1610 : f32 to vector<16xf32>
      %select_n3A_1620 = arith.select %eq3A_1618, %broadcast_in_dim3A_1619, %select_n3A_1615 : vector<16xi1>, vector<16xf32>
      %reduce_sum3A_1621 = arith.constant true
      %reduce_sum3A_1622 = vector.broadcast %reduce_sum3A_1621 : i1 to vector<16xi1>
      %reduce_sum3A_1623 = tpu.scan <sum>, %scan3A_1545#4 masked %reduce_sum3A_1622 : vector<16xf32>, vector<16xi1> -> vector<16xf32>
      %reduce_sum3A_1624 = vector.extract %reduce_sum3A_1623[15] : f32 from vector<16xf32>
      %reduce_sum3A_1625 = arith.constant true
      %reduce_sum3A_1626 = vector.broadcast %reduce_sum3A_1625 : i1 to vector<16xi1>
      %reduce_sum3A_1627 = tpu.scan <sum>, %scan3A_1545#12 masked %reduce_sum3A_1626 : vector<16xf32>, vector<16xi1> -> vector<16xf32>
      %reduce_sum3A_1628 = vector.extract %reduce_sum3A_1627[15] : f32 from vector<16xf32>
      %eq3A_1629 = arith.constant 4 : i32
      %eq3A_1630 = vector.broadcast %eq3A_1629 : i32 to vector<16xi32>
      %eq3A_1631 = arith.cmpi eq, %iota3A, %eq3A_1630 : vector<16xi32>
      %broadcast_in_dim3A_1632 = vector.broadcast %reduce_sum3A_1624 : f32 to vector<16xf32>
      %select_n3A_1633 = arith.select %eq3A_1631, %broadcast_in_dim3A_1632, %select_n3A_1620 : vector<16xi1>, vector<16xf32>
      %eq3A_1634 = arith.constant 12 : i32
      %eq3A_1635 = vector.broadcast %eq3A_1634 : i32 to vector<16xi32>
      %eq3A_1636 = arith.cmpi eq, %iota3A, %eq3A_1635 : vector<16xi32>
      %broadcast_in_dim3A_1637 = vector.broadcast %reduce_sum3A_1628 : f32 to vector<16xf32>
      %select_n3A_1638 = arith.select %eq3A_1636, %broadcast_in_dim3A_1637, %select_n3A_1633 : vector<16xi1>, vector<16xf32>
      %reduce_sum3A_1639 = arith.constant true
      %reduce_sum3A_1640 = vector.broadcast %reduce_sum3A_1639 : i1 to vector<16xi1>
      %reduce_sum3A_1641 = tpu.scan <sum>, %scan3A_1545#5 masked %reduce_sum3A_1640 : vector<16xf32>, vector<16xi1> -> vector<16xf32>
      %reduce_sum3A_1642 = vector.extract %reduce_sum3A_1641[15] : f32 from vector<16xf32>
      %reduce_sum3A_1643 = arith.constant true
      %reduce_sum3A_1644 = vector.broadcast %reduce_sum3A_1643 : i1 to vector<16xi1>
      %reduce_sum3A_1645 = tpu.scan <sum>, %scan3A_1545#13 masked %reduce_sum3A_1644 : vector<16xf32>, vector<16xi1> -> vector<16xf32>
      %reduce_sum3A_1646 = vector.extract %reduce_sum3A_1645[15] : f32 from vector<16xf32>
      %eq3A_1647 = arith.constant 5 : i32
      %eq3A_1648 = vector.broadcast %eq3A_1647 : i32 to vector<16xi32>
      %eq3A_1649 = arith.cmpi eq, %iota3A, %eq3A_1648 : vector<16xi32>
      %broadcast_in_dim3A_1650 = vector.broadcast %reduce_sum3A_1642 : f32 to vector<16xf32>
      %select_n3A_1651 = arith.select %eq3A_1649, %broadcast_in_dim3A_1650, %select_n3A_1638 : vector<16xi1>, vector<16xf32>
      %eq3A_1652 = arith.constant 13 : i32
      %eq3A_1653 = vector.broadcast %eq3A_1652 : i32 to vector<16xi32>
      %eq3A_1654 = arith.cmpi eq, %iota3A, %eq3A_1653 : vector<16xi32>
      %broadcast_in_dim3A_1655 = vector.broadcast %reduce_sum3A_1646 : f32 to vector<16xf32>
      %select_n3A_1656 = arith.select %eq3A_1654, %broadcast_in_dim3A_1655, %select_n3A_1651 : vector<16xi1>, vector<16xf32>
      %reduce_sum3A_1657 = arith.constant true
      %reduce_sum3A_1658 = vector.broadcast %reduce_sum3A_1657 : i1 to vector<16xi1>
      %reduce_sum3A_1659 = tpu.scan <sum>, %scan3A_1545#6 masked %reduce_sum3A_1658 : vector<16xf32>, vector<16xi1> -> vector<16xf32>
      %reduce_sum3A_1660 = vector.extract %reduce_sum3A_1659[15] : f32 from vector<16xf32>
      %reduce_sum3A_1661 = arith.constant true
      %reduce_sum3A_1662 = vector.broadcast %reduce_sum3A_1661 : i1 to vector<16xi1>
      %reduce_sum3A_1663 = tpu.scan <sum>, %scan3A_1545#14 masked %reduce_sum3A_1662 : vector<16xf32>, vector<16xi1> -> vector<16xf32>
      %reduce_sum3A_1664 = vector.extract %reduce_sum3A_1663[15] : f32 from vector<16xf32>
      %eq3A_1665 = arith.constant 6 : i32
      %eq3A_1666 = vector.broadcast %eq3A_1665 : i32 to vector<16xi32>
      %eq3A_1667 = arith.cmpi eq, %iota3A, %eq3A_1666 : vector<16xi32>
      %broadcast_in_dim3A_1668 = vector.broadcast %reduce_sum3A_1660 : f32 to vector<16xf32>
      %select_n3A_1669 = arith.select %eq3A_1667, %broadcast_in_dim3A_1668, %select_n3A_1656 : vector<16xi1>, vector<16xf32>
      %eq3A_1670 = arith.constant 14 : i32
      %eq3A_1671 = vector.broadcast %eq3A_1670 : i32 to vector<16xi32>
      %eq3A_1672 = arith.cmpi eq, %iota3A, %eq3A_1671 : vector<16xi32>
      %broadcast_in_dim3A_1673 = vector.broadcast %reduce_sum3A_1664 : f32 to vector<16xf32>
      %select_n3A_1674 = arith.select %eq3A_1672, %broadcast_in_dim3A_1673, %select_n3A_1669 : vector<16xi1>, vector<16xf32>
      %reduce_sum3A_1675 = arith.constant true
      %reduce_sum3A_1676 = vector.broadcast %reduce_sum3A_1675 : i1 to vector<16xi1>
      %reduce_sum3A_1677 = tpu.scan <sum>, %scan3A_1545#7 masked %reduce_sum3A_1676 : vector<16xf32>, vector<16xi1> -> vector<16xf32>
      %reduce_sum3A_1678 = vector.extract %reduce_sum3A_1677[15] : f32 from vector<16xf32>
      %reduce_sum3A_1679 = arith.constant true
      %reduce_sum3A_1680 = vector.broadcast %reduce_sum3A_1679 : i1 to vector<16xi1>
      %reduce_sum3A_1681 = tpu.scan <sum>, %scan3A_1545#15 masked %reduce_sum3A_1680 : vector<16xf32>, vector<16xi1> -> vector<16xf32>
      %reduce_sum3A_1682 = vector.extract %reduce_sum3A_1681[15] : f32 from vector<16xf32>
      %eq3A_1683 = arith.constant 7 : i32
      %eq3A_1684 = vector.broadcast %eq3A_1683 : i32 to vector<16xi32>
      %eq3A_1685 = arith.cmpi eq, %iota3A, %eq3A_1684 : vector<16xi32>
      %broadcast_in_dim3A_1686 = vector.broadcast %reduce_sum3A_1678 : f32 to vector<16xf32>
      %select_n3A_1687 = arith.select %eq3A_1685, %broadcast_in_dim3A_1686, %select_n3A_1674 : vector<16xi1>, vector<16xf32>
      %eq3A_1688 = arith.constant 15 : i32
      %eq3A_1689 = vector.broadcast %eq3A_1688 : i32 to vector<16xi32>
      %eq3A_1690 = arith.cmpi eq, %iota3A, %eq3A_1689 : vector<16xi32>
      %broadcast_in_dim3A_1691 = vector.broadcast %reduce_sum3A_1682 : f32 to vector<16xf32>
      %select_n3A_1692 = arith.select %eq3A_1690, %broadcast_in_dim3A_1691, %select_n3A_1687 : vector<16xi1>, vector<16xf32>
      %mul3A_1693 = arith.constant 16 : i32
      %mul3A_1694 = arith.muli %add3A_1538, %mul3A_1693 : i32
      %add3A_1695 = arith.constant 0 : i32
      %add3A_1696 = arith.addi %mul3A_1694, %add3A_1695 : i32
      %add3A_1697 = arith.constant 0 : i32
      %add3A_1698 = arith.addi %add3A_1696, %add3A_1697 : i32
      %jit3A_1699 = arith.constant 2 : i32
      %div3A_1700 = arith.divsi %add3A_1698, %jit3A_1699 : i32
      %sign3A_1701 = arith.constant 0 : i32
      %sign3A_1702 = arith.cmpi sgt, %add3A_1698, %sign3A_1701 : i32
      %sign3A_1703 = arith.extui %sign3A_1702 : i1 to i32
      %sign3A_1704 = arith.constant 0 : i32
      %sign3A_1705 = arith.cmpi slt, %add3A_1698, %sign3A_1704 : i32
      %sign3A_1706 = arith.extui %sign3A_1705 : i1 to i32
      %sign3A_1707 = arith.subi %sign3A_1703, %sign3A_1706 : i32
      %sign3A_1708 = arith.constant 0 : i32
      %sign3A_1709 = arith.cmpi sgt, %jit3A_1699, %sign3A_1708 : i32
      %sign3A_1710 = arith.extui %sign3A_1709 : i1 to i32
      %sign3A_1711 = arith.constant 0 : i32
      %sign3A_1712 = arith.cmpi slt, %jit3A_1699, %sign3A_1711 : i32
      %sign3A_1713 = arith.extui %sign3A_1712 : i1 to i32
      %sign3A_1714 = arith.subi %sign3A_1710, %sign3A_1713 : i32
      %ne3A_1715 = arith.cmpi ne, %sign3A_1707, %sign3A_1714 : i32
      %rem3A_1716 = arith.remsi %add3A_1698, %jit3A_1699 : i32
      %ne3A_1717 = arith.constant 0 : i32
      %ne3A_1718 = arith.cmpi ne, %rem3A_1716, %ne3A_1717 : i32
      %and3A_1719 = arith.andi %ne3A_1715, %ne3A_1718 : i1
      %sub3A_1720 = arith.constant 1 : i32
      %sub3A_1721 = arith.subi %div3A_1700, %sub3A_1720 : i32
      %select_n3A_1722 = arith.select %and3A_1719, %sub3A_1721, %div3A_1700 : i32
      %swap3A_1723 = arith.index_cast %select_n3A_1722 : i32 to index
      %swap3A_1724 = arith.constant 0 : index
      %swap3A_1725 = tpu.vector_load %arg7[%swap3A_1723, %swap3A_1724] {strides = array<i32>} : memref<80x16xf32, #tpu.memory_space<vmem>>, vector<16xf32>,
      tpu.vector_store %arg7[%swap3A_1723, %swap3A_1724], %select_n3A_1692 {strides = array<i32>} : memref<80x16xf32, #tpu.memory_space<vmem>>, vector<16xf32>,
      %broadcast_in_dim3A_1726 = arith.constant 0.000000e+00 : f32
      %broadcast_in_dim3A_1727 = vector.broadcast %broadcast_in_dim3A_1726 : f32 to vector<16xf32>
      %reduce_sum3A_1728 = arith.constant true
      %reduce_sum3A_1729 = vector.broadcast %reduce_sum3A_1728 : i1 to vector<16xi1>
      %reduce_sum3A_1730 = tpu.scan <sum>, %scan3A_1545#16 masked %reduce_sum3A_1729 : vector<16xf32>, vector<16xi1> -> vector<16xf32>
      %reduce_sum3A_1731 = vector.extract %reduce_sum3A_1730[15] : f32 from vector<16xf32>
      %reduce_sum3A_1732 = arith.constant true
      %reduce_sum3A_1733 = vector.broadcast %reduce_sum3A_1732 : i1 to vector<16xi1>
      %reduce_sum3A_1734 = tpu.scan <sum>, %scan3A_1545#24 masked %reduce_sum3A_1733 : vector<16xf32>, vector<16xi1> -> vector<16xf32>
      %reduce_sum3A_1735 = vector.extract %reduce_sum3A_1734[15] : f32 from vector<16xf32>
      %eq3A_1736 = arith.constant 0 : i32
      %eq3A_1737 = vector.broadcast %eq3A_1736 : i32 to vector<16xi32>
      %eq3A_1738 = arith.cmpi eq, %iota3A, %eq3A_1737 : vector<16xi32>
      %broadcast_in_dim3A_1739 = vector.broadcast %reduce_sum3A_1731 : f32 to vector<16xf32>
      %select_n3A_1740 = arith.select %eq3A_1738, %broadcast_in_dim3A_1739, %broadcast_in_dim3A_1727 : vector<16xi1>, vector<16xf32>
      %eq3A_1741 = arith.constant 8 : i32
      %eq3A_1742 = vector.broadcast %eq3A_1741 : i32 to vector<16xi32>
      %eq3A_1743 = arith.cmpi eq, %iota3A, %eq3A_1742 : vector<16xi32>
      %broadcast_in_dim3A_1744 = vector.broadcast %reduce_sum3A_1735 : f32 to vector<16xf32>
      %select_n3A_1745 = arith.select %eq3A_1743, %broadcast_in_dim3A_1744, %select_n3A_1740 : vector<16xi1>, vector<16xf32>
      %reduce_sum3A_1746 = arith.constant true
      %reduce_sum3A_1747 = vector.broadcast %reduce_sum3A_1746 : i1 to vector<16xi1>
      %reduce_sum3A_1748 = tpu.scan <sum>, %scan3A_1545#17 masked %reduce_sum3A_1747 : vector<16xf32>, vector<16xi1> -> vector<16xf32>
      %reduce_sum3A_1749 = vector.extract %reduce_sum3A_1748[15] : f32 from vector<16xf32>
      %reduce_sum3A_1750 = arith.constant true
      %reduce_sum3A_1751 = vector.broadcast %reduce_sum3A_1750 : i1 to vector<16xi1>
      %reduce_sum3A_1752 = tpu.scan <sum>, %scan3A_1545#25 masked %reduce_sum3A_1751 : vector<16xf32>, vector<16xi1> -> vector<16xf32>
      %reduce_sum3A_1753 = vector.extract %reduce_sum3A_1752[15] : f32 from vector<16xf32>
      %eq3A_1754 = arith.constant 1 : i32
      %eq3A_1755 = vector.broadcast %eq3A_1754 : i32 to vector<16xi32>
      %eq3A_1756 = arith.cmpi eq, %iota3A, %eq3A_1755 : vector<16xi32>
      %broadcast_in_dim3A_1757 = vector.broadcast %reduce_sum3A_1749 : f32 to vector<16xf32>
      %select_n3A_1758 = arith.select %eq3A_1756, %broadcast_in_dim3A_1757, %select_n3A_1745 : vector<16xi1>, vector<16xf32>
      %eq3A_1759 = arith.constant 9 : i32
      %eq3A_1760 = vector.broadcast %eq3A_1759 : i32 to vector<16xi32>
      %eq3A_1761 = arith.cmpi eq, %iota3A, %eq3A_1760 : vector<16xi32>
      %broadcast_in_dim3A_1762 = vector.broadcast %reduce_sum3A_1753 : f32 to vector<16xf32>
      %select_n3A_1763 = arith.select %eq3A_1761, %broadcast_in_dim3A_1762, %select_n3A_1758 : vector<16xi1>, vector<16xf32>
      %reduce_sum3A_1764 = arith.constant true
      %reduce_sum3A_1765 = vector.broadcast %reduce_sum3A_1764 : i1 to vector<16xi1>
      %reduce_sum3A_1766 = tpu.scan <sum>, %scan3A_1545#18 masked %reduce_sum3A_1765 : vector<16xf32>, vector<16xi1> -> vector<16xf32>
      %reduce_sum3A_1767 = vector.extract %reduce_sum3A_1766[15] : f32 from vector<16xf32>
      %reduce_sum3A_1768 = arith.constant true
      %reduce_sum3A_1769 = vector.broadcast %reduce_sum3A_1768 : i1 to vector<16xi1>
      %reduce_sum3A_1770 = tpu.scan <sum>, %scan3A_1545#26 masked %reduce_sum3A_1769 : vector<16xf32>, vector<16xi1> -> vector<16xf32>
      %reduce_sum3A_1771 = vector.extract %reduce_sum3A_1770[15] : f32 from vector<16xf32>
      %eq3A_1772 = arith.constant 2 : i32
      %eq3A_1773 = vector.broadcast %eq3A_1772 : i32 to vector<16xi32>
      %eq3A_1774 = arith.cmpi eq, %iota3A, %eq3A_1773 : vector<16xi32>
      %broadcast_in_dim3A_1775 = vector.broadcast %reduce_sum3A_1767 : f32 to vector<16xf32>
      %select_n3A_1776 = arith.select %eq3A_1774, %broadcast_in_dim3A_1775, %select_n3A_1763 : vector<16xi1>, vector<16xf32>
      %eq3A_1777 = arith.constant 10 : i32
      %eq3A_1778 = vector.broadcast %eq3A_1777 : i32 to vector<16xi32>
      %eq3A_1779 = arith.cmpi eq, %iota3A, %eq3A_1778 : vector<16xi32>
      %broadcast_in_dim3A_1780 = vector.broadcast %reduce_sum3A_1771 : f32 to vector<16xf32>
      %select_n3A_1781 = arith.select %eq3A_1779, %broadcast_in_dim3A_1780, %select_n3A_1776 : vector<16xi1>, vector<16xf32>
      %reduce_sum3A_1782 = arith.constant true
      %reduce_sum3A_1783 = vector.broadcast %reduce_sum3A_1782 : i1 to vector<16xi1>
      %reduce_sum3A_1784 = tpu.scan <sum>, %scan3A_1545#19 masked %reduce_sum3A_1783 : vector<16xf32>, vector<16xi1> -> vector<16xf32>
      %reduce_sum3A_1785 = vector.extract %reduce_sum3A_1784[15] : f32 from vector<16xf32>
      %reduce_sum3A_1786 = arith.constant true
      %reduce_sum3A_1787 = vector.broadcast %reduce_sum3A_1786 : i1 to vector<16xi1>
      %reduce_sum3A_1788 = tpu.scan <sum>, %scan3A_1545#27 masked %reduce_sum3A_1787 : vector<16xf32>, vector<16xi1> -> vector<16xf32>
      %reduce_sum3A_1789 = vector.extract %reduce_sum3A_1788[15] : f32 from vector<16xf32>
      %eq3A_1790 = arith.constant 3 : i32
      %eq3A_1791 = vector.broadcast %eq3A_1790 : i32 to vector<16xi32>
      %eq3A_1792 = arith.cmpi eq, %iota3A, %eq3A_1791 : vector<16xi32>
      %broadcast_in_dim3A_1793 = vector.broadcast %reduce_sum3A_1785 : f32 to vector<16xf32>
      %select_n3A_1794 = arith.select %eq3A_1792, %broadcast_in_dim3A_1793, %select_n3A_1781 : vector<16xi1>, vector<16xf32>
      %eq3A_1795 = arith.constant 11 : i32
      %eq3A_1796 = vector.broadcast %eq3A_1795 : i32 to vector<16xi32>
      %eq3A_1797 = arith.cmpi eq, %iota3A, %eq3A_1796 : vector<16xi32>
      %broadcast_in_dim3A_1798 = vector.broadcast %reduce_sum3A_1789 : f32 to vector<16xf32>
      %select_n3A_1799 = arith.select %eq3A_1797, %broadcast_in_dim3A_1798, %select_n3A_1794 : vector<16xi1>, vector<16xf32>
      %reduce_sum3A_1800 = arith.constant true
      %reduce_sum3A_1801 = vector.broadcast %reduce_sum3A_1800 : i1 to vector<16xi1>
      %reduce_sum3A_1802 = tpu.scan <sum>, %scan3A_1545#20 masked %reduce_sum3A_1801 : vector<16xf32>, vector<16xi1> -> vector<16xf32>
      %reduce_sum3A_1803 = vector.extract %reduce_sum3A_1802[15] : f32 from vector<16xf32>
      %reduce_sum3A_1804 = arith.constant true
      %reduce_sum3A_1805 = vector.broadcast %reduce_sum3A_1804 : i1 to vector<16xi1>
      %reduce_sum3A_1806 = tpu.scan <sum>, %scan3A_1545#28 masked %reduce_sum3A_1805 : vector<16xf32>, vector<16xi1> -> vector<16xf32>
      %reduce_sum3A_1807 = vector.extract %reduce_sum3A_1806[15] : f32 from vector<16xf32>
      %eq3A_1808 = arith.constant 4 : i32
      %eq3A_1809 = vector.broadcast %eq3A_1808 : i32 to vector<16xi32>
      %eq3A_1810 = arith.cmpi eq, %iota3A, %eq3A_1809 : vector<16xi32>
      %broadcast_in_dim3A_1811 = vector.broadcast %reduce_sum3A_1803 : f32 to vector<16xf32>
      %select_n3A_1812 = arith.select %eq3A_1810, %broadcast_in_dim3A_1811, %select_n3A_1799 : vector<16xi1>, vector<16xf32>
      %eq3A_1813 = arith.constant 12 : i32
      %eq3A_1814 = vector.broadcast %eq3A_1813 : i32 to vector<16xi32>
      %eq3A_1815 = arith.cmpi eq, %iota3A, %eq3A_1814 : vector<16xi32>
      %broadcast_in_dim3A_1816 = vector.broadcast %reduce_sum3A_1807 : f32 to vector<16xf32>
      %select_n3A_1817 = arith.select %eq3A_1815, %broadcast_in_dim3A_1816, %select_n3A_1812 : vector<16xi1>, vector<16xf32>
      %reduce_sum3A_1818 = arith.constant true
      %reduce_sum3A_1819 = vector.broadcast %reduce_sum3A_1818 : i1 to vector<16xi1>
      %reduce_sum3A_1820 = tpu.scan <sum>, %scan3A_1545#21 masked %reduce_sum3A_1819 : vector<16xf32>, vector<16xi1> -> vector<16xf32>
      %reduce_sum3A_1821 = vector.extract %reduce_sum3A_1820[15] : f32 from vector<16xf32>
      %reduce_sum3A_1822 = arith.constant true
      %reduce_sum3A_1823 = vector.broadcast %reduce_sum3A_1822 : i1 to vector<16xi1>
      %reduce_sum3A_1824 = tpu.scan <sum>, %scan3A_1545#29 masked %reduce_sum3A_1823 : vector<16xf32>, vector<16xi1> -> vector<16xf32>
      %reduce_sum3A_1825 = vector.extract %reduce_sum3A_1824[15] : f32 from vector<16xf32>
      %eq3A_1826 = arith.constant 5 : i32
      %eq3A_1827 = vector.broadcast %eq3A_1826 : i32 to vector<16xi32>
      %eq3A_1828 = arith.cmpi eq, %iota3A, %eq3A_1827 : vector<16xi32>
      %broadcast_in_dim3A_1829 = vector.broadcast %reduce_sum3A_1821 : f32 to vector<16xf32>
      %select_n3A_1830 = arith.select %eq3A_1828, %broadcast_in_dim3A_1829, %select_n3A_1817 : vector<16xi1>, vector<16xf32>
      %eq3A_1831 = arith.constant 13 : i32
      %eq3A_1832 = vector.broadcast %eq3A_1831 : i32 to vector<16xi32>
      %eq3A_1833 = arith.cmpi eq, %iota3A, %eq3A_1832 : vector<16xi32>
      %broadcast_in_dim3A_1834 = vector.broadcast %reduce_sum3A_1825 : f32 to vector<16xf32>
      %select_n3A_1835 = arith.select %eq3A_1833, %broadcast_in_dim3A_1834, %select_n3A_1830 : vector<16xi1>, vector<16xf32>
      %reduce_sum3A_1836 = arith.constant true
      %reduce_sum3A_1837 = vector.broadcast %reduce_sum3A_1836 : i1 to vector<16xi1>
      %reduce_sum3A_1838 = tpu.scan <sum>, %scan3A_1545#22 masked %reduce_sum3A_1837 : vector<16xf32>, vector<16xi1> -> vector<16xf32>
      %reduce_sum3A_1839 = vector.extract %reduce_sum3A_1838[15] : f32 from vector<16xf32>
      %reduce_sum3A_1840 = arith.constant true
      %reduce_sum3A_1841 = vector.broadcast %reduce_sum3A_1840 : i1 to vector<16xi1>
      %reduce_sum3A_1842 = tpu.scan <sum>, %scan3A_1545#30 masked %reduce_sum3A_1841 : vector<16xf32>, vector<16xi1> -> vector<16xf32>
      %reduce_sum3A_1843 = vector.extract %reduce_sum3A_1842[15] : f32 from vector<16xf32>
      %eq3A_1844 = arith.constant 6 : i32
      %eq3A_1845 = vector.broadcast %eq3A_1844 : i32 to vector<16xi32>
      %eq3A_1846 = arith.cmpi eq, %iota3A, %eq3A_1845 : vector<16xi32>
      %broadcast_in_dim3A_1847 = vector.broadcast %reduce_sum3A_1839 : f32 to vector<16xf32>
      %select_n3A_1848 = arith.select %eq3A_1846, %broadcast_in_dim3A_1847, %select_n3A_1835 : vector<16xi1>, vector<16xf32>
      %eq3A_1849 = arith.constant 14 : i32
      %eq3A_1850 = vector.broadcast %eq3A_1849 : i32 to vector<16xi32>
      %eq3A_1851 = arith.cmpi eq, %iota3A, %eq3A_1850 : vector<16xi32>
      %broadcast_in_dim3A_1852 = vector.broadcast %reduce_sum3A_1843 : f32 to vector<16xf32>
      %select_n3A_1853 = arith.select %eq3A_1851, %broadcast_in_dim3A_1852, %select_n3A_1848 : vector<16xi1>, vector<16xf32>
      %reduce_sum3A_1854 = arith.constant true
      %reduce_sum3A_1855 = vector.broadcast %reduce_sum3A_1854 : i1 to vector<16xi1>
      %reduce_sum3A_1856 = tpu.scan <sum>, %scan3A_1545#23 masked %reduce_sum3A_1855 : vector<16xf32>, vector<16xi1> -> vector<16xf32>
      %reduce_sum3A_1857 = vector.extract %reduce_sum3A_1856[15] : f32 from vector<16xf32>
      %reduce_sum3A_1858 = arith.constant true
      %reduce_sum3A_1859 = vector.broadcast %reduce_sum3A_1858 : i1 to vector<16xi1>
      %reduce_sum3A_1860 = tpu.scan <sum>, %scan3A_1545#31 masked %reduce_sum3A_1859 : vector<16xf32>, vector<16xi1> -> vector<16xf32>
      %reduce_sum3A_1861 = vector.extract %reduce_sum3A_1860[15] : f32 from vector<16xf32>
      %eq3A_1862 = arith.constant 7 : i32
      %eq3A_1863 = vector.broadcast %eq3A_1862 : i32 to vector<16xi32>
      %eq3A_1864 = arith.cmpi eq, %iota3A, %eq3A_1863 : vector<16xi32>
      %broadcast_in_dim3A_1865 = vector.broadcast %reduce_sum3A_1857 : f32 to vector<16xf32>
      %select_n3A_1866 = arith.select %eq3A_1864, %broadcast_in_dim3A_1865, %select_n3A_1853 : vector<16xi1>, vector<16xf32>
      %eq3A_1867 = arith.constant 15 : i32
      %eq3A_1868 = vector.broadcast %eq3A_1867 : i32 to vector<16xi32>
      %eq3A_1869 = arith.cmpi eq, %iota3A, %eq3A_1868 : vector<16xi32>
      %broadcast_in_dim3A_1870 = vector.broadcast %reduce_sum3A_1861 : f32 to vector<16xf32>
      %select_n3A_1871 = arith.select %eq3A_1869, %broadcast_in_dim3A_1870, %select_n3A_1866 : vector<16xi1>, vector<16xf32>
      %mul3A_1872 = arith.constant 16 : i32
      %mul3A_1873 = arith.muli %add3A_1538, %mul3A_1872 : i32
      %add3A_1874 = arith.constant 0 : i32
      %add3A_1875 = arith.addi %mul3A_1873, %add3A_1874 : i32
      %add3A_1876 = arith.constant 2 : i32
      %add3A_1877 = arith.addi %add3A_1875, %add3A_1876 : i32
      %jit3A_1878 = arith.constant 2 : i32
      %div3A_1879 = arith.divsi %add3A_1877, %jit3A_1878 : i32
      %sign3A_1880 = arith.constant 0 : i32
      %sign3A_1881 = arith.cmpi sgt, %add3A_1877, %sign3A_1880 : i32
      %sign3A_1882 = arith.extui %sign3A_1881 : i1 to i32
      %sign3A_1883 = arith.constant 0 : i32
      %sign3A_1884 = arith.cmpi slt, %add3A_1877, %sign3A_1883 : i32
      %sign3A_1885 = arith.extui %sign3A_1884 : i1 to i32
      %sign3A_1886 = arith.subi %sign3A_1882, %sign3A_1885 : i32
      %sign3A_1887 = arith.constant 0 : i32
      %sign3A_1888 = arith.cmpi sgt, %jit3A_1878, %sign3A_1887 : i32
      %sign3A_1889 = arith.extui %sign3A_1888 : i1 to i32
      %sign3A_1890 = arith.constant 0 : i32
      %sign3A_1891 = arith.cmpi slt, %jit3A_1878, %sign3A_1890 : i32
      %sign3A_1892 = arith.extui %sign3A_1891 : i1 to i32
      %sign3A_1893 = arith.subi %sign3A_1889, %sign3A_1892 : i32
      %ne3A_1894 = arith.cmpi ne, %sign3A_1886, %sign3A_1893 : i32
      %rem3A_1895 = arith.remsi %add3A_1877, %jit3A_1878 : i32
      %ne3A_1896 = arith.constant 0 : i32
      %ne3A_1897 = arith.cmpi ne, %rem3A_1895, %ne3A_1896 : i32
      %and3A_1898 = arith.andi %ne3A_1894, %ne3A_1897 : i1
      %sub3A_1899 = arith.constant 1 : i32
      %sub3A_1900 = arith.subi %div3A_1879, %sub3A_1899 : i32
      %select_n3A_1901 = arith.select %and3A_1898, %sub3A_1900, %div3A_1879 : i32
      %swap3A_1902 = arith.index_cast %select_n3A_1901 : i32 to index
      %swap3A_1903 = arith.constant 0 : index
      %swap3A_1904 = tpu.vector_load %arg7[%swap3A_1902, %swap3A_1903] {strides = array<i32>} : memref<80x16xf32, #tpu.memory_space<vmem>>, vector<16xf32>,
      tpu.vector_store %arg7[%swap3A_1902, %swap3A_1903], %select_n3A_1871 {strides = array<i32>} : memref<80x16xf32, #tpu.memory_space<vmem>>, vector<16xf32>,
      %broadcast_in_dim3A_1905 = arith.constant 0.000000e+00 : f32
      %broadcast_in_dim3A_1906 = vector.broadcast %broadcast_in_dim3A_1905 : f32 to vector<16xf32>
      %scan3A_1907 = arith.constant 0 : i32
      %scan3A_1908 = arith.constant 128 : i32
      %scan3A_1909 = arith.addi %scan3A_1907, %scan3A_1908 : i32
      %scan3A_1910 = arith.constant 1 : i32
      %scan3A_1911:32 = scf.for %scan3A_3003 = %scan3A_1907 to %scan3A_1909 step %scan3A_1910 iter_args(%scan3A_3004 = %broadcast_in_dim3A_1906, %scan3A_3005 = %broadcast_in_dim3A_1906, %scan3A_3006 = %broadcast_in_dim3A_1906, %scan3A_3007 = %broadcast_in_dim3A_1906, %scan3A_3008 = %broadcast_in_dim3A_1906, %scan3A_3009 = %broadcast_in_dim3A_1906, %scan3A_3010 = %broadcast_in_dim3A_1906, %scan3A_3011 = %broadcast_in_dim3A_1906, %scan3A_3012 = %broadcast_in_dim3A_1906, %scan3A_3013 = %broadcast_in_dim3A_1906, %scan3A_3014 = %broadcast_in_dim3A_1906, %scan3A_3015 = %broadcast_in_dim3A_1906, %scan3A_3016 = %broadcast_in_dim3A_1906, %scan3A_3017 = %broadcast_in_dim3A_1906, %scan3A_3018 = %broadcast_in_dim3A_1906, %scan3A_3019 = %broadcast_in_dim3A_1906, %scan3A_3020 = %broadcast_in_dim3A_1906, %scan3A_3021 = %broadcast_in_dim3A_1906, %scan3A_3022 = %broadcast_in_dim3A_1906, %scan3A_3023 = %broadcast_in_dim3A_1906, %scan3A_3024 = %broadcast_in_dim3A_1906, %scan3A_3025 = %broadcast_in_dim3A_1906, %scan3A_3026 = %broadcast_in_dim3A_1906, %scan3A_3027 = %broadcast_in_dim3A_1906, %scan3A_3028 = %broadcast_in_dim3A_1906, %scan3A_3029 = %broadcast_in_dim3A_1906, %scan3A_3030 = %broadcast_in_dim3A_1906, %scan3A_3031 = %broadcast_in_dim3A_1906, %scan3A_3032 = %broadcast_in_dim3A_1906, %scan3A_3033 = %broadcast_in_dim3A_1906, %scan3A_3034 = %broadcast_in_dim3A_1906, %scan3A_3035 = %broadcast_in_dim3A_1906) -> (vector<16xf32>, vector<16xf32>, vector<16xf32>, vector<16xf32>, vector<16xf32>, vector<16xf32>, vector<16xf32>, vector<16xf32>, vector<16xf32>, vector<16xf32>, vector<16xf32>, vector<16xf32>, vector<16xf32>, vector<16xf32>, vector<16xf32>, vector<16xf32>, vector<16xf32>, vector<16xf32>, vector<16xf32>, vector<16xf32>, vector<16xf32>, vector<16xf32>, vector<16xf32>, vector<16xf32>, vector<16xf32>, vector<16xf32>, vector<16xf32>, vector<16xf32>, vector<16xf32>, vector<16xf32>, vector<16xf32>, vector<16xf32>)  : i32 {
        %mul3A_3036 = arith.constant 16 : i32
        %mul3A_3037 = arith.muli %scan3A_3003, %mul3A_3036 : i32
        %get3A = arith.constant 0 : i32
        %get3A_3038 = arith.index_cast %get3A : i32 to index
        %get3A_3039 = arith.index_cast %mul3A_3037 : i32 to index
        %get3A_3040 = tpu.vector_load %arg5[%get3A_3038, %get3A_3039] {strides = array<i32>} : memref<8x2048xf32, #tpu.memory_space<vmem>>, vector<16xf32>,
        %get3A_3041 = arith.constant 1 : i32
        %get3A_3042 = arith.index_cast %get3A_3041 : i32 to index
        %get3A_3043 = arith.index_cast %mul3A_3037 : i32 to index
        %get3A_3044 = tpu.vector_load %arg5[%get3A_3042, %get3A_3043] {strides = array<i32>} : memref<8x2048xf32, #tpu.memory_space<vmem>>, vector<16xf32>,
        %get3A_3045 = arith.constant 2 : i32
        %get3A_3046 = arith.index_cast %get3A_3045 : i32 to index
        %get3A_3047 = arith.index_cast %mul3A_3037 : i32 to index
        %get3A_3048 = tpu.vector_load %arg5[%get3A_3046, %get3A_3047] {strides = array<i32>} : memref<8x2048xf32, #tpu.memory_space<vmem>>, vector<16xf32>,
        %get3A_3049 = arith.constant 3 : i32
        %get3A_3050 = arith.index_cast %get3A_3049 : i32 to index
        %get3A_3051 = arith.index_cast %mul3A_3037 : i32 to index
        %get3A_3052 = tpu.vector_load %arg5[%get3A_3050, %get3A_3051] {strides = array<i32>} : memref<8x2048xf32, #tpu.memory_space<vmem>>, vector<16xf32>,
        %get3A_3053 = arith.constant 4 : i32
        %get3A_3054 = arith.index_cast %get3A_3053 : i32 to index
        %get3A_3055 = arith.index_cast %mul3A_3037 : i32 to index
        %get3A_3056 = tpu.vector_load %arg5[%get3A_3054, %get3A_3055] {strides = array<i32>} : memref<8x2048xf32, #tpu.memory_space<vmem>>, vector<16xf32>,
        %get3A_3057 = arith.constant 5 : i32
        %get3A_3058 = arith.index_cast %get3A_3057 : i32 to index
        %get3A_3059 = arith.index_cast %mul3A_3037 : i32 to index
        %get3A_3060 = tpu.vector_load %arg5[%get3A_3058, %get3A_3059] {strides = array<i32>} : memref<8x2048xf32, #tpu.memory_space<vmem>>, vector<16xf32>,
        %get3A_3061 = arith.constant 6 : i32
        %get3A_3062 = arith.index_cast %get3A_3061 : i32 to index
        %get3A_3063 = arith.index_cast %mul3A_3037 : i32 to index
        %get3A_3064 = tpu.vector_load %arg5[%get3A_3062, %get3A_3063] {strides = array<i32>} : memref<8x2048xf32, #tpu.memory_space<vmem>>, vector<16xf32>,
        %get3A_3065 = arith.constant 7 : i32
        %get3A_3066 = arith.index_cast %get3A_3065 : i32 to index
        %get3A_3067 = arith.index_cast %mul3A_3037 : i32 to index
        %get3A_3068 = tpu.vector_load %arg5[%get3A_3066, %get3A_3067] {strides = array<i32>} : memref<8x2048xf32, #tpu.memory_space<vmem>>, vector<16xf32>,
        %get3A_3069 = arith.constant 1 : i32
        %get3A_3070 = arith.constant 4 : i32
        %get3A_3071 = arith.index_cast %get3A_3069 : i32 to index
        %get3A_3072 = arith.index_cast %get3A_3070 : i32 to index
        %get3A_3073 = arith.index_cast %mul3A_3037 : i32 to index
        %get3A_3074 = tpu.vector_load %arg6[%get3A_3071, %get3A_3072, %get3A_3073] {strides = array<i32>} : memref<2x16x2048xf32, #tpu.memory_space<vmem>>, vector<16xf32>,
        %mul3A_3075 = arith.mulf %get3A_3074, %get3A_3040 : vector<16xf32>
        %add3A_3076 = arith.addf %scan3A_3004, %mul3A_3075 : vector<16xf32>
        %mul3A_3077 = arith.mulf %get3A_3074, %get3A_3044 : vector<16xf32>
        %add3A_3078 = arith.addf %scan3A_3005, %mul3A_3077 : vector<16xf32>
        %mul3A_3079 = arith.mulf %get3A_3074, %get3A_3048 : vector<16xf32>
        %add3A_3080 = arith.addf %scan3A_3006, %mul3A_3079 : vector<16xf32>
        %mul3A_3081 = arith.mulf %get3A_3074, %get3A_3052 : vector<16xf32>
        %add3A_3082 = arith.addf %scan3A_3007, %mul3A_3081 : vector<16xf32>
        %mul3A_3083 = arith.mulf %get3A_3074, %get3A_3056 : vector<16xf32>
        %add3A_3084 = arith.addf %scan3A_3008, %mul3A_3083 : vector<16xf32>
        %mul3A_3085 = arith.mulf %get3A_3074, %get3A_3060 : vector<16xf32>
        %add3A_3086 = arith.addf %scan3A_3009, %mul3A_3085 : vector<16xf32>
        %mul3A_3087 = arith.mulf %get3A_3074, %get3A_3064 : vector<16xf32>
        %add3A_3088 = arith.addf %scan3A_3010, %mul3A_3087 : vector<16xf32>
        %mul3A_3089 = arith.mulf %get3A_3074, %get3A_3068 : vector<16xf32>
        %add3A_3090 = arith.addf %scan3A_3011, %mul3A_3089 : vector<16xf32>
        %get3A_3091 = arith.constant 1 : i32
        %get3A_3092 = arith.constant 5 : i32
        %get3A_3093 = arith.index_cast %get3A_3091 : i32 to index
        %get3A_3094 = arith.index_cast %get3A_3092 : i32 to index
        %get3A_3095 = arith.index_cast %mul3A_3037 : i32 to index
        %get3A_3096 = tpu.vector_load %arg6[%get3A_3093, %get3A_3094, %get3A_3095] {strides = array<i32>} : memref<2x16x2048xf32, #tpu.memory_space<vmem>>, vector<16xf32>,
        %mul3A_3097 = arith.mulf %get3A_3096, %get3A_3040 : vector<16xf32>
        %add3A_3098 = arith.addf %scan3A_3012, %mul3A_3097 : vector<16xf32>
        %mul3A_3099 = arith.mulf %get3A_3096, %get3A_3044 : vector<16xf32>
        %add3A_3100 = arith.addf %scan3A_3013, %mul3A_3099 : vector<16xf32>
        %mul3A_3101 = arith.mulf %get3A_3096, %get3A_3048 : vector<16xf32>
        %add3A_3102 = arith.addf %scan3A_3014, %mul3A_3101 : vector<16xf32>
        %mul3A_3103 = arith.mulf %get3A_3096, %get3A_3052 : vector<16xf32>
        %add3A_3104 = arith.addf %scan3A_3015, %mul3A_3103 : vector<16xf32>
        %mul3A_3105 = arith.mulf %get3A_3096, %get3A_3056 : vector<16xf32>
        %add3A_3106 = arith.addf %scan3A_3016, %mul3A_3105 : vector<16xf32>
        %mul3A_3107 = arith.mulf %get3A_3096, %get3A_3060 : vector<16xf32>
        %add3A_3108 = arith.addf %scan3A_3017, %mul3A_3107 : vector<16xf32>
        %mul3A_3109 = arith.mulf %get3A_3096, %get3A_3064 : vector<16xf32>
        %add3A_3110 = arith.addf %scan3A_3018, %mul3A_3109 : vector<16xf32>
        %mul3A_3111 = arith.mulf %get3A_3096, %get3A_3068 : vector<16xf32>
        %add3A_3112 = arith.addf %scan3A_3019, %mul3A_3111 : vector<16xf32>
        %get3A_3113 = arith.constant 1 : i32
        %get3A_3114 = arith.constant 6 : i32
        %get3A_3115 = arith.index_cast %get3A_3113 : i32 to index
        %get3A_3116 = arith.index_cast %get3A_3114 : i32 to index
        %get3A_3117 = arith.index_cast %mul3A_3037 : i32 to index
        %get3A_3118 = tpu.vector_load %arg6[%get3A_3115, %get3A_3116, %get3A_3117] {strides = array<i32>} : memref<2x16x2048xf32, #tpu.memory_space<vmem>>, vector<16xf32>,
        %mul3A_3119 = arith.mulf %get3A_3118, %get3A_3040 : vector<16xf32>
        %add3A_3120 = arith.addf %scan3A_3020, %mul3A_3119 : vector<16xf32>
        %mul3A_3121 = arith.mulf %get3A_3118, %get3A_3044 : vector<16xf32>
        %add3A_3122 = arith.addf %scan3A_3021, %mul3A_3121 : vector<16xf32>
        %mul3A_3123 = arith.mulf %get3A_3118, %get3A_3048 : vector<16xf32>
        %add3A_3124 = arith.addf %scan3A_3022, %mul3A_3123 : vector<16xf32>
        %mul3A_3125 = arith.mulf %get3A_3118, %get3A_3052 : vector<16xf32>
        %add3A_3126 = arith.addf %scan3A_3023, %mul3A_3125 : vector<16xf32>
        %mul3A_3127 = arith.mulf %get3A_3118, %get3A_3056 : vector<16xf32>
        %add3A_3128 = arith.addf %scan3A_3024, %mul3A_3127 : vector<16xf32>
        %mul3A_3129 = arith.mulf %get3A_3118, %get3A_3060 : vector<16xf32>
        %add3A_3130 = arith.addf %scan3A_3025, %mul3A_3129 : vector<16xf32>
        %mul3A_3131 = arith.mulf %get3A_3118, %get3A_3064 : vector<16xf32>
        %add3A_3132 = arith.addf %scan3A_3026, %mul3A_3131 : vector<16xf32>
        %mul3A_3133 = arith.mulf %get3A_3118, %get3A_3068 : vector<16xf32>
        %add3A_3134 = arith.addf %scan3A_3027, %mul3A_3133 : vector<16xf32>
        %get3A_3135 = arith.constant 1 : i32
        %get3A_3136 = arith.constant 7 : i32
        %get3A_3137 = arith.index_cast %get3A_3135 : i32 to index
        %get3A_3138 = arith.index_cast %get3A_3136 : i32 to index
        %get3A_3139 = arith.index_cast %mul3A_3037 : i32 to index
        %get3A_3140 = tpu.vector_load %arg6[%get3A_3137, %get3A_3138, %get3A_3139] {strides = array<i32>} : memref<2x16x2048xf32, #tpu.memory_space<vmem>>, vector<16xf32>,
        %mul3A_3141 = arith.mulf %get3A_3140, %get3A_3040 : vector<16xf32>
        %add3A_3142 = arith.addf %scan3A_3028, %mul3A_3141 : vector<16xf32>
        %mul3A_3143 = arith.mulf %get3A_3140, %get3A_3044 : vector<16xf32>
        %add3A_3144 = arith.addf %scan3A_3029, %mul3A_3143 : vector<16xf32>
        %mul3A_3145 = arith.mulf %get3A_3140, %get3A_3048 : vector<16xf32>
        %add3A_3146 = arith.addf %scan3A_3030, %mul3A_3145 : vector<16xf32>
        %mul3A_3147 = arith.mulf %get3A_3140, %get3A_3052 : vector<16xf32>
        %add3A_3148 = arith.addf %scan3A_3031, %mul3A_3147 : vector<16xf32>
        %mul3A_3149 = arith.mulf %get3A_3140, %get3A_3056 : vector<16xf32>
        %add3A_3150 = arith.addf %scan3A_3032, %mul3A_3149 : vector<16xf32>
        %mul3A_3151 = arith.mulf %get3A_3140, %get3A_3060 : vector<16xf32>
        %add3A_3152 = arith.addf %scan3A_3033, %mul3A_3151 : vector<16xf32>
        %mul3A_3153 = arith.mulf %get3A_3140, %get3A_3064 : vector<16xf32>
        %add3A_3154 = arith.addf %scan3A_3034, %mul3A_3153 : vector<16xf32>
        %mul3A_3155 = arith.mulf %get3A_3140, %get3A_3068 : vector<16xf32>
        %add3A_3156 = arith.addf %scan3A_3035, %mul3A_3155 : vector<16xf32>
        scf.yield %add3A_3076, %add3A_3078, %add3A_3080, %add3A_3082, %add3A_3084, %add3A_3086, %add3A_3088, %add3A_3090, %add3A_3098, %add3A_3100, %add3A_3102, %add3A_3104, %add3A_3106, %add3A_3108, %add3A_3110, %add3A_3112, %add3A_3120, %add3A_3122, %add3A_3124, %add3A_3126, %add3A_3128, %add3A_3130, %add3A_3132, %add3A_3134, %add3A_3142, %add3A_3144, %add3A_3146, %add3A_3148, %add3A_3150, %add3A_3152, %add3A_3154, %add3A_3156 : vector<16xf32>, vector<16xf32>, vector<16xf32>, vector<16xf32>, vector<16xf32>, vector<16xf32>, vector<16xf32>, vector<16xf32>, vector<16xf32>, vector<16xf32>, vector<16xf32>, vector<16xf32>, vector<16xf32>, vector<16xf32>, vector<16xf32>, vector<16xf32>, vector<16xf32>, vector<16xf32>, vector<16xf32>, vector<16xf32>, vector<16xf32>, vector<16xf32>, vector<16xf32>, vector<16xf32>, vector<16xf32>, vector<16xf32>, vector<16xf32>, vector<16xf32>, vector<16xf32>, vector<16xf32>, vector<16xf32>, vector<16xf32>
      }
      %scan3A_1912 = arith.constant 128 : i32
      %broadcast_in_dim3A_1913 = arith.constant 0.000000e+00 : f32
      %broadcast_in_dim3A_1914 = vector.broadcast %broadcast_in_dim3A_1913 : f32 to vector<16xf32>
      %reduce_sum3A_1915 = arith.constant true
      %reduce_sum3A_1916 = vector.broadcast %reduce_sum3A_1915 : i1 to vector<16xi1>
      %reduce_sum3A_1917 = tpu.scan <sum>, %scan3A_1911#0 masked %reduce_sum3A_1916 : vector<16xf32>, vector<16xi1> -> vector<16xf32>
      %reduce_sum3A_1918 = vector.extract %reduce_sum3A_1917[15] : f32 from vector<16xf32>
      %reduce_sum3A_1919 = arith.constant true
      %reduce_sum3A_1920 = vector.broadcast %reduce_sum3A_1919 : i1 to vector<16xi1>
      %reduce_sum3A_1921 = tpu.scan <sum>, %scan3A_1911#8 masked %reduce_sum3A_1920 : vector<16xf32>, vector<16xi1> -> vector<16xf32>
      %reduce_sum3A_1922 = vector.extract %reduce_sum3A_1921[15] : f32 from vector<16xf32>
      %eq3A_1923 = arith.constant 0 : i32
      %eq3A_1924 = vector.broadcast %eq3A_1923 : i32 to vector<16xi32>
      %eq3A_1925 = arith.cmpi eq, %iota3A, %eq3A_1924 : vector<16xi32>
      %broadcast_in_dim3A_1926 = vector.broadcast %reduce_sum3A_1918 : f32 to vector<16xf32>
      %select_n3A_1927 = arith.select %eq3A_1925, %broadcast_in_dim3A_1926, %broadcast_in_dim3A_1914 : vector<16xi1>, vector<16xf32>
      %eq3A_1928 = arith.constant 8 : i32
      %eq3A_1929 = vector.broadcast %eq3A_1928 : i32 to vector<16xi32>
      %eq3A_1930 = arith.cmpi eq, %iota3A, %eq3A_1929 : vector<16xi32>
      %broadcast_in_dim3A_1931 = vector.broadcast %reduce_sum3A_1922 : f32 to vector<16xf32>
      %select_n3A_1932 = arith.select %eq3A_1930, %broadcast_in_dim3A_1931, %select_n3A_1927 : vector<16xi1>, vector<16xf32>
      %reduce_sum3A_1933 = arith.constant true
      %reduce_sum3A_1934 = vector.broadcast %reduce_sum3A_1933 : i1 to vector<16xi1>
      %reduce_sum3A_1935 = tpu.scan <sum>, %scan3A_1911#1 masked %reduce_sum3A_1934 : vector<16xf32>, vector<16xi1> -> vector<16xf32>
      %reduce_sum3A_1936 = vector.extract %reduce_sum3A_1935[15] : f32 from vector<16xf32>
      %reduce_sum3A_1937 = arith.constant true
      %reduce_sum3A_1938 = vector.broadcast %reduce_sum3A_1937 : i1 to vector<16xi1>
      %reduce_sum3A_1939 = tpu.scan <sum>, %scan3A_1911#9 masked %reduce_sum3A_1938 : vector<16xf32>, vector<16xi1> -> vector<16xf32>
      %reduce_sum3A_1940 = vector.extract %reduce_sum3A_1939[15] : f32 from vector<16xf32>
      %eq3A_1941 = arith.constant 1 : i32
      %eq3A_1942 = vector.broadcast %eq3A_1941 : i32 to vector<16xi32>
      %eq3A_1943 = arith.cmpi eq, %iota3A, %eq3A_1942 : vector<16xi32>
      %broadcast_in_dim3A_1944 = vector.broadcast %reduce_sum3A_1936 : f32 to vector<16xf32>
      %select_n3A_1945 = arith.select %eq3A_1943, %broadcast_in_dim3A_1944, %select_n3A_1932 : vector<16xi1>, vector<16xf32>
      %eq3A_1946 = arith.constant 9 : i32
      %eq3A_1947 = vector.broadcast %eq3A_1946 : i32 to vector<16xi32>
      %eq3A_1948 = arith.cmpi eq, %iota3A, %eq3A_1947 : vector<16xi32>
      %broadcast_in_dim3A_1949 = vector.broadcast %reduce_sum3A_1940 : f32 to vector<16xf32>
      %select_n3A_1950 = arith.select %eq3A_1948, %broadcast_in_dim3A_1949, %select_n3A_1945 : vector<16xi1>, vector<16xf32>
      %reduce_sum3A_1951 = arith.constant true
      %reduce_sum3A_1952 = vector.broadcast %reduce_sum3A_1951 : i1 to vector<16xi1>
      %reduce_sum3A_1953 = tpu.scan <sum>, %scan3A_1911#2 masked %reduce_sum3A_1952 : vector<16xf32>, vector<16xi1> -> vector<16xf32>
      %reduce_sum3A_1954 = vector.extract %reduce_sum3A_1953[15] : f32 from vector<16xf32>
      %reduce_sum3A_1955 = arith.constant true
      %reduce_sum3A_1956 = vector.broadcast %reduce_sum3A_1955 : i1 to vector<16xi1>
      %reduce_sum3A_1957 = tpu.scan <sum>, %scan3A_1911#10 masked %reduce_sum3A_1956 : vector<16xf32>, vector<16xi1> -> vector<16xf32>
      %reduce_sum3A_1958 = vector.extract %reduce_sum3A_1957[15] : f32 from vector<16xf32>
      %eq3A_1959 = arith.constant 2 : i32
      %eq3A_1960 = vector.broadcast %eq3A_1959 : i32 to vector<16xi32>
      %eq3A_1961 = arith.cmpi eq, %iota3A, %eq3A_1960 : vector<16xi32>
      %broadcast_in_dim3A_1962 = vector.broadcast %reduce_sum3A_1954 : f32 to vector<16xf32>
      %select_n3A_1963 = arith.select %eq3A_1961, %broadcast_in_dim3A_1962, %select_n3A_1950 : vector<16xi1>, vector<16xf32>
      %eq3A_1964 = arith.constant 10 : i32
      %eq3A_1965 = vector.broadcast %eq3A_1964 : i32 to vector<16xi32>
      %eq3A_1966 = arith.cmpi eq, %iota3A, %eq3A_1965 : vector<16xi32>
      %broadcast_in_dim3A_1967 = vector.broadcast %reduce_sum3A_1958 : f32 to vector<16xf32>
      %select_n3A_1968 = arith.select %eq3A_1966, %broadcast_in_dim3A_1967, %select_n3A_1963 : vector<16xi1>, vector<16xf32>
      %reduce_sum3A_1969 = arith.constant true
      %reduce_sum3A_1970 = vector.broadcast %reduce_sum3A_1969 : i1 to vector<16xi1>
      %reduce_sum3A_1971 = tpu.scan <sum>, %scan3A_1911#3 masked %reduce_sum3A_1970 : vector<16xf32>, vector<16xi1> -> vector<16xf32>
      %reduce_sum3A_1972 = vector.extract %reduce_sum3A_1971[15] : f32 from vector<16xf32>
      %reduce_sum3A_1973 = arith.constant true
      %reduce_sum3A_1974 = vector.broadcast %reduce_sum3A_1973 : i1 to vector<16xi1>
      %reduce_sum3A_1975 = tpu.scan <sum>, %scan3A_1911#11 masked %reduce_sum3A_1974 : vector<16xf32>, vector<16xi1> -> vector<16xf32>
      %reduce_sum3A_1976 = vector.extract %reduce_sum3A_1975[15] : f32 from vector<16xf32>
      %eq3A_1977 = arith.constant 3 : i32
      %eq3A_1978 = vector.broadcast %eq3A_1977 : i32 to vector<16xi32>
      %eq3A_1979 = arith.cmpi eq, %iota3A, %eq3A_1978 : vector<16xi32>
      %broadcast_in_dim3A_1980 = vector.broadcast %reduce_sum3A_1972 : f32 to vector<16xf32>
      %select_n3A_1981 = arith.select %eq3A_1979, %broadcast_in_dim3A_1980, %select_n3A_1968 : vector<16xi1>, vector<16xf32>
      %eq3A_1982 = arith.constant 11 : i32
      %eq3A_1983 = vector.broadcast %eq3A_1982 : i32 to vector<16xi32>
      %eq3A_1984 = arith.cmpi eq, %iota3A, %eq3A_1983 : vector<16xi32>
      %broadcast_in_dim3A_1985 = vector.broadcast %reduce_sum3A_1976 : f32 to vector<16xf32>
      %select_n3A_1986 = arith.select %eq3A_1984, %broadcast_in_dim3A_1985, %select_n3A_1981 : vector<16xi1>, vector<16xf32>
      %reduce_sum3A_1987 = arith.constant true
      %reduce_sum3A_1988 = vector.broadcast %reduce_sum3A_1987 : i1 to vector<16xi1>
      %reduce_sum3A_1989 = tpu.scan <sum>, %scan3A_1911#4 masked %reduce_sum3A_1988 : vector<16xf32>, vector<16xi1> -> vector<16xf32>
      %reduce_sum3A_1990 = vector.extract %reduce_sum3A_1989[15] : f32 from vector<16xf32>
      %reduce_sum3A_1991 = arith.constant true
      %reduce_sum3A_1992 = vector.broadcast %reduce_sum3A_1991 : i1 to vector<16xi1>
      %reduce_sum3A_1993 = tpu.scan <sum>, %scan3A_1911#12 masked %reduce_sum3A_1992 : vector<16xf32>, vector<16xi1> -> vector<16xf32>
      %reduce_sum3A_1994 = vector.extract %reduce_sum3A_1993[15] : f32 from vector<16xf32>
      %eq3A_1995 = arith.constant 4 : i32
      %eq3A_1996 = vector.broadcast %eq3A_1995 : i32 to vector<16xi32>
      %eq3A_1997 = arith.cmpi eq, %iota3A, %eq3A_1996 : vector<16xi32>
      %broadcast_in_dim3A_1998 = vector.broadcast %reduce_sum3A_1990 : f32 to vector<16xf32>
      %select_n3A_1999 = arith.select %eq3A_1997, %broadcast_in_dim3A_1998, %select_n3A_1986 : vector<16xi1>, vector<16xf32>
      %eq3A_2000 = arith.constant 12 : i32
      %eq3A_2001 = vector.broadcast %eq3A_2000 : i32 to vector<16xi32>
      %eq3A_2002 = arith.cmpi eq, %iota3A, %eq3A_2001 : vector<16xi32>
      %broadcast_in_dim3A_2003 = vector.broadcast %reduce_sum3A_1994 : f32 to vector<16xf32>
      %select_n3A_2004 = arith.select %eq3A_2002, %broadcast_in_dim3A_2003, %select_n3A_1999 : vector<16xi1>, vector<16xf32>
      %reduce_sum3A_2005 = arith.constant true
      %reduce_sum3A_2006 = vector.broadcast %reduce_sum3A_2005 : i1 to vector<16xi1>
      %reduce_sum3A_2007 = tpu.scan <sum>, %scan3A_1911#5 masked %reduce_sum3A_2006 : vector<16xf32>, vector<16xi1> -> vector<16xf32>
      %reduce_sum3A_2008 = vector.extract %reduce_sum3A_2007[15] : f32 from vector<16xf32>
      %reduce_sum3A_2009 = arith.constant true
      %reduce_sum3A_2010 = vector.broadcast %reduce_sum3A_2009 : i1 to vector<16xi1>
      %reduce_sum3A_2011 = tpu.scan <sum>, %scan3A_1911#13 masked %reduce_sum3A_2010 : vector<16xf32>, vector<16xi1> -> vector<16xf32>
      %reduce_sum3A_2012 = vector.extract %reduce_sum3A_2011[15] : f32 from vector<16xf32>
      %eq3A_2013 = arith.constant 5 : i32
      %eq3A_2014 = vector.broadcast %eq3A_2013 : i32 to vector<16xi32>
      %eq3A_2015 = arith.cmpi eq, %iota3A, %eq3A_2014 : vector<16xi32>
      %broadcast_in_dim3A_2016 = vector.broadcast %reduce_sum3A_2008 : f32 to vector<16xf32>
      %select_n3A_2017 = arith.select %eq3A_2015, %broadcast_in_dim3A_2016, %select_n3A_2004 : vector<16xi1>, vector<16xf32>
      %eq3A_2018 = arith.constant 13 : i32
      %eq3A_2019 = vector.broadcast %eq3A_2018 : i32 to vector<16xi32>
      %eq3A_2020 = arith.cmpi eq, %iota3A, %eq3A_2019 : vector<16xi32>
      %broadcast_in_dim3A_2021 = vector.broadcast %reduce_sum3A_2012 : f32 to vector<16xf32>
      %select_n3A_2022 = arith.select %eq3A_2020, %broadcast_in_dim3A_2021, %select_n3A_2017 : vector<16xi1>, vector<16xf32>
      %reduce_sum3A_2023 = arith.constant true
      %reduce_sum3A_2024 = vector.broadcast %reduce_sum3A_2023 : i1 to vector<16xi1>
      %reduce_sum3A_2025 = tpu.scan <sum>, %scan3A_1911#6 masked %reduce_sum3A_2024 : vector<16xf32>, vector<16xi1> -> vector<16xf32>
      %reduce_sum3A_2026 = vector.extract %reduce_sum3A_2025[15] : f32 from vector<16xf32>
      %reduce_sum3A_2027 = arith.constant true
      %reduce_sum3A_2028 = vector.broadcast %reduce_sum3A_2027 : i1 to vector<16xi1>
      %reduce_sum3A_2029 = tpu.scan <sum>, %scan3A_1911#14 masked %reduce_sum3A_2028 : vector<16xf32>, vector<16xi1> -> vector<16xf32>
      %reduce_sum3A_2030 = vector.extract %reduce_sum3A_2029[15] : f32 from vector<16xf32>
      %eq3A_2031 = arith.constant 6 : i32
      %eq3A_2032 = vector.broadcast %eq3A_2031 : i32 to vector<16xi32>
      %eq3A_2033 = arith.cmpi eq, %iota3A, %eq3A_2032 : vector<16xi32>
      %broadcast_in_dim3A_2034 = vector.broadcast %reduce_sum3A_2026 : f32 to vector<16xf32>
      %select_n3A_2035 = arith.select %eq3A_2033, %broadcast_in_dim3A_2034, %select_n3A_2022 : vector<16xi1>, vector<16xf32>
      %eq3A_2036 = arith.constant 14 : i32
      %eq3A_2037 = vector.broadcast %eq3A_2036 : i32 to vector<16xi32>
      %eq3A_2038 = arith.cmpi eq, %iota3A, %eq3A_2037 : vector<16xi32>
      %broadcast_in_dim3A_2039 = vector.broadcast %reduce_sum3A_2030 : f32 to vector<16xf32>
      %select_n3A_2040 = arith.select %eq3A_2038, %broadcast_in_dim3A_2039, %select_n3A_2035 : vector<16xi1>, vector<16xf32>
      %reduce_sum3A_2041 = arith.constant true
      %reduce_sum3A_2042 = vector.broadcast %reduce_sum3A_2041 : i1 to vector<16xi1>
      %reduce_sum3A_2043 = tpu.scan <sum>, %scan3A_1911#7 masked %reduce_sum3A_2042 : vector<16xf32>, vector<16xi1> -> vector<16xf32>
      %reduce_sum3A_2044 = vector.extract %reduce_sum3A_2043[15] : f32 from vector<16xf32>
      %reduce_sum3A_2045 = arith.constant true
      %reduce_sum3A_2046 = vector.broadcast %reduce_sum3A_2045 : i1 to vector<16xi1>
      %reduce_sum3A_2047 = tpu.scan <sum>, %scan3A_1911#15 masked %reduce_sum3A_2046 : vector<16xf32>, vector<16xi1> -> vector<16xf32>
      %reduce_sum3A_2048 = vector.extract %reduce_sum3A_2047[15] : f32 from vector<16xf32>
      %eq3A_2049 = arith.constant 7 : i32
      %eq3A_2050 = vector.broadcast %eq3A_2049 : i32 to vector<16xi32>
      %eq3A_2051 = arith.cmpi eq, %iota3A, %eq3A_2050 : vector<16xi32>
      %broadcast_in_dim3A_2052 = vector.broadcast %reduce_sum3A_2044 : f32 to vector<16xf32>
      %select_n3A_2053 = arith.select %eq3A_2051, %broadcast_in_dim3A_2052, %select_n3A_2040 : vector<16xi1>, vector<16xf32>
      %eq3A_2054 = arith.constant 15 : i32
      %eq3A_2055 = vector.broadcast %eq3A_2054 : i32 to vector<16xi32>
      %eq3A_2056 = arith.cmpi eq, %iota3A, %eq3A_2055 : vector<16xi32>
      %broadcast_in_dim3A_2057 = vector.broadcast %reduce_sum3A_2048 : f32 to vector<16xf32>
      %select_n3A_2058 = arith.select %eq3A_2056, %broadcast_in_dim3A_2057, %select_n3A_2053 : vector<16xi1>, vector<16xf32>
      %mul3A_2059 = arith.constant 16 : i32
      %mul3A_2060 = arith.muli %add3A_1538, %mul3A_2059 : i32
      %add3A_2061 = arith.constant 4 : i32
      %add3A_2062 = arith.addi %mul3A_2060, %add3A_2061 : i32
      %add3A_2063 = arith.constant 0 : i32
      %add3A_2064 = arith.addi %add3A_2062, %add3A_2063 : i32
      %jit3A_2065 = arith.constant 2 : i32
      %div3A_2066 = arith.divsi %add3A_2064, %jit3A_2065 : i32
      %sign3A_2067 = arith.constant 0 : i32
      %sign3A_2068 = arith.cmpi sgt, %add3A_2064, %sign3A_2067 : i32
      %sign3A_2069 = arith.extui %sign3A_2068 : i1 to i32
      %sign3A_2070 = arith.constant 0 : i32
      %sign3A_2071 = arith.cmpi slt, %add3A_2064, %sign3A_2070 : i32
      %sign3A_2072 = arith.extui %sign3A_2071 : i1 to i32
      %sign3A_2073 = arith.subi %sign3A_2069, %sign3A_2072 : i32
      %sign3A_2074 = arith.constant 0 : i32
      %sign3A_2075 = arith.cmpi sgt, %jit3A_2065, %sign3A_2074 : i32
      %sign3A_2076 = arith.extui %sign3A_2075 : i1 to i32
      %sign3A_2077 = arith.constant 0 : i32
      %sign3A_2078 = arith.cmpi slt, %jit3A_2065, %sign3A_2077 : i32
      %sign3A_2079 = arith.extui %sign3A_2078 : i1 to i32
      %sign3A_2080 = arith.subi %sign3A_2076, %sign3A_2079 : i32
      %ne3A_2081 = arith.cmpi ne, %sign3A_2073, %sign3A_2080 : i32
      %rem3A_2082 = arith.remsi %add3A_2064, %jit3A_2065 : i32
      %ne3A_2083 = arith.constant 0 : i32
      %ne3A_2084 = arith.cmpi ne, %rem3A_2082, %ne3A_2083 : i32
      %and3A_2085 = arith.andi %ne3A_2081, %ne3A_2084 : i1
      %sub3A_2086 = arith.constant 1 : i32
      %sub3A_2087 = arith.subi %div3A_2066, %sub3A_2086 : i32
      %select_n3A_2088 = arith.select %and3A_2085, %sub3A_2087, %div3A_2066 : i32
      %swap3A_2089 = arith.index_cast %select_n3A_2088 : i32 to index
      %swap3A_2090 = arith.constant 0 : index
      %swap3A_2091 = tpu.vector_load %arg7[%swap3A_2089, %swap3A_2090] {strides = array<i32>} : memref<80x16xf32, #tpu.memory_space<vmem>>, vector<16xf32>,
      tpu.vector_store %arg7[%swap3A_2089, %swap3A_2090], %select_n3A_2058 {strides = array<i32>} : memref<80x16xf32, #tpu.memory_space<vmem>>, vector<16xf32>,
      %broadcast_in_dim3A_2092 = arith.constant 0.000000e+00 : f32
      %broadcast_in_dim3A_2093 = vector.broadcast %broadcast_in_dim3A_2092 : f32 to vector<16xf32>
      %reduce_sum3A_2094 = arith.constant true
      %reduce_sum3A_2095 = vector.broadcast %reduce_sum3A_2094 : i1 to vector<16xi1>
      %reduce_sum3A_2096 = tpu.scan <sum>, %scan3A_1911#16 masked %reduce_sum3A_2095 : vector<16xf32>, vector<16xi1> -> vector<16xf32>
      %reduce_sum3A_2097 = vector.extract %reduce_sum3A_2096[15] : f32 from vector<16xf32>
      %reduce_sum3A_2098 = arith.constant true
      %reduce_sum3A_2099 = vector.broadcast %reduce_sum3A_2098 : i1 to vector<16xi1>
      %reduce_sum3A_2100 = tpu.scan <sum>, %scan3A_1911#24 masked %reduce_sum3A_2099 : vector<16xf32>, vector<16xi1> -> vector<16xf32>
      %reduce_sum3A_2101 = vector.extract %reduce_sum3A_2100[15] : f32 from vector<16xf32>
      %eq3A_2102 = arith.constant 0 : i32
      %eq3A_2103 = vector.broadcast %eq3A_2102 : i32 to vector<16xi32>
      %eq3A_2104 = arith.cmpi eq, %iota3A, %eq3A_2103 : vector<16xi32>
      %broadcast_in_dim3A_2105 = vector.broadcast %reduce_sum3A_2097 : f32 to vector<16xf32>
      %select_n3A_2106 = arith.select %eq3A_2104, %broadcast_in_dim3A_2105, %broadcast_in_dim3A_2093 : vector<16xi1>, vector<16xf32>
      %eq3A_2107 = arith.constant 8 : i32
      %eq3A_2108 = vector.broadcast %eq3A_2107 : i32 to vector<16xi32>
      %eq3A_2109 = arith.cmpi eq, %iota3A, %eq3A_2108 : vector<16xi32>
      %broadcast_in_dim3A_2110 = vector.broadcast %reduce_sum3A_2101 : f32 to vector<16xf32>
      %select_n3A_2111 = arith.select %eq3A_2109, %broadcast_in_dim3A_2110, %select_n3A_2106 : vector<16xi1>, vector<16xf32>
      %reduce_sum3A_2112 = arith.constant true
      %reduce_sum3A_2113 = vector.broadcast %reduce_sum3A_2112 : i1 to vector<16xi1>
      %reduce_sum3A_2114 = tpu.scan <sum>, %scan3A_1911#17 masked %reduce_sum3A_2113 : vector<16xf32>, vector<16xi1> -> vector<16xf32>
      %reduce_sum3A_2115 = vector.extract %reduce_sum3A_2114[15] : f32 from vector<16xf32>
      %reduce_sum3A_2116 = arith.constant true
      %reduce_sum3A_2117 = vector.broadcast %reduce_sum3A_2116 : i1 to vector<16xi1>
      %reduce_sum3A_2118 = tpu.scan <sum>, %scan3A_1911#25 masked %reduce_sum3A_2117 : vector<16xf32>, vector<16xi1> -> vector<16xf32>
      %reduce_sum3A_2119 = vector.extract %reduce_sum3A_2118[15] : f32 from vector<16xf32>
      %eq3A_2120 = arith.constant 1 : i32
      %eq3A_2121 = vector.broadcast %eq3A_2120 : i32 to vector<16xi32>
      %eq3A_2122 = arith.cmpi eq, %iota3A, %eq3A_2121 : vector<16xi32>
      %broadcast_in_dim3A_2123 = vector.broadcast %reduce_sum3A_2115 : f32 to vector<16xf32>
      %select_n3A_2124 = arith.select %eq3A_2122, %broadcast_in_dim3A_2123, %select_n3A_2111 : vector<16xi1>, vector<16xf32>
      %eq3A_2125 = arith.constant 9 : i32
      %eq3A_2126 = vector.broadcast %eq3A_2125 : i32 to vector<16xi32>
      %eq3A_2127 = arith.cmpi eq, %iota3A, %eq3A_2126 : vector<16xi32>
      %broadcast_in_dim3A_2128 = vector.broadcast %reduce_sum3A_2119 : f32 to vector<16xf32>
      %select_n3A_2129 = arith.select %eq3A_2127, %broadcast_in_dim3A_2128, %select_n3A_2124 : vector<16xi1>, vector<16xf32>
      %reduce_sum3A_2130 = arith.constant true
      %reduce_sum3A_2131 = vector.broadcast %reduce_sum3A_2130 : i1 to vector<16xi1>
      %reduce_sum3A_2132 = tpu.scan <sum>, %scan3A_1911#18 masked %reduce_sum3A_2131 : vector<16xf32>, vector<16xi1> -> vector<16xf32>
      %reduce_sum3A_2133 = vector.extract %reduce_sum3A_2132[15] : f32 from vector<16xf32>
      %reduce_sum3A_2134 = arith.constant true
      %reduce_sum3A_2135 = vector.broadcast %reduce_sum3A_2134 : i1 to vector<16xi1>
      %reduce_sum3A_2136 = tpu.scan <sum>, %scan3A_1911#26 masked %reduce_sum3A_2135 : vector<16xf32>, vector<16xi1> -> vector<16xf32>
      %reduce_sum3A_2137 = vector.extract %reduce_sum3A_2136[15] : f32 from vector<16xf32>
      %eq3A_2138 = arith.constant 2 : i32
      %eq3A_2139 = vector.broadcast %eq3A_2138 : i32 to vector<16xi32>
      %eq3A_2140 = arith.cmpi eq, %iota3A, %eq3A_2139 : vector<16xi32>
      %broadcast_in_dim3A_2141 = vector.broadcast %reduce_sum3A_2133 : f32 to vector<16xf32>
      %select_n3A_2142 = arith.select %eq3A_2140, %broadcast_in_dim3A_2141, %select_n3A_2129 : vector<16xi1>, vector<16xf32>
      %eq3A_2143 = arith.constant 10 : i32
      %eq3A_2144 = vector.broadcast %eq3A_2143 : i32 to vector<16xi32>
      %eq3A_2145 = arith.cmpi eq, %iota3A, %eq3A_2144 : vector<16xi32>
      %broadcast_in_dim3A_2146 = vector.broadcast %reduce_sum3A_2137 : f32 to vector<16xf32>
      %select_n3A_2147 = arith.select %eq3A_2145, %broadcast_in_dim3A_2146, %select_n3A_2142 : vector<16xi1>, vector<16xf32>
      %reduce_sum3A_2148 = arith.constant true
      %reduce_sum3A_2149 = vector.broadcast %reduce_sum3A_2148 : i1 to vector<16xi1>
      %reduce_sum3A_2150 = tpu.scan <sum>, %scan3A_1911#19 masked %reduce_sum3A_2149 : vector<16xf32>, vector<16xi1> -> vector<16xf32>
      %reduce_sum3A_2151 = vector.extract %reduce_sum3A_2150[15] : f32 from vector<16xf32>
      %reduce_sum3A_2152 = arith.constant true
      %reduce_sum3A_2153 = vector.broadcast %reduce_sum3A_2152 : i1 to vector<16xi1>
      %reduce_sum3A_2154 = tpu.scan <sum>, %scan3A_1911#27 masked %reduce_sum3A_2153 : vector<16xf32>, vector<16xi1> -> vector<16xf32>
      %reduce_sum3A_2155 = vector.extract %reduce_sum3A_2154[15] : f32 from vector<16xf32>
      %eq3A_2156 = arith.constant 3 : i32
      %eq3A_2157 = vector.broadcast %eq3A_2156 : i32 to vector<16xi32>
      %eq3A_2158 = arith.cmpi eq, %iota3A, %eq3A_2157 : vector<16xi32>
      %broadcast_in_dim3A_2159 = vector.broadcast %reduce_sum3A_2151 : f32 to vector<16xf32>
      %select_n3A_2160 = arith.select %eq3A_2158, %broadcast_in_dim3A_2159, %select_n3A_2147 : vector<16xi1>, vector<16xf32>
      %eq3A_2161 = arith.constant 11 : i32
      %eq3A_2162 = vector.broadcast %eq3A_2161 : i32 to vector<16xi32>
      %eq3A_2163 = arith.cmpi eq, %iota3A, %eq3A_2162 : vector<16xi32>
      %broadcast_in_dim3A_2164 = vector.broadcast %reduce_sum3A_2155 : f32 to vector<16xf32>
      %select_n3A_2165 = arith.select %eq3A_2163, %broadcast_in_dim3A_2164, %select_n3A_2160 : vector<16xi1>, vector<16xf32>
      %reduce_sum3A_2166 = arith.constant true
      %reduce_sum3A_2167 = vector.broadcast %reduce_sum3A_2166 : i1 to vector<16xi1>
      %reduce_sum3A_2168 = tpu.scan <sum>, %scan3A_1911#20 masked %reduce_sum3A_2167 : vector<16xf32>, vector<16xi1> -> vector<16xf32>
      %reduce_sum3A_2169 = vector.extract %reduce_sum3A_2168[15] : f32 from vector<16xf32>
      %reduce_sum3A_2170 = arith.constant true
      %reduce_sum3A_2171 = vector.broadcast %reduce_sum3A_2170 : i1 to vector<16xi1>
      %reduce_sum3A_2172 = tpu.scan <sum>, %scan3A_1911#28 masked %reduce_sum3A_2171 : vector<16xf32>, vector<16xi1> -> vector<16xf32>
      %reduce_sum3A_2173 = vector.extract %reduce_sum3A_2172[15] : f32 from vector<16xf32>
      %eq3A_2174 = arith.constant 4 : i32
      %eq3A_2175 = vector.broadcast %eq3A_2174 : i32 to vector<16xi32>
      %eq3A_2176 = arith.cmpi eq, %iota3A, %eq3A_2175 : vector<16xi32>
      %broadcast_in_dim3A_2177 = vector.broadcast %reduce_sum3A_2169 : f32 to vector<16xf32>
      %select_n3A_2178 = arith.select %eq3A_2176, %broadcast_in_dim3A_2177, %select_n3A_2165 : vector<16xi1>, vector<16xf32>
      %eq3A_2179 = arith.constant 12 : i32
      %eq3A_2180 = vector.broadcast %eq3A_2179 : i32 to vector<16xi32>
      %eq3A_2181 = arith.cmpi eq, %iota3A, %eq3A_2180 : vector<16xi32>
      %broadcast_in_dim3A_2182 = vector.broadcast %reduce_sum3A_2173 : f32 to vector<16xf32>
      %select_n3A_2183 = arith.select %eq3A_2181, %broadcast_in_dim3A_2182, %select_n3A_2178 : vector<16xi1>, vector<16xf32>
      %reduce_sum3A_2184 = arith.constant true
      %reduce_sum3A_2185 = vector.broadcast %reduce_sum3A_2184 : i1 to vector<16xi1>
      %reduce_sum3A_2186 = tpu.scan <sum>, %scan3A_1911#21 masked %reduce_sum3A_2185 : vector<16xf32>, vector<16xi1> -> vector<16xf32>
      %reduce_sum3A_2187 = vector.extract %reduce_sum3A_2186[15] : f32 from vector<16xf32>
      %reduce_sum3A_2188 = arith.constant true
      %reduce_sum3A_2189 = vector.broadcast %reduce_sum3A_2188 : i1 to vector<16xi1>
      %reduce_sum3A_2190 = tpu.scan <sum>, %scan3A_1911#29 masked %reduce_sum3A_2189 : vector<16xf32>, vector<16xi1> -> vector<16xf32>
      %reduce_sum3A_2191 = vector.extract %reduce_sum3A_2190[15] : f32 from vector<16xf32>
      %eq3A_2192 = arith.constant 5 : i32
      %eq3A_2193 = vector.broadcast %eq3A_2192 : i32 to vector<16xi32>
      %eq3A_2194 = arith.cmpi eq, %iota3A, %eq3A_2193 : vector<16xi32>
      %broadcast_in_dim3A_2195 = vector.broadcast %reduce_sum3A_2187 : f32 to vector<16xf32>
      %select_n3A_2196 = arith.select %eq3A_2194, %broadcast_in_dim3A_2195, %select_n3A_2183 : vector<16xi1>, vector<16xf32>
      %eq3A_2197 = arith.constant 13 : i32
      %eq3A_2198 = vector.broadcast %eq3A_2197 : i32 to vector<16xi32>
      %eq3A_2199 = arith.cmpi eq, %iota3A, %eq3A_2198 : vector<16xi32>
      %broadcast_in_dim3A_2200 = vector.broadcast %reduce_sum3A_2191 : f32 to vector<16xf32>
      %select_n3A_2201 = arith.select %eq3A_2199, %broadcast_in_dim3A_2200, %select_n3A_2196 : vector<16xi1>, vector<16xf32>
      %reduce_sum3A_2202 = arith.constant true
      %reduce_sum3A_2203 = vector.broadcast %reduce_sum3A_2202 : i1 to vector<16xi1>
      %reduce_sum3A_2204 = tpu.scan <sum>, %scan3A_1911#22 masked %reduce_sum3A_2203 : vector<16xf32>, vector<16xi1> -> vector<16xf32>
      %reduce_sum3A_2205 = vector.extract %reduce_sum3A_2204[15] : f32 from vector<16xf32>
      %reduce_sum3A_2206 = arith.constant true
      %reduce_sum3A_2207 = vector.broadcast %reduce_sum3A_2206 : i1 to vector<16xi1>
      %reduce_sum3A_2208 = tpu.scan <sum>, %scan3A_1911#30 masked %reduce_sum3A_2207 : vector<16xf32>, vector<16xi1> -> vector<16xf32>
      %reduce_sum3A_2209 = vector.extract %reduce_sum3A_2208[15] : f32 from vector<16xf32>
      %eq3A_2210 = arith.constant 6 : i32
      %eq3A_2211 = vector.broadcast %eq3A_2210 : i32 to vector<16xi32>
      %eq3A_2212 = arith.cmpi eq, %iota3A, %eq3A_2211 : vector<16xi32>
      %broadcast_in_dim3A_2213 = vector.broadcast %reduce_sum3A_2205 : f32 to vector<16xf32>
      %select_n3A_2214 = arith.select %eq3A_2212, %broadcast_in_dim3A_2213, %select_n3A_2201 : vector<16xi1>, vector<16xf32>
      %eq3A_2215 = arith.constant 14 : i32
      %eq3A_2216 = vector.broadcast %eq3A_2215 : i32 to vector<16xi32>
      %eq3A_2217 = arith.cmpi eq, %iota3A, %eq3A_2216 : vector<16xi32>
      %broadcast_in_dim3A_2218 = vector.broadcast %reduce_sum3A_2209 : f32 to vector<16xf32>
      %select_n3A_2219 = arith.select %eq3A_2217, %broadcast_in_dim3A_2218, %select_n3A_2214 : vector<16xi1>, vector<16xf32>
      %reduce_sum3A_2220 = arith.constant true
      %reduce_sum3A_2221 = vector.broadcast %reduce_sum3A_2220 : i1 to vector<16xi1>
      %reduce_sum3A_2222 = tpu.scan <sum>, %scan3A_1911#23 masked %reduce_sum3A_2221 : vector<16xf32>, vector<16xi1> -> vector<16xf32>
      %reduce_sum3A_2223 = vector.extract %reduce_sum3A_2222[15] : f32 from vector<16xf32>
      %reduce_sum3A_2224 = arith.constant true
      %reduce_sum3A_2225 = vector.broadcast %reduce_sum3A_2224 : i1 to vector<16xi1>
      %reduce_sum3A_2226 = tpu.scan <sum>, %scan3A_1911#31 masked %reduce_sum3A_2225 : vector<16xf32>, vector<16xi1> -> vector<16xf32>
      %reduce_sum3A_2227 = vector.extract %reduce_sum3A_2226[15] : f32 from vector<16xf32>
      %eq3A_2228 = arith.constant 7 : i32
      %eq3A_2229 = vector.broadcast %eq3A_2228 : i32 to vector<16xi32>
      %eq3A_2230 = arith.cmpi eq, %iota3A, %eq3A_2229 : vector<16xi32>
      %broadcast_in_dim3A_2231 = vector.broadcast %reduce_sum3A_2223 : f32 to vector<16xf32>
      %select_n3A_2232 = arith.select %eq3A_2230, %broadcast_in_dim3A_2231, %select_n3A_2219 : vector<16xi1>, vector<16xf32>
      %eq3A_2233 = arith.constant 15 : i32
      %eq3A_2234 = vector.broadcast %eq3A_2233 : i32 to vector<16xi32>
      %eq3A_2235 = arith.cmpi eq, %iota3A, %eq3A_2234 : vector<16xi32>
      %broadcast_in_dim3A_2236 = vector.broadcast %reduce_sum3A_2227 : f32 to vector<16xf32>
      %select_n3A_2237 = arith.select %eq3A_2235, %broadcast_in_dim3A_2236, %select_n3A_2232 : vector<16xi1>, vector<16xf32>
      %mul3A_2238 = arith.constant 16 : i32
      %mul3A_2239 = arith.muli %add3A_1538, %mul3A_2238 : i32
      %add3A_2240 = arith.constant 4 : i32
      %add3A_2241 = arith.addi %mul3A_2239, %add3A_2240 : i32
      %add3A_2242 = arith.constant 2 : i32
      %add3A_2243 = arith.addi %add3A_2241, %add3A_2242 : i32
      %jit3A_2244 = arith.constant 2 : i32
      %div3A_2245 = arith.divsi %add3A_2243, %jit3A_2244 : i32
      %sign3A_2246 = arith.constant 0 : i32
      %sign3A_2247 = arith.cmpi sgt, %add3A_2243, %sign3A_2246 : i32
      %sign3A_2248 = arith.extui %sign3A_2247 : i1 to i32
      %sign3A_2249 = arith.constant 0 : i32
      %sign3A_2250 = arith.cmpi slt, %add3A_2243, %sign3A_2249 : i32
      %sign3A_2251 = arith.extui %sign3A_2250 : i1 to i32
      %sign3A_2252 = arith.subi %sign3A_2248, %sign3A_2251 : i32
      %sign3A_2253 = arith.constant 0 : i32
      %sign3A_2254 = arith.cmpi sgt, %jit3A_2244, %sign3A_2253 : i32
      %sign3A_2255 = arith.extui %sign3A_2254 : i1 to i32
      %sign3A_2256 = arith.constant 0 : i32
      %sign3A_2257 = arith.cmpi slt, %jit3A_2244, %sign3A_2256 : i32
      %sign3A_2258 = arith.extui %sign3A_2257 : i1 to i32
      %sign3A_2259 = arith.subi %sign3A_2255, %sign3A_2258 : i32
      %ne3A_2260 = arith.cmpi ne, %sign3A_2252, %sign3A_2259 : i32
      %rem3A_2261 = arith.remsi %add3A_2243, %jit3A_2244 : i32
      %ne3A_2262 = arith.constant 0 : i32
      %ne3A_2263 = arith.cmpi ne, %rem3A_2261, %ne3A_2262 : i32
      %and3A_2264 = arith.andi %ne3A_2260, %ne3A_2263 : i1
      %sub3A_2265 = arith.constant 1 : i32
      %sub3A_2266 = arith.subi %div3A_2245, %sub3A_2265 : i32
      %select_n3A_2267 = arith.select %and3A_2264, %sub3A_2266, %div3A_2245 : i32
      %swap3A_2268 = arith.index_cast %select_n3A_2267 : i32 to index
      %swap3A_2269 = arith.constant 0 : index
      %swap3A_2270 = tpu.vector_load %arg7[%swap3A_2268, %swap3A_2269] {strides = array<i32>} : memref<80x16xf32, #tpu.memory_space<vmem>>, vector<16xf32>,
      tpu.vector_store %arg7[%swap3A_2268, %swap3A_2269], %select_n3A_2237 {strides = array<i32>} : memref<80x16xf32, #tpu.memory_space<vmem>>, vector<16xf32>,
      %broadcast_in_dim3A_2271 = arith.constant 0.000000e+00 : f32
      %broadcast_in_dim3A_2272 = vector.broadcast %broadcast_in_dim3A_2271 : f32 to vector<16xf32>
      %scan3A_2273 = arith.constant 0 : i32
      %scan3A_2274 = arith.constant 128 : i32
      %scan3A_2275 = arith.addi %scan3A_2273, %scan3A_2274 : i32
      %scan3A_2276 = arith.constant 1 : i32
      %scan3A_2277:32 = scf.for %scan3A_3003 = %scan3A_2273 to %scan3A_2275 step %scan3A_2276 iter_args(%scan3A_3004 = %broadcast_in_dim3A_2272, %scan3A_3005 = %broadcast_in_dim3A_2272, %scan3A_3006 = %broadcast_in_dim3A_2272, %scan3A_3007 = %broadcast_in_dim3A_2272, %scan3A_3008 = %broadcast_in_dim3A_2272, %scan3A_3009 = %broadcast_in_dim3A_2272, %scan3A_3010 = %broadcast_in_dim3A_2272, %scan3A_3011 = %broadcast_in_dim3A_2272, %scan3A_3012 = %broadcast_in_dim3A_2272, %scan3A_3013 = %broadcast_in_dim3A_2272, %scan3A_3014 = %broadcast_in_dim3A_2272, %scan3A_3015 = %broadcast_in_dim3A_2272, %scan3A_3016 = %broadcast_in_dim3A_2272, %scan3A_3017 = %broadcast_in_dim3A_2272, %scan3A_3018 = %broadcast_in_dim3A_2272, %scan3A_3019 = %broadcast_in_dim3A_2272, %scan3A_3020 = %broadcast_in_dim3A_2272, %scan3A_3021 = %broadcast_in_dim3A_2272, %scan3A_3022 = %broadcast_in_dim3A_2272, %scan3A_3023 = %broadcast_in_dim3A_2272, %scan3A_3024 = %broadcast_in_dim3A_2272, %scan3A_3025 = %broadcast_in_dim3A_2272, %scan3A_3026 = %broadcast_in_dim3A_2272, %scan3A_3027 = %broadcast_in_dim3A_2272, %scan3A_3028 = %broadcast_in_dim3A_2272, %scan3A_3029 = %broadcast_in_dim3A_2272, %scan3A_3030 = %broadcast_in_dim3A_2272, %scan3A_3031 = %broadcast_in_dim3A_2272, %scan3A_3032 = %broadcast_in_dim3A_2272, %scan3A_3033 = %broadcast_in_dim3A_2272, %scan3A_3034 = %broadcast_in_dim3A_2272, %scan3A_3035 = %broadcast_in_dim3A_2272) -> (vector<16xf32>, vector<16xf32>, vector<16xf32>, vector<16xf32>, vector<16xf32>, vector<16xf32>, vector<16xf32>, vector<16xf32>, vector<16xf32>, vector<16xf32>, vector<16xf32>, vector<16xf32>, vector<16xf32>, vector<16xf32>, vector<16xf32>, vector<16xf32>, vector<16xf32>, vector<16xf32>, vector<16xf32>, vector<16xf32>, vector<16xf32>, vector<16xf32>, vector<16xf32>, vector<16xf32>, vector<16xf32>, vector<16xf32>, vector<16xf32>, vector<16xf32>, vector<16xf32>, vector<16xf32>, vector<16xf32>, vector<16xf32>)  : i32 {
        %mul3A_3036 = arith.constant 16 : i32
        %mul3A_3037 = arith.muli %scan3A_3003, %mul3A_3036 : i32
        %get3A = arith.constant 0 : i32
        %get3A_3038 = arith.index_cast %get3A : i32 to index
        %get3A_3039 = arith.index_cast %mul3A_3037 : i32 to index
        %get3A_3040 = tpu.vector_load %arg5[%get3A_3038, %get3A_3039] {strides = array<i32>} : memref<8x2048xf32, #tpu.memory_space<vmem>>, vector<16xf32>,
        %get3A_3041 = arith.constant 1 : i32
        %get3A_3042 = arith.index_cast %get3A_3041 : i32 to index
        %get3A_3043 = arith.index_cast %mul3A_3037 : i32 to index
        %get3A_3044 = tpu.vector_load %arg5[%get3A_3042, %get3A_3043] {strides = array<i32>} : memref<8x2048xf32, #tpu.memory_space<vmem>>, vector<16xf32>,
        %get3A_3045 = arith.constant 2 : i32
        %get3A_3046 = arith.index_cast %get3A_3045 : i32 to index
        %get3A_3047 = arith.index_cast %mul3A_3037 : i32 to index
        %get3A_3048 = tpu.vector_load %arg5[%get3A_3046, %get3A_3047] {strides = array<i32>} : memref<8x2048xf32, #tpu.memory_space<vmem>>, vector<16xf32>,
        %get3A_3049 = arith.constant 3 : i32
        %get3A_3050 = arith.index_cast %get3A_3049 : i32 to index
        %get3A_3051 = arith.index_cast %mul3A_3037 : i32 to index
        %get3A_3052 = tpu.vector_load %arg5[%get3A_3050, %get3A_3051] {strides = array<i32>} : memref<8x2048xf32, #tpu.memory_space<vmem>>, vector<16xf32>,
        %get3A_3053 = arith.constant 4 : i32
        %get3A_3054 = arith.index_cast %get3A_3053 : i32 to index
        %get3A_3055 = arith.index_cast %mul3A_3037 : i32 to index
        %get3A_3056 = tpu.vector_load %arg5[%get3A_3054, %get3A_3055] {strides = array<i32>} : memref<8x2048xf32, #tpu.memory_space<vmem>>, vector<16xf32>,
        %get3A_3057 = arith.constant 5 : i32
        %get3A_3058 = arith.index_cast %get3A_3057 : i32 to index
        %get3A_3059 = arith.index_cast %mul3A_3037 : i32 to index
        %get3A_3060 = tpu.vector_load %arg5[%get3A_3058, %get3A_3059] {strides = array<i32>} : memref<8x2048xf32, #tpu.memory_space<vmem>>, vector<16xf32>,
        %get3A_3061 = arith.constant 6 : i32
        %get3A_3062 = arith.index_cast %get3A_3061 : i32 to index
        %get3A_3063 = arith.index_cast %mul3A_3037 : i32 to index
        %get3A_3064 = tpu.vector_load %arg5[%get3A_3062, %get3A_3063] {strides = array<i32>} : memref<8x2048xf32, #tpu.memory_space<vmem>>, vector<16xf32>,
        %get3A_3065 = arith.constant 7 : i32
        %get3A_3066 = arith.index_cast %get3A_3065 : i32 to index
        %get3A_3067 = arith.index_cast %mul3A_3037 : i32 to index
        %get3A_3068 = tpu.vector_load %arg5[%get3A_3066, %get3A_3067] {strides = array<i32>} : memref<8x2048xf32, #tpu.memory_space<vmem>>, vector<16xf32>,
        %get3A_3069 = arith.constant 1 : i32
        %get3A_3070 = arith.constant 8 : i32
        %get3A_3071 = arith.index_cast %get3A_3069 : i32 to index
        %get3A_3072 = arith.index_cast %get3A_3070 : i32 to index
        %get3A_3073 = arith.index_cast %mul3A_3037 : i32 to index
        %get3A_3074 = tpu.vector_load %arg6[%get3A_3071, %get3A_3072, %get3A_3073] {strides = array<i32>} : memref<2x16x2048xf32, #tpu.memory_space<vmem>>, vector<16xf32>,
        %mul3A_3075 = arith.mulf %get3A_3074, %get3A_3040 : vector<16xf32>
        %add3A_3076 = arith.addf %scan3A_3004, %mul3A_3075 : vector<16xf32>
        %mul3A_3077 = arith.mulf %get3A_3074, %get3A_3044 : vector<16xf32>
        %add3A_3078 = arith.addf %scan3A_3005, %mul3A_3077 : vector<16xf32>
        %mul3A_3079 = arith.mulf %get3A_3074, %get3A_3048 : vector<16xf32>
        %add3A_3080 = arith.addf %scan3A_3006, %mul3A_3079 : vector<16xf32>
        %mul3A_3081 = arith.mulf %get3A_3074, %get3A_3052 : vector<16xf32>
        %add3A_3082 = arith.addf %scan3A_3007, %mul3A_3081 : vector<16xf32>
        %mul3A_3083 = arith.mulf %get3A_3074, %get3A_3056 : vector<16xf32>
        %add3A_3084 = arith.addf %scan3A_3008, %mul3A_3083 : vector<16xf32>
        %mul3A_3085 = arith.mulf %get3A_3074, %get3A_3060 : vector<16xf32>
        %add3A_3086 = arith.addf %scan3A_3009, %mul3A_3085 : vector<16xf32>
        %mul3A_3087 = arith.mulf %get3A_3074, %get3A_3064 : vector<16xf32>
        %add3A_3088 = arith.addf %scan3A_3010, %mul3A_3087 : vector<16xf32>
        %mul3A_3089 = arith.mulf %get3A_3074, %get3A_3068 : vector<16xf32>
        %add3A_3090 = arith.addf %scan3A_3011, %mul3A_3089 : vector<16xf32>
        %get3A_3091 = arith.constant 1 : i32
        %get3A_3092 = arith.constant 9 : i32
        %get3A_3093 = arith.index_cast %get3A_3091 : i32 to index
        %get3A_3094 = arith.index_cast %get3A_3092 : i32 to index
        %get3A_3095 = arith.index_cast %mul3A_3037 : i32 to index
        %get3A_3096 = tpu.vector_load %arg6[%get3A_3093, %get3A_3094, %get3A_3095] {strides = array<i32>} : memref<2x16x2048xf32, #tpu.memory_space<vmem>>, vector<16xf32>,
        %mul3A_3097 = arith.mulf %get3A_3096, %get3A_3040 : vector<16xf32>
        %add3A_3098 = arith.addf %scan3A_3012, %mul3A_3097 : vector<16xf32>
        %mul3A_3099 = arith.mulf %get3A_3096, %get3A_3044 : vector<16xf32>
        %add3A_3100 = arith.addf %scan3A_3013, %mul3A_3099 : vector<16xf32>
        %mul3A_3101 = arith.mulf %get3A_3096, %get3A_3048 : vector<16xf32>
        %add3A_3102 = arith.addf %scan3A_3014, %mul3A_3101 : vector<16xf32>
        %mul3A_3103 = arith.mulf %get3A_3096, %get3A_3052 : vector<16xf32>
        %add3A_3104 = arith.addf %scan3A_3015, %mul3A_3103 : vector<16xf32>
        %mul3A_3105 = arith.mulf %get3A_3096, %get3A_3056 : vector<16xf32>
        %add3A_3106 = arith.addf %scan3A_3016, %mul3A_3105 : vector<16xf32>
        %mul3A_3107 = arith.mulf %get3A_3096, %get3A_3060 : vector<16xf32>
        %add3A_3108 = arith.addf %scan3A_3017, %mul3A_3107 : vector<16xf32>
        %mul3A_3109 = arith.mulf %get3A_3096, %get3A_3064 : vector<16xf32>
        %add3A_3110 = arith.addf %scan3A_3018, %mul3A_3109 : vector<16xf32>
        %mul3A_3111 = arith.mulf %get3A_3096, %get3A_3068 : vector<16xf32>
        %add3A_3112 = arith.addf %scan3A_3019, %mul3A_3111 : vector<16xf32>
        %get3A_3113 = arith.constant 1 : i32
        %get3A_3114 = arith.constant 10 : i32
        %get3A_3115 = arith.index_cast %get3A_3113 : i32 to index
        %get3A_3116 = arith.index_cast %get3A_3114 : i32 to index
        %get3A_3117 = arith.index_cast %mul3A_3037 : i32 to index
        %get3A_3118 = tpu.vector_load %arg6[%get3A_3115, %get3A_3116, %get3A_3117] {strides = array<i32>} : memref<2x16x2048xf32, #tpu.memory_space<vmem>>, vector<16xf32>,
        %mul3A_3119 = arith.mulf %get3A_3118, %get3A_3040 : vector<16xf32>
        %add3A_3120 = arith.addf %scan3A_3020, %mul3A_3119 : vector<16xf32>
        %mul3A_3121 = arith.mulf %get3A_3118, %get3A_3044 : vector<16xf32>
        %add3A_3122 = arith.addf %scan3A_3021, %mul3A_3121 : vector<16xf32>
        %mul3A_3123 = arith.mulf %get3A_3118, %get3A_3048 : vector<16xf32>
        %add3A_3124 = arith.addf %scan3A_3022, %mul3A_3123 : vector<16xf32>
        %mul3A_3125 = arith.mulf %get3A_3118, %get3A_3052 : vector<16xf32>
        %add3A_3126 = arith.addf %scan3A_3023, %mul3A_3125 : vector<16xf32>
        %mul3A_3127 = arith.mulf %get3A_3118, %get3A_3056 : vector<16xf32>
        %add3A_3128 = arith.addf %scan3A_3024, %mul3A_3127 : vector<16xf32>
        %mul3A_3129 = arith.mulf %get3A_3118, %get3A_3060 : vector<16xf32>
        %add3A_3130 = arith.addf %scan3A_3025, %mul3A_3129 : vector<16xf32>
        %mul3A_3131 = arith.mulf %get3A_3118, %get3A_3064 : vector<16xf32>
        %add3A_3132 = arith.addf %scan3A_3026, %mul3A_3131 : vector<16xf32>
        %mul3A_3133 = arith.mulf %get3A_3118, %get3A_3068 : vector<16xf32>
        %add3A_3134 = arith.addf %scan3A_3027, %mul3A_3133 : vector<16xf32>
        %get3A_3135 = arith.constant 1 : i32
        %get3A_3136 = arith.constant 11 : i32
        %get3A_3137 = arith.index_cast %get3A_3135 : i32 to index
        %get3A_3138 = arith.index_cast %get3A_3136 : i32 to index
        %get3A_3139 = arith.index_cast %mul3A_3037 : i32 to index
        %get3A_3140 = tpu.vector_load %arg6[%get3A_3137, %get3A_3138, %get3A_3139] {strides = array<i32>} : memref<2x16x2048xf32, #tpu.memory_space<vmem>>, vector<16xf32>,
        %mul3A_3141 = arith.mulf %get3A_3140, %get3A_3040 : vector<16xf32>
        %add3A_3142 = arith.addf %scan3A_3028, %mul3A_3141 : vector<16xf32>
        %mul3A_3143 = arith.mulf %get3A_3140, %get3A_3044 : vector<16xf32>
        %add3A_3144 = arith.addf %scan3A_3029, %mul3A_3143 : vector<16xf32>
        %mul3A_3145 = arith.mulf %get3A_3140, %get3A_3048 : vector<16xf32>
        %add3A_3146 = arith.addf %scan3A_3030, %mul3A_3145 : vector<16xf32>
        %mul3A_3147 = arith.mulf %get3A_3140, %get3A_3052 : vector<16xf32>
        %add3A_3148 = arith.addf %scan3A_3031, %mul3A_3147 : vector<16xf32>
        %mul3A_3149 = arith.mulf %get3A_3140, %get3A_3056 : vector<16xf32>
        %add3A_3150 = arith.addf %scan3A_3032, %mul3A_3149 : vector<16xf32>
        %mul3A_3151 = arith.mulf %get3A_3140, %get3A_3060 : vector<16xf32>
        %add3A_3152 = arith.addf %scan3A_3033, %mul3A_3151 : vector<16xf32>
        %mul3A_3153 = arith.mulf %get3A_3140, %get3A_3064 : vector<16xf32>
        %add3A_3154 = arith.addf %scan3A_3034, %mul3A_3153 : vector<16xf32>
        %mul3A_3155 = arith.mulf %get3A_3140, %get3A_3068 : vector<16xf32>
        %add3A_3156 = arith.addf %scan3A_3035, %mul3A_3155 : vector<16xf32>
        scf.yield %add3A_3076, %add3A_3078, %add3A_3080, %add3A_3082, %add3A_3084, %add3A_3086, %add3A_3088, %add3A_3090, %add3A_3098, %add3A_3100, %add3A_3102, %add3A_3104, %add3A_3106, %add3A_3108, %add3A_3110, %add3A_3112, %add3A_3120, %add3A_3122, %add3A_3124, %add3A_3126, %add3A_3128, %add3A_3130, %add3A_3132, %add3A_3134, %add3A_3142, %add3A_3144, %add3A_3146, %add3A_3148, %add3A_3150, %add3A_3152, %add3A_3154, %add3A_3156 : vector<16xf32>, vector<16xf32>, vector<16xf32>, vector<16xf32>, vector<16xf32>, vector<16xf32>, vector<16xf32>, vector<16xf32>, vector<16xf32>, vector<16xf32>, vector<16xf32>, vector<16xf32>, vector<16xf32>, vector<16xf32>, vector<16xf32>, vector<16xf32>, vector<16xf32>, vector<16xf32>, vector<16xf32>, vector<16xf32>, vector<16xf32>, vector<16xf32>, vector<16xf32>, vector<16xf32>, vector<16xf32>, vector<16xf32>, vector<16xf32>, vector<16xf32>, vector<16xf32>, vector<16xf32>, vector<16xf32>, vector<16xf32>
      }
      %scan3A_2278 = arith.constant 128 : i32
      %broadcast_in_dim3A_2279 = arith.constant 0.000000e+00 : f32
      %broadcast_in_dim3A_2280 = vector.broadcast %broadcast_in_dim3A_2279 : f32 to vector<16xf32>
      %reduce_sum3A_2281 = arith.constant true
      %reduce_sum3A_2282 = vector.broadcast %reduce_sum3A_2281 : i1 to vector<16xi1>
      %reduce_sum3A_2283 = tpu.scan <sum>, %scan3A_2277#0 masked %reduce_sum3A_2282 : vector<16xf32>, vector<16xi1> -> vector<16xf32>
      %reduce_sum3A_2284 = vector.extract %reduce_sum3A_2283[15] : f32 from vector<16xf32>
      %reduce_sum3A_2285 = arith.constant true
      %reduce_sum3A_2286 = vector.broadcast %reduce_sum3A_2285 : i1 to vector<16xi1>
      %reduce_sum3A_2287 = tpu.scan <sum>, %scan3A_2277#8 masked %reduce_sum3A_2286 : vector<16xf32>, vector<16xi1> -> vector<16xf32>
      %reduce_sum3A_2288 = vector.extract %reduce_sum3A_2287[15] : f32 from vector<16xf32>
      %eq3A_2289 = arith.constant 0 : i32
      %eq3A_2290 = vector.broadcast %eq3A_2289 : i32 to vector<16xi32>
      %eq3A_2291 = arith.cmpi eq, %iota3A, %eq3A_2290 : vector<16xi32>
      %broadcast_in_dim3A_2292 = vector.broadcast %reduce_sum3A_2284 : f32 to vector<16xf32>
      %select_n3A_2293 = arith.select %eq3A_2291, %broadcast_in_dim3A_2292, %broadcast_in_dim3A_2280 : vector<16xi1>, vector<16xf32>
      %eq3A_2294 = arith.constant 8 : i32
      %eq3A_2295 = vector.broadcast %eq3A_2294 : i32 to vector<16xi32>
      %eq3A_2296 = arith.cmpi eq, %iota3A, %eq3A_2295 : vector<16xi32>
      %broadcast_in_dim3A_2297 = vector.broadcast %reduce_sum3A_2288 : f32 to vector<16xf32>
      %select_n3A_2298 = arith.select %eq3A_2296, %broadcast_in_dim3A_2297, %select_n3A_2293 : vector<16xi1>, vector<16xf32>
      %reduce_sum3A_2299 = arith.constant true
      %reduce_sum3A_2300 = vector.broadcast %reduce_sum3A_2299 : i1 to vector<16xi1>
      %reduce_sum3A_2301 = tpu.scan <sum>, %scan3A_2277#1 masked %reduce_sum3A_2300 : vector<16xf32>, vector<16xi1> -> vector<16xf32>
      %reduce_sum3A_2302 = vector.extract %reduce_sum3A_2301[15] : f32 from vector<16xf32>
      %reduce_sum3A_2303 = arith.constant true
      %reduce_sum3A_2304 = vector.broadcast %reduce_sum3A_2303 : i1 to vector<16xi1>
      %reduce_sum3A_2305 = tpu.scan <sum>, %scan3A_2277#9 masked %reduce_sum3A_2304 : vector<16xf32>, vector<16xi1> -> vector<16xf32>
      %reduce_sum3A_2306 = vector.extract %reduce_sum3A_2305[15] : f32 from vector<16xf32>
      %eq3A_2307 = arith.constant 1 : i32
      %eq3A_2308 = vector.broadcast %eq3A_2307 : i32 to vector<16xi32>
      %eq3A_2309 = arith.cmpi eq, %iota3A, %eq3A_2308 : vector<16xi32>
      %broadcast_in_dim3A_2310 = vector.broadcast %reduce_sum3A_2302 : f32 to vector<16xf32>
      %select_n3A_2311 = arith.select %eq3A_2309, %broadcast_in_dim3A_2310, %select_n3A_2298 : vector<16xi1>, vector<16xf32>
      %eq3A_2312 = arith.constant 9 : i32
      %eq3A_2313 = vector.broadcast %eq3A_2312 : i32 to vector<16xi32>
      %eq3A_2314 = arith.cmpi eq, %iota3A, %eq3A_2313 : vector<16xi32>
      %broadcast_in_dim3A_2315 = vector.broadcast %reduce_sum3A_2306 : f32 to vector<16xf32>
      %select_n3A_2316 = arith.select %eq3A_2314, %broadcast_in_dim3A_2315, %select_n3A_2311 : vector<16xi1>, vector<16xf32>
      %reduce_sum3A_2317 = arith.constant true
      %reduce_sum3A_2318 = vector.broadcast %reduce_sum3A_2317 : i1 to vector<16xi1>
      %reduce_sum3A_2319 = tpu.scan <sum>, %scan3A_2277#2 masked %reduce_sum3A_2318 : vector<16xf32>, vector<16xi1> -> vector<16xf32>
      %reduce_sum3A_2320 = vector.extract %reduce_sum3A_2319[15] : f32 from vector<16xf32>
      %reduce_sum3A_2321 = arith.constant true
      %reduce_sum3A_2322 = vector.broadcast %reduce_sum3A_2321 : i1 to vector<16xi1>
      %reduce_sum3A_2323 = tpu.scan <sum>, %scan3A_2277#10 masked %reduce_sum3A_2322 : vector<16xf32>, vector<16xi1> -> vector<16xf32>
      %reduce_sum3A_2324 = vector.extract %reduce_sum3A_2323[15] : f32 from vector<16xf32>
      %eq3A_2325 = arith.constant 2 : i32
      %eq3A_2326 = vector.broadcast %eq3A_2325 : i32 to vector<16xi32>
      %eq3A_2327 = arith.cmpi eq, %iota3A, %eq3A_2326 : vector<16xi32>
      %broadcast_in_dim3A_2328 = vector.broadcast %reduce_sum3A_2320 : f32 to vector<16xf32>
      %select_n3A_2329 = arith.select %eq3A_2327, %broadcast_in_dim3A_2328, %select_n3A_2316 : vector<16xi1>, vector<16xf32>
      %eq3A_2330 = arith.constant 10 : i32
      %eq3A_2331 = vector.broadcast %eq3A_2330 : i32 to vector<16xi32>
      %eq3A_2332 = arith.cmpi eq, %iota3A, %eq3A_2331 : vector<16xi32>
      %broadcast_in_dim3A_2333 = vector.broadcast %reduce_sum3A_2324 : f32 to vector<16xf32>
      %select_n3A_2334 = arith.select %eq3A_2332, %broadcast_in_dim3A_2333, %select_n3A_2329 : vector<16xi1>, vector<16xf32>
      %reduce_sum3A_2335 = arith.constant true
      %reduce_sum3A_2336 = vector.broadcast %reduce_sum3A_2335 : i1 to vector<16xi1>
      %reduce_sum3A_2337 = tpu.scan <sum>, %scan3A_2277#3 masked %reduce_sum3A_2336 : vector<16xf32>, vector<16xi1> -> vector<16xf32>
      %reduce_sum3A_2338 = vector.extract %reduce_sum3A_2337[15] : f32 from vector<16xf32>
      %reduce_sum3A_2339 = arith.constant true
      %reduce_sum3A_2340 = vector.broadcast %reduce_sum3A_2339 : i1 to vector<16xi1>
      %reduce_sum3A_2341 = tpu.scan <sum>, %scan3A_2277#11 masked %reduce_sum3A_2340 : vector<16xf32>, vector<16xi1> -> vector<16xf32>
      %reduce_sum3A_2342 = vector.extract %reduce_sum3A_2341[15] : f32 from vector<16xf32>
      %eq3A_2343 = arith.constant 3 : i32
      %eq3A_2344 = vector.broadcast %eq3A_2343 : i32 to vector<16xi32>
      %eq3A_2345 = arith.cmpi eq, %iota3A, %eq3A_2344 : vector<16xi32>
      %broadcast_in_dim3A_2346 = vector.broadcast %reduce_sum3A_2338 : f32 to vector<16xf32>
      %select_n3A_2347 = arith.select %eq3A_2345, %broadcast_in_dim3A_2346, %select_n3A_2334 : vector<16xi1>, vector<16xf32>
      %eq3A_2348 = arith.constant 11 : i32
      %eq3A_2349 = vector.broadcast %eq3A_2348 : i32 to vector<16xi32>
      %eq3A_2350 = arith.cmpi eq, %iota3A, %eq3A_2349 : vector<16xi32>
      %broadcast_in_dim3A_2351 = vector.broadcast %reduce_sum3A_2342 : f32 to vector<16xf32>
      %select_n3A_2352 = arith.select %eq3A_2350, %broadcast_in_dim3A_2351, %select_n3A_2347 : vector<16xi1>, vector<16xf32>
      %reduce_sum3A_2353 = arith.constant true
      %reduce_sum3A_2354 = vector.broadcast %reduce_sum3A_2353 : i1 to vector<16xi1>
      %reduce_sum3A_2355 = tpu.scan <sum>, %scan3A_2277#4 masked %reduce_sum3A_2354 : vector<16xf32>, vector<16xi1> -> vector<16xf32>
      %reduce_sum3A_2356 = vector.extract %reduce_sum3A_2355[15] : f32 from vector<16xf32>
      %reduce_sum3A_2357 = arith.constant true
      %reduce_sum3A_2358 = vector.broadcast %reduce_sum3A_2357 : i1 to vector<16xi1>
      %reduce_sum3A_2359 = tpu.scan <sum>, %scan3A_2277#12 masked %reduce_sum3A_2358 : vector<16xf32>, vector<16xi1> -> vector<16xf32>
      %reduce_sum3A_2360 = vector.extract %reduce_sum3A_2359[15] : f32 from vector<16xf32>
      %eq3A_2361 = arith.constant 4 : i32
      %eq3A_2362 = vector.broadcast %eq3A_2361 : i32 to vector<16xi32>
      %eq3A_2363 = arith.cmpi eq, %iota3A, %eq3A_2362 : vector<16xi32>
      %broadcast_in_dim3A_2364 = vector.broadcast %reduce_sum3A_2356 : f32 to vector<16xf32>
      %select_n3A_2365 = arith.select %eq3A_2363, %broadcast_in_dim3A_2364, %select_n3A_2352 : vector<16xi1>, vector<16xf32>
      %eq3A_2366 = arith.constant 12 : i32
      %eq3A_2367 = vector.broadcast %eq3A_2366 : i32 to vector<16xi32>
      %eq3A_2368 = arith.cmpi eq, %iota3A, %eq3A_2367 : vector<16xi32>
      %broadcast_in_dim3A_2369 = vector.broadcast %reduce_sum3A_2360 : f32 to vector<16xf32>
      %select_n3A_2370 = arith.select %eq3A_2368, %broadcast_in_dim3A_2369, %select_n3A_2365 : vector<16xi1>, vector<16xf32>
      %reduce_sum3A_2371 = arith.constant true
      %reduce_sum3A_2372 = vector.broadcast %reduce_sum3A_2371 : i1 to vector<16xi1>
      %reduce_sum3A_2373 = tpu.scan <sum>, %scan3A_2277#5 masked %reduce_sum3A_2372 : vector<16xf32>, vector<16xi1> -> vector<16xf32>
      %reduce_sum3A_2374 = vector.extract %reduce_sum3A_2373[15] : f32 from vector<16xf32>
      %reduce_sum3A_2375 = arith.constant true
      %reduce_sum3A_2376 = vector.broadcast %reduce_sum3A_2375 : i1 to vector<16xi1>
      %reduce_sum3A_2377 = tpu.scan <sum>, %scan3A_2277#13 masked %reduce_sum3A_2376 : vector<16xf32>, vector<16xi1> -> vector<16xf32>
      %reduce_sum3A_2378 = vector.extract %reduce_sum3A_2377[15] : f32 from vector<16xf32>
      %eq3A_2379 = arith.constant 5 : i32
      %eq3A_2380 = vector.broadcast %eq3A_2379 : i32 to vector<16xi32>
      %eq3A_2381 = arith.cmpi eq, %iota3A, %eq3A_2380 : vector<16xi32>
      %broadcast_in_dim3A_2382 = vector.broadcast %reduce_sum3A_2374 : f32 to vector<16xf32>
      %select_n3A_2383 = arith.select %eq3A_2381, %broadcast_in_dim3A_2382, %select_n3A_2370 : vector<16xi1>, vector<16xf32>
      %eq3A_2384 = arith.constant 13 : i32
      %eq3A_2385 = vector.broadcast %eq3A_2384 : i32 to vector<16xi32>
      %eq3A_2386 = arith.cmpi eq, %iota3A, %eq3A_2385 : vector<16xi32>
      %broadcast_in_dim3A_2387 = vector.broadcast %reduce_sum3A_2378 : f32 to vector<16xf32>
      %select_n3A_2388 = arith.select %eq3A_2386, %broadcast_in_dim3A_2387, %select_n3A_2383 : vector<16xi1>, vector<16xf32>
      %reduce_sum3A_2389 = arith.constant true
      %reduce_sum3A_2390 = vector.broadcast %reduce_sum3A_2389 : i1 to vector<16xi1>
      %reduce_sum3A_2391 = tpu.scan <sum>, %scan3A_2277#6 masked %reduce_sum3A_2390 : vector<16xf32>, vector<16xi1> -> vector<16xf32>
      %reduce_sum3A_2392 = vector.extract %reduce_sum3A_2391[15] : f32 from vector<16xf32>
      %reduce_sum3A_2393 = arith.constant true
      %reduce_sum3A_2394 = vector.broadcast %reduce_sum3A_2393 : i1 to vector<16xi1>
      %reduce_sum3A_2395 = tpu.scan <sum>, %scan3A_2277#14 masked %reduce_sum3A_2394 : vector<16xf32>, vector<16xi1> -> vector<16xf32>
      %reduce_sum3A_2396 = vector.extract %reduce_sum3A_2395[15] : f32 from vector<16xf32>
      %eq3A_2397 = arith.constant 6 : i32
      %eq3A_2398 = vector.broadcast %eq3A_2397 : i32 to vector<16xi32>
      %eq3A_2399 = arith.cmpi eq, %iota3A, %eq3A_2398 : vector<16xi32>
      %broadcast_in_dim3A_2400 = vector.broadcast %reduce_sum3A_2392 : f32 to vector<16xf32>
      %select_n3A_2401 = arith.select %eq3A_2399, %broadcast_in_dim3A_2400, %select_n3A_2388 : vector<16xi1>, vector<16xf32>
      %eq3A_2402 = arith.constant 14 : i32
      %eq3A_2403 = vector.broadcast %eq3A_2402 : i32 to vector<16xi32>
      %eq3A_2404 = arith.cmpi eq, %iota3A, %eq3A_2403 : vector<16xi32>
      %broadcast_in_dim3A_2405 = vector.broadcast %reduce_sum3A_2396 : f32 to vector<16xf32>
      %select_n3A_2406 = arith.select %eq3A_2404, %broadcast_in_dim3A_2405, %select_n3A_2401 : vector<16xi1>, vector<16xf32>
      %reduce_sum3A_2407 = arith.constant true
      %reduce_sum3A_2408 = vector.broadcast %reduce_sum3A_2407 : i1 to vector<16xi1>
      %reduce_sum3A_2409 = tpu.scan <sum>, %scan3A_2277#7 masked %reduce_sum3A_2408 : vector<16xf32>, vector<16xi1> -> vector<16xf32>
      %reduce_sum3A_2410 = vector.extract %reduce_sum3A_2409[15] : f32 from vector<16xf32>
      %reduce_sum3A_2411 = arith.constant true
      %reduce_sum3A_2412 = vector.broadcast %reduce_sum3A_2411 : i1 to vector<16xi1>
      %reduce_sum3A_2413 = tpu.scan <sum>, %scan3A_2277#15 masked %reduce_sum3A_2412 : vector<16xf32>, vector<16xi1> -> vector<16xf32>
      %reduce_sum3A_2414 = vector.extract %reduce_sum3A_2413[15] : f32 from vector<16xf32>
      %eq3A_2415 = arith.constant 7 : i32
      %eq3A_2416 = vector.broadcast %eq3A_2415 : i32 to vector<16xi32>
      %eq3A_2417 = arith.cmpi eq, %iota3A, %eq3A_2416 : vector<16xi32>
      %broadcast_in_dim3A_2418 = vector.broadcast %reduce_sum3A_2410 : f32 to vector<16xf32>
      %select_n3A_2419 = arith.select %eq3A_2417, %broadcast_in_dim3A_2418, %select_n3A_2406 : vector<16xi1>, vector<16xf32>
      %eq3A_2420 = arith.constant 15 : i32
      %eq3A_2421 = vector.broadcast %eq3A_2420 : i32 to vector<16xi32>
      %eq3A_2422 = arith.cmpi eq, %iota3A, %eq3A_2421 : vector<16xi32>
      %broadcast_in_dim3A_2423 = vector.broadcast %reduce_sum3A_2414 : f32 to vector<16xf32>
      %select_n3A_2424 = arith.select %eq3A_2422, %broadcast_in_dim3A_2423, %select_n3A_2419 : vector<16xi1>, vector<16xf32>
      %mul3A_2425 = arith.constant 16 : i32
      %mul3A_2426 = arith.muli %add3A_1538, %mul3A_2425 : i32
      %add3A_2427 = arith.constant 8 : i32
      %add3A_2428 = arith.addi %mul3A_2426, %add3A_2427 : i32
      %add3A_2429 = arith.constant 0 : i32
      %add3A_2430 = arith.addi %add3A_2428, %add3A_2429 : i32
      %jit3A_2431 = arith.constant 2 : i32
      %div3A_2432 = arith.divsi %add3A_2430, %jit3A_2431 : i32
      %sign3A_2433 = arith.constant 0 : i32
      %sign3A_2434 = arith.cmpi sgt, %add3A_2430, %sign3A_2433 : i32
      %sign3A_2435 = arith.extui %sign3A_2434 : i1 to i32
      %sign3A_2436 = arith.constant 0 : i32
      %sign3A_2437 = arith.cmpi slt, %add3A_2430, %sign3A_2436 : i32
      %sign3A_2438 = arith.extui %sign3A_2437 : i1 to i32
      %sign3A_2439 = arith.subi %sign3A_2435, %sign3A_2438 : i32
      %sign3A_2440 = arith.constant 0 : i32
      %sign3A_2441 = arith.cmpi sgt, %jit3A_2431, %sign3A_2440 : i32
      %sign3A_2442 = arith.extui %sign3A_2441 : i1 to i32
      %sign3A_2443 = arith.constant 0 : i32
      %sign3A_2444 = arith.cmpi slt, %jit3A_2431, %sign3A_2443 : i32
      %sign3A_2445 = arith.extui %sign3A_2444 : i1 to i32
      %sign3A_2446 = arith.subi %sign3A_2442, %sign3A_2445 : i32
      %ne3A_2447 = arith.cmpi ne, %sign3A_2439, %sign3A_2446 : i32
      %rem3A_2448 = arith.remsi %add3A_2430, %jit3A_2431 : i32
      %ne3A_2449 = arith.constant 0 : i32
      %ne3A_2450 = arith.cmpi ne, %rem3A_2448, %ne3A_2449 : i32
      %and3A_2451 = arith.andi %ne3A_2447, %ne3A_2450 : i1
      %sub3A_2452 = arith.constant 1 : i32
      %sub3A_2453 = arith.subi %div3A_2432, %sub3A_2452 : i32
      %select_n3A_2454 = arith.select %and3A_2451, %sub3A_2453, %div3A_2432 : i32
      %swap3A_2455 = arith.index_cast %select_n3A_2454 : i32 to index
      %swap3A_2456 = arith.constant 0 : index
      %swap3A_2457 = tpu.vector_load %arg7[%swap3A_2455, %swap3A_2456] {strides = array<i32>} : memref<80x16xf32, #tpu.memory_space<vmem>>, vector<16xf32>,
      tpu.vector_store %arg7[%swap3A_2455, %swap3A_2456], %select_n3A_2424 {strides = array<i32>} : memref<80x16xf32, #tpu.memory_space<vmem>>, vector<16xf32>,
      %broadcast_in_dim3A_2458 = arith.constant 0.000000e+00 : f32
      %broadcast_in_dim3A_2459 = vector.broadcast %broadcast_in_dim3A_2458 : f32 to vector<16xf32>
      %reduce_sum3A_2460 = arith.constant true
      %reduce_sum3A_2461 = vector.broadcast %reduce_sum3A_2460 : i1 to vector<16xi1>
      %reduce_sum3A_2462 = tpu.scan <sum>, %scan3A_2277#16 masked %reduce_sum3A_2461 : vector<16xf32>, vector<16xi1> -> vector<16xf32>
      %reduce_sum3A_2463 = vector.extract %reduce_sum3A_2462[15] : f32 from vector<16xf32>
      %reduce_sum3A_2464 = arith.constant true
      %reduce_sum3A_2465 = vector.broadcast %reduce_sum3A_2464 : i1 to vector<16xi1>
      %reduce_sum3A_2466 = tpu.scan <sum>, %scan3A_2277#24 masked %reduce_sum3A_2465 : vector<16xf32>, vector<16xi1> -> vector<16xf32>
      %reduce_sum3A_2467 = vector.extract %reduce_sum3A_2466[15] : f32 from vector<16xf32>
      %eq3A_2468 = arith.constant 0 : i32
      %eq3A_2469 = vector.broadcast %eq3A_2468 : i32 to vector<16xi32>
      %eq3A_2470 = arith.cmpi eq, %iota3A, %eq3A_2469 : vector<16xi32>
      %broadcast_in_dim3A_2471 = vector.broadcast %reduce_sum3A_2463 : f32 to vector<16xf32>
      %select_n3A_2472 = arith.select %eq3A_2470, %broadcast_in_dim3A_2471, %broadcast_in_dim3A_2459 : vector<16xi1>, vector<16xf32>
      %eq3A_2473 = arith.constant 8 : i32
      %eq3A_2474 = vector.broadcast %eq3A_2473 : i32 to vector<16xi32>
      %eq3A_2475 = arith.cmpi eq, %iota3A, %eq3A_2474 : vector<16xi32>
      %broadcast_in_dim3A_2476 = vector.broadcast %reduce_sum3A_2467 : f32 to vector<16xf32>
      %select_n3A_2477 = arith.select %eq3A_2475, %broadcast_in_dim3A_2476, %select_n3A_2472 : vector<16xi1>, vector<16xf32>
      %reduce_sum3A_2478 = arith.constant true
      %reduce_sum3A_2479 = vector.broadcast %reduce_sum3A_2478 : i1 to vector<16xi1>
      %reduce_sum3A_2480 = tpu.scan <sum>, %scan3A_2277#17 masked %reduce_sum3A_2479 : vector<16xf32>, vector<16xi1> -> vector<16xf32>
      %reduce_sum3A_2481 = vector.extract %reduce_sum3A_2480[15] : f32 from vector<16xf32>
      %reduce_sum3A_2482 = arith.constant true
      %reduce_sum3A_2483 = vector.broadcast %reduce_sum3A_2482 : i1 to vector<16xi1>
      %reduce_sum3A_2484 = tpu.scan <sum>, %scan3A_2277#25 masked %reduce_sum3A_2483 : vector<16xf32>, vector<16xi1> -> vector<16xf32>
      %reduce_sum3A_2485 = vector.extract %reduce_sum3A_2484[15] : f32 from vector<16xf32>
      %eq3A_2486 = arith.constant 1 : i32
      %eq3A_2487 = vector.broadcast %eq3A_2486 : i32 to vector<16xi32>
      %eq3A_2488 = arith.cmpi eq, %iota3A, %eq3A_2487 : vector<16xi32>
      %broadcast_in_dim3A_2489 = vector.broadcast %reduce_sum3A_2481 : f32 to vector<16xf32>
      %select_n3A_2490 = arith.select %eq3A_2488, %broadcast_in_dim3A_2489, %select_n3A_2477 : vector<16xi1>, vector<16xf32>
      %eq3A_2491 = arith.constant 9 : i32
      %eq3A_2492 = vector.broadcast %eq3A_2491 : i32 to vector<16xi32>
      %eq3A_2493 = arith.cmpi eq, %iota3A, %eq3A_2492 : vector<16xi32>
      %broadcast_in_dim3A_2494 = vector.broadcast %reduce_sum3A_2485 : f32 to vector<16xf32>
      %select_n3A_2495 = arith.select %eq3A_2493, %broadcast_in_dim3A_2494, %select_n3A_2490 : vector<16xi1>, vector<16xf32>
      %reduce_sum3A_2496 = arith.constant true
      %reduce_sum3A_2497 = vector.broadcast %reduce_sum3A_2496 : i1 to vector<16xi1>
      %reduce_sum3A_2498 = tpu.scan <sum>, %scan3A_2277#18 masked %reduce_sum3A_2497 : vector<16xf32>, vector<16xi1> -> vector<16xf32>
      %reduce_sum3A_2499 = vector.extract %reduce_sum3A_2498[15] : f32 from vector<16xf32>
      %reduce_sum3A_2500 = arith.constant true
      %reduce_sum3A_2501 = vector.broadcast %reduce_sum3A_2500 : i1 to vector<16xi1>
      %reduce_sum3A_2502 = tpu.scan <sum>, %scan3A_2277#26 masked %reduce_sum3A_2501 : vector<16xf32>, vector<16xi1> -> vector<16xf32>
      %reduce_sum3A_2503 = vector.extract %reduce_sum3A_2502[15] : f32 from vector<16xf32>
      %eq3A_2504 = arith.constant 2 : i32
      %eq3A_2505 = vector.broadcast %eq3A_2504 : i32 to vector<16xi32>
      %eq3A_2506 = arith.cmpi eq, %iota3A, %eq3A_2505 : vector<16xi32>
      %broadcast_in_dim3A_2507 = vector.broadcast %reduce_sum3A_2499 : f32 to vector<16xf32>
      %select_n3A_2508 = arith.select %eq3A_2506, %broadcast_in_dim3A_2507, %select_n3A_2495 : vector<16xi1>, vector<16xf32>
      %eq3A_2509 = arith.constant 10 : i32
      %eq3A_2510 = vector.broadcast %eq3A_2509 : i32 to vector<16xi32>
      %eq3A_2511 = arith.cmpi eq, %iota3A, %eq3A_2510 : vector<16xi32>
      %broadcast_in_dim3A_2512 = vector.broadcast %reduce_sum3A_2503 : f32 to vector<16xf32>
      %select_n3A_2513 = arith.select %eq3A_2511, %broadcast_in_dim3A_2512, %select_n3A_2508 : vector<16xi1>, vector<16xf32>
      %reduce_sum3A_2514 = arith.constant true
      %reduce_sum3A_2515 = vector.broadcast %reduce_sum3A_2514 : i1 to vector<16xi1>
      %reduce_sum3A_2516 = tpu.scan <sum>, %scan3A_2277#19 masked %reduce_sum3A_2515 : vector<16xf32>, vector<16xi1> -> vector<16xf32>
      %reduce_sum3A_2517 = vector.extract %reduce_sum3A_2516[15] : f32 from vector<16xf32>
      %reduce_sum3A_2518 = arith.constant true
      %reduce_sum3A_2519 = vector.broadcast %reduce_sum3A_2518 : i1 to vector<16xi1>
      %reduce_sum3A_2520 = tpu.scan <sum>, %scan3A_2277#27 masked %reduce_sum3A_2519 : vector<16xf32>, vector<16xi1> -> vector<16xf32>
      %reduce_sum3A_2521 = vector.extract %reduce_sum3A_2520[15] : f32 from vector<16xf32>
      %eq3A_2522 = arith.constant 3 : i32
      %eq3A_2523 = vector.broadcast %eq3A_2522 : i32 to vector<16xi32>
      %eq3A_2524 = arith.cmpi eq, %iota3A, %eq3A_2523 : vector<16xi32>
      %broadcast_in_dim3A_2525 = vector.broadcast %reduce_sum3A_2517 : f32 to vector<16xf32>
      %select_n3A_2526 = arith.select %eq3A_2524, %broadcast_in_dim3A_2525, %select_n3A_2513 : vector<16xi1>, vector<16xf32>
      %eq3A_2527 = arith.constant 11 : i32
      %eq3A_2528 = vector.broadcast %eq3A_2527 : i32 to vector<16xi32>
      %eq3A_2529 = arith.cmpi eq, %iota3A, %eq3A_2528 : vector<16xi32>
      %broadcast_in_dim3A_2530 = vector.broadcast %reduce_sum3A_2521 : f32 to vector<16xf32>
      %select_n3A_2531 = arith.select %eq3A_2529, %broadcast_in_dim3A_2530, %select_n3A_2526 : vector<16xi1>, vector<16xf32>
      %reduce_sum3A_2532 = arith.constant true
      %reduce_sum3A_2533 = vector.broadcast %reduce_sum3A_2532 : i1 to vector<16xi1>
      %reduce_sum3A_2534 = tpu.scan <sum>, %scan3A_2277#20 masked %reduce_sum3A_2533 : vector<16xf32>, vector<16xi1> -> vector<16xf32>
      %reduce_sum3A_2535 = vector.extract %reduce_sum3A_2534[15] : f32 from vector<16xf32>
      %reduce_sum3A_2536 = arith.constant true
      %reduce_sum3A_2537 = vector.broadcast %reduce_sum3A_2536 : i1 to vector<16xi1>
      %reduce_sum3A_2538 = tpu.scan <sum>, %scan3A_2277#28 masked %reduce_sum3A_2537 : vector<16xf32>, vector<16xi1> -> vector<16xf32>
      %reduce_sum3A_2539 = vector.extract %reduce_sum3A_2538[15] : f32 from vector<16xf32>
      %eq3A_2540 = arith.constant 4 : i32
      %eq3A_2541 = vector.broadcast %eq3A_2540 : i32 to vector<16xi32>
      %eq3A_2542 = arith.cmpi eq, %iota3A, %eq3A_2541 : vector<16xi32>
      %broadcast_in_dim3A_2543 = vector.broadcast %reduce_sum3A_2535 : f32 to vector<16xf32>
      %select_n3A_2544 = arith.select %eq3A_2542, %broadcast_in_dim3A_2543, %select_n3A_2531 : vector<16xi1>, vector<16xf32>
      %eq3A_2545 = arith.constant 12 : i32
      %eq3A_2546 = vector.broadcast %eq3A_2545 : i32 to vector<16xi32>
      %eq3A_2547 = arith.cmpi eq, %iota3A, %eq3A_2546 : vector<16xi32>
      %broadcast_in_dim3A_2548 = vector.broadcast %reduce_sum3A_2539 : f32 to vector<16xf32>
      %select_n3A_2549 = arith.select %eq3A_2547, %broadcast_in_dim3A_2548, %select_n3A_2544 : vector<16xi1>, vector<16xf32>
      %reduce_sum3A_2550 = arith.constant true
      %reduce_sum3A_2551 = vector.broadcast %reduce_sum3A_2550 : i1 to vector<16xi1>
      %reduce_sum3A_2552 = tpu.scan <sum>, %scan3A_2277#21 masked %reduce_sum3A_2551 : vector<16xf32>, vector<16xi1> -> vector<16xf32>
      %reduce_sum3A_2553 = vector.extract %reduce_sum3A_2552[15] : f32 from vector<16xf32>
      %reduce_sum3A_2554 = arith.constant true
      %reduce_sum3A_2555 = vector.broadcast %reduce_sum3A_2554 : i1 to vector<16xi1>
      %reduce_sum3A_2556 = tpu.scan <sum>, %scan3A_2277#29 masked %reduce_sum3A_2555 : vector<16xf32>, vector<16xi1> -> vector<16xf32>
      %reduce_sum3A_2557 = vector.extract %reduce_sum3A_2556[15] : f32 from vector<16xf32>
      %eq3A_2558 = arith.constant 5 : i32
      %eq3A_2559 = vector.broadcast %eq3A_2558 : i32 to vector<16xi32>
      %eq3A_2560 = arith.cmpi eq, %iota3A, %eq3A_2559 : vector<16xi32>
      %broadcast_in_dim3A_2561 = vector.broadcast %reduce_sum3A_2553 : f32 to vector<16xf32>
      %select_n3A_2562 = arith.select %eq3A_2560, %broadcast_in_dim3A_2561, %select_n3A_2549 : vector<16xi1>, vector<16xf32>
      %eq3A_2563 = arith.constant 13 : i32
      %eq3A_2564 = vector.broadcast %eq3A_2563 : i32 to vector<16xi32>
      %eq3A_2565 = arith.cmpi eq, %iota3A, %eq3A_2564 : vector<16xi32>
      %broadcast_in_dim3A_2566 = vector.broadcast %reduce_sum3A_2557 : f32 to vector<16xf32>
      %select_n3A_2567 = arith.select %eq3A_2565, %broadcast_in_dim3A_2566, %select_n3A_2562 : vector<16xi1>, vector<16xf32>
      %reduce_sum3A_2568 = arith.constant true
      %reduce_sum3A_2569 = vector.broadcast %reduce_sum3A_2568 : i1 to vector<16xi1>
      %reduce_sum3A_2570 = tpu.scan <sum>, %scan3A_2277#22 masked %reduce_sum3A_2569 : vector<16xf32>, vector<16xi1> -> vector<16xf32>
      %reduce_sum3A_2571 = vector.extract %reduce_sum3A_2570[15] : f32 from vector<16xf32>
      %reduce_sum3A_2572 = arith.constant true
      %reduce_sum3A_2573 = vector.broadcast %reduce_sum3A_2572 : i1 to vector<16xi1>
      %reduce_sum3A_2574 = tpu.scan <sum>, %scan3A_2277#30 masked %reduce_sum3A_2573 : vector<16xf32>, vector<16xi1> -> vector<16xf32>
      %reduce_sum3A_2575 = vector.extract %reduce_sum3A_2574[15] : f32 from vector<16xf32>
      %eq3A_2576 = arith.constant 6 : i32
      %eq3A_2577 = vector.broadcast %eq3A_2576 : i32 to vector<16xi32>
      %eq3A_2578 = arith.cmpi eq, %iota3A, %eq3A_2577 : vector<16xi32>
      %broadcast_in_dim3A_2579 = vector.broadcast %reduce_sum3A_2571 : f32 to vector<16xf32>
      %select_n3A_2580 = arith.select %eq3A_2578, %broadcast_in_dim3A_2579, %select_n3A_2567 : vector<16xi1>, vector<16xf32>
      %eq3A_2581 = arith.constant 14 : i32
      %eq3A_2582 = vector.broadcast %eq3A_2581 : i32 to vector<16xi32>
      %eq3A_2583 = arith.cmpi eq, %iota3A, %eq3A_2582 : vector<16xi32>
      %broadcast_in_dim3A_2584 = vector.broadcast %reduce_sum3A_2575 : f32 to vector<16xf32>
      %select_n3A_2585 = arith.select %eq3A_2583, %broadcast_in_dim3A_2584, %select_n3A_2580 : vector<16xi1>, vector<16xf32>
      %reduce_sum3A_2586 = arith.constant true
      %reduce_sum3A_2587 = vector.broadcast %reduce_sum3A_2586 : i1 to vector<16xi1>
      %reduce_sum3A_2588 = tpu.scan <sum>, %scan3A_2277#23 masked %reduce_sum3A_2587 : vector<16xf32>, vector<16xi1> -> vector<16xf32>
      %reduce_sum3A_2589 = vector.extract %reduce_sum3A_2588[15] : f32 from vector<16xf32>
      %reduce_sum3A_2590 = arith.constant true
      %reduce_sum3A_2591 = vector.broadcast %reduce_sum3A_2590 : i1 to vector<16xi1>
      %reduce_sum3A_2592 = tpu.scan <sum>, %scan3A_2277#31 masked %reduce_sum3A_2591 : vector<16xf32>, vector<16xi1> -> vector<16xf32>
      %reduce_sum3A_2593 = vector.extract %reduce_sum3A_2592[15] : f32 from vector<16xf32>
      %eq3A_2594 = arith.constant 7 : i32
      %eq3A_2595 = vector.broadcast %eq3A_2594 : i32 to vector<16xi32>
      %eq3A_2596 = arith.cmpi eq, %iota3A, %eq3A_2595 : vector<16xi32>
      %broadcast_in_dim3A_2597 = vector.broadcast %reduce_sum3A_2589 : f32 to vector<16xf32>
      %select_n3A_2598 = arith.select %eq3A_2596, %broadcast_in_dim3A_2597, %select_n3A_2585 : vector<16xi1>, vector<16xf32>
      %eq3A_2599 = arith.constant 15 : i32
      %eq3A_2600 = vector.broadcast %eq3A_2599 : i32 to vector<16xi32>
      %eq3A_2601 = arith.cmpi eq, %iota3A, %eq3A_2600 : vector<16xi32>
      %broadcast_in_dim3A_2602 = vector.broadcast %reduce_sum3A_2593 : f32 to vector<16xf32>
      %select_n3A_2603 = arith.select %eq3A_2601, %broadcast_in_dim3A_2602, %select_n3A_2598 : vector<16xi1>, vector<16xf32>
      %mul3A_2604 = arith.constant 16 : i32
      %mul3A_2605 = arith.muli %add3A_1538, %mul3A_2604 : i32
      %add3A_2606 = arith.constant 8 : i32
      %add3A_2607 = arith.addi %mul3A_2605, %add3A_2606 : i32
      %add3A_2608 = arith.constant 2 : i32
      %add3A_2609 = arith.addi %add3A_2607, %add3A_2608 : i32
      %jit3A_2610 = arith.constant 2 : i32
      %div3A_2611 = arith.divsi %add3A_2609, %jit3A_2610 : i32
      %sign3A_2612 = arith.constant 0 : i32
      %sign3A_2613 = arith.cmpi sgt, %add3A_2609, %sign3A_2612 : i32
      %sign3A_2614 = arith.extui %sign3A_2613 : i1 to i32
      %sign3A_2615 = arith.constant 0 : i32
      %sign3A_2616 = arith.cmpi slt, %add3A_2609, %sign3A_2615 : i32
      %sign3A_2617 = arith.extui %sign3A_2616 : i1 to i32
      %sign3A_2618 = arith.subi %sign3A_2614, %sign3A_2617 : i32
      %sign3A_2619 = arith.constant 0 : i32
      %sign3A_2620 = arith.cmpi sgt, %jit3A_2610, %sign3A_2619 : i32
      %sign3A_2621 = arith.extui %sign3A_2620 : i1 to i32
      %sign3A_2622 = arith.constant 0 : i32
      %sign3A_2623 = arith.cmpi slt, %jit3A_2610, %sign3A_2622 : i32
      %sign3A_2624 = arith.extui %sign3A_2623 : i1 to i32
      %sign3A_2625 = arith.subi %sign3A_2621, %sign3A_2624 : i32
      %ne3A_2626 = arith.cmpi ne, %sign3A_2618, %sign3A_2625 : i32
      %rem3A_2627 = arith.remsi %add3A_2609, %jit3A_2610 : i32
      %ne3A_2628 = arith.constant 0 : i32
      %ne3A_2629 = arith.cmpi ne, %rem3A_2627, %ne3A_2628 : i32
      %and3A_2630 = arith.andi %ne3A_2626, %ne3A_2629 : i1
      %sub3A_2631 = arith.constant 1 : i32
      %sub3A_2632 = arith.subi %div3A_2611, %sub3A_2631 : i32
      %select_n3A_2633 = arith.select %and3A_2630, %sub3A_2632, %div3A_2611 : i32
      %swap3A_2634 = arith.index_cast %select_n3A_2633 : i32 to index
      %swap3A_2635 = arith.constant 0 : index
      %swap3A_2636 = tpu.vector_load %arg7[%swap3A_2634, %swap3A_2635] {strides = array<i32>} : memref<80x16xf32, #tpu.memory_space<vmem>>, vector<16xf32>,
      tpu.vector_store %arg7[%swap3A_2634, %swap3A_2635], %select_n3A_2603 {strides = array<i32>} : memref<80x16xf32, #tpu.memory_space<vmem>>, vector<16xf32>,
      %broadcast_in_dim3A_2637 = arith.constant 0.000000e+00 : f32
      %broadcast_in_dim3A_2638 = vector.broadcast %broadcast_in_dim3A_2637 : f32 to vector<16xf32>
      %scan3A_2639 = arith.constant 0 : i32
      %scan3A_2640 = arith.constant 128 : i32
      %scan3A_2641 = arith.addi %scan3A_2639, %scan3A_2640 : i32
      %scan3A_2642 = arith.constant 1 : i32
      %scan3A_2643:32 = scf.for %scan3A_3003 = %scan3A_2639 to %scan3A_2641 step %scan3A_2642 iter_args(%scan3A_3004 = %broadcast_in_dim3A_2638, %scan3A_3005 = %broadcast_in_dim3A_2638, %scan3A_3006 = %broadcast_in_dim3A_2638, %scan3A_3007 = %broadcast_in_dim3A_2638, %scan3A_3008 = %broadcast_in_dim3A_2638, %scan3A_3009 = %broadcast_in_dim3A_2638, %scan3A_3010 = %broadcast_in_dim3A_2638, %scan3A_3011 = %broadcast_in_dim3A_2638, %scan3A_3012 = %broadcast_in_dim3A_2638, %scan3A_3013 = %broadcast_in_dim3A_2638, %scan3A_3014 = %broadcast_in_dim3A_2638, %scan3A_3015 = %broadcast_in_dim3A_2638, %scan3A_3016 = %broadcast_in_dim3A_2638, %scan3A_3017 = %broadcast_in_dim3A_2638, %scan3A_3018 = %broadcast_in_dim3A_2638, %scan3A_3019 = %broadcast_in_dim3A_2638, %scan3A_3020 = %broadcast_in_dim3A_2638, %scan3A_3021 = %broadcast_in_dim3A_2638, %scan3A_3022 = %broadcast_in_dim3A_2638, %scan3A_3023 = %broadcast_in_dim3A_2638, %scan3A_3024 = %broadcast_in_dim3A_2638, %scan3A_3025 = %broadcast_in_dim3A_2638, %scan3A_3026 = %broadcast_in_dim3A_2638, %scan3A_3027 = %broadcast_in_dim3A_2638, %scan3A_3028 = %broadcast_in_dim3A_2638, %scan3A_3029 = %broadcast_in_dim3A_2638, %scan3A_3030 = %broadcast_in_dim3A_2638, %scan3A_3031 = %broadcast_in_dim3A_2638, %scan3A_3032 = %broadcast_in_dim3A_2638, %scan3A_3033 = %broadcast_in_dim3A_2638, %scan3A_3034 = %broadcast_in_dim3A_2638, %scan3A_3035 = %broadcast_in_dim3A_2638) -> (vector<16xf32>, vector<16xf32>, vector<16xf32>, vector<16xf32>, vector<16xf32>, vector<16xf32>, vector<16xf32>, vector<16xf32>, vector<16xf32>, vector<16xf32>, vector<16xf32>, vector<16xf32>, vector<16xf32>, vector<16xf32>, vector<16xf32>, vector<16xf32>, vector<16xf32>, vector<16xf32>, vector<16xf32>, vector<16xf32>, vector<16xf32>, vector<16xf32>, vector<16xf32>, vector<16xf32>, vector<16xf32>, vector<16xf32>, vector<16xf32>, vector<16xf32>, vector<16xf32>, vector<16xf32>, vector<16xf32>, vector<16xf32>)  : i32 {
        %mul3A_3036 = arith.constant 16 : i32
        %mul3A_3037 = arith.muli %scan3A_3003, %mul3A_3036 : i32
        %get3A = arith.constant 0 : i32
        %get3A_3038 = arith.index_cast %get3A : i32 to index
        %get3A_3039 = arith.index_cast %mul3A_3037 : i32 to index
        %get3A_3040 = tpu.vector_load %arg5[%get3A_3038, %get3A_3039] {strides = array<i32>} : memref<8x2048xf32, #tpu.memory_space<vmem>>, vector<16xf32>,
        %get3A_3041 = arith.constant 1 : i32
        %get3A_3042 = arith.index_cast %get3A_3041 : i32 to index
        %get3A_3043 = arith.index_cast %mul3A_3037 : i32 to index
        %get3A_3044 = tpu.vector_load %arg5[%get3A_3042, %get3A_3043] {strides = array<i32>} : memref<8x2048xf32, #tpu.memory_space<vmem>>, vector<16xf32>,
        %get3A_3045 = arith.constant 2 : i32
        %get3A_3046 = arith.index_cast %get3A_3045 : i32 to index
        %get3A_3047 = arith.index_cast %mul3A_3037 : i32 to index
        %get3A_3048 = tpu.vector_load %arg5[%get3A_3046, %get3A_3047] {strides = array<i32>} : memref<8x2048xf32, #tpu.memory_space<vmem>>, vector<16xf32>,
        %get3A_3049 = arith.constant 3 : i32
        %get3A_3050 = arith.index_cast %get3A_3049 : i32 to index
        %get3A_3051 = arith.index_cast %mul3A_3037 : i32 to index
        %get3A_3052 = tpu.vector_load %arg5[%get3A_3050, %get3A_3051] {strides = array<i32>} : memref<8x2048xf32, #tpu.memory_space<vmem>>, vector<16xf32>,
        %get3A_3053 = arith.constant 4 : i32
        %get3A_3054 = arith.index_cast %get3A_3053 : i32 to index
        %get3A_3055 = arith.index_cast %mul3A_3037 : i32 to index
        %get3A_3056 = tpu.vector_load %arg5[%get3A_3054, %get3A_3055] {strides = array<i32>} : memref<8x2048xf32, #tpu.memory_space<vmem>>, vector<16xf32>,
        %get3A_3057 = arith.constant 5 : i32
        %get3A_3058 = arith.index_cast %get3A_3057 : i32 to index
        %get3A_3059 = arith.index_cast %mul3A_3037 : i32 to index
        %get3A_3060 = tpu.vector_load %arg5[%get3A_3058, %get3A_3059] {strides = array<i32>} : memref<8x2048xf32, #tpu.memory_space<vmem>>, vector<16xf32>,
        %get3A_3061 = arith.constant 6 : i32
        %get3A_3062 = arith.index_cast %get3A_3061 : i32 to index
        %get3A_3063 = arith.index_cast %mul3A_3037 : i32 to index
        %get3A_3064 = tpu.vector_load %arg5[%get3A_3062, %get3A_3063] {strides = array<i32>} : memref<8x2048xf32, #tpu.memory_space<vmem>>, vector<16xf32>,
        %get3A_3065 = arith.constant 7 : i32
        %get3A_3066 = arith.index_cast %get3A_3065 : i32 to index
        %get3A_3067 = arith.index_cast %mul3A_3037 : i32 to index
        %get3A_3068 = tpu.vector_load %arg5[%get3A_3066, %get3A_3067] {strides = array<i32>} : memref<8x2048xf32, #tpu.memory_space<vmem>>, vector<16xf32>,
        %get3A_3069 = arith.constant 1 : i32
        %get3A_3070 = arith.constant 12 : i32
        %get3A_3071 = arith.index_cast %get3A_3069 : i32 to index
        %get3A_3072 = arith.index_cast %get3A_3070 : i32 to index
        %get3A_3073 = arith.index_cast %mul3A_3037 : i32 to index
        %get3A_3074 = tpu.vector_load %arg6[%get3A_3071, %get3A_3072, %get3A_3073] {strides = array<i32>} : memref<2x16x2048xf32, #tpu.memory_space<vmem>>, vector<16xf32>,
        %mul3A_3075 = arith.mulf %get3A_3074, %get3A_3040 : vector<16xf32>
        %add3A_3076 = arith.addf %scan3A_3004, %mul3A_3075 : vector<16xf32>
        %mul3A_3077 = arith.mulf %get3A_3074, %get3A_3044 : vector<16xf32>
        %add3A_3078 = arith.addf %scan3A_3005, %mul3A_3077 : vector<16xf32>
        %mul3A_3079 = arith.mulf %get3A_3074, %get3A_3048 : vector<16xf32>
        %add3A_3080 = arith.addf %scan3A_3006, %mul3A_3079 : vector<16xf32>
        %mul3A_3081 = arith.mulf %get3A_3074, %get3A_3052 : vector<16xf32>
        %add3A_3082 = arith.addf %scan3A_3007, %mul3A_3081 : vector<16xf32>
        %mul3A_3083 = arith.mulf %get3A_3074, %get3A_3056 : vector<16xf32>
        %add3A_3084 = arith.addf %scan3A_3008, %mul3A_3083 : vector<16xf32>
        %mul3A_3085 = arith.mulf %get3A_3074, %get3A_3060 : vector<16xf32>
        %add3A_3086 = arith.addf %scan3A_3009, %mul3A_3085 : vector<16xf32>
        %mul3A_3087 = arith.mulf %get3A_3074, %get3A_3064 : vector<16xf32>
        %add3A_3088 = arith.addf %scan3A_3010, %mul3A_3087 : vector<16xf32>
        %mul3A_3089 = arith.mulf %get3A_3074, %get3A_3068 : vector<16xf32>
        %add3A_3090 = arith.addf %scan3A_3011, %mul3A_3089 : vector<16xf32>
        %get3A_3091 = arith.constant 1 : i32
        %get3A_3092 = arith.constant 13 : i32
        %get3A_3093 = arith.index_cast %get3A_3091 : i32 to index
        %get3A_3094 = arith.index_cast %get3A_3092 : i32 to index
        %get3A_3095 = arith.index_cast %mul3A_3037 : i32 to index
        %get3A_3096 = tpu.vector_load %arg6[%get3A_3093, %get3A_3094, %get3A_3095] {strides = array<i32>} : memref<2x16x2048xf32, #tpu.memory_space<vmem>>, vector<16xf32>,
        %mul3A_3097 = arith.mulf %get3A_3096, %get3A_3040 : vector<16xf32>
        %add3A_3098 = arith.addf %scan3A_3012, %mul3A_3097 : vector<16xf32>
        %mul3A_3099 = arith.mulf %get3A_3096, %get3A_3044 : vector<16xf32>
        %add3A_3100 = arith.addf %scan3A_3013, %mul3A_3099 : vector<16xf32>
        %mul3A_3101 = arith.mulf %get3A_3096, %get3A_3048 : vector<16xf32>
        %add3A_3102 = arith.addf %scan3A_3014, %mul3A_3101 : vector<16xf32>
        %mul3A_3103 = arith.mulf %get3A_3096, %get3A_3052 : vector<16xf32>
        %add3A_3104 = arith.addf %scan3A_3015, %mul3A_3103 : vector<16xf32>
        %mul3A_3105 = arith.mulf %get3A_3096, %get3A_3056 : vector<16xf32>
        %add3A_3106 = arith.addf %scan3A_3016, %mul3A_3105 : vector<16xf32>
        %mul3A_3107 = arith.mulf %get3A_3096, %get3A_3060 : vector<16xf32>
        %add3A_3108 = arith.addf %scan3A_3017, %mul3A_3107 : vector<16xf32>
        %mul3A_3109 = arith.mulf %get3A_3096, %get3A_3064 : vector<16xf32>
        %add3A_3110 = arith.addf %scan3A_3018, %mul3A_3109 : vector<16xf32>
        %mul3A_3111 = arith.mulf %get3A_3096, %get3A_3068 : vector<16xf32>
        %add3A_3112 = arith.addf %scan3A_3019, %mul3A_3111 : vector<16xf32>
        %get3A_3113 = arith.constant 1 : i32
        %get3A_3114 = arith.constant 14 : i32
        %get3A_3115 = arith.index_cast %get3A_3113 : i32 to index
        %get3A_3116 = arith.index_cast %get3A_3114 : i32 to index
        %get3A_3117 = arith.index_cast %mul3A_3037 : i32 to index
        %get3A_3118 = tpu.vector_load %arg6[%get3A_3115, %get3A_3116, %get3A_3117] {strides = array<i32>} : memref<2x16x2048xf32, #tpu.memory_space<vmem>>, vector<16xf32>,
        %mul3A_3119 = arith.mulf %get3A_3118, %get3A_3040 : vector<16xf32>
        %add3A_3120 = arith.addf %scan3A_3020, %mul3A_3119 : vector<16xf32>
        %mul3A_3121 = arith.mulf %get3A_3118, %get3A_3044 : vector<16xf32>
        %add3A_3122 = arith.addf %scan3A_3021, %mul3A_3121 : vector<16xf32>
        %mul3A_3123 = arith.mulf %get3A_3118, %get3A_3048 : vector<16xf32>
        %add3A_3124 = arith.addf %scan3A_3022, %mul3A_3123 : vector<16xf32>
        %mul3A_3125 = arith.mulf %get3A_3118, %get3A_3052 : vector<16xf32>
        %add3A_3126 = arith.addf %scan3A_3023, %mul3A_3125 : vector<16xf32>
        %mul3A_3127 = arith.mulf %get3A_3118, %get3A_3056 : vector<16xf32>
        %add3A_3128 = arith.addf %scan3A_3024, %mul3A_3127 : vector<16xf32>
        %mul3A_3129 = arith.mulf %get3A_3118, %get3A_3060 : vector<16xf32>
        %add3A_3130 = arith.addf %scan3A_3025, %mul3A_3129 : vector<16xf32>
        %mul3A_3131 = arith.mulf %get3A_3118, %get3A_3064 : vector<16xf32>
        %add3A_3132 = arith.addf %scan3A_3026, %mul3A_3131 : vector<16xf32>
        %mul3A_3133 = arith.mulf %get3A_3118, %get3A_3068 : vector<16xf32>
        %add3A_3134 = arith.addf %scan3A_3027, %mul3A_3133 : vector<16xf32>
        %get3A_3135 = arith.constant 1 : i32
        %get3A_3136 = arith.constant 15 : i32
        %get3A_3137 = arith.index_cast %get3A_3135 : i32 to index
        %get3A_3138 = arith.index_cast %get3A_3136 : i32 to index
        %get3A_3139 = arith.index_cast %mul3A_3037 : i32 to index
        %get3A_3140 = tpu.vector_load %arg6[%get3A_3137, %get3A_3138, %get3A_3139] {strides = array<i32>} : memref<2x16x2048xf32, #tpu.memory_space<vmem>>, vector<16xf32>,
        %mul3A_3141 = arith.mulf %get3A_3140, %get3A_3040 : vector<16xf32>
        %add3A_3142 = arith.addf %scan3A_3028, %mul3A_3141 : vector<16xf32>
        %mul3A_3143 = arith.mulf %get3A_3140, %get3A_3044 : vector<16xf32>
        %add3A_3144 = arith.addf %scan3A_3029, %mul3A_3143 : vector<16xf32>
        %mul3A_3145 = arith.mulf %get3A_3140, %get3A_3048 : vector<16xf32>
        %add3A_3146 = arith.addf %scan3A_3030, %mul3A_3145 : vector<16xf32>
        %mul3A_3147 = arith.mulf %get3A_3140, %get3A_3052 : vector<16xf32>
        %add3A_3148 = arith.addf %scan3A_3031, %mul3A_3147 : vector<16xf32>
        %mul3A_3149 = arith.mulf %get3A_3140, %get3A_3056 : vector<16xf32>
        %add3A_3150 = arith.addf %scan3A_3032, %mul3A_3149 : vector<16xf32>
        %mul3A_3151 = arith.mulf %get3A_3140, %get3A_3060 : vector<16xf32>
        %add3A_3152 = arith.addf %scan3A_3033, %mul3A_3151 : vector<16xf32>
        %mul3A_3153 = arith.mulf %get3A_3140, %get3A_3064 : vector<16xf32>
        %add3A_3154 = arith.addf %scan3A_3034, %mul3A_3153 : vector<16xf32>
        %mul3A_3155 = arith.mulf %get3A_3140, %get3A_3068 : vector<16xf32>
        %add3A_3156 = arith.addf %scan3A_3035, %mul3A_3155 : vector<16xf32>
        scf.yield %add3A_3076, %add3A_3078, %add3A_3080, %add3A_3082, %add3A_3084, %add3A_3086, %add3A_3088, %add3A_3090, %add3A_3098, %add3A_3100, %add3A_3102, %add3A_3104, %add3A_3106, %add3A_3108, %add3A_3110, %add3A_3112, %add3A_3120, %add3A_3122, %add3A_3124, %add3A_3126, %add3A_3128, %add3A_3130, %add3A_3132, %add3A_3134, %add3A_3142, %add3A_3144, %add3A_3146, %add3A_3148, %add3A_3150, %add3A_3152, %add3A_3154, %add3A_3156 : vector<16xf32>, vector<16xf32>, vector<16xf32>, vector<16xf32>, vector<16xf32>, vector<16xf32>, vector<16xf32>, vector<16xf32>, vector<16xf32>, vector<16xf32>, vector<16xf32>, vector<16xf32>, vector<16xf32>, vector<16xf32>, vector<16xf32>, vector<16xf32>, vector<16xf32>, vector<16xf32>, vector<16xf32>, vector<16xf32>, vector<16xf32>, vector<16xf32>, vector<16xf32>, vector<16xf32>, vector<16xf32>, vector<16xf32>, vector<16xf32>, vector<16xf32>, vector<16xf32>, vector<16xf32>, vector<16xf32>, vector<16xf32>
      }
      %scan3A_2644 = arith.constant 128 : i32
      %broadcast_in_dim3A_2645 = arith.constant 0.000000e+00 : f32
      %broadcast_in_dim3A_2646 = vector.broadcast %broadcast_in_dim3A_2645 : f32 to vector<16xf32>
      %reduce_sum3A_2647 = arith.constant true
      %reduce_sum3A_2648 = vector.broadcast %reduce_sum3A_2647 : i1 to vector<16xi1>
      %reduce_sum3A_2649 = tpu.scan <sum>, %scan3A_2643#0 masked %reduce_sum3A_2648 : vector<16xf32>, vector<16xi1> -> vector<16xf32>
      %reduce_sum3A_2650 = vector.extract %reduce_sum3A_2649[15] : f32 from vector<16xf32>
      %reduce_sum3A_2651 = arith.constant true
      %reduce_sum3A_2652 = vector.broadcast %reduce_sum3A_2651 : i1 to vector<16xi1>
      %reduce_sum3A_2653 = tpu.scan <sum>, %scan3A_2643#8 masked %reduce_sum3A_2652 : vector<16xf32>, vector<16xi1> -> vector<16xf32>
      %reduce_sum3A_2654 = vector.extract %reduce_sum3A_2653[15] : f32 from vector<16xf32>
      %eq3A_2655 = arith.constant 0 : i32
      %eq3A_2656 = vector.broadcast %eq3A_2655 : i32 to vector<16xi32>
      %eq3A_2657 = arith.cmpi eq, %iota3A, %eq3A_2656 : vector<16xi32>
      %broadcast_in_dim3A_2658 = vector.broadcast %reduce_sum3A_2650 : f32 to vector<16xf32>
      %select_n3A_2659 = arith.select %eq3A_2657, %broadcast_in_dim3A_2658, %broadcast_in_dim3A_2646 : vector<16xi1>, vector<16xf32>
      %eq3A_2660 = arith.constant 8 : i32
      %eq3A_2661 = vector.broadcast %eq3A_2660 : i32 to vector<16xi32>
      %eq3A_2662 = arith.cmpi eq, %iota3A, %eq3A_2661 : vector<16xi32>
      %broadcast_in_dim3A_2663 = vector.broadcast %reduce_sum3A_2654 : f32 to vector<16xf32>
      %select_n3A_2664 = arith.select %eq3A_2662, %broadcast_in_dim3A_2663, %select_n3A_2659 : vector<16xi1>, vector<16xf32>
      %reduce_sum3A_2665 = arith.constant true
      %reduce_sum3A_2666 = vector.broadcast %reduce_sum3A_2665 : i1 to vector<16xi1>
      %reduce_sum3A_2667 = tpu.scan <sum>, %scan3A_2643#1 masked %reduce_sum3A_2666 : vector<16xf32>, vector<16xi1> -> vector<16xf32>
      %reduce_sum3A_2668 = vector.extract %reduce_sum3A_2667[15] : f32 from vector<16xf32>
      %reduce_sum3A_2669 = arith.constant true
      %reduce_sum3A_2670 = vector.broadcast %reduce_sum3A_2669 : i1 to vector<16xi1>
      %reduce_sum3A_2671 = tpu.scan <sum>, %scan3A_2643#9 masked %reduce_sum3A_2670 : vector<16xf32>, vector<16xi1> -> vector<16xf32>
      %reduce_sum3A_2672 = vector.extract %reduce_sum3A_2671[15] : f32 from vector<16xf32>
      %eq3A_2673 = arith.constant 1 : i32
      %eq3A_2674 = vector.broadcast %eq3A_2673 : i32 to vector<16xi32>
      %eq3A_2675 = arith.cmpi eq, %iota3A, %eq3A_2674 : vector<16xi32>
      %broadcast_in_dim3A_2676 = vector.broadcast %reduce_sum3A_2668 : f32 to vector<16xf32>
      %select_n3A_2677 = arith.select %eq3A_2675, %broadcast_in_dim3A_2676, %select_n3A_2664 : vector<16xi1>, vector<16xf32>
      %eq3A_2678 = arith.constant 9 : i32
      %eq3A_2679 = vector.broadcast %eq3A_2678 : i32 to vector<16xi32>
      %eq3A_2680 = arith.cmpi eq, %iota3A, %eq3A_2679 : vector<16xi32>
      %broadcast_in_dim3A_2681 = vector.broadcast %reduce_sum3A_2672 : f32 to vector<16xf32>
      %select_n3A_2682 = arith.select %eq3A_2680, %broadcast_in_dim3A_2681, %select_n3A_2677 : vector<16xi1>, vector<16xf32>
      %reduce_sum3A_2683 = arith.constant true
      %reduce_sum3A_2684 = vector.broadcast %reduce_sum3A_2683 : i1 to vector<16xi1>
      %reduce_sum3A_2685 = tpu.scan <sum>, %scan3A_2643#2 masked %reduce_sum3A_2684 : vector<16xf32>, vector<16xi1> -> vector<16xf32>
      %reduce_sum3A_2686 = vector.extract %reduce_sum3A_2685[15] : f32 from vector<16xf32>
      %reduce_sum3A_2687 = arith.constant true
      %reduce_sum3A_2688 = vector.broadcast %reduce_sum3A_2687 : i1 to vector<16xi1>
      %reduce_sum3A_2689 = tpu.scan <sum>, %scan3A_2643#10 masked %reduce_sum3A_2688 : vector<16xf32>, vector<16xi1> -> vector<16xf32>
      %reduce_sum3A_2690 = vector.extract %reduce_sum3A_2689[15] : f32 from vector<16xf32>
      %eq3A_2691 = arith.constant 2 : i32
      %eq3A_2692 = vector.broadcast %eq3A_2691 : i32 to vector<16xi32>
      %eq3A_2693 = arith.cmpi eq, %iota3A, %eq3A_2692 : vector<16xi32>
      %broadcast_in_dim3A_2694 = vector.broadcast %reduce_sum3A_2686 : f32 to vector<16xf32>
      %select_n3A_2695 = arith.select %eq3A_2693, %broadcast_in_dim3A_2694, %select_n3A_2682 : vector<16xi1>, vector<16xf32>
      %eq3A_2696 = arith.constant 10 : i32
      %eq3A_2697 = vector.broadcast %eq3A_2696 : i32 to vector<16xi32>
      %eq3A_2698 = arith.cmpi eq, %iota3A, %eq3A_2697 : vector<16xi32>
      %broadcast_in_dim3A_2699 = vector.broadcast %reduce_sum3A_2690 : f32 to vector<16xf32>
      %select_n3A_2700 = arith.select %eq3A_2698, %broadcast_in_dim3A_2699, %select_n3A_2695 : vector<16xi1>, vector<16xf32>
      %reduce_sum3A_2701 = arith.constant true
      %reduce_sum3A_2702 = vector.broadcast %reduce_sum3A_2701 : i1 to vector<16xi1>
      %reduce_sum3A_2703 = tpu.scan <sum>, %scan3A_2643#3 masked %reduce_sum3A_2702 : vector<16xf32>, vector<16xi1> -> vector<16xf32>
      %reduce_sum3A_2704 = vector.extract %reduce_sum3A_2703[15] : f32 from vector<16xf32>
      %reduce_sum3A_2705 = arith.constant true
      %reduce_sum3A_2706 = vector.broadcast %reduce_sum3A_2705 : i1 to vector<16xi1>
      %reduce_sum3A_2707 = tpu.scan <sum>, %scan3A_2643#11 masked %reduce_sum3A_2706 : vector<16xf32>, vector<16xi1> -> vector<16xf32>
      %reduce_sum3A_2708 = vector.extract %reduce_sum3A_2707[15] : f32 from vector<16xf32>
      %eq3A_2709 = arith.constant 3 : i32
      %eq3A_2710 = vector.broadcast %eq3A_2709 : i32 to vector<16xi32>
      %eq3A_2711 = arith.cmpi eq, %iota3A, %eq3A_2710 : vector<16xi32>
      %broadcast_in_dim3A_2712 = vector.broadcast %reduce_sum3A_2704 : f32 to vector<16xf32>
      %select_n3A_2713 = arith.select %eq3A_2711, %broadcast_in_dim3A_2712, %select_n3A_2700 : vector<16xi1>, vector<16xf32>
      %eq3A_2714 = arith.constant 11 : i32
      %eq3A_2715 = vector.broadcast %eq3A_2714 : i32 to vector<16xi32>
      %eq3A_2716 = arith.cmpi eq, %iota3A, %eq3A_2715 : vector<16xi32>
      %broadcast_in_dim3A_2717 = vector.broadcast %reduce_sum3A_2708 : f32 to vector<16xf32>
      %select_n3A_2718 = arith.select %eq3A_2716, %broadcast_in_dim3A_2717, %select_n3A_2713 : vector<16xi1>, vector<16xf32>
      %reduce_sum3A_2719 = arith.constant true
      %reduce_sum3A_2720 = vector.broadcast %reduce_sum3A_2719 : i1 to vector<16xi1>
      %reduce_sum3A_2721 = tpu.scan <sum>, %scan3A_2643#4 masked %reduce_sum3A_2720 : vector<16xf32>, vector<16xi1> -> vector<16xf32>
      %reduce_sum3A_2722 = vector.extract %reduce_sum3A_2721[15] : f32 from vector<16xf32>
      %reduce_sum3A_2723 = arith.constant true
      %reduce_sum3A_2724 = vector.broadcast %reduce_sum3A_2723 : i1 to vector<16xi1>
      %reduce_sum3A_2725 = tpu.scan <sum>, %scan3A_2643#12 masked %reduce_sum3A_2724 : vector<16xf32>, vector<16xi1> -> vector<16xf32>
      %reduce_sum3A_2726 = vector.extract %reduce_sum3A_2725[15] : f32 from vector<16xf32>
      %eq3A_2727 = arith.constant 4 : i32
      %eq3A_2728 = vector.broadcast %eq3A_2727 : i32 to vector<16xi32>
      %eq3A_2729 = arith.cmpi eq, %iota3A, %eq3A_2728 : vector<16xi32>
      %broadcast_in_dim3A_2730 = vector.broadcast %reduce_sum3A_2722 : f32 to vector<16xf32>
      %select_n3A_2731 = arith.select %eq3A_2729, %broadcast_in_dim3A_2730, %select_n3A_2718 : vector<16xi1>, vector<16xf32>
      %eq3A_2732 = arith.constant 12 : i32
      %eq3A_2733 = vector.broadcast %eq3A_2732 : i32 to vector<16xi32>
      %eq3A_2734 = arith.cmpi eq, %iota3A, %eq3A_2733 : vector<16xi32>
      %broadcast_in_dim3A_2735 = vector.broadcast %reduce_sum3A_2726 : f32 to vector<16xf32>
      %select_n3A_2736 = arith.select %eq3A_2734, %broadcast_in_dim3A_2735, %select_n3A_2731 : vector<16xi1>, vector<16xf32>
      %reduce_sum3A_2737 = arith.constant true
      %reduce_sum3A_2738 = vector.broadcast %reduce_sum3A_2737 : i1 to vector<16xi1>
      %reduce_sum3A_2739 = tpu.scan <sum>, %scan3A_2643#5 masked %reduce_sum3A_2738 : vector<16xf32>, vector<16xi1> -> vector<16xf32>
      %reduce_sum3A_2740 = vector.extract %reduce_sum3A_2739[15] : f32 from vector<16xf32>
      %reduce_sum3A_2741 = arith.constant true
      %reduce_sum3A_2742 = vector.broadcast %reduce_sum3A_2741 : i1 to vector<16xi1>
      %reduce_sum3A_2743 = tpu.scan <sum>, %scan3A_2643#13 masked %reduce_sum3A_2742 : vector<16xf32>, vector<16xi1> -> vector<16xf32>
      %reduce_sum3A_2744 = vector.extract %reduce_sum3A_2743[15] : f32 from vector<16xf32>
      %eq3A_2745 = arith.constant 5 : i32
      %eq3A_2746 = vector.broadcast %eq3A_2745 : i32 to vector<16xi32>
      %eq3A_2747 = arith.cmpi eq, %iota3A, %eq3A_2746 : vector<16xi32>
      %broadcast_in_dim3A_2748 = vector.broadcast %reduce_sum3A_2740 : f32 to vector<16xf32>
      %select_n3A_2749 = arith.select %eq3A_2747, %broadcast_in_dim3A_2748, %select_n3A_2736 : vector<16xi1>, vector<16xf32>
      %eq3A_2750 = arith.constant 13 : i32
      %eq3A_2751 = vector.broadcast %eq3A_2750 : i32 to vector<16xi32>
      %eq3A_2752 = arith.cmpi eq, %iota3A, %eq3A_2751 : vector<16xi32>
      %broadcast_in_dim3A_2753 = vector.broadcast %reduce_sum3A_2744 : f32 to vector<16xf32>
      %select_n3A_2754 = arith.select %eq3A_2752, %broadcast_in_dim3A_2753, %select_n3A_2749 : vector<16xi1>, vector<16xf32>
      %reduce_sum3A_2755 = arith.constant true
      %reduce_sum3A_2756 = vector.broadcast %reduce_sum3A_2755 : i1 to vector<16xi1>
      %reduce_sum3A_2757 = tpu.scan <sum>, %scan3A_2643#6 masked %reduce_sum3A_2756 : vector<16xf32>, vector<16xi1> -> vector<16xf32>
      %reduce_sum3A_2758 = vector.extract %reduce_sum3A_2757[15] : f32 from vector<16xf32>
      %reduce_sum3A_2759 = arith.constant true
      %reduce_sum3A_2760 = vector.broadcast %reduce_sum3A_2759 : i1 to vector<16xi1>
      %reduce_sum3A_2761 = tpu.scan <sum>, %scan3A_2643#14 masked %reduce_sum3A_2760 : vector<16xf32>, vector<16xi1> -> vector<16xf32>
      %reduce_sum3A_2762 = vector.extract %reduce_sum3A_2761[15] : f32 from vector<16xf32>
      %eq3A_2763 = arith.constant 6 : i32
      %eq3A_2764 = vector.broadcast %eq3A_2763 : i32 to vector<16xi32>
      %eq3A_2765 = arith.cmpi eq, %iota3A, %eq3A_2764 : vector<16xi32>
      %broadcast_in_dim3A_2766 = vector.broadcast %reduce_sum3A_2758 : f32 to vector<16xf32>
      %select_n3A_2767 = arith.select %eq3A_2765, %broadcast_in_dim3A_2766, %select_n3A_2754 : vector<16xi1>, vector<16xf32>
      %eq3A_2768 = arith.constant 14 : i32
      %eq3A_2769 = vector.broadcast %eq3A_2768 : i32 to vector<16xi32>
      %eq3A_2770 = arith.cmpi eq, %iota3A, %eq3A_2769 : vector<16xi32>
      %broadcast_in_dim3A_2771 = vector.broadcast %reduce_sum3A_2762 : f32 to vector<16xf32>
      %select_n3A_2772 = arith.select %eq3A_2770, %broadcast_in_dim3A_2771, %select_n3A_2767 : vector<16xi1>, vector<16xf32>
      %reduce_sum3A_2773 = arith.constant true
      %reduce_sum3A_2774 = vector.broadcast %reduce_sum3A_2773 : i1 to vector<16xi1>
      %reduce_sum3A_2775 = tpu.scan <sum>, %scan3A_2643#7 masked %reduce_sum3A_2774 : vector<16xf32>, vector<16xi1> -> vector<16xf32>
      %reduce_sum3A_2776 = vector.extract %reduce_sum3A_2775[15] : f32 from vector<16xf32>
      %reduce_sum3A_2777 = arith.constant true
      %reduce_sum3A_2778 = vector.broadcast %reduce_sum3A_2777 : i1 to vector<16xi1>
      %reduce_sum3A_2779 = tpu.scan <sum>, %scan3A_2643#15 masked %reduce_sum3A_2778 : vector<16xf32>, vector<16xi1> -> vector<16xf32>
      %reduce_sum3A_2780 = vector.extract %reduce_sum3A_2779[15] : f32 from vector<16xf32>
      %eq3A_2781 = arith.constant 7 : i32
      %eq3A_2782 = vector.broadcast %eq3A_2781 : i32 to vector<16xi32>
      %eq3A_2783 = arith.cmpi eq, %iota3A, %eq3A_2782 : vector<16xi32>
      %broadcast_in_dim3A_2784 = vector.broadcast %reduce_sum3A_2776 : f32 to vector<16xf32>
      %select_n3A_2785 = arith.select %eq3A_2783, %broadcast_in_dim3A_2784, %select_n3A_2772 : vector<16xi1>, vector<16xf32>
      %eq3A_2786 = arith.constant 15 : i32
      %eq3A_2787 = vector.broadcast %eq3A_2786 : i32 to vector<16xi32>
      %eq3A_2788 = arith.cmpi eq, %iota3A, %eq3A_2787 : vector<16xi32>
      %broadcast_in_dim3A_2789 = vector.broadcast %reduce_sum3A_2780 : f32 to vector<16xf32>
      %select_n3A_2790 = arith.select %eq3A_2788, %broadcast_in_dim3A_2789, %select_n3A_2785 : vector<16xi1>, vector<16xf32>
      %mul3A_2791 = arith.constant 16 : i32
      %mul3A_2792 = arith.muli %add3A_1538, %mul3A_2791 : i32
      %add3A_2793 = arith.constant 12 : i32
      %add3A_2794 = arith.addi %mul3A_2792, %add3A_2793 : i32
      %add3A_2795 = arith.constant 0 : i32
      %add3A_2796 = arith.addi %add3A_2794, %add3A_2795 : i32
      %jit3A_2797 = arith.constant 2 : i32
      %div3A_2798 = arith.divsi %add3A_2796, %jit3A_2797 : i32
      %sign3A_2799 = arith.constant 0 : i32
      %sign3A_2800 = arith.cmpi sgt, %add3A_2796, %sign3A_2799 : i32
      %sign3A_2801 = arith.extui %sign3A_2800 : i1 to i32
      %sign3A_2802 = arith.constant 0 : i32
      %sign3A_2803 = arith.cmpi slt, %add3A_2796, %sign3A_2802 : i32
      %sign3A_2804 = arith.extui %sign3A_2803 : i1 to i32
      %sign3A_2805 = arith.subi %sign3A_2801, %sign3A_2804 : i32
      %sign3A_2806 = arith.constant 0 : i32
      %sign3A_2807 = arith.cmpi sgt, %jit3A_2797, %sign3A_2806 : i32
      %sign3A_2808 = arith.extui %sign3A_2807 : i1 to i32
      %sign3A_2809 = arith.constant 0 : i32
      %sign3A_2810 = arith.cmpi slt, %jit3A_2797, %sign3A_2809 : i32
      %sign3A_2811 = arith.extui %sign3A_2810 : i1 to i32
      %sign3A_2812 = arith.subi %sign3A_2808, %sign3A_2811 : i32
      %ne3A_2813 = arith.cmpi ne, %sign3A_2805, %sign3A_2812 : i32
      %rem3A_2814 = arith.remsi %add3A_2796, %jit3A_2797 : i32
      %ne3A_2815 = arith.constant 0 : i32
      %ne3A_2816 = arith.cmpi ne, %rem3A_2814, %ne3A_2815 : i32
      %and3A_2817 = arith.andi %ne3A_2813, %ne3A_2816 : i1
      %sub3A_2818 = arith.constant 1 : i32
      %sub3A_2819 = arith.subi %div3A_2798, %sub3A_2818 : i32
      %select_n3A_2820 = arith.select %and3A_2817, %sub3A_2819, %div3A_2798 : i32
      %swap3A_2821 = arith.index_cast %select_n3A_2820 : i32 to index
      %swap3A_2822 = arith.constant 0 : index
      %swap3A_2823 = tpu.vector_load %arg7[%swap3A_2821, %swap3A_2822] {strides = array<i32>} : memref<80x16xf32, #tpu.memory_space<vmem>>, vector<16xf32>,
      tpu.vector_store %arg7[%swap3A_2821, %swap3A_2822], %select_n3A_2790 {strides = array<i32>} : memref<80x16xf32, #tpu.memory_space<vmem>>, vector<16xf32>,
      %broadcast_in_dim3A_2824 = arith.constant 0.000000e+00 : f32
      %broadcast_in_dim3A_2825 = vector.broadcast %broadcast_in_dim3A_2824 : f32 to vector<16xf32>
      %reduce_sum3A_2826 = arith.constant true
      %reduce_sum3A_2827 = vector.broadcast %reduce_sum3A_2826 : i1 to vector<16xi1>
      %reduce_sum3A_2828 = tpu.scan <sum>, %scan3A_2643#16 masked %reduce_sum3A_2827 : vector<16xf32>, vector<16xi1> -> vector<16xf32>
      %reduce_sum3A_2829 = vector.extract %reduce_sum3A_2828[15] : f32 from vector<16xf32>
      %reduce_sum3A_2830 = arith.constant true
      %reduce_sum3A_2831 = vector.broadcast %reduce_sum3A_2830 : i1 to vector<16xi1>
      %reduce_sum3A_2832 = tpu.scan <sum>, %scan3A_2643#24 masked %reduce_sum3A_2831 : vector<16xf32>, vector<16xi1> -> vector<16xf32>
      %reduce_sum3A_2833 = vector.extract %reduce_sum3A_2832[15] : f32 from vector<16xf32>
      %eq3A_2834 = arith.constant 0 : i32
      %eq3A_2835 = vector.broadcast %eq3A_2834 : i32 to vector<16xi32>
      %eq3A_2836 = arith.cmpi eq, %iota3A, %eq3A_2835 : vector<16xi32>
      %broadcast_in_dim3A_2837 = vector.broadcast %reduce_sum3A_2829 : f32 to vector<16xf32>
      %select_n3A_2838 = arith.select %eq3A_2836, %broadcast_in_dim3A_2837, %broadcast_in_dim3A_2825 : vector<16xi1>, vector<16xf32>
      %eq3A_2839 = arith.constant 8 : i32
      %eq3A_2840 = vector.broadcast %eq3A_2839 : i32 to vector<16xi32>
      %eq3A_2841 = arith.cmpi eq, %iota3A, %eq3A_2840 : vector<16xi32>
      %broadcast_in_dim3A_2842 = vector.broadcast %reduce_sum3A_2833 : f32 to vector<16xf32>
      %select_n3A_2843 = arith.select %eq3A_2841, %broadcast_in_dim3A_2842, %select_n3A_2838 : vector<16xi1>, vector<16xf32>
      %reduce_sum3A_2844 = arith.constant true
      %reduce_sum3A_2845 = vector.broadcast %reduce_sum3A_2844 : i1 to vector<16xi1>
      %reduce_sum3A_2846 = tpu.scan <sum>, %scan3A_2643#17 masked %reduce_sum3A_2845 : vector<16xf32>, vector<16xi1> -> vector<16xf32>
      %reduce_sum3A_2847 = vector.extract %reduce_sum3A_2846[15] : f32 from vector<16xf32>
      %reduce_sum3A_2848 = arith.constant true
      %reduce_sum3A_2849 = vector.broadcast %reduce_sum3A_2848 : i1 to vector<16xi1>
      %reduce_sum3A_2850 = tpu.scan <sum>, %scan3A_2643#25 masked %reduce_sum3A_2849 : vector<16xf32>, vector<16xi1> -> vector<16xf32>
      %reduce_sum3A_2851 = vector.extract %reduce_sum3A_2850[15] : f32 from vector<16xf32>
      %eq3A_2852 = arith.constant 1 : i32
      %eq3A_2853 = vector.broadcast %eq3A_2852 : i32 to vector<16xi32>
      %eq3A_2854 = arith.cmpi eq, %iota3A, %eq3A_2853 : vector<16xi32>
      %broadcast_in_dim3A_2855 = vector.broadcast %reduce_sum3A_2847 : f32 to vector<16xf32>
      %select_n3A_2856 = arith.select %eq3A_2854, %broadcast_in_dim3A_2855, %select_n3A_2843 : vector<16xi1>, vector<16xf32>
      %eq3A_2857 = arith.constant 9 : i32
      %eq3A_2858 = vector.broadcast %eq3A_2857 : i32 to vector<16xi32>
      %eq3A_2859 = arith.cmpi eq, %iota3A, %eq3A_2858 : vector<16xi32>
      %broadcast_in_dim3A_2860 = vector.broadcast %reduce_sum3A_2851 : f32 to vector<16xf32>
      %select_n3A_2861 = arith.select %eq3A_2859, %broadcast_in_dim3A_2860, %select_n3A_2856 : vector<16xi1>, vector<16xf32>
      %reduce_sum3A_2862 = arith.constant true
      %reduce_sum3A_2863 = vector.broadcast %reduce_sum3A_2862 : i1 to vector<16xi1>
      %reduce_sum3A_2864 = tpu.scan <sum>, %scan3A_2643#18 masked %reduce_sum3A_2863 : vector<16xf32>, vector<16xi1> -> vector<16xf32>
      %reduce_sum3A_2865 = vector.extract %reduce_sum3A_2864[15] : f32 from vector<16xf32>
      %reduce_sum3A_2866 = arith.constant true
      %reduce_sum3A_2867 = vector.broadcast %reduce_sum3A_2866 : i1 to vector<16xi1>
      %reduce_sum3A_2868 = tpu.scan <sum>, %scan3A_2643#26 masked %reduce_sum3A_2867 : vector<16xf32>, vector<16xi1> -> vector<16xf32>
      %reduce_sum3A_2869 = vector.extract %reduce_sum3A_2868[15] : f32 from vector<16xf32>
      %eq3A_2870 = arith.constant 2 : i32
      %eq3A_2871 = vector.broadcast %eq3A_2870 : i32 to vector<16xi32>
      %eq3A_2872 = arith.cmpi eq, %iota3A, %eq3A_2871 : vector<16xi32>
      %broadcast_in_dim3A_2873 = vector.broadcast %reduce_sum3A_2865 : f32 to vector<16xf32>
      %select_n3A_2874 = arith.select %eq3A_2872, %broadcast_in_dim3A_2873, %select_n3A_2861 : vector<16xi1>, vector<16xf32>
      %eq3A_2875 = arith.constant 10 : i32
      %eq3A_2876 = vector.broadcast %eq3A_2875 : i32 to vector<16xi32>
      %eq3A_2877 = arith.cmpi eq, %iota3A, %eq3A_2876 : vector<16xi32>
      %broadcast_in_dim3A_2878 = vector.broadcast %reduce_sum3A_2869 : f32 to vector<16xf32>
      %select_n3A_2879 = arith.select %eq3A_2877, %broadcast_in_dim3A_2878, %select_n3A_2874 : vector<16xi1>, vector<16xf32>
      %reduce_sum3A_2880 = arith.constant true
      %reduce_sum3A_2881 = vector.broadcast %reduce_sum3A_2880 : i1 to vector<16xi1>
      %reduce_sum3A_2882 = tpu.scan <sum>, %scan3A_2643#19 masked %reduce_sum3A_2881 : vector<16xf32>, vector<16xi1> -> vector<16xf32>
      %reduce_sum3A_2883 = vector.extract %reduce_sum3A_2882[15] : f32 from vector<16xf32>
      %reduce_sum3A_2884 = arith.constant true
      %reduce_sum3A_2885 = vector.broadcast %reduce_sum3A_2884 : i1 to vector<16xi1>
      %reduce_sum3A_2886 = tpu.scan <sum>, %scan3A_2643#27 masked %reduce_sum3A_2885 : vector<16xf32>, vector<16xi1> -> vector<16xf32>
      %reduce_sum3A_2887 = vector.extract %reduce_sum3A_2886[15] : f32 from vector<16xf32>
      %eq3A_2888 = arith.constant 3 : i32
      %eq3A_2889 = vector.broadcast %eq3A_2888 : i32 to vector<16xi32>
      %eq3A_2890 = arith.cmpi eq, %iota3A, %eq3A_2889 : vector<16xi32>
      %broadcast_in_dim3A_2891 = vector.broadcast %reduce_sum3A_2883 : f32 to vector<16xf32>
      %select_n3A_2892 = arith.select %eq3A_2890, %broadcast_in_dim3A_2891, %select_n3A_2879 : vector<16xi1>, vector<16xf32>
      %eq3A_2893 = arith.constant 11 : i32
      %eq3A_2894 = vector.broadcast %eq3A_2893 : i32 to vector<16xi32>
      %eq3A_2895 = arith.cmpi eq, %iota3A, %eq3A_2894 : vector<16xi32>
      %broadcast_in_dim3A_2896 = vector.broadcast %reduce_sum3A_2887 : f32 to vector<16xf32>
      %select_n3A_2897 = arith.select %eq3A_2895, %broadcast_in_dim3A_2896, %select_n3A_2892 : vector<16xi1>, vector<16xf32>
      %reduce_sum3A_2898 = arith.constant true
      %reduce_sum3A_2899 = vector.broadcast %reduce_sum3A_2898 : i1 to vector<16xi1>
      %reduce_sum3A_2900 = tpu.scan <sum>, %scan3A_2643#20 masked %reduce_sum3A_2899 : vector<16xf32>, vector<16xi1> -> vector<16xf32>
      %reduce_sum3A_2901 = vector.extract %reduce_sum3A_2900[15] : f32 from vector<16xf32>
      %reduce_sum3A_2902 = arith.constant true
      %reduce_sum3A_2903 = vector.broadcast %reduce_sum3A_2902 : i1 to vector<16xi1>
      %reduce_sum3A_2904 = tpu.scan <sum>, %scan3A_2643#28 masked %reduce_sum3A_2903 : vector<16xf32>, vector<16xi1> -> vector<16xf32>
      %reduce_sum3A_2905 = vector.extract %reduce_sum3A_2904[15] : f32 from vector<16xf32>
      %eq3A_2906 = arith.constant 4 : i32
      %eq3A_2907 = vector.broadcast %eq3A_2906 : i32 to vector<16xi32>
      %eq3A_2908 = arith.cmpi eq, %iota3A, %eq3A_2907 : vector<16xi32>
      %broadcast_in_dim3A_2909 = vector.broadcast %reduce_sum3A_2901 : f32 to vector<16xf32>
      %select_n3A_2910 = arith.select %eq3A_2908, %broadcast_in_dim3A_2909, %select_n3A_2897 : vector<16xi1>, vector<16xf32>
      %eq3A_2911 = arith.constant 12 : i32
      %eq3A_2912 = vector.broadcast %eq3A_2911 : i32 to vector<16xi32>
      %eq3A_2913 = arith.cmpi eq, %iota3A, %eq3A_2912 : vector<16xi32>
      %broadcast_in_dim3A_2914 = vector.broadcast %reduce_sum3A_2905 : f32 to vector<16xf32>
      %select_n3A_2915 = arith.select %eq3A_2913, %broadcast_in_dim3A_2914, %select_n3A_2910 : vector<16xi1>, vector<16xf32>
      %reduce_sum3A_2916 = arith.constant true
      %reduce_sum3A_2917 = vector.broadcast %reduce_sum3A_2916 : i1 to vector<16xi1>
      %reduce_sum3A_2918 = tpu.scan <sum>, %scan3A_2643#21 masked %reduce_sum3A_2917 : vector<16xf32>, vector<16xi1> -> vector<16xf32>
      %reduce_sum3A_2919 = vector.extract %reduce_sum3A_2918[15] : f32 from vector<16xf32>
      %reduce_sum3A_2920 = arith.constant true
      %reduce_sum3A_2921 = vector.broadcast %reduce_sum3A_2920 : i1 to vector<16xi1>
      %reduce_sum3A_2922 = tpu.scan <sum>, %scan3A_2643#29 masked %reduce_sum3A_2921 : vector<16xf32>, vector<16xi1> -> vector<16xf32>
      %reduce_sum3A_2923 = vector.extract %reduce_sum3A_2922[15] : f32 from vector<16xf32>
      %eq3A_2924 = arith.constant 5 : i32
      %eq3A_2925 = vector.broadcast %eq3A_2924 : i32 to vector<16xi32>
      %eq3A_2926 = arith.cmpi eq, %iota3A, %eq3A_2925 : vector<16xi32>
      %broadcast_in_dim3A_2927 = vector.broadcast %reduce_sum3A_2919 : f32 to vector<16xf32>
      %select_n3A_2928 = arith.select %eq3A_2926, %broadcast_in_dim3A_2927, %select_n3A_2915 : vector<16xi1>, vector<16xf32>
      %eq3A_2929 = arith.constant 13 : i32
      %eq3A_2930 = vector.broadcast %eq3A_2929 : i32 to vector<16xi32>
      %eq3A_2931 = arith.cmpi eq, %iota3A, %eq3A_2930 : vector<16xi32>
      %broadcast_in_dim3A_2932 = vector.broadcast %reduce_sum3A_2923 : f32 to vector<16xf32>
      %select_n3A_2933 = arith.select %eq3A_2931, %broadcast_in_dim3A_2932, %select_n3A_2928 : vector<16xi1>, vector<16xf32>
      %reduce_sum3A_2934 = arith.constant true
      %reduce_sum3A_2935 = vector.broadcast %reduce_sum3A_2934 : i1 to vector<16xi1>
      %reduce_sum3A_2936 = tpu.scan <sum>, %scan3A_2643#22 masked %reduce_sum3A_2935 : vector<16xf32>, vector<16xi1> -> vector<16xf32>
      %reduce_sum3A_2937 = vector.extract %reduce_sum3A_2936[15] : f32 from vector<16xf32>
      %reduce_sum3A_2938 = arith.constant true
      %reduce_sum3A_2939 = vector.broadcast %reduce_sum3A_2938 : i1 to vector<16xi1>
      %reduce_sum3A_2940 = tpu.scan <sum>, %scan3A_2643#30 masked %reduce_sum3A_2939 : vector<16xf32>, vector<16xi1> -> vector<16xf32>
      %reduce_sum3A_2941 = vector.extract %reduce_sum3A_2940[15] : f32 from vector<16xf32>
      %eq3A_2942 = arith.constant 6 : i32
      %eq3A_2943 = vector.broadcast %eq3A_2942 : i32 to vector<16xi32>
      %eq3A_2944 = arith.cmpi eq, %iota3A, %eq3A_2943 : vector<16xi32>
      %broadcast_in_dim3A_2945 = vector.broadcast %reduce_sum3A_2937 : f32 to vector<16xf32>
      %select_n3A_2946 = arith.select %eq3A_2944, %broadcast_in_dim3A_2945, %select_n3A_2933 : vector<16xi1>, vector<16xf32>
      %eq3A_2947 = arith.constant 14 : i32
      %eq3A_2948 = vector.broadcast %eq3A_2947 : i32 to vector<16xi32>
      %eq3A_2949 = arith.cmpi eq, %iota3A, %eq3A_2948 : vector<16xi32>
      %broadcast_in_dim3A_2950 = vector.broadcast %reduce_sum3A_2941 : f32 to vector<16xf32>
      %select_n3A_2951 = arith.select %eq3A_2949, %broadcast_in_dim3A_2950, %select_n3A_2946 : vector<16xi1>, vector<16xf32>
      %reduce_sum3A_2952 = arith.constant true
      %reduce_sum3A_2953 = vector.broadcast %reduce_sum3A_2952 : i1 to vector<16xi1>
      %reduce_sum3A_2954 = tpu.scan <sum>, %scan3A_2643#23 masked %reduce_sum3A_2953 : vector<16xf32>, vector<16xi1> -> vector<16xf32>
      %reduce_sum3A_2955 = vector.extract %reduce_sum3A_2954[15] : f32 from vector<16xf32>
      %reduce_sum3A_2956 = arith.constant true
      %reduce_sum3A_2957 = vector.broadcast %reduce_sum3A_2956 : i1 to vector<16xi1>
      %reduce_sum3A_2958 = tpu.scan <sum>, %scan3A_2643#31 masked %reduce_sum3A_2957 : vector<16xf32>, vector<16xi1> -> vector<16xf32>
      %reduce_sum3A_2959 = vector.extract %reduce_sum3A_2958[15] : f32 from vector<16xf32>
      %eq3A_2960 = arith.constant 7 : i32
      %eq3A_2961 = vector.broadcast %eq3A_2960 : i32 to vector<16xi32>
      %eq3A_2962 = arith.cmpi eq, %iota3A, %eq3A_2961 : vector<16xi32>
      %broadcast_in_dim3A_2963 = vector.broadcast %reduce_sum3A_2955 : f32 to vector<16xf32>
      %select_n3A_2964 = arith.select %eq3A_2962, %broadcast_in_dim3A_2963, %select_n3A_2951 : vector<16xi1>, vector<16xf32>
      %eq3A_2965 = arith.constant 15 : i32
      %eq3A_2966 = vector.broadcast %eq3A_2965 : i32 to vector<16xi32>
      %eq3A_2967 = arith.cmpi eq, %iota3A, %eq3A_2966 : vector<16xi32>
      %broadcast_in_dim3A_2968 = vector.broadcast %reduce_sum3A_2959 : f32 to vector<16xf32>
      %select_n3A_2969 = arith.select %eq3A_2967, %broadcast_in_dim3A_2968, %select_n3A_2964 : vector<16xi1>, vector<16xf32>
      %mul3A_2970 = arith.constant 16 : i32
      %mul3A_2971 = arith.muli %add3A_1538, %mul3A_2970 : i32
      %add3A_2972 = arith.constant 12 : i32
      %add3A_2973 = arith.addi %mul3A_2971, %add3A_2972 : i32
      %add3A_2974 = arith.constant 2 : i32
      %add3A_2975 = arith.addi %add3A_2973, %add3A_2974 : i32
      %jit3A_2976 = arith.constant 2 : i32
      %div3A_2977 = arith.divsi %add3A_2975, %jit3A_2976 : i32
      %sign3A_2978 = arith.constant 0 : i32
      %sign3A_2979 = arith.cmpi sgt, %add3A_2975, %sign3A_2978 : i32
      %sign3A_2980 = arith.extui %sign3A_2979 : i1 to i32
      %sign3A_2981 = arith.constant 0 : i32
      %sign3A_2982 = arith.cmpi slt, %add3A_2975, %sign3A_2981 : i32
      %sign3A_2983 = arith.extui %sign3A_2982 : i1 to i32
      %sign3A_2984 = arith.subi %sign3A_2980, %sign3A_2983 : i32
      %sign3A_2985 = arith.constant 0 : i32
      %sign3A_2986 = arith.cmpi sgt, %jit3A_2976, %sign3A_2985 : i32
      %sign3A_2987 = arith.extui %sign3A_2986 : i1 to i32
      %sign3A_2988 = arith.constant 0 : i32
      %sign3A_2989 = arith.cmpi slt, %jit3A_2976, %sign3A_2988 : i32
      %sign3A_2990 = arith.extui %sign3A_2989 : i1 to i32
      %sign3A_2991 = arith.subi %sign3A_2987, %sign3A_2990 : i32
      %ne3A_2992 = arith.cmpi ne, %sign3A_2984, %sign3A_2991 : i32
      %rem3A_2993 = arith.remsi %add3A_2975, %jit3A_2976 : i32
      %ne3A_2994 = arith.constant 0 : i32
      %ne3A_2995 = arith.cmpi ne, %rem3A_2993, %ne3A_2994 : i32
      %and3A_2996 = arith.andi %ne3A_2992, %ne3A_2995 : i1
      %sub3A_2997 = arith.constant 1 : i32
      %sub3A_2998 = arith.subi %div3A_2977, %sub3A_2997 : i32
      %select_n3A_2999 = arith.select %and3A_2996, %sub3A_2998, %div3A_2977 : i32
      %swap3A_3000 = arith.index_cast %select_n3A_2999 : i32 to index
      %swap3A_3001 = arith.constant 0 : index
      %swap3A_3002 = tpu.vector_load %arg7[%swap3A_3000, %swap3A_3001] {strides = array<i32>} : memref<80x16xf32, #tpu.memory_space<vmem>>, vector<16xf32>,
      tpu.vector_store %arg7[%swap3A_3000, %swap3A_3001], %select_n3A_2969 {strides = array<i32>} : memref<80x16xf32, #tpu.memory_space<vmem>>, vector<16xf32>,
    }
    %scan3A_22 = arith.constant 5 : i32
    %mul3A_23 = arith.constant 80 : i32
    %mul3A_24 = arith.muli %add3A, %mul3A_23 : i32
    %dma_start3A_25 = arith.constant 0 : i32
    %dma_start3A_26 = tpu.memref_slice %arg4[%mul3A_24, %dma_start3A_25] : memref<2560x16xf32, #tpu.memory_space<hbm>> -> memref<80x16xf32, #tpu.memory_space<hbm>>
    %dma_start3A_27 = arith.constant 0 : i32
    %dma_start3A_28 = tpu.memref_slice %arg4[%mul3A_24, %dma_start3A_27] : memref<2560x16xf32, #tpu.memory_space<hbm>> -> memref<80x16xf32, #tpu.memory_space<hbm>>
    tpu.enqueue_dma source(%arg7 : memref<80x16xf32, #tpu.memory_space<vmem>>) target(%dma_start3A_28 : memref<80x16xf32, #tpu.memory_space<hbm>>) target_semaphore(%arg9 : memref<!tpu.dma_semaphore, #tpu.memory_space<semaphore_mem>>)
    %dma_wait3A = arith.constant 0 : i32
    %dma_wait3A_29 = tpu.memref_slice %arg4[%mul3A_24, %dma_wait3A] : memref<2560x16xf32, #tpu.memory_space<hbm>> -> memref<80x16xf32, #tpu.memory_space<hbm>>
    %dma_wait3A_30 = arith.constant 0 : i32
    %dma_wait3A_31 = tpu.memref_slice %arg4[%mul3A_24, %dma_wait3A_30] : memref<2560x16xf32, #tpu.memory_space<hbm>> -> memref<80x16xf32, #tpu.memory_space<hbm>>
    tpu.wait_dma2 semaphore(%arg9 : memref<!tpu.dma_semaphore, #tpu.memory_space<semaphore_mem>>) src(%arg7 : memref<80x16xf32, #tpu.memory_space<vmem>>) dst(%dma_wait3A_31 : memref<80x16xf32, #tpu.memory_space<hbm>>)
    return
  }
}

module attributes {stable_mosaic.version = 14 : i64} {
  func.func @_tc_kernel(%arg0: i32, %arg1: memref<1024x2048xf32, #tpu.memory_space<vmem>>, %arg2: memref<8x2048xf32, #tpu.memory_space<vmem>>, %arg3: memref<1024x8xf32, #tpu.memory_space<vmem>>) attributes {dimension_semantics = [#tpu.dimension_semantics<arbitrary>], iteration_bounds = array<i64: 27>, scalar_prefetch = 0 : i64, scratch_operands = 0 : i64, tpu.core_type = #tpu.core_type<tc>, window_params = [{transform_indices = @transform_0, window_bounds = array<i64: 1024, 2048>}, {pipeline_mode = #tpu.pipeline_mode<synchronous>, transform_indices = @transform_1, window_bounds = array<i64: 8, 2048>}, {transform_indices = @transform_2, window_bounds = array<i64: 1024, 8>}]} {
    %get3A = arith.constant 0 : index
    %get3A_0 = arith.constant 0 : index
    %get3A_1 = vector.load %arg1[%get3A, %get3A_0] : memref<1024x2048xf32, #tpu.memory_space<vmem>>, vector<1024x2048xf32>
    %get3A_2 = arith.constant 0 : index
    %get3A_3 = arith.constant 0 : index
    %get3A_4 = vector.load %arg2[%get3A_2, %get3A_3] : memref<8x2048xf32, #tpu.memory_space<vmem>>, vector<8x2048xf32>
    %dot_general3A = arith.constant dense<0.000000e+00> : vector<1024x8xf32>
    %dot_general3A_5 = tpu.matmul %get3A_1, %get3A_4, %dot_general3A {dimension_numbers = #tpu.dot_dimension_numbers<[1], [1], [0], [0], [0, 0, 1, 0], [], []>, transpose_lhs_hint = false} : vector<1024x2048xf32>, vector<8x2048xf32>, vector<1024x8xf32> -> vector<1024x8xf32>
    %swap3A = arith.constant 0 : index
    %swap3A_6 = arith.constant 0 : index
    %swap3A_7 = vector.load %arg3[%swap3A, %swap3A_6] : memref<1024x8xf32, #tpu.memory_space<vmem>>, vector<1024x8xf32>
    tpu.vector_store %arg3[%swap3A, %swap3A_6], %dot_general3A_5 {strides = array<i32>} : memref<1024x8xf32, #tpu.memory_space<vmem>>, vector<1024x8xf32>,
    return
  }
  func.func @transform_0(%arg0: i32) -> (i32, i32) {
    %c0_i32 = arith.constant 0 : i32
    %c0_i32_0 = arith.constant 0 : i32
    return %arg0, %c0_i32 : i32, i32
  }
  func.func @transform_1(%arg0: i32) -> (i32, i32) {
    %c0_i32 = arith.constant 0 : i32
    %c0_i32_0 = arith.constant 0 : i32
    %c0_i32_1 = arith.constant 0 : i32
    return %c0_i32, %c0_i32_0 : i32, i32
  }
  func.func @transform_2(%arg0: i32) -> (i32, i32) {
    %c0_i32 = arith.constant 0 : i32
    %c0_i32_0 = arith.constant 0 : i32
    return %arg0, %c0_i32 : i32, i32
  }
}

</mosaic_0001>

<sc_bundles>
// kernel: kernel.4.cloned.1.call-start
scs
__scs_entry_jumppad:
0x0: {  	(pc) =	sbr.rel $0x88, $3  }
0x1: {  	(tag) =	ssettag $0x0;
	lr =	simm.s32 $0x1  }
0x2: {  	[smem:$0x3F9F] =	sst lr;
	_ =	strace $0xD0000000  }
0x3: {  	_ = 	snop  }
0x4: {  	_ = 	snop  }
0x5: {  	_ = 	snop  }
0x6: {  	_ = 	snop  }
0x7: {  	_ = 	snop  }
__scs_overlays_trampoline_lowered:
0x8: {  	[smem:$0x3FAE] =	sst s0  }
0x9: {  	[smem:$0x3FAF] =	sst s1  }
0xa: {  	[smem:$0x3FB0] =	sst s2  }
0xb: {  	[smem:$0x3FB1] =	sst s3  }
0xc: {  	[smem:$0x3FB2] =	sst s4  }
0xd: {  	[smem:$0x3FB3] =	sst s5  }
0xe: {  	[smem:$0x3FB4] =	sst s6  }
0xf: {  	[smem:$0x3FB5] =	sst s7  }
0x10: {  	[smem:$0x3FB6] =	sst s8  }
0x11: {  	[smem:$0x3FB7] =	sst s9;
	s0 =	simm.s32 @!p0 $0x0  }
0x12: {  	s1 =	sld [smem:$0x3F9D];
	s0 =	simm.s32 @p0 $0x1  }
0x13: {  	[smem:$0x3FB8] =	sst s0;
	s0 =	simm.s32 @!p1 $0x0  }
0x14: {  	s2 =	sld [smem:$0x3F9C];
	s0 =	simm.s32 @p1 $0x1  }
0x15: {  	[smem:$0x3FB9] =	sst s0;
	s0 =	simm.s32 @!p2 $0x0  }
0x16: {  	s3 =	sld [smem:$0x3FDB];
	s0 =	simm.s32 @p2 $0x1  }
0x17: {  	s4 =	simm.s32 $0x1BF5;
	[smem:$0x3FBB] =	sst s0  }
0x18: {  	s0 =	sld [smem:$0x3F9E];
	_ =	swait.ge [sflag:s4], $0x0  }
0x19: {  	s7 =	sld [smem:$0x3F9F]  }
0x1a: {  	s8 =	sadd.s32 $0xFFFFE003, lr  }
0x1b: {  	s9 =	sadd.s32 $0xFFFFFEF7, lr;
	s5 =	simm.s32 $0xFFFFFFFF;
	p2 =	slt.u32 s8, $0xFFFFF086  }
0x1c: {  	p1 =	slt.u32 s9, $0xF7A;
	s5 =	simm.s32 @!p2 $0x0  }
0x1d: {  	s5 =	simm.s32 @p1 $0x1;
	p0 =	seq.s32 s7, s2  }
0x1e: {  	s7 =	smul.u32 @!p0 $0xF7A, s2;
	p2 =	seq.s32 @!p0 s5, $0x0  }
0x1f: {  	s9 =	smul.u32 $0xF7A, s1;
	s8 =	simm.s32 @!p0 $0x1BF5;
	p2 =	por !p2, p0  }
0x20: {  	[sflag:s8] =	ssyncset.s32 @!p0 $0xFFFFF086;
	s6 =	sadd.s32 @!p0 s3, s7;
	s7 =	simm.s32 @!p0 $0x108  }
0x21: {  	s3 =	sadd.s32 s3, s9;
	s6 =	sadd.s32 @!p0 $0x88, s6;
	s7 =	simm.s32 @p2 $0x1082  }
0x22: {  	[simem:s7], [sflag:s8] =	dma.local @!p0 [hbm:s6], $0xF7A  }
0x23: {  	s9 =	sor.u32 $0xD0000000, s2;
	s6 =	simm.s32 $0x108;
	_ =	swait.ge @!p0 [sflag:s8], $0x0  }
0x24: {  	s3 =	sadd.s32 $0x88, s3;
	s6 =	simm.s32 @!p1 $0x1082;
	[sflag:s4] =	ssyncset.s32 $0xFFFFF086  }
0x25: {  	[simem:s6], [sflag:s4] =	dma.local [hbm:s3], $0xF7A  }
0x26: {  	[smem:$0x3F9F] =	sst s1;
	(tag) =	ssettag s2;
	_ =	strace s9  }
0x27: {  	s1 =	sld [smem:$0x3FAF]  }
0x28: {  	s2 =	sld [smem:$0x3FB0]  }
0x29: {  	s4 =	sld [smem:$0x3FB2]  }
0x2a: {  	p0 =	seq.s32 s5, $0x0;
	s5 =	sld [smem:$0x3FB3]  }
0x2b: {  	s6 =	sld [smem:$0x3FB4]  }
0x2c: {  	s7 =	sld [smem:$0x3FB5]  }
0x2d: {  	s3 =	simm.s32 $0x108;
	s8 =	sld [smem:$0x3FB6]  }
0x2e: {  	s3 =	simm.s32 @!p0 $0x1082;
	s9 =	sld [smem:$0x3FB7]  }
0x2f: {  	lr =	sadd.s32 s0, s3;
	s0 =	sld [smem:$0x3FAE]  }
0x30: {  	s3 =	sld [smem:$0x3FB1]  }
0x31: {  	[smem:$0x3FBA] =	sst s10  }
0x32: {  	s10 =	sld [smem:$0x3FB8];
	_ =	sdelay $0x3  }
0x33: {  	p0 =	seq.s32 s10, $0x1;
	s10 =	sld [smem:$0x3FBA];
	_ =	sdelay $0x3  }
0x34: {  	[smem:$0x3FBA] =	sst s10  }
0x35: {  	s10 =	sld [smem:$0x3FB9];
	_ =	sdelay $0x3  }
0x36: {  	p1 =	seq.s32 s10, $0x1;
	s10 =	sld [smem:$0x3FBA];
	_ =	sdelay $0x3  }
0x37: {  	[smem:$0x3FBA] =	sst s10  }
0x38: {  	s10 =	sld [smem:$0x3FBB]  }
0x39: {  	_ = 	snop;
	(pc) =	sbr.ind lr, $3  }
0x3a: {  	_ = 	snop  }
0x3b: {  	_ = 	snop  }
0x3c: {  	p2 =	seq.s32 s10, $0x1;
	s10 =	sld [smem:$0x3FBA]  }
0x3d: {  	_ =	shalt  }
0x3e: {  	_ =	shalt  }
0x3f: {  	_ =	shalt  }
0x40: {  	_ =	shalt  }
0x41: {  	_ =	shalt  }
0x42: {  	_ =	shalt  }
0x43: {  	_ =	shalt  }
0x44: {  	_ =	shalt  }
0x45: {  	_ =	shalt  }
0x46: {  	_ =	shalt  }
0x47: {  	_ =	shalt  }
0x48: {  	_ =	shalt  }
0x49: {  	_ =	shalt  }
0x4a: {  	_ =	shalt  }
0x4b: {  	_ =	shalt  }
0x4c: {  	_ =	shalt  }
0x4d: {  	_ =	shalt  }
0x4e: {  	_ =	shalt  }
0x4f: {  	_ =	shalt  }
0x50: {  	_ =	shalt  }
0x51: {  	_ =	shalt  }
0x52: {  	_ =	shalt  }
0x53: {  	_ =	shalt  }
0x54: {  	_ =	shalt  }
0x55: {  	_ =	shalt  }
0x56: {  	_ =	shalt  }
0x57: {  	_ =	shalt  }
0x58: {  	_ =	shalt  }
0x59: {  	_ =	shalt  }
0x5a: {  	_ =	shalt  }
0x5b: {  	_ =	shalt  }
0x5c: {  	_ =	shalt  }
0x5d: {  	_ =	shalt  }
0x5e: {  	_ =	shalt  }
0x5f: {  	_ =	shalt  }
0x60: {  	_ =	shalt  }
0x61: {  	_ =	shalt  }
0x62: {  	_ =	shalt  }
0x63: {  	_ =	shalt  }
0x64: {  	_ =	shalt  }
0x65: {  	_ =	shalt  }
0x66: {  	_ =	shalt  }
0x67: {  	_ =	shalt  }
0x68: {  	_ =	shalt  }
0x69: {  	_ =	shalt  }
0x6a: {  	_ =	shalt  }
0x6b: {  	_ =	shalt  }
0x6c: {  	_ =	shalt  }
0x6d: {  	_ =	shalt  }
0x6e: {  	_ =	shalt  }
0x6f: {  	_ =	shalt  }
0x70: {  	_ =	shalt  }
0x71: {  	_ =	shalt  }
0x72: {  	_ =	shalt  }
0x73: {  	_ =	shalt  }
0x74: {  	_ =	shalt  }
0x75: {  	_ =	shalt  }
0x76: {  	_ =	shalt  }
0x77: {  	_ =	shalt  }
0x78: {  	_ =	shalt  }
0x79: {  	_ =	shalt  }
0x7a: {  	_ =	shalt  }
0x7b: {  	_ =	shalt  }
0x7c: {  	_ =	shalt  }
0x7d: {  	_ =	shalt  }
0x7e: {  	_ =	shalt  }
0x7f: {  	_ =	shalt  }
0x80: {  	_ =	shalt  }
0x81: {  	_ =	shalt  }
0x82: {  	_ =	shalt  }
0x83: {  	_ =	shalt  }
0x84: {  	_ =	shalt  }
0x85: {  	_ =	shalt  }
0x86: {  	_ =	shalt  }
0x87: {  	_ =	shalt  }
.Lfunc_end0:
.L_simem_size_0:
called_computation_lowered:
.L_overlay_start_0:
0x88: {  	s2 =	sld [smem:$0x3FD9]  }
0x89: {  	s3 =	sld [smem:$0x3FFE];
	_ =	sdelay $0x1  }
0x8a: {  	s1 =	srdreg.scid  }
0x8b: {  	s0 =	sand.u32 $0x1, s1  }
0x8c: {  	s17 =	sshll.u32 s0, $0xA;
	s2 =	sadd.s32 s3, s2  }
0x8d: {  	s2 =	sadd.s32 s2, s17  }
0x8e: {  	[smem:$0x3FC6] =	sst s2  }
0x8f: {  	_ = 	snop  }
0x90: {  	s2 =	sld [smem:$0x3FC9]  }
0x91: {  	s18 =	sld [smem:$0x3FC8];
	(tm) =	ssettm $0x1  }
0x92: {  	s4 =	sld [smem:$0x3FFB];
	_ =	sdelay $0x3  }
0x93: {  	_ =	strace s4  }
0x94: {  	s4 =	sld [smem:$0x3FFC];
	_ =	sdelay $0x3  }
0x95: {  	_ =	strace s4  }
0x96: {  	s4 =	sld [smem:$0x3FFD];
	_ =	sdelay $0x3  }
0x97: {  	_ =	strace s4  }
0x98: {  	_ =	strace $0x8FFFFFFF  }
0x99: {  	s19 =	sld [smem:$0x3FDB];
	_ =	sdelay $0x1  }
0x9a: {  	s5 =	simm.s32 $_scs_section_size  }
0x9b: {  	s6 =	simm.s32 $_size__tile_overlayer_lowered;
	s7 =	simm.s32 $_tile_overlayer_lowered  }
0x9c: {  	s22 =	simm.s32 $0x1BFF;
	s21 =	sshll.u32 s7, $0x1;
	s4 =	sadd.s32 s5, s19  }
0x9d: {  	s8 =	simm.s32 $0x0;
	s20 =	sshll.u32 s6, $0x1;
	s6 =	sadd.s32 s21, s4  }
0x9e: {  	[timem:s8], [sflag:s22] =	dma.local [hbm:s6], s20  }
0x9f: {  	_ =	swait.ge [sflag:s22], s20  }
0xa0: {  	s5 =	ssub.s32 $0x0, s20;
	[sflag:s22] =	ssyncset.done $0x0  }
0xa1: {  	[sflag:s22] =	ssyncadd.s32 s5;
	_ =	sdelay $0x1  }
0xa2: {  	s23 =	simm.s32 $0x1B8B  }
0xa3: {  	_ =	swait.ge [sflag:s23], $0x1  }
0xa4: {  	[sflag:s23] =	ssyncset.done $0x0  }
0xa5: {  	s25 =	simm.s32 $0x1B8E;
	s24 =	sld [smem:$0x3FFE];
	[sflag:s23] =	ssyncadd.s32 $0xFFFFFFFF  }
0xa6: {  	s26 =	simm.s32 $execute0_lowered;
	[smem:$0x3FD2] =	sst s25  }
0xa7: {  	s6 =	sshll.u32 s26, $0x1;
	_ =	strace $0x80000046;
	[dreg:$0x1] =	wrdreg $0xFFFFFFFF  }
0xa8: {  	s28 =	simm.s32 $_size_execute0_lowered;
	s4 =	sadd.s32 s4, s6;
	[dreg:$0x0] =	wrdreg $0x0  }
0xa9: {  	s6 =	sshll.u32 s28, $0x1;
	[dreg:$0x2] =	wrdreg s4  }
0xaa: {  	[dreg:$0x3] =	wrdreg s6  }
0xab: {  	[dreg:$0x4] =	wrdreg $0xC0  }
0xac: {  	_ =	task [dreg:s8], $0x5FFFF  }
0xad: {  	[dreg:$0x1] =	wrdreg $0xFFFFFFFF  }
0xae: {  	[dreg:$0x0] =	wrdreg $0x60  }
0xaf: {  	[dreg:$0x2] =	wrdreg s2  }
0xb0: {  	[dreg:$0x3] =	wrdreg s18  }
0xb1: {  	[dreg:$0x4] =	wrdreg s24  }
0xb2: {  	[dreg:$0x5] =	wrdreg $0x9  }
0xb3: {  	_ =	task.clear_ibuf [dreg:s8], $0x6FFFF;
	_ =	strace $0x90000046  }
0xb4: {  	s29 =	simm.s32 $0x9;
	_ =	strace $0x80000048  }
0xb5: {  	_ =	swait.ge [sflag:s29], $0x1  }
0xb6: {  	[sflag:s29] =	ssyncadd.s32 $0xFFFFFFFF  }
0xb7: {  	_ =	strace $0x90000048  }
0xb8: {  	_ =	sfence  }
0xb9: {  	s30 =	sld [smem:$0x0];
	_ =	sdelay $0x2  }
0xba: {  	s31 =	sshll.u32 s1, $0xD;
	s1 =	sshrl.u32 s1, $0x2  }
0xbb: {  	s3 =	sand.u32 $0x4000, s31;
	s1 =	sadd.s32 s1, s30  }
0xbc: {  	s0 =	sor.u32 s3, s0;
	s1 =	sshll.u32 s1, $0x11  }
0xbd: {  	s0 =	sor.u32 s1, s0  }
0xbe: {  	s0 =	sadd.s32 $0x8F2B, s0  }
0xbf: {  	[sflag:s0] =	ssyncadd.remote.s32 $0x1  }
0xc0: {  	_ =	sfence.sel $0xFFFF  }
0xc1: {  	[dreg:$0x0] =	wrdreg $0xFFFFFFFF;
	(pc) =	sbr.abs _section_cstart, $3  }
0xc2: {  	[dreg:$0x1] =	wrdreg $0xFFFFFFFF  }
0xc3: {  	_ =	task.clear_ibuf [dreg:s8], $0x2FFFF;
	_ =	strace $0x9FFFFFFF  }
0xc4: {  	(tm) =	ssettm $0x7FFFFFFF  }
0xc5: {  	_ =	shalt  }
tec
execute0_lowered:
.L_overlay_start_1:
0x0: {  	(tag) =	ssettag $0x1  }
0x1: {  	s2 =	srdreg.scid;
	s1 =	rddreg [dreg:$0x0]  }
0x2: {  	s0 =	stileid.u32;
	vm2 =	vcmask $0x2320;
	vm1 =	vcmask $0x300;
	s8 =	rddreg [dreg:$0x2]  }
0x3: {  	vm0 =	vmmov $0x1;
	vm3 =	vcmask $0x700;
	s4 =	simm.s32 $0x0;
	vm4 =	vcmask $0x2720;
	s11 =	simm.s32 $0x4000;
	s12 =	simm.s32 $0x2  }
0x4: {  	vm5 =	vcmask $0xB00;
	vm6 =	vcmask $0x2B20;
	vm7 =	vcmask $0xF00;
	s13 =	simm.s32 $0xC000;
	s6 =	sand.u32 $0x1, s2;
	s3 =	sshll.u32 s0, $0x1  }
0x5: {  	vm8 =	vcmask $0x2F20;
	vm9 =	vcmask $0x1300;
	vm10 =	vcmask $0x3320;
	s14 =	simm.s32 $0x3;
	s2 =	rddreg [dreg:$0x1];
	s7 =	sor.u32 s6, s3  }
0x6: {  	vm11 =	vcmask $0x1700;
	vm12 =	vcmask $0x3720;
	vm13 =	vcmask $0x1B00;
	s15 =	simm.s32 $0x14000;
	[smem:$0x7FF] =	sst s4;
	s5 =	smul.u32 $0xA0, s7  }
0x7: {  	vm14 =	vcmask $0x3B20;
	s16 =	simm.s32 $0x0;
	vm1 =	vmor vm1, vm2;
	vm2 =	vmor vm3, vm2;
	s3 =	rddreg [dreg:$0x3];
	s9 =	ssub.s32 $0x2, s6  }
0x8: {  	vm3 =	vmor vm3, vm4;
	vm4 =	vmor vm5, vm4;
	vm5 =	vmor vm5, vm6;
	s7 =	smul.u32 $0x500, s7;
	s10 =	sshrl.u32 s9, $0x1;
	s5 =	sadd.s32 $0x6C00, s5  }
0x9: {  	vm6 =	vmor vm7, vm6;
	vm7 =	vmor vm7, vm8;
	vm8 =	vmor vm9, vm8;
	_ =	strace $0x80000047;
	s9 =	ssub.s32 s9, s10;
	s31 =	sshll.u32 s5, $0x8  }
0xa: {  	vm9 =	vmor vm9, vm10;
	vm10 =	vmor vm11, vm10;
	vm11 =	vmor vm11, vm12;
	s10 =	simm.s32 $0x1;
	s8 =	sadd.s32 s7, s8;
	s6 =	sadd.s32 s1, s31  }
0xb: {  	vm12 =	vmor vm13, vm12;
	vm13 =	vmor vm13, vm14;
	vm14 =	vmmov $0x7fff;
	s9 =	smax.u32 s9, $0x1;
	s8 =	sadd.s32 $0x600, s8;
	s7 =	sadd.s32 $0x2000, s6  }
.LBB2_1:
0xc: {  	[tilespmem:s4], [sflag:$0x1] =	stream.linear.gather [hbm4b:s2+s4], $0x4000, $0x38;
	[tilespmem:$0x16800] =	vst v63  }
0xd: {  	_ =	swait.ge [sflag:s10], $0x4000  }
0xe: {  	[sflag:s10] =	ssyncset.done $0x0  }
0xf: {  	s17 =	simm.s32 $0x0;
	[sflag:s10] =	ssyncadd.s32 $0xFFFFC000  }
0x10: {  	[tilespmem:s11], [sflag:$0x2] =	stream.linear.gather [hbm4b:s6+s4], $0x8000, $0x38;
	[tilespmem:$0x16800] =	vst v63  }
.LBB2_2:
0x11: {  	s18 =	sshll.u32 s17, $0x5  }
0x12: {  	s19 =	sor.u32 $0x10, s18  }
0x13: {  	_ =	swait.ge [sflag:s12], $0x8000;
	s18 =	sadd.s32 s5, s19  }
0x14: {  	[sflag:s12] =	ssyncset.done $0x0;
	s18 =	sshll.u32 s18, $0x8  }
0x15: {  	s20 =	simm.s32 $0x0;
	[sflag:s12] =	ssyncadd.s32 $0xFFFF8000;
	s18 =	sadd.s32 s1, s18  }
0x16: {  	[tilespmem:s13], [sflag:$0x3] =	stream.linear.gather [hbm4b:s18+s20], $0x8000, $0x38;
	[tilespmem:$0x16800] =	vst v63  }
0x17: {  	s30 =	sand.u32 $0x7, s20;
	s21 =	sand.u32 $0x70, s20;
	s20 =	sand.u32 $0x3C00, s20  }
0x18: {  	s20 =	sor.u32 s21, s20  }
0x19: {  	v1 =	vld [tilespmem:s20+$0x4180]  }
0x1a: {  	v22 =	vld [tilespmem:s20+$0x0]  }
0x1b: {  	v23 =	vld [tilespmem:s20+$0x80]  }
0x1c: {  	v26 =	vld [tilespmem:s20+$0x100]  }
0x1d: {  	v27 =	vld [tilespmem:s20+$0x180]  }
0x1e: {  	v29 =	vimm.f32 $0.0e+00;
	v24 =	vld [tilespmem:s20+$0x200]  }
0x1f: {  	v39 =	vimm.f32 $0.0e+00;
	v38 =	vimm.f32 $0.0e+00;
	v37 =	vimm.f32 $0.0e+00;
	v11 =	vld [tilespmem:s20+$0x4000]  }
0x20: {  	v36 =	vimm.f32 $0.0e+00;
	v34 =	vimm.f32 $0.0e+00;
	v35 =	vimm.f32 $0.0e+00;
	s18 =	sshll.u32 s30, $0x4;
	v20 =	vld [tilespmem:s20+$0x280]  }
0x21: {  	v33 =	vimm.f32 $0.0e+00;
	v30 =	vimm.f32 $0.0e+00;
	v28 =	vimm.f32 $0.0e+00;
	s18 =	sadd.s32 $0x0, s18;
	v19 =	vld [tilespmem:s20+$0x300]  }
0x22: {  	v25 =	vimm.f32 $0.0e+00;
	s18 =	sor.u32 $0x380, s18;
	v40 =	vld [tilespmem:s20+$0x4080];
	v2 =	vmul.f32 v1, v22;
	v3 =	vmul.f32 v1, v23  }
0x23: {  	v21 =	vimm.f32 $0.0e+00;
	v9 =	vld [tilespmem:s18+$0x0];
	v4 =	vmul.f32 v1, v26;
	v5 =	vmul.f32 v1, v27  }
0x24: {  	v18 =	vimm.f32 $0.0e+00;
	v12 =	vmul.f32 v11, v22;
	v48 =	vmul.f32 v11, v23  }
0x25: {  	v17 =	vimm.f32 $0.0e+00;
	v47 =	vmul.f32 v11, v26;
	v46 =	vmul.f32 v11, v27  }
0x26: {  	v16 =	vimm.f32 $0.0e+00;
	v45 =	vmul.f32 v11, v24;
	v44 =	vmul.f32 v11, v20  }
0x27: {  	v15 =	vimm.f32 $0.0e+00;
	v41 =	vmul.f32 v11, v19;
	v43 =	vmul.f32 v40, v22  }
0x28: {  	v14 =	vimm.f32 $0.0e+00;
	v32 =	vld [tilespmem:s20+$0x4100];
	v42 =	vmul.f32 v40, v23;
	v0 =	vmul.f32 v1, v9  }
0x29: {  	v10 =	vmul.f32 v11, v9;
	v13 =	vmul.f32 v40, v9;
	v8 =	vadd.f32 v2, v29  }
0x2a: {  	v2 =	vmul.f32 v1, v24;
	v6 =	vadd.f32 v3, v29;
	v7 =	vadd.f32 v4, v29  }
0x2b: {  	v4 =	vmul.f32 v1, v20;
	v5 =	vadd.f32 v5, v29;
	v1 =	vmul.f32 v1, v19  }
0x2c: {  	v11 =	vimm.f32 $0.0e+00;
	v31 =	vadd.f32 v12, v29;
	v0 =	vadd.f32 v0, v29  }
0x2d: {  	s31 =	simm.s32 $0x10;
	v3 =	vadd.f32 v2, v29;
	v2 =	vadd.f32 v1, v29;
	v1 =	vmul.f32 v32, v9  }
0x2e: {  	s23 =	sand.u32 $0x70, s31;
	s20 =	simm.s32 $0x1;
	v12 =	vimm.f32 $0.0e+00;
	v10 =	vadd.f32 v10, v29;
	v4 =	vadd.f32 v4, v29  }
0x2f: {  	s21 =	simm.s32 $0x20;
	s18 =	simm.s32 $0x80;
	s22 =	sand.u32 $0x7, s20;
	v9 =	vadd.f32 v13, v29;
	v13 =	vimm.f32 $0.0e+00;
	v1 =	vadd.f32 v1, v29  }
.LBB2_3:
0x30: {  	p0 =	sne.s32 s21, $0x7F0;
	s22 =	sshll.u32 s22, $0x4;
	s24 =	sand.u32 $0x3C00, s18;
	v29 =	vadd.f32 v48, v29;
	v48 =	vmul.f32 v40, v26;
	v49 =	vmul.f32 v40, v27  }
0x31: {  	v39 =	vadd.f32 v47, v39;
	v47 =	vmul.f32 v40, v24;
	v50 =	vmul.f32 v40, v20;
	s22 =	sadd.s32 s22, s18;
	s23 =	sor.u32 s23, s24  }
0x32: {  	v38 =	vadd.f32 v46, v38;
	v40 =	vmul.f32 v40, v19;
	v46 =	vmul.f32 v32, v22;
	s22 =	sor.u32 $0x380, s22;
	v51 =	vld [tilespmem:s23+$0x4180]  }
0x33: {  	v37 =	vadd.f32 v45, v37;
	v45 =	vmul.f32 v32, v23;
	v53 =	vmul.f32 v32, v26;
	v52 =	vld [tilespmem:s22+$0x0]  }
0x34: {  	v36 =	vadd.f32 v44, v36;
	v44 =	vmul.f32 v32, v27;
	v54 =	vmul.f32 v32, v24;
	v22 =	vld [tilespmem:s23+$0x0]  }
0x35: {  	v34 =	vadd.f32 v41, v34;
	v41 =	vmul.f32 v32, v20;
	v55 =	vmul.f32 v32, v19;
	v23 =	vld [tilespmem:s23+$0x80]  }
0x36: {  	v35 =	vadd.f32 v43, v35;
	v33 =	vadd.f32 v42, v33;
	v26 =	vld [tilespmem:s23+$0x100]  }
0x37: {  	v30 =	vadd.f32 v48, v30;
	v28 =	vadd.f32 v49, v28;
	v27 =	vld [tilespmem:s23+$0x180]  }
0x38: {  	v25 =	vadd.f32 v47, v25;
	v21 =	vadd.f32 v50, v21;
	v24 =	vld [tilespmem:s23+$0x200];
	v32 =	vmul.f32 v51, v52  }
0x39: {  	v18 =	vadd.f32 v40, v18;
	v17 =	vadd.f32 v46, v17;
	v20 =	vld [tilespmem:s23+$0x280];
	v42 =	vmul.f32 v51, v22  }
0x3a: {  	v16 =	vadd.f32 v45, v16;
	v19 =	vld [tilespmem:s23+$0x300];
	v43 =	vmul.f32 v51, v23;
	v0 =	vadd.f32 v32, v0  }
0x3b: {  	v15 =	vadd.f32 v53, v15;
	v14 =	vadd.f32 v44, v14;
	v49 =	vld [tilespmem:s23+$0x4000];
	v45 =	vmul.f32 v51, v26  }
0x3c: {  	v13 =	vadd.f32 v54, v13;
	v12 =	vadd.f32 v41, v12;
	v40 =	vld [tilespmem:s23+$0x4080];
	v44 =	vmul.f32 v51, v27  }
0x3d: {  	v11 =	vadd.f32 v55, v11;
	v8 =	vadd.f32 v42, v8;
	v32 =	vld [tilespmem:s23+$0x4100];
	v41 =	vmul.f32 v51, v24  }
0x3e: {  	v6 =	vadd.f32 v43, v6;
	v7 =	vadd.f32 v45, v7;
	v42 =	vmul.f32 v51, v20  }
0x3f: {  	v5 =	vadd.f32 v44, v5;
	v3 =	vadd.f32 v41, v3;
	v41 =	vmul.f32 v51, v19  }
0x40: {  	v43 =	vmul.f32 v49, v22;
	v44 =	vmul.f32 v49, v52;
	v4 =	vadd.f32 v42, v4  }
.Ltmp0:
0x41: {  	v48 =	vmul.f32 v49, v23;
	v42 =	vmul.f32 v40, v52;
	v2 =	vadd.f32 v41, v2;
	(pc) =	sbr.rel @p0 .LBB2_3-.Ltmp0, $4  }
0x42: {  	v47 =	vmul.f32 v49, v26;
	v10 =	vadd.f32 v44, v10;
	v50 =	vmul.f32 v32, v52  }
0x43: {  	v46 =	vmul.f32 v49, v27;
	v45 =	vmul.f32 v49, v24;
	v9 =	vadd.f32 v42, v9  }
0x44: {  	s20 =	sadd.s32 $0x1, s20;
	s18 =	sadd.s32 $0x80, s18;
	v41 =	vmul.f32 v49, v19;
	v44 =	vmul.f32 v49, v20;
	v1 =	vadd.f32 v50, v1  }
0x45: {  	s22 =	sand.u32 $0x7, s20;
	s23 =	sand.u32 $0x70, s21;
	s21 =	sadd.s32 $0x10, s21;
	v31 =	vadd.f32 v43, v31;
	v43 =	vmul.f32 v40, v22;
	v42 =	vmul.f32 v40, v23  }
0x46: {  	s20 =	sand.u32 $0x3C00, s18  }
0x47: {  	s20 =	sor.u32 s23, s20  }
0x48: {  	v49 =	vld [tilespmem:s20+$0x0]  }
0x49: {  	v51 =	vld [tilespmem:s20+$0x4000]  }
0x4a: {  	v50 =	vmul.f32 v40, v26;
	v53 =	vld [tilespmem:s20+$0x4080]  }
0x4b: {  	v29 =	vadd.f32 v48, v29;
	v57 =	vmul.f32 v40, v27;
	v52 =	vmul.f32 v40, v24;
	v54 =	vld [tilespmem:s20+$0x80]  }
0x4c: {  	v39 =	vadd.f32 v47, v39;
	v58 =	vmul.f32 v40, v20;
	v59 =	vmul.f32 v40, v19  }
0x4d: {  	v22 =	vmul.f32 v32, v22;
	v23 =	vmul.f32 v32, v23;
	v37 =	vadd.f32 v45, v37;
	v45 =	vld [tilespmem:s20+$0x100]  }
0x4e: {  	v38 =	vadd.f32 v46, v38;
	v26 =	vmul.f32 v32, v26;
	v60 =	vmul.f32 v51, v49  }
0x4f: {  	v34 =	vadd.f32 v41, v34;
	v35 =	vadd.f32 v43, v35;
	v41 =	vld [tilespmem:s20+$0x180];
	v61 =	vmul.f32 v53, v49  }
0x50: {  	v36 =	vadd.f32 v44, v36;
	v62 =	vmul.f32 v51, v54;
	v31 =	vadd.f32 v60, v31  }
0x51: {  	v33 =	vadd.f32 v42, v33;
	v42 =	vld [tilespmem:s20+$0x200];
	v63 =	vmul.f32 v53, v54;
	v35 =	vadd.f32 v61, v35  }
0x52: {  	s21 =	sshll.u32 s22, $0x4;
	v30 =	vadd.f32 v50, v30;
	v29 =	vadd.f32 v62, v29;
	(xrf2) =	vadd.scan.msk.f32 $0xffff, v31;
	v31 =	vmul.f32 v51, v45  }
0x53: {  	s25 =	sadd.s32 s21, s18;
	v28 =	vadd.f32 v57, v28;
	v44 =	vmul.f32 v53, v45;
	v43 =	vadd.f32 v63, v33;
	v33 =	vld [tilespmem:s20+$0x280];
	(xrf2) =	vadd.scan.msk.f32 $0xffff, v35  }
0x54: {  	s18 =	sor.u32 $0x380, s25;
	v50 =	vld [tilespmem:s20+$0x300];
	v25 =	vadd.f32 v52, v25;
	v48 =	vmul.f32 v51, v41;
	v31 =	vadd.f32 v31, v39;
	(xrf2) =	vadd.scan.msk.f32 $0xffff, v29  }
0x55: {  	v21 =	vadd.f32 v58, v21;
	v55 =	vld [tilespmem:s18+$0x0];
	v56 =	vmul.f32 v53, v41;
	v30 =	vadd.f32 v44, v30;
	(xrf2) =	vadd.scan.msk.f32 $0xffff, v43  }
0x56: {  	v57 =	vmul.f32 v51, v42;
	v38 =	vadd.f32 v48, v38;
	(xrf2) =	vadd.scan.msk.f32 $0xffff, v31;
	v31 =	vmul.f32 v53, v42  }
0x57: {  	v27 =	vmul.f32 v32, v27;
	v18 =	vadd.f32 v59, v18;
	v28 =	vadd.f32 v56, v28;
	(xrf2) =	vadd.scan.msk.f32 $0xffff, v30  }
0x58: {  	v59 =	vld [tilespmem:s20+$0x4100];
	v37 =	vadd.f32 v57, v37;
	v58 =	vmul.f32 v51, v33;
	(xrf2) =	vadd.scan.msk.f32 $0xffff, v38;
	v25 =	vadd.f32 v31, v25  }
0x59: {  	v46 =	vld [tilespmem:s20+$0x4180];
	v17 =	vadd.f32 v22, v17;
	v16 =	vadd.f32 v23, v16;
	v60 =	vmul.f32 v53, v33;
	(xrf2) =	vadd.scan.msk.f32 $0xffff, v28  }
0x5a: {  	v22 =	vmul.f32 v51, v50;
	v23 =	vmul.f32 v51, v55;
	v28 =	vadd.f32 v58, v36;
	(xrf2) =	vadd.scan.msk.f32 $0xffff, v37  }
0x5b: {  	v24 =	vmul.f32 v32, v24;
	v61 =	vmul.f32 v53, v50;
	v21 =	vadd.f32 v60, v21;
	(xrf2) =	vadd.scan.msk.f32 $0xffff, v25  }
0x5c: {  	v20 =	vmul.f32 v32, v20;
	v15 =	vadd.f32 v26, v15;
	v22 =	vadd.f32 v22, v34;
	v25, _, _ =	vpop (xrf2);
	(xrf2) =	vadd.scan.msk.f32 $0xffff, v28  }
0x5d: {  	v14 =	vadd.f32 v27, v14;
	v18 =	vadd.f32 v61, v18;
	v63, _, _ =	vpop (xrf2);
	(xrf2) =	vadd.scan.msk.f32 $0xffff, v21;
	v21 =	vmul.f32 v59, v49  }
0x5e: {  	v62 =	vmul.f32 v53, v55;
	v10 =	vadd.f32 v23, v10;
	v30 =	vmul.f32 v46, v49;
	v23, _, _ =	vpop (xrf2);
	(xrf2) =	vadd.scan.msk.f32 $0xffff, v22  }
0x5f: {  	v13 =	vadd.f32 v24, v13;
	v31 =	vmul.f32 v46, v54;
	v26, _, _ =	vpop (xrf2);
	(xrf2) =	vadd.scan.msk.f32 $0xffff, v18;
	v18 =	vmul.f32 v59, v54  }
0x60: {  	v19 =	vmul.f32 v32, v19;
	v9 =	vadd.f32 v62, v9;
	v8 =	vadd.f32 v30, v8  }
0x61: {  	v6 =	vadd.f32 v31, v6;
	v28 =	vmul.f32 v46, v45;
	v17 =	vadd.f32 v21, v17;
	v21, _, _ =	vpop (xrf2);
	(xrf2) =	vadd.scan.msk.f32 $0xffff, v10  }
0x62: {  	v10 =	vadd.f32 v20, v12;
	v12 =	vmul.f32 v46, v42;
	v16 =	vadd.f32 v18, v16;
	v20, _, _ =	vpop (xrf2);
	(xrf2) =	vadd.scan.msk.f32 $0xffff, v9  }
0x63: {  	v22 =	vmul.f32 v46, v41;
	v9 =	vadd.f32 v19, v11;
	v11 =	vmul.f32 v59, v45;
	v18, _, _ =	vpop (xrf2);
	(xrf2) =	vadd.scan.msk.f32 $0xffff, v17  }
0x64: {  	v17 =	vmul.f32 v46, v33;
	v3 =	vadd.f32 v12, v3;
	v12 =	vmul.f32 v46, v50;
	v19, _, _ =	vpop (xrf2);
	(xrf2) =	vadd.scan.msk.f32 $0xffff, v8  }
0x65: {  	v7 =	vadd.f32 v28, v7;
	v8 =	vmul.f32 v59, v41;
	v11 =	vadd.f32 v11, v15;
	v15, _, _ =	vpop (xrf2);
	(xrf2) =	vadd.scan.msk.f32 $0xffff, v16  }
0x66: {  	v4 =	vadd.f32 v17, v4;
	v17 =	vmul.f32 v59, v42;
	v2 =	vadd.f32 v12, v2;
	v16, _, _ =	vpop (xrf2);
	(xrf2) =	vadd.scan.msk.f32 $0xffff, v6  }
0x67: {  	v12 =	vbroadcast v63, $0xF;
	v8 =	vadd.f32 v8, v14;
	v14, _, _ =	vpop (xrf2);
	(xrf2) =	vadd.scan.msk.f32 $0xffff, v11;
	v11 =	vbroadcast v25, $0xF  }
0x68: {  	v5 =	vadd.f32 v22, v5;
	v13 =	vadd.f32 v17, v13;
	v17 =	vbroadcast v23, $0xF  }
0x69: {  	v22, _, _ =	vpop (xrf2);
	(xrf2) =	vadd.scan.msk.f32 $0xffff, v7;
	v7 =	vmul.f32 v59, v33;
	v11 =	vsel vm0, v11, v12;
	v12 =	vbroadcast v26, $0xF  }
0x6a: {  	v6 =	vmul.f32 v59, v55;
	v23, _, _ =	vpop (xrf2);
	(xrf2) =	vadd.scan.msk.f32 $0xffff, v8;
	v8 =	vmul.f32 v59, v50  }
0x6b: {  	v24, _, _ =	vpop (xrf2);
	(xrf2) =	vadd.scan.msk.f32 $0xffff, v5;
	v5 =	vadd.f32 v7, v10;
	v7 =	vsel vm1, v11, v17;
	v10 =	vbroadcast v21, $0xF  }
0x6c: {  	v1 =	vadd.f32 v6, v1;
	v6 =	vsel vm2, v7, v12;
	v7 =	vbroadcast v20, $0xF;
	v11, _, _ =	vpop (xrf2);
	(xrf2) =	vadd.scan.msk.f32 $0xffff, v13  }
0x6d: {  	v6 =	vsel vm3, v6, v10;
	v12, _, _ =	vpop (xrf2);
	(xrf2) =	vadd.scan.msk.f32 $0xffff, v3;
	v3 =	vadd.f32 v8, v9;
	v8 =	vbroadcast v18, $0xF  }
0x6e: {  	v9, _, _ =	vpop (xrf2);
	(xrf2) =	vadd.scan.msk.f32 $0xffff, v5;
	v5 =	vsel vm4, v6, v7  }
0x6f: {  	v6 =	vbroadcast v19, $0xF;
	v10, _, _ =	vpop (xrf2);
	(xrf2) =	vadd.scan.msk.f32 $0xffff, v4;
	v4 =	vsel vm5, v5, v8;
	v5 =	vbroadcast v9, $0xF  }
0x70: {  	v7 =	vbroadcast v15, $0xF;
	v9, _, _ =	vpop (xrf2)  }
0x71: {  	v8 =	vbroadcast v10, $0xF;
	(xrf2) =	vadd.scan.msk.f32 $0xffff, v3;
	v3 =	vsel vm6, v4, v6;
	v6 =	vbroadcast v9, $0xF  }
0x72: {  	v29 =	vmul.f32 v46, v55;
	v4, _, _ =	vpop (xrf2)  }
0x73: {  	(xrf2) =	vadd.scan.msk.f32 $0xffff, v2;
	v2 =	vsel vm7, v3, v7;
	v3 =	vsel vm0, v5, v8;
	v4 =	vbroadcast v4, $0xF;
	v5, _, _ =	vpop (xrf2)  }
0x74: {  	v0 =	vadd.f32 v29, v0;
	(xrf2) =	vadd.scan.msk.f32 $0xffff, v1;
	v3 =	vsel vm1, v3, v6;
	v1, _, _ =	vpop (xrf2);
	v5 =	vbroadcast v5, $0xF  }
0x75: {  	v6, _, _ =	vpop (xrf2);
	v3 =	vsel vm2, v3, v4  }
0x76: {  	v1 =	vbroadcast v1, $0xF;
	v3 =	vsel vm3, v3, v5;
	v5 =	vbroadcast v6, $0xF  }
0x77: {  	v7 =	vbroadcast v16, $0xF;
	v4, _, _ =	vpop (xrf2)  }
0x78: {  	v8 =	vbroadcast v14, $0xF;
	(xrf2) =	vadd.scan.msk.f32 $0xffff, v0;
	v1 =	vsel vm4, v3, v1;
	v0, _, _ =	vpop (xrf2);
	v3 =	vbroadcast v4, $0xF  }
0x79: {  	v2 =	vsel vm8, v2, v7;
	v1 =	vsel vm5, v1, v5;
	v4, _, _ =	vpop (xrf2);
	v0 =	vbroadcast v0, $0xF  }
0x7a: {  	v7 =	vbroadcast v23, $0xF;
	v5, _, _ =	vpop (xrf2);
	v1 =	vsel vm6, v1, v3;
	v3 =	vbroadcast v4, $0xF  }
0x7b: {  	v6 =	vbroadcast v22, $0xF;
	v4, _, _ =	vpop (xrf2);
	v0 =	vsel vm7, v1, v0;
	v1 =	vbroadcast v5, $0xF  }
0x7c: {  	v2 =	vsel vm9, v2, v8;
	v5, _, _ =	vpop (xrf2);
	v0 =	vsel vm8, v0, v3;
	v3 =	vbroadcast v4, $0xF  }
0x7d: {  	v2 =	vsel vm10, v2, v6;
	v6 =	vbroadcast v24, $0xF;
	v4, _, _ =	vpop (xrf2);
	v0 =	vsel vm9, v0, v1  }
0x7e: {  	v1 =	vbroadcast v5, $0xF;
	v0 =	vsel vm10, v0, v3;
	v3 =	vbroadcast v4, $0xF  }
0x7f: {  	v2 =	vsel vm11, v2, v7;
	v7 =	vbroadcast v11, $0xF;
	v5, _, _ =	vpop (xrf2)  }
0x80: {  	s26 =	simm.s32 $0x0;
	v2 =	vsel vm12, v2, v6;
	v0 =	vsel vm11, v0, v1;
	v1 =	vbroadcast v5, $0xF  }
0x81: {  	s28 =	sand.u32 $0x7, s26;
	s20 =	sshll.u32 s17, $0xD;
	v2 =	vsel vm13, v2, v7;
	v0 =	vsel vm12, v0, v3  }
0x82: {  	s22 =	sshll.u32 s28, $0x4;
	s18 =	sshrl.u32 s20, $0x2;
	v2 =	vsel vm14, v2, v12;
	v0 =	vsel vm13, v0, v1;
	v3, _, _ =	vpop (xrf2)  }
0x83: {  	s22 =	sadd.s32 $0x0, s22;
	[tilespmem:s18+$0x14000] =	vst v2;
	v0 =	vsel vm14, v0, v3  }
0x84: {  	s22 =	sor.u32 $0x380, s22;
	[tilespmem:s18+$0x14080] =	vst v0  }
0x85: {  	s29 =	sand.u32 $0x70, s26;
	s21 =	sand.u32 $0x3C00, s26;
	v1 =	vld [tilespmem:s22+$0x0]  }
0x86: {  	s21 =	sor.u32 s29, s21;
	v2 =	vld [tilespmem:s22+$0x4000]  }
0x87: {  	v21 =	vld [tilespmem:s21+$0x0]  }
0x88: {  	v22 =	vld [tilespmem:s21+$0x80]  }
0x89: {  	v27 =	vimm.f32 $0.0e+00;
	v23 =	vld [tilespmem:s21+$0x100]  }
0x8a: {  	v34 =	vimm.f32 $0.0e+00;
	v35 =	vimm.f32 $0.0e+00;
	v39 =	vimm.f32 $0.0e+00;
	v24 =	vld [tilespmem:s21+$0x180]  }
0x8b: {  	v29 =	vimm.f32 $0.0e+00;
	v38 =	vimm.f32 $0.0e+00;
	v36 =	vimm.f32 $0.0e+00;
	v11 =	vld [tilespmem:s21+$0x4200]  }
0x8c: {  	v30 =	vimm.f32 $0.0e+00;
	v37 =	vimm.f32 $0.0e+00;
	v28 =	vimm.f32 $0.0e+00;
	v25 =	vld [tilespmem:s21+$0x200]  }
0x8d: {  	v33 =	vimm.f32 $0.0e+00;
	v26 =	vimm.f32 $0.0e+00;
	v20 =	vld [tilespmem:s21+$0x280];
	v0 =	vmul.f32 v2, v1  }
0x8e: {  	v17 =	vimm.f32 $0.0e+00;
	v18 =	vld [tilespmem:s21+$0x300];
	v3 =	vmul.f32 v2, v21;
	v4 =	vmul.f32 v2, v22  }
0x8f: {  	v13 =	vimm.f32 $0.0e+00;
	v40 =	vld [tilespmem:s21+$0x4280];
	v5 =	vmul.f32 v2, v23;
	v9 =	vmul.f32 v2, v24  }
0x90: {  	v19 =	vimm.f32 $0.0e+00;
	v12 =	vmul.f32 v11, v21;
	v10 =	vmul.f32 v11, v1  }
0x91: {  	v15 =	vimm.f32 $0.0e+00;
	v48 =	vmul.f32 v11, v22;
	v47 =	vmul.f32 v11, v23  }
0x92: {  	v16 =	vimm.f32 $0.0e+00;
	v46 =	vmul.f32 v11, v24;
	v45 =	vmul.f32 v11, v25  }
0x93: {  	v14 =	vimm.f32 $0.0e+00;
	v32 =	vld [tilespmem:s21+$0x4300];
	v44 =	vmul.f32 v11, v20;
	v42 =	vmul.f32 v11, v18  }
0x94: {  	v43 =	vmul.f32 v40, v21;
	v41 =	vmul.f32 v40, v22;
	v0 =	vadd.f32 v0, v28  }
0x95: {  	v8 =	vadd.f32 v3, v28;
	v7 =	vadd.f32 v4, v28;
	v3 =	vmul.f32 v2, v25  }
0x96: {  	v6 =	vadd.f32 v5, v28;
	v5 =	vadd.f32 v9, v28;
	v9 =	vmul.f32 v2, v20  }
0x97: {  	v2 =	vmul.f32 v2, v18;
	v10 =	vadd.f32 v10, v28;
	v4 =	vadd.f32 v3, v28  }
0x98: {  	s30 =	simm.s32 $0x10;
	s22 =	simm.s32 $0x1;
	v3 =	vadd.f32 v9, v28;
	v9 =	vmul.f32 v40, v1;
	v1 =	vmul.f32 v32, v1  }
0x99: {  	s24 =	sand.u32 $0x70, s30;
	s31 =	sand.u32 $0x7, s22;
	v11 =	vimm.f32 $0.0e+00;
	v31 =	vadd.f32 v12, v28;
	v2 =	vadd.f32 v2, v28  }
0x9a: {  	s23 =	simm.s32 $0x20;
	s21 =	simm.s32 $0x80;
	s25 =	sshll.u32 s31, $0x4;
	v12 =	vimm.f32 $0.0e+00;
	v9 =	vadd.f32 v9, v28;
	v1 =	vadd.f32 v1, v28  }
.LBB2_5:
0x9b: {  	p0 =	sne.s32 s23, $0x7F0;
	s25 =	sadd.s32 s25, s21;
	s26 =	sand.u32 $0x3C00, s21;
	v28 =	vadd.f32 v48, v28;
	v48 =	vmul.f32 v40, v23;
	v49 =	vmul.f32 v40, v24  }
0x9c: {  	v39 =	vadd.f32 v47, v39;
	v47 =	vmul.f32 v40, v25;
	v50 =	vmul.f32 v40, v20;
	s24 =	sor.u32 s24, s26;
	s25 =	sor.u32 $0x380, s25  }
0x9d: {  	v38 =	vadd.f32 v46, v38;
	v40 =	vmul.f32 v40, v18;
	v46 =	vmul.f32 v32, v21;
	v51 =	vld [tilespmem:s25+$0x0]  }
0x9e: {  	v37 =	vadd.f32 v45, v37;
	v45 =	vmul.f32 v32, v22;
	v53 =	vmul.f32 v32, v23;
	v52 =	vld [tilespmem:s25+$0x4000]  }
0x9f: {  	v36 =	vadd.f32 v44, v36;
	v44 =	vmul.f32 v32, v24;
	v54 =	vmul.f32 v32, v25;
	v21 =	vld [tilespmem:s24+$0x0]  }
0xa0: {  	v34 =	vadd.f32 v42, v34;
	v42 =	vmul.f32 v32, v20;
	v55 =	vmul.f32 v32, v18;
	v22 =	vld [tilespmem:s24+$0x80]  }
0xa1: {  	v35 =	vadd.f32 v43, v35;
	v33 =	vadd.f32 v41, v33;
	v23 =	vld [tilespmem:s24+$0x100]  }
0xa2: {  	v30 =	vadd.f32 v48, v30;
	v29 =	vadd.f32 v49, v29;
	v24 =	vld [tilespmem:s24+$0x180]  }
0xa3: {  	v27 =	vadd.f32 v47, v27;
	v26 =	vadd.f32 v50, v26;
	v25 =	vld [tilespmem:s24+$0x200];
	v32 =	vmul.f32 v52, v51  }
0xa4: {  	v19 =	vadd.f32 v40, v19;
	v17 =	vadd.f32 v46, v17;
	v20 =	vld [tilespmem:s24+$0x280];
	v41 =	vmul.f32 v52, v21  }
0xa5: {  	v16 =	vadd.f32 v45, v16;
	v18 =	vld [tilespmem:s24+$0x300];
	v43 =	vmul.f32 v52, v22;
	v0 =	vadd.f32 v32, v0  }
0xa6: {  	v15 =	vadd.f32 v53, v15;
	v49 =	vld [tilespmem:s24+$0x4200];
	v8 =	vadd.f32 v41, v8;
	v41 =	vmul.f32 v52, v23  }
0xa7: {  	v14 =	vadd.f32 v44, v14;
	v40 =	vld [tilespmem:s24+$0x4280];
	v7 =	vadd.f32 v43, v7;
	v43 =	vmul.f32 v52, v24  }
0xa8: {  	v13 =	vadd.f32 v54, v13;
	v32 =	vld [tilespmem:s24+$0x4300];
	v6 =	vadd.f32 v41, v6;
	v41 =	vmul.f32 v52, v25  }
0xa9: {  	v12 =	vadd.f32 v42, v12;
	v5 =	vadd.f32 v43, v5;
	v43 =	vmul.f32 v52, v20  }
0xaa: {  	v11 =	vadd.f32 v55, v11;
	v4 =	vadd.f32 v41, v4;
	v41 =	vmul.f32 v52, v18  }
0xab: {  	v50 =	vmul.f32 v49, v21;
	v42 =	vmul.f32 v49, v51;
	v3 =	vadd.f32 v43, v3  }
.Ltmp1:
0xac: {  	v48 =	vmul.f32 v49, v22;
	v43 =	vmul.f32 v40, v51;
	v2 =	vadd.f32 v41, v2;
	(pc) =	sbr.rel @p0 .LBB2_5-.Ltmp1, $4  }
0xad: {  	v47 =	vmul.f32 v49, v23;
	v10 =	vadd.f32 v42, v10;
	v41 =	vmul.f32 v32, v51  }
0xae: {  	s22 =	sadd.s32 $0x1, s22;
	v46 =	vmul.f32 v49, v24;
	v45 =	vmul.f32 v49, v25;
	v9 =	vadd.f32 v43, v9  }
0xaf: {  	s25 =	sand.u32 $0x7, s22;
	s24 =	sand.u32 $0x70, s23;
	v44 =	vmul.f32 v49, v20;
	v42 =	vmul.f32 v49, v18;
	v1 =	vadd.f32 v41, v1  }
0xb0: {  	s21 =	sadd.s32 $0x80, s21;
	s25 =	sshll.u32 s25, $0x4;
	s23 =	sadd.s32 $0x10, s23;
	v31 =	vadd.f32 v50, v31;
	v43 =	vmul.f32 v40, v21;
	v41 =	vmul.f32 v40, v22  }
0xb1: {  	s22 =	sand.u32 $0x3C00, s21  }
0xb2: {  	s22 =	sor.u32 s24, s22  }
0xb3: {  	v49 =	vld [tilespmem:s22+$0x0]  }
0xb4: {  	v51 =	vld [tilespmem:s22+$0x4200]  }
0xb5: {  	v50 =	vmul.f32 v40, v23;
	v53 =	vld [tilespmem:s22+$0x4280]  }
0xb6: {  	v28 =	vadd.f32 v48, v28;
	v59 =	vmul.f32 v40, v24;
	v52 =	vmul.f32 v40, v25;
	v54 =	vld [tilespmem:s22+$0x80]  }
0xb7: {  	v39 =	vadd.f32 v47, v39;
	v47 =	vmul.f32 v40, v20;
	v40 =	vmul.f32 v40, v18  }
0xb8: {  	v21 =	vmul.f32 v32, v21;
	v22 =	vmul.f32 v32, v22;
	v37 =	vadd.f32 v45, v37;
	v45 =	vld [tilespmem:s22+$0x100]  }
0xb9: {  	v38 =	vadd.f32 v46, v38;
	v23 =	vmul.f32 v32, v23;
	v60 =	vmul.f32 v51, v49  }
0xba: {  	v34 =	vadd.f32 v42, v34;
	v35 =	vadd.f32 v43, v35;
	v42 =	vld [tilespmem:s22+$0x180];
	v61 =	vmul.f32 v53, v49  }
0xbb: {  	v24 =	vmul.f32 v32, v24;
	v62 =	vmul.f32 v51, v54;
	v31 =	vadd.f32 v60, v31  }
0xbc: {  	v33 =	vadd.f32 v41, v33;
	v41 =	vld [tilespmem:s22+$0x200];
	v63 =	vmul.f32 v53, v54;
	v35 =	vadd.f32 v61, v35  }
0xbd: {  	s28 =	sadd.s32 s25, s21;
	v36 =	vadd.f32 v44, v36;
	v28 =	vadd.f32 v62, v28;
	(xrf2) =	vadd.scan.msk.f32 $0xffff, v31;
	v31 =	vmul.f32 v51, v45  }
0xbe: {  	s21 =	sor.u32 $0x380, s28;
	v30 =	vadd.f32 v50, v30;
	v50 =	vmul.f32 v53, v45;
	v44 =	vadd.f32 v63, v33;
	v33 =	vld [tilespmem:s22+$0x280];
	(xrf2) =	vadd.scan.msk.f32 $0xffff, v35  }
0xbf: {  	v55 =	vld [tilespmem:s21+$0x4000];
	v29 =	vadd.f32 v59, v29;
	v56 =	vmul.f32 v51, v42;
	v31 =	vadd.f32 v31, v39;
	(xrf2) =	vadd.scan.msk.f32 $0xffff, v28  }
0xc0: {  	v57 =	vld [tilespmem:s22+$0x300];
	v27 =	vadd.f32 v52, v27;
	v58 =	vmul.f32 v53, v42;
	v30 =	vadd.f32 v50, v30;
	(xrf2) =	vadd.scan.msk.f32 $0xffff, v44  }
0xc1: {  	v46 =	vld [tilespmem:s21+$0x0];
	v59 =	vmul.f32 v51, v41;
	v38 =	vadd.f32 v56, v38;
	(xrf2) =	vadd.scan.msk.f32 $0xffff, v31;
	v31 =	vmul.f32 v53, v41  }
0xc2: {  	v20 =	vmul.f32 v32, v20;
	v26 =	vadd.f32 v47, v26;
	v29 =	vadd.f32 v58, v29;
	(xrf2) =	vadd.scan.msk.f32 $0xffff, v30  }
0xc3: {  	v37 =	vadd.f32 v59, v37;
	v61 =	vld [tilespmem:s22+$0x4300];
	v60 =	vmul.f32 v51, v33;
	(xrf2) =	vadd.scan.msk.f32 $0xffff, v38;
	v27 =	vadd.f32 v31, v27  }
0xc4: {  	v19 =	vadd.f32 v40, v19;
	v62 =	vmul.f32 v53, v33;
	v30 =	vmul.f32 v55, v49;
	(xrf2) =	vadd.scan.msk.f32 $0xffff, v29  }
0xc5: {  	v17 =	vadd.f32 v21, v17;
	v21 =	vmul.f32 v51, v57;
	v29 =	vadd.f32 v60, v36;
	(xrf2) =	vadd.scan.msk.f32 $0xffff, v37  }
0xc6: {  	v16 =	vadd.f32 v22, v16;
	v22 =	vmul.f32 v51, v46;
	v26 =	vadd.f32 v62, v26;
	(xrf2) =	vadd.scan.msk.f32 $0xffff, v27  }
0xc7: {  	v15 =	vadd.f32 v23, v15;
	v63 =	vmul.f32 v53, v57;
	v21 =	vadd.f32 v21, v34;
	v27, _, _ =	vpop (xrf2);
	(xrf2) =	vadd.scan.msk.f32 $0xffff, v29  }
0xc8: {  	v10 =	vadd.f32 v22, v10;
	v22 =	vmul.f32 v61, v49;
	v8 =	vadd.f32 v30, v8;
	v30, _, _ =	vpop (xrf2);
	(xrf2) =	vadd.scan.msk.f32 $0xffff, v26  }
0xc9: {  	v19 =	vadd.f32 v63, v19;
	v29 =	vmul.f32 v53, v46;
	v23, _, _ =	vpop (xrf2);
	(xrf2) =	vadd.scan.msk.f32 $0xffff, v21;
	v21 =	vmul.f32 v55, v45  }
0xca: {  	v25 =	vmul.f32 v32, v25;
	v12 =	vadd.f32 v20, v12;
	v17 =	vadd.f32 v22, v17  }
0xcb: {  	v9 =	vadd.f32 v29, v9;
	v29 =	vmul.f32 v61, v54;
	v26, _, _ =	vpop (xrf2);
	(xrf2) =	vadd.scan.msk.f32 $0xffff, v19;
	v19 =	vmul.f32 v55, v42  }
0xcc: {  	v31 =	vmul.f32 v55, v54;
	v22, _, _ =	vpop (xrf2);
	(xrf2) =	vadd.scan.msk.f32 $0xffff, v10;
	v10 =	vadd.f32 v24, v14;
	v14 =	vmul.f32 v55, v41  }
0xcd: {  	v18 =	vmul.f32 v32, v18;
	v6 =	vadd.f32 v21, v6;
	v16 =	vadd.f32 v29, v16;
	v21, _, _ =	vpop (xrf2);
	(xrf2) =	vadd.scan.msk.f32 $0xffff, v9  }
0xce: {  	v7 =	vadd.f32 v31, v7;
	v9 =	vadd.f32 v25, v13;
	v13 =	vmul.f32 v61, v45;
	v24, _, _ =	vpop (xrf2);
	(xrf2) =	vadd.scan.msk.f32 $0xffff, v17  }
0xcf: {  	v5 =	vadd.f32 v19, v5;
	v17 =	vmul.f32 v55, v33;
	v19, _, _ =	vpop (xrf2);
	(xrf2) =	vadd.scan.msk.f32 $0xffff, v8;
	v8 =	vmul.f32 v61, v42  }
0xd0: {  	v4 =	vadd.f32 v14, v4;
	v13 =	vadd.f32 v13, v15;
	v15 =	vmul.f32 v55, v57;
	v14, _, _ =	vpop (xrf2);
	(xrf2) =	vadd.scan.msk.f32 $0xffff, v16  }
0xd1: {  	v3 =	vadd.f32 v17, v3;
	v17 =	vmul.f32 v61, v41;
	v16, _, _ =	vpop (xrf2);
	(xrf2) =	vadd.scan.msk.f32 $0xffff, v7;
	v8 =	vadd.f32 v8, v10  }
0xd2: {  	v2 =	vadd.f32 v15, v2;
	v15 =	vbroadcast v30, $0xF;
	v10, _, _ =	vpop (xrf2);
	(xrf2) =	vadd.scan.msk.f32 $0xffff, v13;
	v13 =	vbroadcast v27, $0xF  }
0xd3: {  	v11 =	vadd.f32 v18, v11;
	v7 =	vmul.f32 v61, v46;
	v9 =	vadd.f32 v17, v9  }
0xd4: {  	v17 =	vbroadcast v23, $0xF;
	v18, _, _ =	vpop (xrf2);
	(xrf2) =	vadd.scan.msk.f32 $0xffff, v6;
	v6 =	vmul.f32 v61, v33;
	v13 =	vsel vm0, v13, v15  }
0xd5: {  	v20, _, _ =	vpop (xrf2);
	(xrf2) =	vadd.scan.msk.f32 $0xffff, v8;
	v8 =	vmul.f32 v61, v57;
	v15 =	vbroadcast v26, $0xF  }
0xd6: {  	v23, _, _ =	vpop (xrf2);
	(xrf2) =	vadd.scan.msk.f32 $0xffff, v5;
	v5 =	vadd.f32 v6, v12;
	v6 =	vsel vm1, v13, v17;
	v12 =	vbroadcast v22, $0xF  }
0xd7: {  	v1 =	vadd.f32 v7, v1;
	v7 =	vbroadcast v21, $0xF;
	v6 =	vsel vm2, v6, v15;
	v13, _, _ =	vpop (xrf2);
	(xrf2) =	vadd.scan.msk.f32 $0xffff, v9  }
0xd8: {  	v6 =	vsel vm3, v6, v12;
	v9, _, _ =	vpop (xrf2);
	(xrf2) =	vadd.scan.msk.f32 $0xffff, v4;
	v4 =	vadd.f32 v8, v11;
	v8 =	vbroadcast v24, $0xF  }
0xd9: {  	v11, _, _ =	vpop (xrf2);
	(xrf2) =	vadd.scan.msk.f32 $0xffff, v5;
	v5 =	vsel vm4, v6, v7  }
0xda: {  	v6 =	vbroadcast v19, $0xF;
	v12, _, _ =	vpop (xrf2);
	(xrf2) =	vadd.scan.msk.f32 $0xffff, v3;
	v3 =	vsel vm5, v5, v8;
	v5 =	vbroadcast v11, $0xF  }
0xdb: {  	v7 =	vbroadcast v14, $0xF;
	v11, _, _ =	vpop (xrf2)  }
0xdc: {  	v8 =	vbroadcast v12, $0xF;
	v3 =	vsel vm6, v3, v6;
	v6 =	vbroadcast v11, $0xF  }
0xdd: {  	v28 =	vmul.f32 v55, v46;
	(xrf2) =	vadd.scan.msk.f32 $0xffff, v4;
	v4, _, _ =	vpop (xrf2)  }
0xde: {  	(xrf2) =	vadd.scan.msk.f32 $0xffff, v2;
	v2 =	vsel vm7, v3, v7;
	v3 =	vsel vm0, v5, v8;
	v4 =	vbroadcast v4, $0xF;
	v5, _, _ =	vpop (xrf2)  }
0xdf: {  	v0 =	vadd.f32 v28, v0;
	(xrf2) =	vadd.scan.msk.f32 $0xffff, v1;
	v3 =	vsel vm1, v3, v6;
	v1, _, _ =	vpop (xrf2);
	v5 =	vbroadcast v5, $0xF  }
0xe0: {  	v3 =	vsel vm2, v3, v4;
	v6, _, _ =	vpop (xrf2)  }
0xe1: {  	v1 =	vbroadcast v1, $0xF;
	v3 =	vsel vm3, v3, v5;
	v5 =	vbroadcast v6, $0xF  }
0xe2: {  	v7 =	vbroadcast v16, $0xF;
	v4, _, _ =	vpop (xrf2)  }
0xe3: {  	v8 =	vbroadcast v10, $0xF;
	(xrf2) =	vadd.scan.msk.f32 $0xffff, v0;
	v0, _, _ =	vpop (xrf2);
	v1 =	vsel vm4, v3, v1;
	v3 =	vbroadcast v4, $0xF  }
0xe4: {  	v2 =	vsel vm8, v2, v7;
	v4, _, _ =	vpop (xrf2);
	v1 =	vsel vm5, v1, v5;
	v0 =	vbroadcast v0, $0xF  }
0xe5: {  	v7 =	vbroadcast v20, $0xF;
	v1 =	vsel vm6, v1, v3;
	v3 =	vbroadcast v4, $0xF;
	v5, _, _ =	vpop (xrf2)  }
0xe6: {  	v6 =	vbroadcast v18, $0xF;
	v0 =	vsel vm7, v1, v0;
	v4, _, _ =	vpop (xrf2);
	v1 =	vbroadcast v5, $0xF  }
0xe7: {  	v2 =	vsel vm9, v2, v8;
	v0 =	vsel vm8, v0, v3;
	v5, _, _ =	vpop (xrf2);
	v3 =	vbroadcast v4, $0xF  }
0xe8: {  	v2 =	vsel vm10, v2, v6;
	v6 =	vbroadcast v23, $0xF;
	v4, _, _ =	vpop (xrf2);
	v0 =	vsel vm9, v0, v1  }
0xe9: {  	v1 =	vbroadcast v5, $0xF;
	v0 =	vsel vm10, v0, v3;
	v3 =	vbroadcast v4, $0xF  }
0xea: {  	v2 =	vsel vm11, v2, v7;
	v7 =	vbroadcast v13, $0xF;
	v5, _, _ =	vpop (xrf2)  }
0xeb: {  	v2 =	vsel vm12, v2, v6;
	v0 =	vsel vm11, v0, v1;
	v1 =	vbroadcast v5, $0xF  }
0xec: {  	s29 =	simm.s32 $0x0;
	v2 =	vsel vm13, v2, v7;
	v0 =	vsel vm12, v0, v3  }
0xed: {  	s30 =	sand.u32 $0x7, s29;
	v2 =	vsel vm14, v2, v9;
	v0 =	vsel vm13, v0, v1;
	v3, _, _ =	vpop (xrf2)  }
0xee: {  	s23 =	sand.u32 $0x70, s29;
	s21 =	sand.u32 $0x3C00, s29;
	s22 =	sshll.u32 s30, $0x4;
	[tilespmem:s18+$0x14100] =	vst v2;
	v0 =	vsel vm14, v0, v3  }
0xef: {  	s21 =	sor.u32 s23, s21;
	s22 =	sadd.s32 $0x0, s22;
	[tilespmem:s18+$0x14180] =	vst v0  }
0xf0: {  	s22 =	sor.u32 $0x380, s22;
	v1 =	vld [tilespmem:s21+$0x8180]  }
0xf1: {  	v9 =	vld [tilespmem:s22+$0x0]  }
0xf2: {  	v22 =	vld [tilespmem:s21+$0x0]  }
0xf3: {  	v23 =	vld [tilespmem:s21+$0x80]  }
0xf4: {  	v26 =	vld [tilespmem:s21+$0x100]  }
0xf5: {  	v34 =	vimm.f32 $0.0e+00;
	v27 =	vld [tilespmem:s21+$0x180]  }
0xf6: {  	v35 =	vimm.f32 $0.0e+00;
	v39 =	vimm.f32 $0.0e+00;
	v28 =	vimm.f32 $0.0e+00;
	v11 =	vld [tilespmem:s21+$0x8000]  }
0xf7: {  	v38 =	vimm.f32 $0.0e+00;
	v36 =	vimm.f32 $0.0e+00;
	v37 =	vimm.f32 $0.0e+00;
	v24 =	vld [tilespmem:s21+$0x200]  }
0xf8: {  	v29 =	vimm.f32 $0.0e+00;
	v25 =	vimm.f32 $0.0e+00;
	v30 =	vimm.f32 $0.0e+00;
	v40 =	vld [tilespmem:s21+$0x8080]  }
0xf9: {  	v33 =	vimm.f32 $0.0e+00;
	v20 =	vld [tilespmem:s21+$0x280];
	v0 =	vmul.f32 v1, v9;
	v2 =	vmul.f32 v1, v22  }
0xfa: {  	v21 =	vimm.f32 $0.0e+00;
	v19 =	vld [tilespmem:s21+$0x300];
	v3 =	vmul.f32 v1, v23;
	v4 =	vmul.f32 v1, v26  }
0xfb: {  	v17 =	vimm.f32 $0.0e+00;
	v5 =	vmul.f32 v1, v27;
	v12 =	vmul.f32 v11, v22  }
0xfc: {  	v15 =	vimm.f32 $0.0e+00;
	v10 =	vmul.f32 v11, v9;
	v48 =	vmul.f32 v11, v23  }
0xfd: {  	v14 =	vimm.f32 $0.0e+00;
	v13 =	vmul.f32 v40, v9;
	v47 =	vmul.f32 v11, v26  }
0xfe: {  	v16 =	vimm.f32 $0.0e+00;
	v46 =	vmul.f32 v11, v27;
	v45 =	vmul.f32 v11, v24  }
0xff: {  	v18 =	vimm.f32 $0.0e+00;
	v32 =	vld [tilespmem:s21+$0x8100];
	v44 =	vmul.f32 v11, v20;
	v41 =	vmul.f32 v11, v19  }
0x100: {  	v43 =	vmul.f32 v40, v22;
	v42 =	vmul.f32 v40, v23;
	v0 =	vadd.f32 v0, v29  }
0x101: {  	v8 =	vadd.f32 v2, v29;
	v2 =	vmul.f32 v1, v24;
	v6 =	vadd.f32 v3, v29  }
0x102: {  	v7 =	vadd.f32 v4, v29;
	v4 =	vmul.f32 v1, v20;
	v1 =	vmul.f32 v1, v19  }
0x103: {  	v11 =	vimm.f32 $0.0e+00;
	v5 =	vadd.f32 v5, v29;
	v10 =	vadd.f32 v10, v29  }
0x104: {  	s31 =	simm.s32 $0x10;
	v3 =	vadd.f32 v2, v29;
	v2 =	vadd.f32 v1, v29;
	v1 =	vmul.f32 v32, v9  }
0x105: {  	s25 =	sand.u32 $0x70, s31;
	s22 =	simm.s32 $0x1;
	v31 =	vadd.f32 v12, v29;
	v12 =	vimm.f32 $0.0e+00;
	v4 =	vadd.f32 v4, v29  }
0x106: {  	s23 =	simm.s32 $0x20;
	s21 =	simm.s32 $0x80;
	s24 =	sand.u32 $0x7, s22;
	v9 =	vadd.f32 v13, v29;
	v13 =	vimm.f32 $0.0e+00;
	v1 =	vadd.f32 v1, v29  }
.LBB2_7:
0x107: {  	p0 =	sne.s32 s23, $0x7F0;
	s24 =	sshll.u32 s24, $0x4;
	s26 =	sand.u32 $0x3C00, s21;
	v29 =	vadd.f32 v48, v29;
	v48 =	vmul.f32 v40, v26;
	v49 =	vmul.f32 v40, v27  }
0x108: {  	v39 =	vadd.f32 v47, v39;
	v47 =	vmul.f32 v40, v24;
	v50 =	vmul.f32 v40, v20;
	s24 =	sadd.s32 s24, s21;
	s25 =	sor.u32 s25, s26  }
0x109: {  	v38 =	vadd.f32 v46, v38;
	v40 =	vmul.f32 v40, v19;
	v46 =	vmul.f32 v32, v22;
	s24 =	sor.u32 $0x380, s24;
	v51 =	vld [tilespmem:s25+$0x8180]  }
0x10a: {  	v37 =	vadd.f32 v45, v37;
	v45 =	vmul.f32 v32, v23;
	v53 =	vmul.f32 v32, v26;
	v52 =	vld [tilespmem:s24+$0x0]  }
0x10b: {  	v36 =	vadd.f32 v44, v36;
	v44 =	vmul.f32 v32, v27;
	v54 =	vmul.f32 v32, v24;
	v22 =	vld [tilespmem:s25+$0x0]  }
0x10c: {  	v34 =	vadd.f32 v41, v34;
	v41 =	vmul.f32 v32, v20;
	v55 =	vmul.f32 v32, v19;
	v23 =	vld [tilespmem:s25+$0x80]  }
0x10d: {  	v35 =	vadd.f32 v43, v35;
	v33 =	vadd.f32 v42, v33;
	v26 =	vld [tilespmem:s25+$0x100]  }
0x10e: {  	v30 =	vadd.f32 v48, v30;
	v28 =	vadd.f32 v49, v28;
	v27 =	vld [tilespmem:s25+$0x180]  }
0x10f: {  	v25 =	vadd.f32 v47, v25;
	v21 =	vadd.f32 v50, v21;
	v24 =	vld [tilespmem:s25+$0x200];
	v32 =	vmul.f32 v51, v52  }
0x110: {  	v18 =	vadd.f32 v40, v18;
	v17 =	vadd.f32 v46, v17;
	v20 =	vld [tilespmem:s25+$0x280];
	v42 =	vmul.f32 v51, v22  }
0x111: {  	v16 =	vadd.f32 v45, v16;
	v19 =	vld [tilespmem:s25+$0x300];
	v43 =	vmul.f32 v51, v23;
	v0 =	vadd.f32 v32, v0  }
0x112: {  	v15 =	vadd.f32 v53, v15;
	v14 =	vadd.f32 v44, v14;
	v49 =	vld [tilespmem:s25+$0x8000];
	v45 =	vmul.f32 v51, v26  }
0x113: {  	v13 =	vadd.f32 v54, v13;
	v12 =	vadd.f32 v41, v12;
	v40 =	vld [tilespmem:s25+$0x8080];
	v44 =	vmul.f32 v51, v27  }
0x114: {  	v11 =	vadd.f32 v55, v11;
	v8 =	vadd.f32 v42, v8;
	v32 =	vld [tilespmem:s25+$0x8100];
	v41 =	vmul.f32 v51, v24  }
0x115: {  	v6 =	vadd.f32 v43, v6;
	v7 =	vadd.f32 v45, v7;
	v42 =	vmul.f32 v51, v20  }
0x116: {  	v5 =	vadd.f32 v44, v5;
	v3 =	vadd.f32 v41, v3;
	v41 =	vmul.f32 v51, v19  }
0x117: {  	v43 =	vmul.f32 v49, v22;
	v44 =	vmul.f32 v49, v52;
	v4 =	vadd.f32 v42, v4  }
.Ltmp2:
0x118: {  	v48 =	vmul.f32 v49, v23;
	v42 =	vmul.f32 v40, v52;
	v2 =	vadd.f32 v41, v2;
	(pc) =	sbr.rel @p0 .LBB2_7-.Ltmp2, $4  }
0x119: {  	v47 =	vmul.f32 v49, v26;
	v10 =	vadd.f32 v44, v10;
	v50 =	vmul.f32 v32, v52  }
0x11a: {  	v46 =	vmul.f32 v49, v27;
	v45 =	vmul.f32 v49, v24;
	v9 =	vadd.f32 v42, v9  }
0x11b: {  	s22 =	sadd.s32 $0x1, s22;
	s21 =	sadd.s32 $0x80, s21;
	v41 =	vmul.f32 v49, v19;
	v44 =	vmul.f32 v49, v20;
	v1 =	vadd.f32 v50, v1  }
0x11c: {  	s24 =	sand.u32 $0x7, s22;
	s25 =	sand.u32 $0x70, s23;
	s23 =	sadd.s32 $0x10, s23;
	v31 =	vadd.f32 v43, v31;
	v43 =	vmul.f32 v40, v22;
	v42 =	vmul.f32 v40, v23  }
0x11d: {  	s22 =	sand.u32 $0x3C00, s21  }
0x11e: {  	s22 =	sor.u32 s25, s22  }
0x11f: {  	v49 =	vld [tilespmem:s22+$0x0]  }
0x120: {  	v51 =	vld [tilespmem:s22+$0x8000]  }
0x121: {  	v50 =	vmul.f32 v40, v26;
	v53 =	vld [tilespmem:s22+$0x8080]  }
0x122: {  	v29 =	vadd.f32 v48, v29;
	v57 =	vmul.f32 v40, v27;
	v52 =	vmul.f32 v40, v24;
	v54 =	vld [tilespmem:s22+$0x80]  }
0x123: {  	v39 =	vadd.f32 v47, v39;
	v58 =	vmul.f32 v40, v20;
	v59 =	vmul.f32 v40, v19  }
0x124: {  	v22 =	vmul.f32 v32, v22;
	v23 =	vmul.f32 v32, v23;
	v37 =	vadd.f32 v45, v37;
	v45 =	vld [tilespmem:s22+$0x100]  }
0x125: {  	v38 =	vadd.f32 v46, v38;
	v26 =	vmul.f32 v32, v26;
	v60 =	vmul.f32 v51, v49  }
0x126: {  	v34 =	vadd.f32 v41, v34;
	v35 =	vadd.f32 v43, v35;
	v41 =	vld [tilespmem:s22+$0x180];
	v61 =	vmul.f32 v53, v49  }
0x127: {  	v36 =	vadd.f32 v44, v36;
	v62 =	vmul.f32 v51, v54;
	v31 =	vadd.f32 v60, v31  }
0x128: {  	v33 =	vadd.f32 v42, v33;
	v42 =	vld [tilespmem:s22+$0x200];
	v63 =	vmul.f32 v53, v54;
	v35 =	vadd.f32 v61, v35  }
0x129: {  	s23 =	sshll.u32 s24, $0x4;
	v30 =	vadd.f32 v50, v30;
	v29 =	vadd.f32 v62, v29;
	(xrf2) =	vadd.scan.msk.f32 $0xffff, v31;
	v31 =	vmul.f32 v51, v45  }
0x12a: {  	s26 =	sadd.s32 s23, s21;
	v28 =	vadd.f32 v57, v28;
	v44 =	vmul.f32 v53, v45;
	v43 =	vadd.f32 v63, v33;
	v33 =	vld [tilespmem:s22+$0x280];
	(xrf2) =	vadd.scan.msk.f32 $0xffff, v35  }
0x12b: {  	s21 =	sor.u32 $0x380, s26;
	v50 =	vld [tilespmem:s22+$0x300];
	v25 =	vadd.f32 v52, v25;
	v48 =	vmul.f32 v51, v41;
	v31 =	vadd.f32 v31, v39;
	(xrf2) =	vadd.scan.msk.f32 $0xffff, v29  }
0x12c: {  	v21 =	vadd.f32 v58, v21;
	v55 =	vld [tilespmem:s21+$0x0];
	v56 =	vmul.f32 v53, v41;
	v30 =	vadd.f32 v44, v30;
	(xrf2) =	vadd.scan.msk.f32 $0xffff, v43  }
0x12d: {  	v57 =	vmul.f32 v51, v42;
	v38 =	vadd.f32 v48, v38;
	(xrf2) =	vadd.scan.msk.f32 $0xffff, v31;
	v31 =	vmul.f32 v53, v42  }
0x12e: {  	v27 =	vmul.f32 v32, v27;
	v18 =	vadd.f32 v59, v18;
	v28 =	vadd.f32 v56, v28;
	(xrf2) =	vadd.scan.msk.f32 $0xffff, v30  }
0x12f: {  	v59 =	vld [tilespmem:s22+$0x8100];
	v37 =	vadd.f32 v57, v37;
	v58 =	vmul.f32 v51, v33;
	(xrf2) =	vadd.scan.msk.f32 $0xffff, v38;
	v25 =	vadd.f32 v31, v25  }
0x130: {  	v46 =	vld [tilespmem:s22+$0x8180];
	v17 =	vadd.f32 v22, v17;
	v16 =	vadd.f32 v23, v16;
	v60 =	vmul.f32 v53, v33;
	(xrf2) =	vadd.scan.msk.f32 $0xffff, v28  }
0x131: {  	v22 =	vmul.f32 v51, v50;
	v23 =	vmul.f32 v51, v55;
	v28 =	vadd.f32 v58, v36;
	(xrf2) =	vadd.scan.msk.f32 $0xffff, v37  }
0x132: {  	v24 =	vmul.f32 v32, v24;
	v61 =	vmul.f32 v53, v50;
	v21 =	vadd.f32 v60, v21;
	(xrf2) =	vadd.scan.msk.f32 $0xffff, v25  }
0x133: {  	v20 =	vmul.f32 v32, v20;
	v15 =	vadd.f32 v26, v15;
	v22 =	vadd.f32 v22, v34;
	v25, _, _ =	vpop (xrf2);
	(xrf2) =	vadd.scan.msk.f32 $0xffff, v28  }
0x134: {  	v14 =	vadd.f32 v27, v14;
	v18 =	vadd.f32 v61, v18;
	v63, _, _ =	vpop (xrf2);
	(xrf2) =	vadd.scan.msk.f32 $0xffff, v21;
	v21 =	vmul.f32 v59, v49  }
0x135: {  	v62 =	vmul.f32 v53, v55;
	v10 =	vadd.f32 v23, v10;
	v30 =	vmul.f32 v46, v49;
	v23, _, _ =	vpop (xrf2);
	(xrf2) =	vadd.scan.msk.f32 $0xffff, v22  }
0x136: {  	v13 =	vadd.f32 v24, v13;
	v31 =	vmul.f32 v46, v54;
	v26, _, _ =	vpop (xrf2);
	(xrf2) =	vadd.scan.msk.f32 $0xffff, v18;
	v18 =	vmul.f32 v59, v54  }
0x137: {  	v19 =	vmul.f32 v32, v19;
	v9 =	vadd.f32 v62, v9;
	v8 =	vadd.f32 v30, v8  }
0x138: {  	v6 =	vadd.f32 v31, v6;
	v28 =	vmul.f32 v46, v45;
	v17 =	vadd.f32 v21, v17;
	v21, _, _ =	vpop (xrf2);
	(xrf2) =	vadd.scan.msk.f32 $0xffff, v10  }
0x139: {  	v10 =	vadd.f32 v20, v12;
	v12 =	vmul.f32 v46, v42;
	v16 =	vadd.f32 v18, v16;
	v20, _, _ =	vpop (xrf2);
	(xrf2) =	vadd.scan.msk.f32 $0xffff, v9  }
0x13a: {  	v22 =	vmul.f32 v46, v41;
	v9 =	vadd.f32 v19, v11;
	v11 =	vmul.f32 v59, v45;
	v18, _, _ =	vpop (xrf2);
	(xrf2) =	vadd.scan.msk.f32 $0xffff, v17  }
0x13b: {  	v17 =	vmul.f32 v46, v33;
	v3 =	vadd.f32 v12, v3;
	v12 =	vmul.f32 v46, v50;
	v19, _, _ =	vpop (xrf2);
	(xrf2) =	vadd.scan.msk.f32 $0xffff, v8  }
0x13c: {  	v7 =	vadd.f32 v28, v7;
	v8 =	vmul.f32 v59, v41;
	v11 =	vadd.f32 v11, v15;
	v15, _, _ =	vpop (xrf2);
	(xrf2) =	vadd.scan.msk.f32 $0xffff, v16  }
0x13d: {  	v4 =	vadd.f32 v17, v4;
	v17 =	vmul.f32 v59, v42;
	v2 =	vadd.f32 v12, v2;
	v16, _, _ =	vpop (xrf2);
	(xrf2) =	vadd.scan.msk.f32 $0xffff, v6  }
0x13e: {  	v12 =	vbroadcast v63, $0xF;
	v8 =	vadd.f32 v8, v14;
	v14, _, _ =	vpop (xrf2);
	(xrf2) =	vadd.scan.msk.f32 $0xffff, v11;
	v11 =	vbroadcast v25, $0xF  }
0x13f: {  	v5 =	vadd.f32 v22, v5;
	v13 =	vadd.f32 v17, v13;
	v17 =	vbroadcast v23, $0xF  }
0x140: {  	v22, _, _ =	vpop (xrf2);
	(xrf2) =	vadd.scan.msk.f32 $0xffff, v7;
	v7 =	vmul.f32 v59, v33;
	v11 =	vsel vm0, v11, v12;
	v12 =	vbroadcast v26, $0xF  }
0x141: {  	v6 =	vmul.f32 v59, v55;
	v23, _, _ =	vpop (xrf2);
	(xrf2) =	vadd.scan.msk.f32 $0xffff, v8;
	v8 =	vmul.f32 v59, v50  }
0x142: {  	v24, _, _ =	vpop (xrf2);
	(xrf2) =	vadd.scan.msk.f32 $0xffff, v5;
	v5 =	vadd.f32 v7, v10;
	v7 =	vsel vm1, v11, v17;
	v10 =	vbroadcast v21, $0xF  }
0x143: {  	v1 =	vadd.f32 v6, v1;
	v6 =	vsel vm2, v7, v12;
	v7 =	vbroadcast v20, $0xF;
	v11, _, _ =	vpop (xrf2);
	(xrf2) =	vadd.scan.msk.f32 $0xffff, v13  }
0x144: {  	v6 =	vsel vm3, v6, v10;
	v12, _, _ =	vpop (xrf2);
	(xrf2) =	vadd.scan.msk.f32 $0xffff, v3;
	v3 =	vadd.f32 v8, v9;
	v8 =	vbroadcast v18, $0xF  }
0x145: {  	v9, _, _ =	vpop (xrf2);
	(xrf2) =	vadd.scan.msk.f32 $0xffff, v5;
	v5 =	vsel vm4, v6, v7  }
0x146: {  	v6 =	vbroadcast v19, $0xF;
	v10, _, _ =	vpop (xrf2);
	(xrf2) =	vadd.scan.msk.f32 $0xffff, v4;
	v4 =	vsel vm5, v5, v8;
	v5 =	vbroadcast v9, $0xF  }
0x147: {  	v7 =	vbroadcast v15, $0xF;
	v9, _, _ =	vpop (xrf2)  }
0x148: {  	v8 =	vbroadcast v10, $0xF;
	(xrf2) =	vadd.scan.msk.f32 $0xffff, v3;
	v3 =	vsel vm6, v4, v6;
	v6 =	vbroadcast v9, $0xF  }
0x149: {  	v29 =	vmul.f32 v46, v55;
	v4, _, _ =	vpop (xrf2)  }
0x14a: {  	(xrf2) =	vadd.scan.msk.f32 $0xffff, v2;
	v2 =	vsel vm7, v3, v7;
	v3 =	vsel vm0, v5, v8;
	v4 =	vbroadcast v4, $0xF;
	v5, _, _ =	vpop (xrf2)  }
0x14b: {  	v0 =	vadd.f32 v29, v0;
	(xrf2) =	vadd.scan.msk.f32 $0xffff, v1;
	v3 =	vsel vm1, v3, v6;
	v1, _, _ =	vpop (xrf2);
	v5 =	vbroadcast v5, $0xF  }
0x14c: {  	v6, _, _ =	vpop (xrf2);
	v3 =	vsel vm2, v3, v4  }
0x14d: {  	v1 =	vbroadcast v1, $0xF;
	v3 =	vsel vm3, v3, v5;
	v5 =	vbroadcast v6, $0xF  }
0x14e: {  	v7 =	vbroadcast v16, $0xF;
	v4, _, _ =	vpop (xrf2)  }
0x14f: {  	v8 =	vbroadcast v14, $0xF;
	(xrf2) =	vadd.scan.msk.f32 $0xffff, v0;
	v1 =	vsel vm4, v3, v1;
	v0, _, _ =	vpop (xrf2);
	v3 =	vbroadcast v4, $0xF  }
0x150: {  	v2 =	vsel vm8, v2, v7;
	v1 =	vsel vm5, v1, v5;
	v4, _, _ =	vpop (xrf2);
	v0 =	vbroadcast v0, $0xF  }
0x151: {  	v7 =	vbroadcast v23, $0xF;
	v5, _, _ =	vpop (xrf2);
	v1 =	vsel vm6, v1, v3;
	v3 =	vbroadcast v4, $0xF  }
0x152: {  	v6 =	vbroadcast v22, $0xF;
	v4, _, _ =	vpop (xrf2);
	v0 =	vsel vm7, v1, v0;
	v1 =	vbroadcast v5, $0xF  }
0x153: {  	v2 =	vsel vm9, v2, v8;
	v5, _, _ =	vpop (xrf2);
	v0 =	vsel vm8, v0, v3;
	v3 =	vbroadcast v4, $0xF  }
0x154: {  	v2 =	vsel vm10, v2, v6;
	v6 =	vbroadcast v24, $0xF;
	v4, _, _ =	vpop (xrf2);
	v0 =	vsel vm9, v0, v1  }
0x155: {  	v1 =	vbroadcast v5, $0xF;
	v0 =	vsel vm10, v0, v3;
	v3 =	vbroadcast v4, $0xF  }
0x156: {  	v2 =	vsel vm11, v2, v7;
	v7 =	vbroadcast v11, $0xF;
	v5, _, _ =	vpop (xrf2)  }
0x157: {  	v2 =	vsel vm12, v2, v6;
	v0 =	vsel vm11, v0, v1;
	v1 =	vbroadcast v5, $0xF  }
0x158: {  	s28 =	simm.s32 $0x0;
	v2 =	vsel vm13, v2, v7;
	v0 =	vsel vm12, v0, v3  }
0x159: {  	s29 =	sand.u32 $0x7, s28;
	v2 =	vsel vm14, v2, v12;
	v0 =	vsel vm13, v0, v1;
	v3, _, _ =	vpop (xrf2)  }
0x15a: {  	s30 =	sand.u32 $0x70, s28;
	s21 =	sand.u32 $0x3C00, s28;
	s22 =	sshll.u32 s29, $0x4;
	[tilespmem:s18+$0x14200] =	vst v2;
	v0 =	vsel vm14, v0, v3  }
0x15b: {  	s21 =	sor.u32 s30, s21;
	s22 =	sadd.s32 $0x0, s22;
	[tilespmem:s18+$0x14280] =	vst v0  }
0x15c: {  	s22 =	sor.u32 $0x380, s22;
	v1 =	vld [tilespmem:s21+$0x8380]  }
0x15d: {  	v9 =	vld [tilespmem:s22+$0x0]  }
0x15e: {  	v22 =	vld [tilespmem:s21+$0x0]  }
0x15f: {  	v23 =	vld [tilespmem:s21+$0x80]  }
0x160: {  	v26 =	vld [tilespmem:s21+$0x100]  }
0x161: {  	v34 =	vimm.f32 $0.0e+00;
	v27 =	vld [tilespmem:s21+$0x180]  }
0x162: {  	v35 =	vimm.f32 $0.0e+00;
	v39 =	vimm.f32 $0.0e+00;
	v29 =	vimm.f32 $0.0e+00;
	v11 =	vld [tilespmem:s21+$0x8200]  }
0x163: {  	v38 =	vimm.f32 $0.0e+00;
	v36 =	vimm.f32 $0.0e+00;
	v30 =	vimm.f32 $0.0e+00;
	v24 =	vld [tilespmem:s21+$0x200]  }
0x164: {  	v37 =	vimm.f32 $0.0e+00;
	v28 =	vimm.f32 $0.0e+00;
	v25 =	vimm.f32 $0.0e+00;
	v40 =	vld [tilespmem:s21+$0x8280]  }
0x165: {  	v33 =	vimm.f32 $0.0e+00;
	v20 =	vld [tilespmem:s21+$0x280];
	v0 =	vmul.f32 v1, v9;
	v2 =	vmul.f32 v1, v22  }
0x166: {  	v21 =	vimm.f32 $0.0e+00;
	v19 =	vld [tilespmem:s21+$0x300];
	v3 =	vmul.f32 v1, v23;
	v4 =	vmul.f32 v1, v26  }
0x167: {  	v17 =	vimm.f32 $0.0e+00;
	v5 =	vmul.f32 v1, v27;
	v12 =	vmul.f32 v11, v22  }
0x168: {  	v18 =	vimm.f32 $0.0e+00;
	v10 =	vmul.f32 v11, v9;
	v48 =	vmul.f32 v11, v23  }
0x169: {  	v15 =	vimm.f32 $0.0e+00;
	v13 =	vmul.f32 v40, v9;
	v47 =	vmul.f32 v11, v26  }
0x16a: {  	v16 =	vimm.f32 $0.0e+00;
	v46 =	vmul.f32 v11, v27;
	v45 =	vmul.f32 v11, v24  }
0x16b: {  	v14 =	vimm.f32 $0.0e+00;
	v32 =	vld [tilespmem:s21+$0x8300];
	v44 =	vmul.f32 v11, v20;
	v41 =	vmul.f32 v11, v19  }
0x16c: {  	v43 =	vmul.f32 v40, v22;
	v42 =	vmul.f32 v40, v23;
	v0 =	vadd.f32 v0, v29  }
0x16d: {  	v8 =	vadd.f32 v2, v29;
	v2 =	vmul.f32 v1, v24;
	v6 =	vadd.f32 v3, v29  }
0x16e: {  	v7 =	vadd.f32 v4, v29;
	v4 =	vmul.f32 v1, v20;
	v1 =	vmul.f32 v1, v19  }
0x16f: {  	v11 =	vimm.f32 $0.0e+00;
	v5 =	vadd.f32 v5, v29;
	v10 =	vadd.f32 v10, v29  }
0x170: {  	s31 =	simm.s32 $0x10;
	v3 =	vadd.f32 v2, v29;
	v2 =	vadd.f32 v1, v29;
	v1 =	vmul.f32 v32, v9  }
0x171: {  	s25 =	sand.u32 $0x70, s31;
	s22 =	simm.s32 $0x1;
	v31 =	vadd.f32 v12, v29;
	v12 =	vimm.f32 $0.0e+00;
	v4 =	vadd.f32 v4, v29  }
0x172: {  	s23 =	simm.s32 $0x20;
	s21 =	simm.s32 $0x80;
	s24 =	sand.u32 $0x7, s22;
	v9 =	vadd.f32 v13, v29;
	v13 =	vimm.f32 $0.0e+00;
	v1 =	vadd.f32 v1, v29  }
.LBB2_9:
0x173: {  	p0 =	sne.s32 s23, $0x7F0;
	s24 =	sshll.u32 s24, $0x4;
	s26 =	sand.u32 $0x3C00, s21;
	v29 =	vadd.f32 v48, v29;
	v48 =	vmul.f32 v40, v26;
	v49 =	vmul.f32 v40, v27  }
0x174: {  	v39 =	vadd.f32 v47, v39;
	v47 =	vmul.f32 v40, v24;
	v50 =	vmul.f32 v40, v20;
	s24 =	sadd.s32 s24, s21;
	s25 =	sor.u32 s25, s26  }
0x175: {  	v38 =	vadd.f32 v46, v38;
	v40 =	vmul.f32 v40, v19;
	v46 =	vmul.f32 v32, v22;
	s24 =	sor.u32 $0x380, s24;
	v51 =	vld [tilespmem:s25+$0x8380]  }
0x176: {  	v37 =	vadd.f32 v45, v37;
	v45 =	vmul.f32 v32, v23;
	v53 =	vmul.f32 v32, v26;
	v52 =	vld [tilespmem:s24+$0x0]  }
0x177: {  	v36 =	vadd.f32 v44, v36;
	v44 =	vmul.f32 v32, v27;
	v54 =	vmul.f32 v32, v24;
	v22 =	vld [tilespmem:s25+$0x0]  }
0x178: {  	v34 =	vadd.f32 v41, v34;
	v41 =	vmul.f32 v32, v20;
	v55 =	vmul.f32 v32, v19;
	v23 =	vld [tilespmem:s25+$0x80]  }
0x179: {  	v35 =	vadd.f32 v43, v35;
	v33 =	vadd.f32 v42, v33;
	v26 =	vld [tilespmem:s25+$0x100]  }
0x17a: {  	v30 =	vadd.f32 v48, v30;
	v28 =	vadd.f32 v49, v28;
	v27 =	vld [tilespmem:s25+$0x180]  }
0x17b: {  	v25 =	vadd.f32 v47, v25;
	v21 =	vadd.f32 v50, v21;
	v24 =	vld [tilespmem:s25+$0x200];
	v32 =	vmul.f32 v51, v52  }
0x17c: {  	v18 =	vadd.f32 v40, v18;
	v17 =	vadd.f32 v46, v17;
	v20 =	vld [tilespmem:s25+$0x280];
	v42 =	vmul.f32 v51, v22  }
0x17d: {  	v16 =	vadd.f32 v45, v16;
	v19 =	vld [tilespmem:s25+$0x300];
	v43 =	vmul.f32 v51, v23;
	v0 =	vadd.f32 v32, v0  }
0x17e: {  	v15 =	vadd.f32 v53, v15;
	v14 =	vadd.f32 v44, v14;
	v49 =	vld [tilespmem:s25+$0x8200];
	v45 =	vmul.f32 v51, v26  }
0x17f: {  	v13 =	vadd.f32 v54, v13;
	v12 =	vadd.f32 v41, v12;
	v40 =	vld [tilespmem:s25+$0x8280];
	v44 =	vmul.f32 v51, v27  }
0x180: {  	v11 =	vadd.f32 v55, v11;
	v8 =	vadd.f32 v42, v8;
	v32 =	vld [tilespmem:s25+$0x8300];
	v41 =	vmul.f32 v51, v24  }
0x181: {  	v6 =	vadd.f32 v43, v6;
	v7 =	vadd.f32 v45, v7;
	v42 =	vmul.f32 v51, v20  }
0x182: {  	v5 =	vadd.f32 v44, v5;
	v3 =	vadd.f32 v41, v3;
	v41 =	vmul.f32 v51, v19  }
0x183: {  	v43 =	vmul.f32 v49, v22;
	v44 =	vmul.f32 v49, v52;
	v4 =	vadd.f32 v42, v4  }
.Ltmp3:
0x184: {  	v48 =	vmul.f32 v49, v23;
	v42 =	vmul.f32 v40, v52;
	v2 =	vadd.f32 v41, v2;
	(pc) =	sbr.rel @p0 .LBB2_9-.Ltmp3, $4  }
0x185: {  	v47 =	vmul.f32 v49, v26;
	v10 =	vadd.f32 v44, v10;
	v50 =	vmul.f32 v32, v52  }
0x186: {  	v46 =	vmul.f32 v49, v27;
	v45 =	vmul.f32 v49, v24;
	v9 =	vadd.f32 v42, v9  }
0x187: {  	s22 =	sadd.s32 $0x1, s22;
	s21 =	sadd.s32 $0x80, s21;
	v41 =	vmul.f32 v49, v19;
	v44 =	vmul.f32 v49, v20;
	v1 =	vadd.f32 v50, v1  }
0x188: {  	s24 =	sand.u32 $0x7, s22;
	s25 =	sand.u32 $0x70, s23;
	s23 =	sadd.s32 $0x10, s23;
	v31 =	vadd.f32 v43, v31;
	v43 =	vmul.f32 v40, v22;
	v42 =	vmul.f32 v40, v23  }
0x189: {  	s22 =	sand.u32 $0x3C00, s21  }
0x18a: {  	s22 =	sor.u32 s25, s22  }
0x18b: {  	v49 =	vld [tilespmem:s22+$0x0]  }
0x18c: {  	v51 =	vld [tilespmem:s22+$0x8200]  }
0x18d: {  	v50 =	vmul.f32 v40, v26;
	v53 =	vld [tilespmem:s22+$0x8280]  }
0x18e: {  	v29 =	vadd.f32 v48, v29;
	v57 =	vmul.f32 v40, v27;
	v52 =	vmul.f32 v40, v24;
	v54 =	vld [tilespmem:s22+$0x80]  }
0x18f: {  	v39 =	vadd.f32 v47, v39;
	v58 =	vmul.f32 v40, v20;
	v59 =	vmul.f32 v40, v19  }
0x190: {  	v22 =	vmul.f32 v32, v22;
	v23 =	vmul.f32 v32, v23;
	v37 =	vadd.f32 v45, v37;
	v45 =	vld [tilespmem:s22+$0x100]  }
0x191: {  	v38 =	vadd.f32 v46, v38;
	v26 =	vmul.f32 v32, v26;
	v60 =	vmul.f32 v51, v49  }
0x192: {  	v34 =	vadd.f32 v41, v34;
	v35 =	vadd.f32 v43, v35;
	v41 =	vld [tilespmem:s22+$0x180];
	v61 =	vmul.f32 v53, v49  }
0x193: {  	v36 =	vadd.f32 v44, v36;
	v62 =	vmul.f32 v51, v54;
	v31 =	vadd.f32 v60, v31  }
0x194: {  	v33 =	vadd.f32 v42, v33;
	v42 =	vld [tilespmem:s22+$0x200];
	v63 =	vmul.f32 v53, v54;
	v35 =	vadd.f32 v61, v35  }
0x195: {  	s23 =	sshll.u32 s24, $0x4;
	v30 =	vadd.f32 v50, v30;
	v29 =	vadd.f32 v62, v29;
	(xrf2) =	vadd.scan.msk.f32 $0xffff, v31;
	v31 =	vmul.f32 v51, v45  }
0x196: {  	s26 =	sadd.s32 s23, s21;
	v28 =	vadd.f32 v57, v28;
	v44 =	vmul.f32 v53, v45;
	v43 =	vadd.f32 v63, v33;
	v33 =	vld [tilespmem:s22+$0x280];
	(xrf2) =	vadd.scan.msk.f32 $0xffff, v35  }
0x197: {  	s21 =	sor.u32 $0x380, s26;
	v50 =	vld [tilespmem:s22+$0x300];
	v25 =	vadd.f32 v52, v25;
	v48 =	vmul.f32 v51, v41;
	v31 =	vadd.f32 v31, v39;
	(xrf2) =	vadd.scan.msk.f32 $0xffff, v29  }
0x198: {  	v21 =	vadd.f32 v58, v21;
	v55 =	vld [tilespmem:s21+$0x0];
	v56 =	vmul.f32 v53, v41;
	v30 =	vadd.f32 v44, v30;
	(xrf2) =	vadd.scan.msk.f32 $0xffff, v43  }
0x199: {  	v57 =	vmul.f32 v51, v42;
	v38 =	vadd.f32 v48, v38;
	(xrf2) =	vadd.scan.msk.f32 $0xffff, v31;
	v31 =	vmul.f32 v53, v42  }
0x19a: {  	v27 =	vmul.f32 v32, v27;
	v18 =	vadd.f32 v59, v18;
	v28 =	vadd.f32 v56, v28;
	(xrf2) =	vadd.scan.msk.f32 $0xffff, v30  }
0x19b: {  	v59 =	vld [tilespmem:s22+$0x8300];
	v37 =	vadd.f32 v57, v37;
	v58 =	vmul.f32 v51, v33;
	(xrf2) =	vadd.scan.msk.f32 $0xffff, v38;
	v25 =	vadd.f32 v31, v25  }
0x19c: {  	v46 =	vld [tilespmem:s22+$0x8380];
	v17 =	vadd.f32 v22, v17;
	v16 =	vadd.f32 v23, v16;
	v60 =	vmul.f32 v53, v33;
	(xrf2) =	vadd.scan.msk.f32 $0xffff, v28  }
0x19d: {  	v22 =	vmul.f32 v51, v50;
	v23 =	vmul.f32 v51, v55;
	v28 =	vadd.f32 v58, v36;
	(xrf2) =	vadd.scan.msk.f32 $0xffff, v37  }
0x19e: {  	v24 =	vmul.f32 v32, v24;
	v61 =	vmul.f32 v53, v50;
	v21 =	vadd.f32 v60, v21;
	(xrf2) =	vadd.scan.msk.f32 $0xffff, v25  }
0x19f: {  	v20 =	vmul.f32 v32, v20;
	v15 =	vadd.f32 v26, v15;
	v22 =	vadd.f32 v22, v34;
	v25, _, _ =	vpop (xrf2);
	(xrf2) =	vadd.scan.msk.f32 $0xffff, v28  }
0x1a0: {  	v14 =	vadd.f32 v27, v14;
	v18 =	vadd.f32 v61, v18;
	v63, _, _ =	vpop (xrf2);
	(xrf2) =	vadd.scan.msk.f32 $0xffff, v21;
	v21 =	vmul.f32 v59, v49  }
0x1a1: {  	v62 =	vmul.f32 v53, v55;
	v10 =	vadd.f32 v23, v10;
	v30 =	vmul.f32 v46, v49;
	v23, _, _ =	vpop (xrf2);
	(xrf2) =	vadd.scan.msk.f32 $0xffff, v22  }
0x1a2: {  	v13 =	vadd.f32 v24, v13;
	v31 =	vmul.f32 v46, v54;
	v26, _, _ =	vpop (xrf2);
	(xrf2) =	vadd.scan.msk.f32 $0xffff, v18;
	v18 =	vmul.f32 v59, v54  }
0x1a3: {  	v19 =	vmul.f32 v32, v19;
	v9 =	vadd.f32 v62, v9;
	v8 =	vadd.f32 v30, v8  }
0x1a4: {  	v6 =	vadd.f32 v31, v6;
	v28 =	vmul.f32 v46, v45;
	v17 =	vadd.f32 v21, v17;
	v21, _, _ =	vpop (xrf2);
	(xrf2) =	vadd.scan.msk.f32 $0xffff, v10  }
0x1a5: {  	v10 =	vadd.f32 v20, v12;
	v12 =	vmul.f32 v46, v42;
	v16 =	vadd.f32 v18, v16;
	v20, _, _ =	vpop (xrf2);
	(xrf2) =	vadd.scan.msk.f32 $0xffff, v9  }
0x1a6: {  	v22 =	vmul.f32 v46, v41;
	v9 =	vadd.f32 v19, v11;
	v11 =	vmul.f32 v59, v45;
	v18, _, _ =	vpop (xrf2);
	(xrf2) =	vadd.scan.msk.f32 $0xffff, v17  }
0x1a7: {  	v17 =	vmul.f32 v46, v33;
	v3 =	vadd.f32 v12, v3;
	v12 =	vmul.f32 v46, v50;
	v19, _, _ =	vpop (xrf2);
	(xrf2) =	vadd.scan.msk.f32 $0xffff, v8  }
0x1a8: {  	v7 =	vadd.f32 v28, v7;
	v8 =	vmul.f32 v59, v41;
	v11 =	vadd.f32 v11, v15;
	v15, _, _ =	vpop (xrf2);
	(xrf2) =	vadd.scan.msk.f32 $0xffff, v16  }
0x1a9: {  	v4 =	vadd.f32 v17, v4;
	v17 =	vmul.f32 v59, v42;
	v2 =	vadd.f32 v12, v2;
	v16, _, _ =	vpop (xrf2);
	(xrf2) =	vadd.scan.msk.f32 $0xffff, v6  }
0x1aa: {  	v12 =	vbroadcast v63, $0xF;
	v8 =	vadd.f32 v8, v14;
	v14, _, _ =	vpop (xrf2);
	(xrf2) =	vadd.scan.msk.f32 $0xffff, v11;
	v11 =	vbroadcast v25, $0xF  }
0x1ab: {  	v5 =	vadd.f32 v22, v5;
	v13 =	vadd.f32 v17, v13;
	v17 =	vbroadcast v23, $0xF  }
0x1ac: {  	v22, _, _ =	vpop (xrf2);
	(xrf2) =	vadd.scan.msk.f32 $0xffff, v7;
	v7 =	vmul.f32 v59, v33;
	v11 =	vsel vm0, v11, v12;
	v12 =	vbroadcast v26, $0xF  }
0x1ad: {  	v6 =	vmul.f32 v59, v55;
	v23, _, _ =	vpop (xrf2);
	(xrf2) =	vadd.scan.msk.f32 $0xffff, v8;
	v8 =	vmul.f32 v59, v50  }
0x1ae: {  	v24, _, _ =	vpop (xrf2);
	(xrf2) =	vadd.scan.msk.f32 $0xffff, v5;
	v5 =	vadd.f32 v7, v10;
	v7 =	vsel vm1, v11, v17;
	v10 =	vbroadcast v21, $0xF  }
0x1af: {  	v1 =	vadd.f32 v6, v1;
	v6 =	vsel vm2, v7, v12;
	v7 =	vbroadcast v20, $0xF;
	v11, _, _ =	vpop (xrf2);
	(xrf2) =	vadd.scan.msk.f32 $0xffff, v13  }
0x1b0: {  	v6 =	vsel vm3, v6, v10;
	v12, _, _ =	vpop (xrf2);
	(xrf2) =	vadd.scan.msk.f32 $0xffff, v3;
	v3 =	vadd.f32 v8, v9;
	v8 =	vbroadcast v18, $0xF  }
0x1b1: {  	v9, _, _ =	vpop (xrf2);
	(xrf2) =	vadd.scan.msk.f32 $0xffff, v5;
	v5 =	vsel vm4, v6, v7  }
0x1b2: {  	v6 =	vbroadcast v19, $0xF;
	v10, _, _ =	vpop (xrf2);
	(xrf2) =	vadd.scan.msk.f32 $0xffff, v4;
	v4 =	vsel vm5, v5, v8;
	v5 =	vbroadcast v9, $0xF  }
0x1b3: {  	v7 =	vbroadcast v15, $0xF;
	v9, _, _ =	vpop (xrf2)  }
0x1b4: {  	v8 =	vbroadcast v10, $0xF;
	(xrf2) =	vadd.scan.msk.f32 $0xffff, v3;
	v3 =	vsel vm6, v4, v6;
	v6 =	vbroadcast v9, $0xF  }
0x1b5: {  	v29 =	vmul.f32 v46, v55;
	v4, _, _ =	vpop (xrf2)  }
0x1b6: {  	(xrf2) =	vadd.scan.msk.f32 $0xffff, v2;
	v2 =	vsel vm7, v3, v7;
	v3 =	vsel vm0, v5, v8;
	v4 =	vbroadcast v4, $0xF;
	v5, _, _ =	vpop (xrf2)  }
0x1b7: {  	v0 =	vadd.f32 v29, v0;
	(xrf2) =	vadd.scan.msk.f32 $0xffff, v1;
	v3 =	vsel vm1, v3, v6;
	v1, _, _ =	vpop (xrf2);
	v5 =	vbroadcast v5, $0xF  }
0x1b8: {  	v6, _, _ =	vpop (xrf2);
	v3 =	vsel vm2, v3, v4  }
0x1b9: {  	v1 =	vbroadcast v1, $0xF;
	v3 =	vsel vm3, v3, v5;
	v5 =	vbroadcast v6, $0xF  }
0x1ba: {  	v7 =	vbroadcast v16, $0xF;
	v4, _, _ =	vpop (xrf2)  }
0x1bb: {  	v8 =	vbroadcast v14, $0xF;
	(xrf2) =	vadd.scan.msk.f32 $0xffff, v0;
	v1 =	vsel vm4, v3, v1;
	v0, _, _ =	vpop (xrf2);
	v3 =	vbroadcast v4, $0xF  }
0x1bc: {  	v2 =	vsel vm8, v2, v7;
	v1 =	vsel vm5, v1, v5;
	v4, _, _ =	vpop (xrf2);
	v0 =	vbroadcast v0, $0xF  }
0x1bd: {  	v7 =	vbroadcast v23, $0xF;
	v5, _, _ =	vpop (xrf2);
	v1 =	vsel vm6, v1, v3;
	v3 =	vbroadcast v4, $0xF  }
0x1be: {  	v6 =	vbroadcast v22, $0xF;
	v4, _, _ =	vpop (xrf2);
	v0 =	vsel vm7, v1, v0;
	v1 =	vbroadcast v5, $0xF  }
0x1bf: {  	v2 =	vsel vm9, v2, v8;
	v5, _, _ =	vpop (xrf2);
	v0 =	vsel vm8, v0, v3;
	v3 =	vbroadcast v4, $0xF  }
0x1c0: {  	v2 =	vsel vm10, v2, v6;
	v6 =	vbroadcast v24, $0xF;
	v4, _, _ =	vpop (xrf2);
	v0 =	vsel vm9, v0, v1  }
0x1c1: {  	v1 =	vbroadcast v5, $0xF;
	v0 =	vsel vm10, v0, v3;
	v3 =	vbroadcast v4, $0xF  }
0x1c2: {  	v2 =	vsel vm11, v2, v7;
	v7 =	vbroadcast v11, $0xF;
	v5, _, _ =	vpop (xrf2)  }
0x1c3: {  	v2 =	vsel vm12, v2, v6;
	v0 =	vsel vm11, v0, v1;
	v1 =	vbroadcast v5, $0xF  }
0x1c4: {  	v2 =	vsel vm13, v2, v7;
	v0 =	vsel vm12, v0, v3  }
0x1c5: {  	v2 =	vsel vm14, v2, v12;
	v0 =	vsel vm13, v0, v1;
	v3, _, _ =	vpop (xrf2)  }
0x1c6: {  	[tilespmem:s18+$0x14300] =	vst v2;
	v0 =	vsel vm14, v0, v3  }
0x1c7: {  	[tilespmem:s18+$0x14380] =	vst v0  }
0x1c8: {  	p0 =	seq.s32 s17, $0x4;
	_ =	swait.ge [sflag:s14], $0x8000  }
0x1c9: {  	s28 =	simm.s32 $0x0;
	s20 =	sadd.s32 @!p0 s20, s7;
	[sflag:s14] =	ssyncset.done $0x0  }
0x1ca: {  	s21 =	simm.s32 @!p0 $0x0;
	s22 =	simm.s32 @!p0 $0x4000;
	[sflag:s14] =	ssyncadd.s32 $0xFFFF8000  }
0x1cb: {  	[tilespmem:s22], [sflag:$0x2] =	stream.linear.gather @!p0 [hbm4b:s20+s21], $0x8000, $0x38;
	[tilespmem:$0x16800] =	vst v63  }
0x1cc: {  	s30 =	sand.u32 $0x70, s28;
	s20 =	sand.u32 $0x3C00, s28  }
0x1cd: {  	s20 =	sor.u32 s30, s20  }
0x1ce: {  	v1 =	vld [tilespmem:s20+$0xC180]  }
0x1cf: {  	v22 =	vld [tilespmem:s20+$0x0]  }
0x1d0: {  	v23 =	vld [tilespmem:s20+$0x80]  }
0x1d1: {  	v26 =	vld [tilespmem:s20+$0x100]  }
0x1d2: {  	v27 =	vld [tilespmem:s20+$0x180]  }
0x1d3: {  	v34 =	vimm.f32 $0.0e+00;
	v24 =	vld [tilespmem:s20+$0x200]  }
0x1d4: {  	s29 =	sand.u32 $0x7, s28;
	v35 =	vimm.f32 $0.0e+00;
	v39 =	vimm.f32 $0.0e+00;
	v29 =	vimm.f32 $0.0e+00;
	v11 =	vld [tilespmem:s20+$0xC000]  }
0x1d5: {  	v38 =	vimm.f32 $0.0e+00;
	v36 =	vimm.f32 $0.0e+00;
	v30 =	vimm.f32 $0.0e+00;
	s21 =	sshll.u32 s29, $0x4;
	v20 =	vld [tilespmem:s20+$0x280]  }
0x1d6: {  	v37 =	vimm.f32 $0.0e+00;
	v28 =	vimm.f32 $0.0e+00;
	v25 =	vimm.f32 $0.0e+00;
	s21 =	sadd.s32 $0x0, s21;
	v19 =	vld [tilespmem:s20+$0x300]  }
0x1d7: {  	v33 =	vimm.f32 $0.0e+00;
	s21 =	sor.u32 $0x380, s21;
	v40 =	vld [tilespmem:s20+$0xC080];
	v2 =	vmul.f32 v1, v22;
	v3 =	vmul.f32 v1, v23  }
0x1d8: {  	v21 =	vimm.f32 $0.0e+00;
	v9 =	vld [tilespmem:s21+$0x0];
	v4 =	vmul.f32 v1, v26;
	v5 =	vmul.f32 v1, v27  }
0x1d9: {  	v17 =	vimm.f32 $0.0e+00;
	v12 =	vmul.f32 v11, v22;
	v48 =	vmul.f32 v11, v23  }
0x1da: {  	v18 =	vimm.f32 $0.0e+00;
	v47 =	vmul.f32 v11, v26;
	v46 =	vmul.f32 v11, v27  }
0x1db: {  	v15 =	vimm.f32 $0.0e+00;
	v45 =	vmul.f32 v11, v24;
	v44 =	vmul.f32 v11, v20  }
0x1dc: {  	v16 =	vimm.f32 $0.0e+00;
	v41 =	vmul.f32 v11, v19;
	v43 =	vmul.f32 v40, v22  }
0x1dd: {  	v14 =	vimm.f32 $0.0e+00;
	v32 =	vld [tilespmem:s20+$0xC100];
	v42 =	vmul.f32 v40, v23;
	v0 =	vmul.f32 v1, v9  }
0x1de: {  	v10 =	vmul.f32 v11, v9;
	v13 =	vmul.f32 v40, v9;
	v8 =	vadd.f32 v2, v29  }
0x1df: {  	v2 =	vmul.f32 v1, v24;
	v6 =	vadd.f32 v3, v29;
	v7 =	vadd.f32 v4, v29  }
0x1e0: {  	v4 =	vmul.f32 v1, v20;
	v5 =	vadd.f32 v5, v29;
	v1 =	vmul.f32 v1, v19  }
0x1e1: {  	v11 =	vimm.f32 $0.0e+00;
	v31 =	vadd.f32 v12, v29;
	v0 =	vadd.f32 v0, v29  }
0x1e2: {  	s31 =	simm.s32 $0x10;
	v3 =	vadd.f32 v2, v29;
	v2 =	vadd.f32 v1, v29;
	v1 =	vmul.f32 v32, v9  }
0x1e3: {  	s24 =	sand.u32 $0x70, s31;
	s21 =	simm.s32 $0x1;
	v12 =	vimm.f32 $0.0e+00;
	v10 =	vadd.f32 v10, v29;
	v4 =	vadd.f32 v4, v29  }
0x1e4: {  	s22 =	simm.s32 $0x20;
	s20 =	simm.s32 $0x80;
	s23 =	sand.u32 $0x7, s21;
	v9 =	vadd.f32 v13, v29;
	v13 =	vimm.f32 $0.0e+00;
	v1 =	vadd.f32 v1, v29  }
.LBB2_11:
0x1e5: {  	p0 =	sne.s32 s22, $0x7F0;
	s23 =	sshll.u32 s23, $0x4;
	s25 =	sand.u32 $0x3C00, s20;
	v29 =	vadd.f32 v48, v29;
	v48 =	vmul.f32 v40, v26;
	v49 =	vmul.f32 v40, v27  }
0x1e6: {  	v39 =	vadd.f32 v47, v39;
	v47 =	vmul.f32 v40, v24;
	v50 =	vmul.f32 v40, v20;
	s23 =	sadd.s32 s23, s20;
	s24 =	sor.u32 s24, s25  }
0x1e7: {  	v38 =	vadd.f32 v46, v38;
	v40 =	vmul.f32 v40, v19;
	v46 =	vmul.f32 v32, v22;
	s23 =	sor.u32 $0x380, s23;
	v51 =	vld [tilespmem:s24+$0xC180]  }
0x1e8: {  	v37 =	vadd.f32 v45, v37;
	v45 =	vmul.f32 v32, v23;
	v53 =	vmul.f32 v32, v26;
	v52 =	vld [tilespmem:s23+$0x0]  }
0x1e9: {  	v36 =	vadd.f32 v44, v36;
	v44 =	vmul.f32 v32, v27;
	v54 =	vmul.f32 v32, v24;
	v22 =	vld [tilespmem:s24+$0x0]  }
0x1ea: {  	v34 =	vadd.f32 v41, v34;
	v41 =	vmul.f32 v32, v20;
	v55 =	vmul.f32 v32, v19;
	v23 =	vld [tilespmem:s24+$0x80]  }
0x1eb: {  	v35 =	vadd.f32 v43, v35;
	v33 =	vadd.f32 v42, v33;
	v26 =	vld [tilespmem:s24+$0x100]  }
0x1ec: {  	v30 =	vadd.f32 v48, v30;
	v28 =	vadd.f32 v49, v28;
	v27 =	vld [tilespmem:s24+$0x180]  }
0x1ed: {  	v25 =	vadd.f32 v47, v25;
	v21 =	vadd.f32 v50, v21;
	v24 =	vld [tilespmem:s24+$0x200];
	v32 =	vmul.f32 v51, v52  }
0x1ee: {  	v18 =	vadd.f32 v40, v18;
	v17 =	vadd.f32 v46, v17;
	v20 =	vld [tilespmem:s24+$0x280];
	v42 =	vmul.f32 v51, v22  }
0x1ef: {  	v16 =	vadd.f32 v45, v16;
	v19 =	vld [tilespmem:s24+$0x300];
	v43 =	vmul.f32 v51, v23;
	v0 =	vadd.f32 v32, v0  }
0x1f0: {  	v15 =	vadd.f32 v53, v15;
	v14 =	vadd.f32 v44, v14;
	v49 =	vld [tilespmem:s24+$0xC000];
	v45 =	vmul.f32 v51, v26  }
0x1f1: {  	v13 =	vadd.f32 v54, v13;
	v12 =	vadd.f32 v41, v12;
	v40 =	vld [tilespmem:s24+$0xC080];
	v44 =	vmul.f32 v51, v27  }
0x1f2: {  	v11 =	vadd.f32 v55, v11;
	v8 =	vadd.f32 v42, v8;
	v32 =	vld [tilespmem:s24+$0xC100];
	v41 =	vmul.f32 v51, v24  }
0x1f3: {  	v6 =	vadd.f32 v43, v6;
	v7 =	vadd.f32 v45, v7;
	v42 =	vmul.f32 v51, v20  }
0x1f4: {  	v5 =	vadd.f32 v44, v5;
	v3 =	vadd.f32 v41, v3;
	v41 =	vmul.f32 v51, v19  }
0x1f5: {  	v43 =	vmul.f32 v49, v22;
	v44 =	vmul.f32 v49, v52;
	v4 =	vadd.f32 v42, v4  }
.Ltmp4:
0x1f6: {  	v48 =	vmul.f32 v49, v23;
	v42 =	vmul.f32 v40, v52;
	v2 =	vadd.f32 v41, v2;
	(pc) =	sbr.rel @p0 .LBB2_11-.Ltmp4, $4  }
0x1f7: {  	v47 =	vmul.f32 v49, v26;
	v10 =	vadd.f32 v44, v10;
	v50 =	vmul.f32 v32, v52  }
0x1f8: {  	v46 =	vmul.f32 v49, v27;
	v45 =	vmul.f32 v49, v24;
	v9 =	vadd.f32 v42, v9  }
0x1f9: {  	s21 =	sadd.s32 $0x1, s21;
	s20 =	sadd.s32 $0x80, s20;
	v41 =	vmul.f32 v49, v19;
	v44 =	vmul.f32 v49, v20;
	v1 =	vadd.f32 v50, v1  }
0x1fa: {  	s23 =	sand.u32 $0x7, s21;
	s24 =	sand.u32 $0x70, s22;
	s22 =	sadd.s32 $0x10, s22;
	v31 =	vadd.f32 v43, v31;
	v43 =	vmul.f32 v40, v22;
	v42 =	vmul.f32 v40, v23  }
0x1fb: {  	s21 =	sand.u32 $0x3C00, s20  }
0x1fc: {  	s21 =	sor.u32 s24, s21  }
0x1fd: {  	v49 =	vld [tilespmem:s21+$0x0]  }
0x1fe: {  	v51 =	vld [tilespmem:s21+$0xC000]  }
0x1ff: {  	v50 =	vmul.f32 v40, v26;
	v53 =	vld [tilespmem:s21+$0xC080]  }
0x200: {  	v29 =	vadd.f32 v48, v29;
	v57 =	vmul.f32 v40, v27;
	v52 =	vmul.f32 v40, v24;
	v54 =	vld [tilespmem:s21+$0x80]  }
0x201: {  	v39 =	vadd.f32 v47, v39;
	v58 =	vmul.f32 v40, v20;
	v59 =	vmul.f32 v40, v19  }
0x202: {  	v22 =	vmul.f32 v32, v22;
	v23 =	vmul.f32 v32, v23;
	v37 =	vadd.f32 v45, v37;
	v45 =	vld [tilespmem:s21+$0x100]  }
0x203: {  	v38 =	vadd.f32 v46, v38;
	v26 =	vmul.f32 v32, v26;
	v60 =	vmul.f32 v51, v49  }
0x204: {  	v34 =	vadd.f32 v41, v34;
	v35 =	vadd.f32 v43, v35;
	v41 =	vld [tilespmem:s21+$0x180];
	v61 =	vmul.f32 v53, v49  }
0x205: {  	v36 =	vadd.f32 v44, v36;
	v62 =	vmul.f32 v51, v54;
	v31 =	vadd.f32 v60, v31  }
0x206: {  	v33 =	vadd.f32 v42, v33;
	v42 =	vld [tilespmem:s21+$0x200];
	v63 =	vmul.f32 v53, v54;
	v35 =	vadd.f32 v61, v35  }
0x207: {  	s22 =	sshll.u32 s23, $0x4;
	v30 =	vadd.f32 v50, v30;
	v29 =	vadd.f32 v62, v29;
	(xrf2) =	vadd.scan.msk.f32 $0xffff, v31;
	v31 =	vmul.f32 v51, v45  }
0x208: {  	s25 =	sadd.s32 s22, s20;
	v28 =	vadd.f32 v57, v28;
	v44 =	vmul.f32 v53, v45;
	v43 =	vadd.f32 v63, v33;
	v33 =	vld [tilespmem:s21+$0x280];
	(xrf2) =	vadd.scan.msk.f32 $0xffff, v35  }
0x209: {  	s20 =	sor.u32 $0x380, s25;
	v50 =	vld [tilespmem:s21+$0x300];
	v25 =	vadd.f32 v52, v25;
	v48 =	vmul.f32 v51, v41;
	v31 =	vadd.f32 v31, v39;
	(xrf2) =	vadd.scan.msk.f32 $0xffff, v29  }
0x20a: {  	v21 =	vadd.f32 v58, v21;
	v55 =	vld [tilespmem:s20+$0x0];
	v56 =	vmul.f32 v53, v41;
	v30 =	vadd.f32 v44, v30;
	(xrf2) =	vadd.scan.msk.f32 $0xffff, v43  }
0x20b: {  	v57 =	vmul.f32 v51, v42;
	v38 =	vadd.f32 v48, v38;
	(xrf2) =	vadd.scan.msk.f32 $0xffff, v31;
	v31 =	vmul.f32 v53, v42  }
0x20c: {  	v27 =	vmul.f32 v32, v27;
	v18 =	vadd.f32 v59, v18;
	v28 =	vadd.f32 v56, v28;
	(xrf2) =	vadd.scan.msk.f32 $0xffff, v30  }
0x20d: {  	v59 =	vld [tilespmem:s21+$0xC100];
	v37 =	vadd.f32 v57, v37;
	v58 =	vmul.f32 v51, v33;
	(xrf2) =	vadd.scan.msk.f32 $0xffff, v38;
	v25 =	vadd.f32 v31, v25  }
0x20e: {  	v46 =	vld [tilespmem:s21+$0xC180];
	v17 =	vadd.f32 v22, v17;
	v16 =	vadd.f32 v23, v16;
	v60 =	vmul.f32 v53, v33;
	(xrf2) =	vadd.scan.msk.f32 $0xffff, v28  }
0x20f: {  	v22 =	vmul.f32 v51, v50;
	v23 =	vmul.f32 v51, v55;
	v28 =	vadd.f32 v58, v36;
	(xrf2) =	vadd.scan.msk.f32 $0xffff, v37  }
0x210: {  	v24 =	vmul.f32 v32, v24;
	v61 =	vmul.f32 v53, v50;
	v21 =	vadd.f32 v60, v21;
	(xrf2) =	vadd.scan.msk.f32 $0xffff, v25  }
0x211: {  	v20 =	vmul.f32 v32, v20;
	v15 =	vadd.f32 v26, v15;
	v22 =	vadd.f32 v22, v34;
	v25, _, _ =	vpop (xrf2);
	(xrf2) =	vadd.scan.msk.f32 $0xffff, v28  }
0x212: {  	v14 =	vadd.f32 v27, v14;
	v18 =	vadd.f32 v61, v18;
	v63, _, _ =	vpop (xrf2);
	(xrf2) =	vadd.scan.msk.f32 $0xffff, v21;
	v21 =	vmul.f32 v59, v49  }
0x213: {  	v62 =	vmul.f32 v53, v55;
	v10 =	vadd.f32 v23, v10;
	v30 =	vmul.f32 v46, v49;
	v23, _, _ =	vpop (xrf2);
	(xrf2) =	vadd.scan.msk.f32 $0xffff, v22  }
0x214: {  	v13 =	vadd.f32 v24, v13;
	v31 =	vmul.f32 v46, v54;
	v26, _, _ =	vpop (xrf2);
	(xrf2) =	vadd.scan.msk.f32 $0xffff, v18;
	v18 =	vmul.f32 v59, v54  }
0x215: {  	v19 =	vmul.f32 v32, v19;
	v9 =	vadd.f32 v62, v9;
	v8 =	vadd.f32 v30, v8  }
0x216: {  	v6 =	vadd.f32 v31, v6;
	v28 =	vmul.f32 v46, v45;
	v17 =	vadd.f32 v21, v17;
	v21, _, _ =	vpop (xrf2);
	(xrf2) =	vadd.scan.msk.f32 $0xffff, v10  }
0x217: {  	v10 =	vadd.f32 v20, v12;
	v12 =	vmul.f32 v46, v42;
	v16 =	vadd.f32 v18, v16;
	v20, _, _ =	vpop (xrf2);
	(xrf2) =	vadd.scan.msk.f32 $0xffff, v9  }
0x218: {  	v22 =	vmul.f32 v46, v41;
	v9 =	vadd.f32 v19, v11;
	v11 =	vmul.f32 v59, v45;
	v18, _, _ =	vpop (xrf2);
	(xrf2) =	vadd.scan.msk.f32 $0xffff, v17  }
0x219: {  	v17 =	vmul.f32 v46, v33;
	v3 =	vadd.f32 v12, v3;
	v12 =	vmul.f32 v46, v50;
	v19, _, _ =	vpop (xrf2);
	(xrf2) =	vadd.scan.msk.f32 $0xffff, v8  }
0x21a: {  	v7 =	vadd.f32 v28, v7;
	v8 =	vmul.f32 v59, v41;
	v11 =	vadd.f32 v11, v15;
	v15, _, _ =	vpop (xrf2);
	(xrf2) =	vadd.scan.msk.f32 $0xffff, v16  }
0x21b: {  	v4 =	vadd.f32 v17, v4;
	v17 =	vmul.f32 v59, v42;
	v2 =	vadd.f32 v12, v2;
	v16, _, _ =	vpop (xrf2);
	(xrf2) =	vadd.scan.msk.f32 $0xffff, v6  }
0x21c: {  	v12 =	vbroadcast v63, $0xF;
	v8 =	vadd.f32 v8, v14;
	v14, _, _ =	vpop (xrf2);
	(xrf2) =	vadd.scan.msk.f32 $0xffff, v11;
	v11 =	vbroadcast v25, $0xF  }
0x21d: {  	v5 =	vadd.f32 v22, v5;
	v13 =	vadd.f32 v17, v13;
	v17 =	vbroadcast v23, $0xF  }
0x21e: {  	v22, _, _ =	vpop (xrf2);
	(xrf2) =	vadd.scan.msk.f32 $0xffff, v7;
	v7 =	vmul.f32 v59, v33;
	v11 =	vsel vm0, v11, v12;
	v12 =	vbroadcast v26, $0xF  }
0x21f: {  	v6 =	vmul.f32 v59, v55;
	v23, _, _ =	vpop (xrf2);
	(xrf2) =	vadd.scan.msk.f32 $0xffff, v8;
	v8 =	vmul.f32 v59, v50  }
0x220: {  	v24, _, _ =	vpop (xrf2);
	(xrf2) =	vadd.scan.msk.f32 $0xffff, v5;
	v5 =	vadd.f32 v7, v10;
	v7 =	vsel vm1, v11, v17;
	v10 =	vbroadcast v21, $0xF  }
0x221: {  	v1 =	vadd.f32 v6, v1;
	v6 =	vsel vm2, v7, v12;
	v7 =	vbroadcast v20, $0xF;
	v11, _, _ =	vpop (xrf2);
	(xrf2) =	vadd.scan.msk.f32 $0xffff, v13  }
0x222: {  	v6 =	vsel vm3, v6, v10;
	v12, _, _ =	vpop (xrf2);
	(xrf2) =	vadd.scan.msk.f32 $0xffff, v3;
	v3 =	vadd.f32 v8, v9;
	v8 =	vbroadcast v18, $0xF  }
0x223: {  	v9, _, _ =	vpop (xrf2);
	(xrf2) =	vadd.scan.msk.f32 $0xffff, v5;
	v5 =	vsel vm4, v6, v7  }
0x224: {  	v6 =	vbroadcast v19, $0xF;
	v10, _, _ =	vpop (xrf2);
	(xrf2) =	vadd.scan.msk.f32 $0xffff, v4;
	v4 =	vsel vm5, v5, v8;
	v5 =	vbroadcast v9, $0xF  }
0x225: {  	v7 =	vbroadcast v15, $0xF;
	v9, _, _ =	vpop (xrf2)  }
0x226: {  	v8 =	vbroadcast v10, $0xF;
	(xrf2) =	vadd.scan.msk.f32 $0xffff, v3;
	v3 =	vsel vm6, v4, v6;
	v6 =	vbroadcast v9, $0xF  }
0x227: {  	v29 =	vmul.f32 v46, v55;
	v4, _, _ =	vpop (xrf2)  }
0x228: {  	(xrf2) =	vadd.scan.msk.f32 $0xffff, v2;
	v2 =	vsel vm7, v3, v7;
	v3 =	vsel vm0, v5, v8;
	v4 =	vbroadcast v4, $0xF;
	v5, _, _ =	vpop (xrf2)  }
0x229: {  	v0 =	vadd.f32 v29, v0;
	(xrf2) =	vadd.scan.msk.f32 $0xffff, v1;
	v3 =	vsel vm1, v3, v6;
	v1, _, _ =	vpop (xrf2);
	v5 =	vbroadcast v5, $0xF  }
0x22a: {  	v6, _, _ =	vpop (xrf2);
	v3 =	vsel vm2, v3, v4  }
0x22b: {  	v1 =	vbroadcast v1, $0xF;
	v3 =	vsel vm3, v3, v5;
	v5 =	vbroadcast v6, $0xF  }
0x22c: {  	v7 =	vbroadcast v16, $0xF;
	v4, _, _ =	vpop (xrf2)  }
0x22d: {  	v8 =	vbroadcast v14, $0xF;
	(xrf2) =	vadd.scan.msk.f32 $0xffff, v0;
	v1 =	vsel vm4, v3, v1;
	v0, _, _ =	vpop (xrf2);
	v3 =	vbroadcast v4, $0xF  }
0x22e: {  	v2 =	vsel vm8, v2, v7;
	v1 =	vsel vm5, v1, v5;
	v4, _, _ =	vpop (xrf2);
	v0 =	vbroadcast v0, $0xF  }
0x22f: {  	v7 =	vbroadcast v23, $0xF;
	v5, _, _ =	vpop (xrf2);
	v1 =	vsel vm6, v1, v3;
	v3 =	vbroadcast v4, $0xF  }
0x230: {  	v6 =	vbroadcast v22, $0xF;
	v4, _, _ =	vpop (xrf2);
	v0 =	vsel vm7, v1, v0;
	v1 =	vbroadcast v5, $0xF  }
0x231: {  	v2 =	vsel vm9, v2, v8;
	v5, _, _ =	vpop (xrf2);
	v0 =	vsel vm8, v0, v3;
	v3 =	vbroadcast v4, $0xF  }
0x232: {  	v2 =	vsel vm10, v2, v6;
	v6 =	vbroadcast v24, $0xF;
	v4, _, _ =	vpop (xrf2);
	v0 =	vsel vm9, v0, v1  }
0x233: {  	v1 =	vbroadcast v5, $0xF;
	v0 =	vsel vm10, v0, v3;
	v3 =	vbroadcast v4, $0xF  }
0x234: {  	v2 =	vsel vm11, v2, v7;
	v7 =	vbroadcast v11, $0xF;
	v5, _, _ =	vpop (xrf2)  }
0x235: {  	v2 =	vsel vm12, v2, v6;
	v0 =	vsel vm11, v0, v1;
	v1 =	vbroadcast v5, $0xF  }
0x236: {  	s19 =	sshll.u32 s19, $0x6;
	s26 =	simm.s32 $0x0;
	v2 =	vsel vm13, v2, v7;
	v0 =	vsel vm12, v0, v3  }
0x237: {  	s19 =	sand.u32 $0x3FFFFFC0, s19;
	s28 =	sand.u32 $0x7, s26;
	v2 =	vsel vm14, v2, v12;
	v0 =	vsel vm13, v0, v1;
	v3, _, _ =	vpop (xrf2)  }
0x238: {  	s29 =	sand.u32 $0x70, s26;
	s20 =	sand.u32 $0x3C00, s26;
	s21 =	sshll.u32 s28, $0x4;
	[tilespmem:s19+$0x14000] =	vst v2;
	v0 =	vsel vm14, v0, v3  }
0x239: {  	s21 =	sadd.s32 $0x0, s21;
	s19 =	sor.u32 s29, s20;
	[tilespmem:s18+$0x14480] =	vst v0  }
0x23a: {  	s30 =	sor.u32 $0x380, s21;
	v1 =	vld [tilespmem:s19+$0xC380]  }
0x23b: {  	v9 =	vld [tilespmem:s30+$0x0]  }
0x23c: {  	v22 =	vld [tilespmem:s19+$0x0]  }
0x23d: {  	v23 =	vld [tilespmem:s19+$0x80]  }
0x23e: {  	v26 =	vld [tilespmem:s19+$0x100]  }
0x23f: {  	v34 =	vimm.f32 $0.0e+00;
	v27 =	vld [tilespmem:s19+$0x180]  }
0x240: {  	v35 =	vimm.f32 $0.0e+00;
	v39 =	vimm.f32 $0.0e+00;
	v29 =	vimm.f32 $0.0e+00;
	v11 =	vld [tilespmem:s19+$0xC200]  }
0x241: {  	v38 =	vimm.f32 $0.0e+00;
	v36 =	vimm.f32 $0.0e+00;
	v30 =	vimm.f32 $0.0e+00;
	v24 =	vld [tilespmem:s19+$0x200]  }
0x242: {  	v37 =	vimm.f32 $0.0e+00;
	v28 =	vimm.f32 $0.0e+00;
	v25 =	vimm.f32 $0.0e+00;
	v40 =	vld [tilespmem:s19+$0xC280]  }
0x243: {  	v33 =	vimm.f32 $0.0e+00;
	v20 =	vld [tilespmem:s19+$0x280];
	v0 =	vmul.f32 v1, v9;
	v2 =	vmul.f32 v1, v22  }
0x244: {  	v21 =	vimm.f32 $0.0e+00;
	v19 =	vld [tilespmem:s19+$0x300];
	v3 =	vmul.f32 v1, v23;
	v4 =	vmul.f32 v1, v26  }
0x245: {  	v17 =	vimm.f32 $0.0e+00;
	v5 =	vmul.f32 v1, v27;
	v12 =	vmul.f32 v11, v22  }
0x246: {  	v18 =	vimm.f32 $0.0e+00;
	v10 =	vmul.f32 v11, v9;
	v48 =	vmul.f32 v11, v23  }
0x247: {  	v15 =	vimm.f32 $0.0e+00;
	v13 =	vmul.f32 v40, v9;
	v47 =	vmul.f32 v11, v26  }
0x248: {  	v16 =	vimm.f32 $0.0e+00;
	v46 =	vmul.f32 v11, v27;
	v45 =	vmul.f32 v11, v24  }
0x249: {  	v14 =	vimm.f32 $0.0e+00;
	v32 =	vld [tilespmem:s19+$0xC300];
	v44 =	vmul.f32 v11, v20;
	v41 =	vmul.f32 v11, v19  }
0x24a: {  	v43 =	vmul.f32 v40, v22;
	v42 =	vmul.f32 v40, v23;
	v0 =	vadd.f32 v0, v29  }
0x24b: {  	v8 =	vadd.f32 v2, v29;
	v2 =	vmul.f32 v1, v24;
	v6 =	vadd.f32 v3, v29  }
0x24c: {  	v7 =	vadd.f32 v4, v29;
	v4 =	vmul.f32 v1, v20;
	v1 =	vmul.f32 v1, v19  }
0x24d: {  	v11 =	vimm.f32 $0.0e+00;
	v5 =	vadd.f32 v5, v29;
	v10 =	vadd.f32 v10, v29  }
0x24e: {  	s31 =	simm.s32 $0x10;
	v3 =	vadd.f32 v2, v29;
	v2 =	vadd.f32 v1, v29;
	v1 =	vmul.f32 v32, v9  }
0x24f: {  	s23 =	sand.u32 $0x70, s31;
	s20 =	simm.s32 $0x1;
	v31 =	vadd.f32 v12, v29;
	v12 =	vimm.f32 $0.0e+00;
	v4 =	vadd.f32 v4, v29  }
0x250: {  	s21 =	simm.s32 $0x20;
	s22 =	sand.u32 $0x7, s20;
	s19 =	simm.s32 $0x80;
	v9 =	vadd.f32 v13, v29;
	v13 =	vimm.f32 $0.0e+00;
	v1 =	vadd.f32 v1, v29  }
.LBB2_13:
0x251: {  	p0 =	sne.s32 s21, $0x7F0;
	s22 =	sshll.u32 s22, $0x4;
	s24 =	sand.u32 $0x3C00, s19;
	v29 =	vadd.f32 v48, v29;
	v48 =	vmul.f32 v40, v26;
	v49 =	vmul.f32 v40, v27  }
0x252: {  	v39 =	vadd.f32 v47, v39;
	v47 =	vmul.f32 v40, v24;
	v50 =	vmul.f32 v40, v20;
	s22 =	sadd.s32 s22, s19;
	s23 =	sor.u32 s23, s24  }
0x253: {  	v38 =	vadd.f32 v46, v38;
	v40 =	vmul.f32 v40, v19;
	v46 =	vmul.f32 v32, v22;
	s22 =	sor.u32 $0x380, s22;
	v51 =	vld [tilespmem:s23+$0xC380]  }
0x254: {  	v37 =	vadd.f32 v45, v37;
	v45 =	vmul.f32 v32, v23;
	v53 =	vmul.f32 v32, v26;
	v52 =	vld [tilespmem:s22+$0x0]  }
0x255: {  	v36 =	vadd.f32 v44, v36;
	v44 =	vmul.f32 v32, v27;
	v54 =	vmul.f32 v32, v24;
	v22 =	vld [tilespmem:s23+$0x0]  }
0x256: {  	v34 =	vadd.f32 v41, v34;
	v41 =	vmul.f32 v32, v20;
	v55 =	vmul.f32 v32, v19;
	v23 =	vld [tilespmem:s23+$0x80]  }
0x257: {  	v35 =	vadd.f32 v43, v35;
	v33 =	vadd.f32 v42, v33;
	v26 =	vld [tilespmem:s23+$0x100]  }
0x258: {  	v30 =	vadd.f32 v48, v30;
	v28 =	vadd.f32 v49, v28;
	v27 =	vld [tilespmem:s23+$0x180]  }
0x259: {  	v25 =	vadd.f32 v47, v25;
	v21 =	vadd.f32 v50, v21;
	v24 =	vld [tilespmem:s23+$0x200];
	v32 =	vmul.f32 v51, v52  }
0x25a: {  	v18 =	vadd.f32 v40, v18;
	v17 =	vadd.f32 v46, v17;
	v20 =	vld [tilespmem:s23+$0x280];
	v42 =	vmul.f32 v51, v22  }
0x25b: {  	v16 =	vadd.f32 v45, v16;
	v19 =	vld [tilespmem:s23+$0x300];
	v43 =	vmul.f32 v51, v23;
	v0 =	vadd.f32 v32, v0  }
0x25c: {  	v15 =	vadd.f32 v53, v15;
	v14 =	vadd.f32 v44, v14;
	v49 =	vld [tilespmem:s23+$0xC200];
	v45 =	vmul.f32 v51, v26  }
0x25d: {  	v13 =	vadd.f32 v54, v13;
	v12 =	vadd.f32 v41, v12;
	v40 =	vld [tilespmem:s23+$0xC280];
	v44 =	vmul.f32 v51, v27  }
0x25e: {  	v11 =	vadd.f32 v55, v11;
	v8 =	vadd.f32 v42, v8;
	v32 =	vld [tilespmem:s23+$0xC300];
	v41 =	vmul.f32 v51, v24  }
0x25f: {  	v6 =	vadd.f32 v43, v6;
	v7 =	vadd.f32 v45, v7;
	v42 =	vmul.f32 v51, v20  }
0x260: {  	v5 =	vadd.f32 v44, v5;
	v3 =	vadd.f32 v41, v3;
	v41 =	vmul.f32 v51, v19  }
0x261: {  	v43 =	vmul.f32 v49, v22;
	v44 =	vmul.f32 v49, v52;
	v4 =	vadd.f32 v42, v4  }
.Ltmp5:
0x262: {  	v48 =	vmul.f32 v49, v23;
	v42 =	vmul.f32 v40, v52;
	v2 =	vadd.f32 v41, v2;
	(pc) =	sbr.rel @p0 .LBB2_13-.Ltmp5, $4  }
0x263: {  	v47 =	vmul.f32 v49, v26;
	v10 =	vadd.f32 v44, v10;
	v50 =	vmul.f32 v32, v52  }
0x264: {  	v46 =	vmul.f32 v49, v27;
	v45 =	vmul.f32 v49, v24;
	v9 =	vadd.f32 v42, v9  }
0x265: {  	s20 =	sadd.s32 $0x1, s20;
	s19 =	sadd.s32 $0x80, s19;
	v41 =	vmul.f32 v49, v19;
	v44 =	vmul.f32 v49, v20;
	v1 =	vadd.f32 v50, v1  }
0x266: {  	s22 =	sand.u32 $0x7, s20;
	s23 =	sand.u32 $0x70, s21;
	s21 =	sadd.s32 $0x10, s21;
	v31 =	vadd.f32 v43, v31;
	v43 =	vmul.f32 v40, v22;
	v42 =	vmul.f32 v40, v23  }
0x267: {  	s20 =	sand.u32 $0x3C00, s19  }
0x268: {  	s20 =	sor.u32 s23, s20  }
0x269: {  	v49 =	vld [tilespmem:s20+$0x0]  }
0x26a: {  	v51 =	vld [tilespmem:s20+$0xC200]  }
0x26b: {  	v50 =	vmul.f32 v40, v26;
	v53 =	vld [tilespmem:s20+$0xC280]  }
0x26c: {  	v29 =	vadd.f32 v48, v29;
	v57 =	vmul.f32 v40, v27;
	v52 =	vmul.f32 v40, v24;
	v54 =	vld [tilespmem:s20+$0x80]  }
0x26d: {  	v39 =	vadd.f32 v47, v39;
	v58 =	vmul.f32 v40, v20;
	v59 =	vmul.f32 v40, v19  }
0x26e: {  	v22 =	vmul.f32 v32, v22;
	v23 =	vmul.f32 v32, v23;
	v37 =	vadd.f32 v45, v37;
	v45 =	vld [tilespmem:s20+$0x100]  }
0x26f: {  	v38 =	vadd.f32 v46, v38;
	v26 =	vmul.f32 v32, v26;
	v60 =	vmul.f32 v51, v49  }
0x270: {  	v34 =	vadd.f32 v41, v34;
	v35 =	vadd.f32 v43, v35;
	v41 =	vld [tilespmem:s20+$0x180];
	v61 =	vmul.f32 v53, v49  }
0x271: {  	v36 =	vadd.f32 v44, v36;
	v62 =	vmul.f32 v51, v54;
	v31 =	vadd.f32 v60, v31  }
0x272: {  	v33 =	vadd.f32 v42, v33;
	v42 =	vld [tilespmem:s20+$0x200];
	v63 =	vmul.f32 v53, v54;
	v35 =	vadd.f32 v61, v35  }
0x273: {  	s21 =	sshll.u32 s22, $0x4;
	v30 =	vadd.f32 v50, v30;
	v29 =	vadd.f32 v62, v29;
	(xrf2) =	vadd.scan.msk.f32 $0xffff, v31;
	v31 =	vmul.f32 v51, v45  }
0x274: {  	s26 =	sadd.s32 s21, s19;
	v28 =	vadd.f32 v57, v28;
	v44 =	vmul.f32 v53, v45;
	v43 =	vadd.f32 v63, v33;
	v33 =	vld [tilespmem:s20+$0x280];
	(xrf2) =	vadd.scan.msk.f32 $0xffff, v35  }
0x275: {  	s19 =	sor.u32 $0x380, s26;
	v50 =	vld [tilespmem:s20+$0x300];
	v25 =	vadd.f32 v52, v25;
	v48 =	vmul.f32 v51, v41;
	v31 =	vadd.f32 v31, v39;
	(xrf2) =	vadd.scan.msk.f32 $0xffff, v29  }
0x276: {  	v21 =	vadd.f32 v58, v21;
	v55 =	vld [tilespmem:s19+$0x0];
	v56 =	vmul.f32 v53, v41;
	v30 =	vadd.f32 v44, v30;
	(xrf2) =	vadd.scan.msk.f32 $0xffff, v43  }
0x277: {  	v57 =	vmul.f32 v51, v42;
	v38 =	vadd.f32 v48, v38;
	(xrf2) =	vadd.scan.msk.f32 $0xffff, v31;
	v31 =	vmul.f32 v53, v42  }
0x278: {  	v27 =	vmul.f32 v32, v27;
	v18 =	vadd.f32 v59, v18;
	v28 =	vadd.f32 v56, v28;
	(xrf2) =	vadd.scan.msk.f32 $0xffff, v30  }
0x279: {  	v59 =	vld [tilespmem:s20+$0xC300];
	v37 =	vadd.f32 v57, v37;
	v58 =	vmul.f32 v51, v33;
	(xrf2) =	vadd.scan.msk.f32 $0xffff, v38;
	v25 =	vadd.f32 v31, v25  }
0x27a: {  	v46 =	vld [tilespmem:s20+$0xC380];
	v17 =	vadd.f32 v22, v17;
	v16 =	vadd.f32 v23, v16;
	v60 =	vmul.f32 v53, v33;
	(xrf2) =	vadd.scan.msk.f32 $0xffff, v28  }
0x27b: {  	v22 =	vmul.f32 v51, v50;
	v23 =	vmul.f32 v51, v55;
	v28 =	vadd.f32 v58, v36;
	(xrf2) =	vadd.scan.msk.f32 $0xffff, v37  }
0x27c: {  	v24 =	vmul.f32 v32, v24;
	v61 =	vmul.f32 v53, v50;
	v21 =	vadd.f32 v60, v21;
	(xrf2) =	vadd.scan.msk.f32 $0xffff, v25  }
0x27d: {  	v20 =	vmul.f32 v32, v20;
	v15 =	vadd.f32 v26, v15;
	v22 =	vadd.f32 v22, v34;
	v25, _, _ =	vpop (xrf2);
	(xrf2) =	vadd.scan.msk.f32 $0xffff, v28  }
0x27e: {  	v14 =	vadd.f32 v27, v14;
	v18 =	vadd.f32 v61, v18;
	v63, _, _ =	vpop (xrf2);
	(xrf2) =	vadd.scan.msk.f32 $0xffff, v21;
	v21 =	vmul.f32 v59, v49  }
0x27f: {  	v62 =	vmul.f32 v53, v55;
	v10 =	vadd.f32 v23, v10;
	v30 =	vmul.f32 v46, v49;
	v23, _, _ =	vpop (xrf2);
	(xrf2) =	vadd.scan.msk.f32 $0xffff, v22  }
0x280: {  	v13 =	vadd.f32 v24, v13;
	v31 =	vmul.f32 v46, v54;
	v26, _, _ =	vpop (xrf2);
	(xrf2) =	vadd.scan.msk.f32 $0xffff, v18;
	v18 =	vmul.f32 v59, v54  }
0x281: {  	v19 =	vmul.f32 v32, v19;
	v9 =	vadd.f32 v62, v9;
	v8 =	vadd.f32 v30, v8  }
0x282: {  	v6 =	vadd.f32 v31, v6;
	v28 =	vmul.f32 v46, v45;
	v17 =	vadd.f32 v21, v17;
	v21, _, _ =	vpop (xrf2);
	(xrf2) =	vadd.scan.msk.f32 $0xffff, v10  }
0x283: {  	v10 =	vadd.f32 v20, v12;
	v12 =	vmul.f32 v46, v42;
	v16 =	vadd.f32 v18, v16;
	v20, _, _ =	vpop (xrf2);
	(xrf2) =	vadd.scan.msk.f32 $0xffff, v9  }
0x284: {  	v22 =	vmul.f32 v46, v41;
	v9 =	vadd.f32 v19, v11;
	v11 =	vmul.f32 v59, v45;
	v18, _, _ =	vpop (xrf2);
	(xrf2) =	vadd.scan.msk.f32 $0xffff, v17  }
0x285: {  	v17 =	vmul.f32 v46, v33;
	v3 =	vadd.f32 v12, v3;
	v12 =	vmul.f32 v46, v50;
	v19, _, _ =	vpop (xrf2);
	(xrf2) =	vadd.scan.msk.f32 $0xffff, v8  }
0x286: {  	v7 =	vadd.f32 v28, v7;
	v8 =	vmul.f32 v59, v41;
	v11 =	vadd.f32 v11, v15;
	v15, _, _ =	vpop (xrf2);
	(xrf2) =	vadd.scan.msk.f32 $0xffff, v16  }
0x287: {  	v4 =	vadd.f32 v17, v4;
	v17 =	vmul.f32 v59, v42;
	v2 =	vadd.f32 v12, v2;
	v16, _, _ =	vpop (xrf2);
	(xrf2) =	vadd.scan.msk.f32 $0xffff, v6  }
0x288: {  	v12 =	vbroadcast v63, $0xF;
	v8 =	vadd.f32 v8, v14;
	v14, _, _ =	vpop (xrf2);
	(xrf2) =	vadd.scan.msk.f32 $0xffff, v11;
	v11 =	vbroadcast v25, $0xF  }
0x289: {  	v5 =	vadd.f32 v22, v5;
	v13 =	vadd.f32 v17, v13;
	v17 =	vbroadcast v23, $0xF  }
0x28a: {  	v22, _, _ =	vpop (xrf2);
	(xrf2) =	vadd.scan.msk.f32 $0xffff, v7;
	v7 =	vmul.f32 v59, v33;
	v11 =	vsel vm0, v11, v12;
	v12 =	vbroadcast v26, $0xF  }
0x28b: {  	v6 =	vmul.f32 v59, v55;
	v23, _, _ =	vpop (xrf2);
	(xrf2) =	vadd.scan.msk.f32 $0xffff, v8;
	v8 =	vmul.f32 v59, v50  }
0x28c: {  	v24, _, _ =	vpop (xrf2);
	(xrf2) =	vadd.scan.msk.f32 $0xffff, v5;
	v5 =	vadd.f32 v7, v10;
	v7 =	vsel vm1, v11, v17;
	v10 =	vbroadcast v21, $0xF  }
0x28d: {  	v1 =	vadd.f32 v6, v1;
	v6 =	vsel vm2, v7, v12;
	v7 =	vbroadcast v20, $0xF;
	v11, _, _ =	vpop (xrf2);
	(xrf2) =	vadd.scan.msk.f32 $0xffff, v13  }
0x28e: {  	v6 =	vsel vm3, v6, v10;
	v12, _, _ =	vpop (xrf2);
	(xrf2) =	vadd.scan.msk.f32 $0xffff, v3;
	v3 =	vadd.f32 v8, v9;
	v8 =	vbroadcast v18, $0xF  }
0x28f: {  	v9, _, _ =	vpop (xrf2);
	(xrf2) =	vadd.scan.msk.f32 $0xffff, v5;
	v5 =	vsel vm4, v6, v7  }
0x290: {  	v6 =	vbroadcast v19, $0xF;
	v10, _, _ =	vpop (xrf2);
	(xrf2) =	vadd.scan.msk.f32 $0xffff, v4;
	v4 =	vsel vm5, v5, v8;
	v5 =	vbroadcast v9, $0xF  }
0x291: {  	v7 =	vbroadcast v15, $0xF;
	v9, _, _ =	vpop (xrf2)  }
0x292: {  	v8 =	vbroadcast v10, $0xF;
	(xrf2) =	vadd.scan.msk.f32 $0xffff, v3;
	v3 =	vsel vm6, v4, v6;
	v6 =	vbroadcast v9, $0xF  }
0x293: {  	v29 =	vmul.f32 v46, v55;
	v4, _, _ =	vpop (xrf2)  }
0x294: {  	(xrf2) =	vadd.scan.msk.f32 $0xffff, v2;
	v2 =	vsel vm7, v3, v7;
	v3 =	vsel vm0, v5, v8;
	v4 =	vbroadcast v4, $0xF;
	v5, _, _ =	vpop (xrf2)  }
0x295: {  	v0 =	vadd.f32 v29, v0;
	(xrf2) =	vadd.scan.msk.f32 $0xffff, v1;
	v3 =	vsel vm1, v3, v6;
	v1, _, _ =	vpop (xrf2);
	v5 =	vbroadcast v5, $0xF  }
0x296: {  	v6, _, _ =	vpop (xrf2);
	v3 =	vsel vm2, v3, v4  }
0x297: {  	v1 =	vbroadcast v1, $0xF;
	v3 =	vsel vm3, v3, v5;
	v5 =	vbroadcast v6, $0xF  }
0x298: {  	v7 =	vbroadcast v16, $0xF;
	v4, _, _ =	vpop (xrf2)  }
0x299: {  	v8 =	vbroadcast v14, $0xF;
	(xrf2) =	vadd.scan.msk.f32 $0xffff, v0;
	v1 =	vsel vm4, v3, v1;
	v0, _, _ =	vpop (xrf2);
	v3 =	vbroadcast v4, $0xF  }
0x29a: {  	v2 =	vsel vm8, v2, v7;
	v1 =	vsel vm5, v1, v5;
	v4, _, _ =	vpop (xrf2);
	v0 =	vbroadcast v0, $0xF  }
0x29b: {  	v7 =	vbroadcast v23, $0xF;
	v5, _, _ =	vpop (xrf2);
	v1 =	vsel vm6, v1, v3;
	v3 =	vbroadcast v4, $0xF  }
0x29c: {  	v6 =	vbroadcast v22, $0xF;
	v4, _, _ =	vpop (xrf2);
	v0 =	vsel vm7, v1, v0;
	v1 =	vbroadcast v5, $0xF  }
0x29d: {  	v2 =	vsel vm9, v2, v8;
	v5, _, _ =	vpop (xrf2);
	v0 =	vsel vm8, v0, v3;
	v3 =	vbroadcast v4, $0xF  }
0x29e: {  	v2 =	vsel vm10, v2, v6;
	v6 =	vbroadcast v24, $0xF;
	v4, _, _ =	vpop (xrf2);
	v0 =	vsel vm9, v0, v1  }
0x29f: {  	v1 =	vbroadcast v5, $0xF;
	v0 =	vsel vm10, v0, v3;
	v3 =	vbroadcast v4, $0xF  }
0x2a0: {  	v2 =	vsel vm11, v2, v7;
	v7 =	vbroadcast v11, $0xF;
	v5, _, _ =	vpop (xrf2)  }
0x2a1: {  	v2 =	vsel vm12, v2, v6;
	v0 =	vsel vm11, v0, v1;
	v1 =	vbroadcast v5, $0xF  }
0x2a2: {  	s28 =	simm.s32 $0x0;
	v2 =	vsel vm13, v2, v7;
	v0 =	vsel vm12, v0, v3  }
0x2a3: {  	s29 =	sand.u32 $0x7, s28;
	v2 =	vsel vm14, v2, v12;
	v0 =	vsel vm13, v0, v1;
	v3, _, _ =	vpop (xrf2)  }
0x2a4: {  	s30 =	sand.u32 $0x70, s28;
	s19 =	sand.u32 $0x3C00, s28;
	s20 =	sshll.u32 s29, $0x4;
	[tilespmem:s18+$0x14500] =	vst v2;
	v0 =	vsel vm14, v0, v3  }
0x2a5: {  	s19 =	sor.u32 s30, s19;
	s20 =	sadd.s32 $0x0, s20;
	[tilespmem:s18+$0x14580] =	vst v0  }
0x2a6: {  	s20 =	sor.u32 $0x380, s20;
	v1 =	vld [tilespmem:s19+$0x10180]  }
0x2a7: {  	v9 =	vld [tilespmem:s20+$0x0]  }
0x2a8: {  	v22 =	vld [tilespmem:s19+$0x0]  }
0x2a9: {  	v23 =	vld [tilespmem:s19+$0x80]  }
0x2aa: {  	v26 =	vld [tilespmem:s19+$0x100]  }
0x2ab: {  	v34 =	vimm.f32 $0.0e+00;
	v27 =	vld [tilespmem:s19+$0x180]  }
0x2ac: {  	v35 =	vimm.f32 $0.0e+00;
	v39 =	vimm.f32 $0.0e+00;
	v29 =	vimm.f32 $0.0e+00;
	v11 =	vld [tilespmem:s19+$0x10000]  }
0x2ad: {  	v38 =	vimm.f32 $0.0e+00;
	v36 =	vimm.f32 $0.0e+00;
	v30 =	vimm.f32 $0.0e+00;
	v24 =	vld [tilespmem:s19+$0x200]  }
0x2ae: {  	v37 =	vimm.f32 $0.0e+00;
	v28 =	vimm.f32 $0.0e+00;
	v25 =	vimm.f32 $0.0e+00;
	v40 =	vld [tilespmem:s19+$0x10080]  }
0x2af: {  	v33 =	vimm.f32 $0.0e+00;
	v20 =	vld [tilespmem:s19+$0x280];
	v0 =	vmul.f32 v1, v9;
	v2 =	vmul.f32 v1, v22  }
0x2b0: {  	v21 =	vimm.f32 $0.0e+00;
	v19 =	vld [tilespmem:s19+$0x300];
	v3 =	vmul.f32 v1, v23;
	v4 =	vmul.f32 v1, v26  }
0x2b1: {  	v17 =	vimm.f32 $0.0e+00;
	v5 =	vmul.f32 v1, v27;
	v12 =	vmul.f32 v11, v22  }
0x2b2: {  	v18 =	vimm.f32 $0.0e+00;
	v10 =	vmul.f32 v11, v9;
	v48 =	vmul.f32 v11, v23  }
0x2b3: {  	v15 =	vimm.f32 $0.0e+00;
	v13 =	vmul.f32 v40, v9;
	v47 =	vmul.f32 v11, v26  }
0x2b4: {  	v16 =	vimm.f32 $0.0e+00;
	v46 =	vmul.f32 v11, v27;
	v45 =	vmul.f32 v11, v24  }
0x2b5: {  	v14 =	vimm.f32 $0.0e+00;
	v32 =	vld [tilespmem:s19+$0x10100];
	v44 =	vmul.f32 v11, v20;
	v41 =	vmul.f32 v11, v19  }
0x2b6: {  	v43 =	vmul.f32 v40, v22;
	v42 =	vmul.f32 v40, v23;
	v0 =	vadd.f32 v0, v29  }
0x2b7: {  	v8 =	vadd.f32 v2, v29;
	v2 =	vmul.f32 v1, v24;
	v6 =	vadd.f32 v3, v29  }
0x2b8: {  	v7 =	vadd.f32 v4, v29;
	v4 =	vmul.f32 v1, v20;
	v1 =	vmul.f32 v1, v19  }
0x2b9: {  	v11 =	vimm.f32 $0.0e+00;
	v5 =	vadd.f32 v5, v29;
	v10 =	vadd.f32 v10, v29  }
0x2ba: {  	s31 =	simm.s32 $0x10;
	v3 =	vadd.f32 v2, v29;
	v2 =	vadd.f32 v1, v29;
	v1 =	vmul.f32 v32, v9  }
0x2bb: {  	s23 =	sand.u32 $0x70, s31;
	s20 =	simm.s32 $0x1;
	v31 =	vadd.f32 v12, v29;
	v12 =	vimm.f32 $0.0e+00;
	v4 =	vadd.f32 v4, v29  }
0x2bc: {  	s21 =	simm.s32 $0x20;
	s19 =	simm.s32 $0x80;
	s22 =	sand.u32 $0x7, s20;
	v9 =	vadd.f32 v13, v29;
	v13 =	vimm.f32 $0.0e+00;
	v1 =	vadd.f32 v1, v29  }
.LBB2_15:
0x2bd: {  	p0 =	sne.s32 s21, $0x7F0;
	s22 =	sshll.u32 s22, $0x4;
	s24 =	sand.u32 $0x3C00, s19;
	v29 =	vadd.f32 v48, v29;
	v48 =	vmul.f32 v40, v26;
	v49 =	vmul.f32 v40, v27  }
0x2be: {  	v39 =	vadd.f32 v47, v39;
	v47 =	vmul.f32 v40, v24;
	v50 =	vmul.f32 v40, v20;
	s22 =	sadd.s32 s22, s19;
	s23 =	sor.u32 s23, s24  }
0x2bf: {  	v38 =	vadd.f32 v46, v38;
	v40 =	vmul.f32 v40, v19;
	v46 =	vmul.f32 v32, v22;
	s22 =	sor.u32 $0x380, s22;
	v51 =	vld [tilespmem:s23+$0x10180]  }
0x2c0: {  	v37 =	vadd.f32 v45, v37;
	v45 =	vmul.f32 v32, v23;
	v53 =	vmul.f32 v32, v26;
	v52 =	vld [tilespmem:s22+$0x0]  }
0x2c1: {  	v36 =	vadd.f32 v44, v36;
	v44 =	vmul.f32 v32, v27;
	v54 =	vmul.f32 v32, v24;
	v22 =	vld [tilespmem:s23+$0x0]  }
0x2c2: {  	v34 =	vadd.f32 v41, v34;
	v41 =	vmul.f32 v32, v20;
	v55 =	vmul.f32 v32, v19;
	v23 =	vld [tilespmem:s23+$0x80]  }
0x2c3: {  	v35 =	vadd.f32 v43, v35;
	v33 =	vadd.f32 v42, v33;
	v26 =	vld [tilespmem:s23+$0x100]  }
0x2c4: {  	v30 =	vadd.f32 v48, v30;
	v28 =	vadd.f32 v49, v28;
	v27 =	vld [tilespmem:s23+$0x180]  }
0x2c5: {  	v25 =	vadd.f32 v47, v25;
	v21 =	vadd.f32 v50, v21;
	v24 =	vld [tilespmem:s23+$0x200];
	v32 =	vmul.f32 v51, v52  }
0x2c6: {  	v18 =	vadd.f32 v40, v18;
	v17 =	vadd.f32 v46, v17;
	v20 =	vld [tilespmem:s23+$0x280];
	v42 =	vmul.f32 v51, v22  }
0x2c7: {  	v16 =	vadd.f32 v45, v16;
	v19 =	vld [tilespmem:s23+$0x300];
	v43 =	vmul.f32 v51, v23;
	v0 =	vadd.f32 v32, v0  }
0x2c8: {  	v15 =	vadd.f32 v53, v15;
	v14 =	vadd.f32 v44, v14;
	v49 =	vld [tilespmem:s23+$0x10000];
	v45 =	vmul.f32 v51, v26  }
0x2c9: {  	v13 =	vadd.f32 v54, v13;
	v12 =	vadd.f32 v41, v12;
	v40 =	vld [tilespmem:s23+$0x10080];
	v44 =	vmul.f32 v51, v27  }
0x2ca: {  	v11 =	vadd.f32 v55, v11;
	v8 =	vadd.f32 v42, v8;
	v32 =	vld [tilespmem:s23+$0x10100];
	v41 =	vmul.f32 v51, v24  }
0x2cb: {  	v6 =	vadd.f32 v43, v6;
	v7 =	vadd.f32 v45, v7;
	v42 =	vmul.f32 v51, v20  }
0x2cc: {  	v5 =	vadd.f32 v44, v5;
	v3 =	vadd.f32 v41, v3;
	v41 =	vmul.f32 v51, v19  }
0x2cd: {  	v43 =	vmul.f32 v49, v22;
	v44 =	vmul.f32 v49, v52;
	v4 =	vadd.f32 v42, v4  }
.Ltmp6:
0x2ce: {  	v48 =	vmul.f32 v49, v23;
	v42 =	vmul.f32 v40, v52;
	v2 =	vadd.f32 v41, v2;
	(pc) =	sbr.rel @p0 .LBB2_15-.Ltmp6, $4  }
0x2cf: {  	v47 =	vmul.f32 v49, v26;
	v10 =	vadd.f32 v44, v10;
	v50 =	vmul.f32 v32, v52  }
0x2d0: {  	v46 =	vmul.f32 v49, v27;
	v45 =	vmul.f32 v49, v24;
	v9 =	vadd.f32 v42, v9  }
0x2d1: {  	s20 =	sadd.s32 $0x1, s20;
	s19 =	sadd.s32 $0x80, s19;
	v41 =	vmul.f32 v49, v19;
	v44 =	vmul.f32 v49, v20;
	v1 =	vadd.f32 v50, v1  }
0x2d2: {  	s22 =	sand.u32 $0x7, s20;
	s23 =	sand.u32 $0x70, s21;
	s21 =	sadd.s32 $0x10, s21;
	v31 =	vadd.f32 v43, v31;
	v43 =	vmul.f32 v40, v22;
	v42 =	vmul.f32 v40, v23  }
0x2d3: {  	s20 =	sand.u32 $0x3C00, s19  }
0x2d4: {  	s20 =	sor.u32 s23, s20  }
0x2d5: {  	v49 =	vld [tilespmem:s20+$0x0]  }
0x2d6: {  	v51 =	vld [tilespmem:s20+$0x10000]  }
0x2d7: {  	v50 =	vmul.f32 v40, v26;
	v53 =	vld [tilespmem:s20+$0x10080]  }
0x2d8: {  	v29 =	vadd.f32 v48, v29;
	v57 =	vmul.f32 v40, v27;
	v52 =	vmul.f32 v40, v24;
	v54 =	vld [tilespmem:s20+$0x80]  }
0x2d9: {  	v39 =	vadd.f32 v47, v39;
	v58 =	vmul.f32 v40, v20;
	v59 =	vmul.f32 v40, v19  }
0x2da: {  	v22 =	vmul.f32 v32, v22;
	v23 =	vmul.f32 v32, v23;
	v37 =	vadd.f32 v45, v37;
	v45 =	vld [tilespmem:s20+$0x100]  }
0x2db: {  	v38 =	vadd.f32 v46, v38;
	v26 =	vmul.f32 v32, v26;
	v60 =	vmul.f32 v51, v49  }
0x2dc: {  	v34 =	vadd.f32 v41, v34;
	v35 =	vadd.f32 v43, v35;
	v41 =	vld [tilespmem:s20+$0x180];
	v61 =	vmul.f32 v53, v49  }
0x2dd: {  	v36 =	vadd.f32 v44, v36;
	v62 =	vmul.f32 v51, v54;
	v31 =	vadd.f32 v60, v31  }
0x2de: {  	v33 =	vadd.f32 v42, v33;
	v42 =	vld [tilespmem:s20+$0x200];
	v63 =	vmul.f32 v53, v54;
	v35 =	vadd.f32 v61, v35  }
0x2df: {  	s21 =	sshll.u32 s22, $0x4;
	v30 =	vadd.f32 v50, v30;
	v29 =	vadd.f32 v62, v29;
	(xrf2) =	vadd.scan.msk.f32 $0xffff, v31;
	v31 =	vmul.f32 v51, v45  }
0x2e0: {  	s26 =	sadd.s32 s21, s19;
	v28 =	vadd.f32 v57, v28;
	v44 =	vmul.f32 v53, v45;
	v43 =	vadd.f32 v63, v33;
	v33 =	vld [tilespmem:s20+$0x280];
	(xrf2) =	vadd.scan.msk.f32 $0xffff, v35  }
0x2e1: {  	s19 =	sor.u32 $0x380, s26;
	v50 =	vld [tilespmem:s20+$0x300];
	v25 =	vadd.f32 v52, v25;
	v48 =	vmul.f32 v51, v41;
	v31 =	vadd.f32 v31, v39;
	(xrf2) =	vadd.scan.msk.f32 $0xffff, v29  }
0x2e2: {  	v21 =	vadd.f32 v58, v21;
	v55 =	vld [tilespmem:s19+$0x0];
	v56 =	vmul.f32 v53, v41;
	v30 =	vadd.f32 v44, v30;
	(xrf2) =	vadd.scan.msk.f32 $0xffff, v43  }
0x2e3: {  	v57 =	vmul.f32 v51, v42;
	v38 =	vadd.f32 v48, v38;
	(xrf2) =	vadd.scan.msk.f32 $0xffff, v31;
	v31 =	vmul.f32 v53, v42  }
0x2e4: {  	v27 =	vmul.f32 v32, v27;
	v18 =	vadd.f32 v59, v18;
	v28 =	vadd.f32 v56, v28;
	(xrf2) =	vadd.scan.msk.f32 $0xffff, v30  }
0x2e5: {  	v59 =	vld [tilespmem:s20+$0x10100];
	v37 =	vadd.f32 v57, v37;
	v58 =	vmul.f32 v51, v33;
	(xrf2) =	vadd.scan.msk.f32 $0xffff, v38;
	v25 =	vadd.f32 v31, v25  }
0x2e6: {  	v46 =	vld [tilespmem:s20+$0x10180];
	v17 =	vadd.f32 v22, v17;
	v16 =	vadd.f32 v23, v16;
	v60 =	vmul.f32 v53, v33;
	(xrf2) =	vadd.scan.msk.f32 $0xffff, v28  }
0x2e7: {  	v22 =	vmul.f32 v51, v50;
	v23 =	vmul.f32 v51, v55;
	v28 =	vadd.f32 v58, v36;
	(xrf2) =	vadd.scan.msk.f32 $0xffff, v37  }
0x2e8: {  	v24 =	vmul.f32 v32, v24;
	v61 =	vmul.f32 v53, v50;
	v21 =	vadd.f32 v60, v21;
	(xrf2) =	vadd.scan.msk.f32 $0xffff, v25  }
0x2e9: {  	v20 =	vmul.f32 v32, v20;
	v15 =	vadd.f32 v26, v15;
	v22 =	vadd.f32 v22, v34;
	v25, _, _ =	vpop (xrf2);
	(xrf2) =	vadd.scan.msk.f32 $0xffff, v28  }
0x2ea: {  	v14 =	vadd.f32 v27, v14;
	v18 =	vadd.f32 v61, v18;
	v63, _, _ =	vpop (xrf2);
	(xrf2) =	vadd.scan.msk.f32 $0xffff, v21;
	v21 =	vmul.f32 v59, v49  }
0x2eb: {  	v62 =	vmul.f32 v53, v55;
	v10 =	vadd.f32 v23, v10;
	v30 =	vmul.f32 v46, v49;
	v23, _, _ =	vpop (xrf2);
	(xrf2) =	vadd.scan.msk.f32 $0xffff, v22  }
0x2ec: {  	v13 =	vadd.f32 v24, v13;
	v31 =	vmul.f32 v46, v54;
	v26, _, _ =	vpop (xrf2);
	(xrf2) =	vadd.scan.msk.f32 $0xffff, v18;
	v18 =	vmul.f32 v59, v54  }
0x2ed: {  	v19 =	vmul.f32 v32, v19;
	v9 =	vadd.f32 v62, v9;
	v8 =	vadd.f32 v30, v8  }
0x2ee: {  	v6 =	vadd.f32 v31, v6;
	v28 =	vmul.f32 v46, v45;
	v17 =	vadd.f32 v21, v17;
	v21, _, _ =	vpop (xrf2);
	(xrf2) =	vadd.scan.msk.f32 $0xffff, v10  }
0x2ef: {  	v10 =	vadd.f32 v20, v12;
	v12 =	vmul.f32 v46, v42;
	v16 =	vadd.f32 v18, v16;
	v20, _, _ =	vpop (xrf2);
	(xrf2) =	vadd.scan.msk.f32 $0xffff, v9  }
0x2f0: {  	v22 =	vmul.f32 v46, v41;
	v9 =	vadd.f32 v19, v11;
	v11 =	vmul.f32 v59, v45;
	v18, _, _ =	vpop (xrf2);
	(xrf2) =	vadd.scan.msk.f32 $0xffff, v17  }
0x2f1: {  	v17 =	vmul.f32 v46, v33;
	v3 =	vadd.f32 v12, v3;
	v12 =	vmul.f32 v46, v50;
	v19, _, _ =	vpop (xrf2);
	(xrf2) =	vadd.scan.msk.f32 $0xffff, v8  }
0x2f2: {  	v7 =	vadd.f32 v28, v7;
	v8 =	vmul.f32 v59, v41;
	v11 =	vadd.f32 v11, v15;
	v15, _, _ =	vpop (xrf2);
	(xrf2) =	vadd.scan.msk.f32 $0xffff, v16  }
0x2f3: {  	v4 =	vadd.f32 v17, v4;
	v17 =	vmul.f32 v59, v42;
	v2 =	vadd.f32 v12, v2;
	v16, _, _ =	vpop (xrf2);
	(xrf2) =	vadd.scan.msk.f32 $0xffff, v6  }
0x2f4: {  	v12 =	vbroadcast v63, $0xF;
	v8 =	vadd.f32 v8, v14;
	v14, _, _ =	vpop (xrf2);
	(xrf2) =	vadd.scan.msk.f32 $0xffff, v11;
	v11 =	vbroadcast v25, $0xF  }
0x2f5: {  	v5 =	vadd.f32 v22, v5;
	v13 =	vadd.f32 v17, v13;
	v17 =	vbroadcast v23, $0xF  }
0x2f6: {  	v22, _, _ =	vpop (xrf2);
	(xrf2) =	vadd.scan.msk.f32 $0xffff, v7;
	v7 =	vmul.f32 v59, v33;
	v11 =	vsel vm0, v11, v12;
	v12 =	vbroadcast v26, $0xF  }
0x2f7: {  	v6 =	vmul.f32 v59, v55;
	v23, _, _ =	vpop (xrf2);
	(xrf2) =	vadd.scan.msk.f32 $0xffff, v8;
	v8 =	vmul.f32 v59, v50  }
0x2f8: {  	v24, _, _ =	vpop (xrf2);
	(xrf2) =	vadd.scan.msk.f32 $0xffff, v5;
	v5 =	vadd.f32 v7, v10;
	v7 =	vsel vm1, v11, v17;
	v10 =	vbroadcast v21, $0xF  }
0x2f9: {  	v1 =	vadd.f32 v6, v1;
	v6 =	vsel vm2, v7, v12;
	v7 =	vbroadcast v20, $0xF;
	v11, _, _ =	vpop (xrf2);
	(xrf2) =	vadd.scan.msk.f32 $0xffff, v13  }
0x2fa: {  	v6 =	vsel vm3, v6, v10;
	v12, _, _ =	vpop (xrf2);
	(xrf2) =	vadd.scan.msk.f32 $0xffff, v3;
	v3 =	vadd.f32 v8, v9;
	v8 =	vbroadcast v18, $0xF  }
0x2fb: {  	v9, _, _ =	vpop (xrf2);
	(xrf2) =	vadd.scan.msk.f32 $0xffff, v5;
	v5 =	vsel vm4, v6, v7  }
0x2fc: {  	v6 =	vbroadcast v19, $0xF;
	v10, _, _ =	vpop (xrf2);
	(xrf2) =	vadd.scan.msk.f32 $0xffff, v4;
	v4 =	vsel vm5, v5, v8;
	v5 =	vbroadcast v9, $0xF  }
0x2fd: {  	v7 =	vbroadcast v15, $0xF;
	v9, _, _ =	vpop (xrf2)  }
0x2fe: {  	v8 =	vbroadcast v10, $0xF;
	(xrf2) =	vadd.scan.msk.f32 $0xffff, v3;
	v3 =	vsel vm6, v4, v6;
	v6 =	vbroadcast v9, $0xF  }
0x2ff: {  	v29 =	vmul.f32 v46, v55;
	v4, _, _ =	vpop (xrf2)  }
0x300: {  	(xrf2) =	vadd.scan.msk.f32 $0xffff, v2;
	v2 =	vsel vm7, v3, v7;
	v3 =	vsel vm0, v5, v8;
	v4 =	vbroadcast v4, $0xF;
	v5, _, _ =	vpop (xrf2)  }
0x301: {  	v0 =	vadd.f32 v29, v0;
	(xrf2) =	vadd.scan.msk.f32 $0xffff, v1;
	v3 =	vsel vm1, v3, v6;
	v1, _, _ =	vpop (xrf2);
	v5 =	vbroadcast v5, $0xF  }
0x302: {  	v6, _, _ =	vpop (xrf2);
	v3 =	vsel vm2, v3, v4  }
0x303: {  	v1 =	vbroadcast v1, $0xF;
	v3 =	vsel vm3, v3, v5;
	v5 =	vbroadcast v6, $0xF  }
0x304: {  	v7 =	vbroadcast v16, $0xF;
	v4, _, _ =	vpop (xrf2)  }
0x305: {  	v8 =	vbroadcast v14, $0xF;
	(xrf2) =	vadd.scan.msk.f32 $0xffff, v0;
	v1 =	vsel vm4, v3, v1;
	v0, _, _ =	vpop (xrf2);
	v3 =	vbroadcast v4, $0xF  }
0x306: {  	v2 =	vsel vm8, v2, v7;
	v1 =	vsel vm5, v1, v5;
	v4, _, _ =	vpop (xrf2);
	v0 =	vbroadcast v0, $0xF  }
0x307: {  	v7 =	vbroadcast v23, $0xF;
	v5, _, _ =	vpop (xrf2);
	v1 =	vsel vm6, v1, v3;
	v3 =	vbroadcast v4, $0xF  }
0x308: {  	v6 =	vbroadcast v22, $0xF;
	v4, _, _ =	vpop (xrf2);
	v0 =	vsel vm7, v1, v0;
	v1 =	vbroadcast v5, $0xF  }
0x309: {  	v2 =	vsel vm9, v2, v8;
	v5, _, _ =	vpop (xrf2);
	v0 =	vsel vm8, v0, v3;
	v3 =	vbroadcast v4, $0xF  }
0x30a: {  	v2 =	vsel vm10, v2, v6;
	v6 =	vbroadcast v24, $0xF;
	v4, _, _ =	vpop (xrf2);
	v0 =	vsel vm9, v0, v1  }
0x30b: {  	v1 =	vbroadcast v5, $0xF;
	v0 =	vsel vm10, v0, v3;
	v3 =	vbroadcast v4, $0xF  }
0x30c: {  	v2 =	vsel vm11, v2, v7;
	v7 =	vbroadcast v11, $0xF;
	v5, _, _ =	vpop (xrf2)  }
0x30d: {  	v2 =	vsel vm12, v2, v6;
	v0 =	vsel vm11, v0, v1;
	v1 =	vbroadcast v5, $0xF  }
0x30e: {  	s28 =	simm.s32 $0x0;
	v2 =	vsel vm13, v2, v7;
	v0 =	vsel vm12, v0, v3  }
0x30f: {  	s29 =	sand.u32 $0x7, s28;
	v2 =	vsel vm14, v2, v12;
	v0 =	vsel vm13, v0, v1;
	v3, _, _ =	vpop (xrf2)  }
0x310: {  	s30 =	sand.u32 $0x70, s28;
	s19 =	sand.u32 $0x3C00, s28;
	s20 =	sshll.u32 s29, $0x4;
	[tilespmem:s18+$0x14600] =	vst v2;
	v0 =	vsel vm14, v0, v3  }
0x311: {  	s19 =	sor.u32 s30, s19;
	s20 =	sadd.s32 $0x0, s20;
	[tilespmem:s18+$0x14680] =	vst v0  }
0x312: {  	s20 =	sor.u32 $0x380, s20;
	v1 =	vld [tilespmem:s19+$0x10380]  }
0x313: {  	v9 =	vld [tilespmem:s20+$0x0]  }
0x314: {  	v22 =	vld [tilespmem:s19+$0x0]  }
0x315: {  	v23 =	vld [tilespmem:s19+$0x80]  }
0x316: {  	v26 =	vld [tilespmem:s19+$0x100]  }
0x317: {  	v34 =	vimm.f32 $0.0e+00;
	v27 =	vld [tilespmem:s19+$0x180]  }
0x318: {  	v35 =	vimm.f32 $0.0e+00;
	v39 =	vimm.f32 $0.0e+00;
	v29 =	vimm.f32 $0.0e+00;
	v11 =	vld [tilespmem:s19+$0x10200]  }
0x319: {  	v38 =	vimm.f32 $0.0e+00;
	v36 =	vimm.f32 $0.0e+00;
	v30 =	vimm.f32 $0.0e+00;
	v24 =	vld [tilespmem:s19+$0x200]  }
0x31a: {  	v37 =	vimm.f32 $0.0e+00;
	v28 =	vimm.f32 $0.0e+00;
	v25 =	vimm.f32 $0.0e+00;
	v40 =	vld [tilespmem:s19+$0x10280]  }
0x31b: {  	v33 =	vimm.f32 $0.0e+00;
	v20 =	vld [tilespmem:s19+$0x280];
	v0 =	vmul.f32 v1, v9;
	v2 =	vmul.f32 v1, v22  }
0x31c: {  	v21 =	vimm.f32 $0.0e+00;
	v19 =	vld [tilespmem:s19+$0x300];
	v3 =	vmul.f32 v1, v23;
	v4 =	vmul.f32 v1, v26  }
0x31d: {  	v17 =	vimm.f32 $0.0e+00;
	v5 =	vmul.f32 v1, v27;
	v12 =	vmul.f32 v11, v22  }
0x31e: {  	v18 =	vimm.f32 $0.0e+00;
	v10 =	vmul.f32 v11, v9;
	v48 =	vmul.f32 v11, v23  }
0x31f: {  	v15 =	vimm.f32 $0.0e+00;
	v13 =	vmul.f32 v40, v9;
	v47 =	vmul.f32 v11, v26  }
0x320: {  	v16 =	vimm.f32 $0.0e+00;
	v46 =	vmul.f32 v11, v27;
	v45 =	vmul.f32 v11, v24  }
0x321: {  	v14 =	vimm.f32 $0.0e+00;
	v32 =	vld [tilespmem:s19+$0x10300];
	v44 =	vmul.f32 v11, v20;
	v41 =	vmul.f32 v11, v19  }
0x322: {  	v43 =	vmul.f32 v40, v22;
	v42 =	vmul.f32 v40, v23;
	v0 =	vadd.f32 v0, v29  }
0x323: {  	v8 =	vadd.f32 v2, v29;
	v2 =	vmul.f32 v1, v24;
	v6 =	vadd.f32 v3, v29  }
0x324: {  	v7 =	vadd.f32 v4, v29;
	v4 =	vmul.f32 v1, v20;
	v1 =	vmul.f32 v1, v19  }
0x325: {  	v11 =	vimm.f32 $0.0e+00;
	v5 =	vadd.f32 v5, v29;
	v10 =	vadd.f32 v10, v29  }
0x326: {  	s31 =	simm.s32 $0x10;
	v3 =	vadd.f32 v2, v29;
	v2 =	vadd.f32 v1, v29;
	v1 =	vmul.f32 v32, v9  }
0x327: {  	s23 =	sand.u32 $0x70, s31;
	s20 =	simm.s32 $0x1;
	v31 =	vadd.f32 v12, v29;
	v12 =	vimm.f32 $0.0e+00;
	v4 =	vadd.f32 v4, v29  }
0x328: {  	s21 =	simm.s32 $0x20;
	s19 =	simm.s32 $0x80;
	s22 =	sand.u32 $0x7, s20;
	v9 =	vadd.f32 v13, v29;
	v13 =	vimm.f32 $0.0e+00;
	v1 =	vadd.f32 v1, v29  }
.LBB2_17:
0x329: {  	p0 =	sne.s32 s21, $0x7F0;
	s22 =	sshll.u32 s22, $0x4;
	s24 =	sand.u32 $0x3C00, s19;
	v29 =	vadd.f32 v48, v29;
	v48 =	vmul.f32 v40, v26;
	v49 =	vmul.f32 v40, v27  }
0x32a: {  	v39 =	vadd.f32 v47, v39;
	v47 =	vmul.f32 v40, v24;
	v50 =	vmul.f32 v40, v20;
	s22 =	sadd.s32 s22, s19;
	s23 =	sor.u32 s23, s24  }
0x32b: {  	v38 =	vadd.f32 v46, v38;
	v40 =	vmul.f32 v40, v19;
	v46 =	vmul.f32 v32, v22;
	s22 =	sor.u32 $0x380, s22;
	v51 =	vld [tilespmem:s23+$0x10380]  }
0x32c: {  	v37 =	vadd.f32 v45, v37;
	v45 =	vmul.f32 v32, v23;
	v53 =	vmul.f32 v32, v26;
	v52 =	vld [tilespmem:s22+$0x0]  }
0x32d: {  	v36 =	vadd.f32 v44, v36;
	v44 =	vmul.f32 v32, v27;
	v54 =	vmul.f32 v32, v24;
	v22 =	vld [tilespmem:s23+$0x0]  }
0x32e: {  	v34 =	vadd.f32 v41, v34;
	v41 =	vmul.f32 v32, v20;
	v55 =	vmul.f32 v32, v19;
	v23 =	vld [tilespmem:s23+$0x80]  }
0x32f: {  	v35 =	vadd.f32 v43, v35;
	v33 =	vadd.f32 v42, v33;
	v26 =	vld [tilespmem:s23+$0x100]  }
0x330: {  	v30 =	vadd.f32 v48, v30;
	v28 =	vadd.f32 v49, v28;
	v27 =	vld [tilespmem:s23+$0x180]  }
0x331: {  	v25 =	vadd.f32 v47, v25;
	v21 =	vadd.f32 v50, v21;
	v24 =	vld [tilespmem:s23+$0x200];
	v32 =	vmul.f32 v51, v52  }
0x332: {  	v18 =	vadd.f32 v40, v18;
	v17 =	vadd.f32 v46, v17;
	v20 =	vld [tilespmem:s23+$0x280];
	v42 =	vmul.f32 v51, v22  }
0x333: {  	v16 =	vadd.f32 v45, v16;
	v19 =	vld [tilespmem:s23+$0x300];
	v43 =	vmul.f32 v51, v23;
	v0 =	vadd.f32 v32, v0  }
0x334: {  	v15 =	vadd.f32 v53, v15;
	v14 =	vadd.f32 v44, v14;
	v49 =	vld [tilespmem:s23+$0x10200];
	v45 =	vmul.f32 v51, v26  }
0x335: {  	v13 =	vadd.f32 v54, v13;
	v12 =	vadd.f32 v41, v12;
	v40 =	vld [tilespmem:s23+$0x10280];
	v44 =	vmul.f32 v51, v27  }
0x336: {  	v11 =	vadd.f32 v55, v11;
	v8 =	vadd.f32 v42, v8;
	v32 =	vld [tilespmem:s23+$0x10300];
	v41 =	vmul.f32 v51, v24  }
0x337: {  	v6 =	vadd.f32 v43, v6;
	v7 =	vadd.f32 v45, v7;
	v42 =	vmul.f32 v51, v20  }
0x338: {  	v5 =	vadd.f32 v44, v5;
	v3 =	vadd.f32 v41, v3;
	v41 =	vmul.f32 v51, v19  }
0x339: {  	v43 =	vmul.f32 v49, v22;
	v44 =	vmul.f32 v49, v52;
	v4 =	vadd.f32 v42, v4  }
.Ltmp7:
0x33a: {  	v48 =	vmul.f32 v49, v23;
	v42 =	vmul.f32 v40, v52;
	v2 =	vadd.f32 v41, v2;
	(pc) =	sbr.rel @p0 .LBB2_17-.Ltmp7, $4  }
0x33b: {  	v47 =	vmul.f32 v49, v26;
	v10 =	vadd.f32 v44, v10;
	v50 =	vmul.f32 v32, v52  }
0x33c: {  	v46 =	vmul.f32 v49, v27;
	v45 =	vmul.f32 v49, v24;
	v9 =	vadd.f32 v42, v9  }
0x33d: {  	s20 =	sadd.s32 $0x1, s20;
	s19 =	sadd.s32 $0x80, s19;
	v41 =	vmul.f32 v49, v19;
	v44 =	vmul.f32 v49, v20;
	v1 =	vadd.f32 v50, v1  }
0x33e: {  	s22 =	sand.u32 $0x7, s20;
	s23 =	sand.u32 $0x70, s21;
	s21 =	sadd.s32 $0x10, s21;
	v31 =	vadd.f32 v43, v31;
	v43 =	vmul.f32 v40, v22;
	v42 =	vmul.f32 v40, v23  }
0x33f: {  	s20 =	sand.u32 $0x3C00, s19  }
0x340: {  	s20 =	sor.u32 s23, s20  }
0x341: {  	v49 =	vld [tilespmem:s20+$0x0]  }
0x342: {  	v50 =	vmul.f32 v40, v26;
	v51 =	vld [tilespmem:s20+$0x10200]  }
0x343: {  	v29 =	vadd.f32 v48, v29;
	v59 =	vmul.f32 v40, v27;
	v52 =	vmul.f32 v40, v24;
	v53 =	vld [tilespmem:s20+$0x10280]  }
0x344: {  	v39 =	vadd.f32 v47, v39;
	v47 =	vmul.f32 v40, v20;
	v40 =	vmul.f32 v40, v19;
	v54 =	vld [tilespmem:s20+$0x80]  }
0x345: {  	v38 =	vadd.f32 v46, v38;
	v22 =	vmul.f32 v32, v22;
	v23 =	vmul.f32 v32, v23  }
0x346: {  	v37 =	vadd.f32 v45, v37;
	v26 =	vmul.f32 v32, v26;
	v27 =	vmul.f32 v32, v27;
	v45 =	vld [tilespmem:s20+$0x100]  }
0x347: {  	v36 =	vadd.f32 v44, v36;
	v24 =	vmul.f32 v32, v24;
	v60 =	vmul.f32 v51, v49  }
0x348: {  	v34 =	vadd.f32 v41, v34;
	v35 =	vadd.f32 v43, v35;
	v41 =	vld [tilespmem:s20+$0x180];
	v61 =	vmul.f32 v53, v49  }
0x349: {  	v20 =	vmul.f32 v32, v20;
	v62 =	vmul.f32 v51, v54;
	v31 =	vadd.f32 v60, v31  }
0x34a: {  	v33 =	vadd.f32 v42, v33;
	v42 =	vld [tilespmem:s20+$0x200];
	v63 =	vmul.f32 v53, v54;
	v35 =	vadd.f32 v61, v35  }
0x34b: {  	v19 =	vmul.f32 v32, v19;
	v44 =	vmul.f32 v51, v45;
	v29 =	vadd.f32 v62, v29;
	(xrf2) =	vadd.scan.msk.f32 $0xffff, v31  }
0x34c: {  	v30 =	vadd.f32 v50, v30;
	v57 =	vmul.f32 v53, v45;
	v56 =	vadd.f32 v63, v33;
	v33 =	vld [tilespmem:s20+$0x280];
	(xrf2) =	vadd.scan.msk.f32 $0xffff, v35  }
0x34d: {  	s21 =	sshll.u32 s22, $0x4;
	v28 =	vadd.f32 v59, v28;
	v58 =	vmul.f32 v51, v41;
	v31 =	vadd.f32 v44, v39;
	(xrf2) =	vadd.scan.msk.f32 $0xffff, v29  }
0x34e: {  	s31 =	sadd.s32 s21, s19;
	v25 =	vadd.f32 v52, v25;
	v59 =	vmul.f32 v53, v41;
	v30 =	vadd.f32 v57, v30;
	v35 =	vld [tilespmem:s20+$0x300];
	(xrf2) =	vadd.scan.msk.f32 $0xffff, v56  }
0x34f: {  	s19 =	sor.u32 $0x380, s31;
	v21 =	vadd.f32 v47, v21;
	v60 =	vmul.f32 v51, v42;
	v38 =	vadd.f32 v58, v38;
	(xrf2) =	vadd.scan.msk.f32 $0xffff, v31  }
0x350: {  	v18 =	vadd.f32 v40, v18;
	v55 =	vld [tilespmem:s19+$0x0];
	v61 =	vmul.f32 v53, v42;
	v28 =	vadd.f32 v59, v28;
	(xrf2) =	vadd.scan.msk.f32 $0xffff, v30  }
0x351: {  	v46 =	vld [tilespmem:s20+$0x10380];
	v17 =	vadd.f32 v22, v17;
	v37 =	vadd.f32 v60, v37;
	v62 =	vmul.f32 v51, v33;
	(xrf2) =	vadd.scan.msk.f32 $0xffff, v38  }
0x352: {  	v16 =	vadd.f32 v23, v16;
	v25 =	vadd.f32 v61, v25;
	v63 =	vmul.f32 v53, v33;
	v38 =	vld [tilespmem:s20+$0x10300];
	(xrf2) =	vadd.scan.msk.f32 $0xffff, v28  }
0x353: {  	v15 =	vadd.f32 v26, v15;
	v44 =	vadd.f32 v62, v36;
	v43 =	vmul.f32 v51, v35;
	(xrf2) =	vadd.scan.msk.f32 $0xffff, v37  }
0x354: {  	v14 =	vadd.f32 v27, v14;
	v21 =	vadd.f32 v63, v21;
	v48 =	vmul.f32 v53, v35;
	(xrf2) =	vadd.scan.msk.f32 $0xffff, v25  }
0x355: {  	v13 =	vadd.f32 v24, v13;
	v50 =	vmul.f32 v51, v55;
	v22 =	vadd.f32 v43, v34;
	v51, _, _ =	vpop (xrf2);
	(xrf2) =	vadd.scan.msk.f32 $0xffff, v44  }
0x356: {  	v30 =	vmul.f32 v46, v49;
	v53 =	vmul.f32 v53, v55;
	v18 =	vadd.f32 v48, v18;
	v56, _, _ =	vpop (xrf2);
	(xrf2) =	vadd.scan.msk.f32 $0xffff, v21  }
0x357: {  	v47 =	vmul.f32 v46, v54;
	v10 =	vadd.f32 v50, v10;
	v57 =	vmul.f32 v38, v49;
	v58, _, _ =	vpop (xrf2);
	(xrf2) =	vadd.scan.msk.f32 $0xffff, v22  }
0x358: {  	v52 =	vmul.f32 v46, v45;
	v27 =	vmul.f32 v46, v42;
	v9 =	vadd.f32 v53, v9;
	v60, _, _ =	vpop (xrf2);
	(xrf2) =	vadd.scan.msk.f32 $0xffff, v18  }
0x359: {  	v6 =	vadd.f32 v47, v6;
	v61 =	vmul.f32 v38, v54;
	v17 =	vadd.f32 v57, v17;
	v62, _, _ =	vpop (xrf2);
	(xrf2) =	vadd.scan.msk.f32 $0xffff, v10  }
0x35a: {  	v59 =	vmul.f32 v46, v41;
	v7 =	vadd.f32 v52, v7;
	v8 =	vadd.f32 v30, v8;
	v30, _, _ =	vpop (xrf2);
	(xrf2) =	vadd.scan.msk.f32 $0xffff, v9  }
0x35b: {  	v3 =	vadd.f32 v27, v3;
	v36 =	vmul.f32 v38, v45;
	v16 =	vadd.f32 v61, v16;
	v37, _, _ =	vpop (xrf2);
	(xrf2) =	vadd.scan.msk.f32 $0xffff, v17  }
0x35c: {  	v5 =	vadd.f32 v59, v5;
	v29 =	vmul.f32 v46, v55;
	v39 =	vmul.f32 v46, v33;
	v40, _, _ =	vpop (xrf2);
	(xrf2) =	vadd.scan.msk.f32 $0xffff, v8  }
0x35d: {  	v34 =	vadd.f32 v19, v11;
	v41 =	vmul.f32 v38, v41;
	v11 =	vadd.f32 v36, v15;
	v43, _, _ =	vpop (xrf2);
	(xrf2) =	vadd.scan.msk.f32 $0xffff, v16  }
0x35e: {  	v0 =	vadd.f32 v29, v0;
	v63 =	vadd.f32 v20, v12;
	v44 =	vmul.f32 v46, v35;
	v45, _, _ =	vpop (xrf2);
	(xrf2) =	vadd.scan.msk.f32 $0xffff, v6  }
0x35f: {  	v46 =	vmul.f32 v38, v55;
	v47 =	vmul.f32 v38, v42;
	v8 =	vadd.f32 v41, v14;
	v48, _, _ =	vpop (xrf2);
	(xrf2) =	vadd.scan.msk.f32 $0xffff, v11  }
0x360: {  	v4 =	vadd.f32 v39, v4;
	v49 =	vbroadcast v51, $0xF;
	v52 =	vmul.f32 v38, v33;
	v51, _, _ =	vpop (xrf2);
	(xrf2) =	vadd.scan.msk.f32 $0xffff, v7  }
0x361: {  	v55 =	vmul.f32 v38, v35;
	v2 =	vadd.f32 v44, v2;
	v13 =	vadd.f32 v47, v13;
	v54, _, _ =	vpop (xrf2);
	(xrf2) =	vadd.scan.msk.f32 $0xffff, v8  }
0x362: {  	v50 =	vbroadcast v56, $0xF;
	v53 =	vbroadcast v58, $0xF;
	v57 =	vadd.f32 v52, v63;
	v24, _, _ =	vpop (xrf2);
	(xrf2) =	vadd.scan.msk.f32 $0xffff, v5  }
0x363: {  	v1 =	vadd.f32 v46, v1;
	v56 =	vbroadcast v60, $0xF;
	v59 =	vbroadcast v62, $0xF;
	v60, _, _ =	vpop (xrf2);
	(xrf2) =	vadd.scan.msk.f32 $0xffff, v13  }
0x364: {  	v62 =	vbroadcast v30, $0xF;
	v17 =	vadd.f32 v55, v34;
	v18 =	vbroadcast v37, $0xF;
	v63, _, _ =	vpop (xrf2);
	(xrf2) =	vadd.scan.msk.f32 $0xffff, v3  }
0x365: {  	v25 =	vbroadcast v40, $0xF;
	v26 =	vbroadcast v43, $0xF;
	v11 =	vsel vm0, v49, v50;
	v20, _, _ =	vpop (xrf2);
	(xrf2) =	vadd.scan.msk.f32 $0xffff, v57  }
0x366: {  	v40 =	vbroadcast v45, $0xF;
	v58 =	vsel vm1, v11, v53;
	v42 =	vbroadcast v48, $0xF;
	v27, _, _ =	vpop (xrf2);
	(xrf2) =	vadd.scan.msk.f32 $0xffff, v4  }
0x367: {  	v61 =	vsel vm2, v58, v56;
	v30 =	vbroadcast v20, $0xF;
	v31 =	vbroadcast v27, $0xF;
	v32, _, _ =	vpop (xrf2);
	(xrf2) =	vadd.scan.msk.f32 $0xffff, v17  }
0x368: {  	v48 =	vbroadcast v51, $0xF;
	v6 =	vsel vm3, v61, v59;
	v34, _, _ =	vpop (xrf2);
	v35 =	vbroadcast v32, $0xF;
	(xrf2) =	vadd.scan.msk.f32 $0xffff, v2  }
0x369: {  	v50 =	vbroadcast v54, $0xF;
	v37 =	vsel vm0, v30, v31;
	v4 =	vbroadcast v34, $0xF;
	v38, _, _ =	vpop (xrf2);
	(xrf2) =	vadd.scan.msk.f32 $0xffff, v1  }
0x36a: {  	v21 =	vsel vm4, v6, v62;
	v39, _, _ =	vpop (xrf2);
	v3 =	vsel vm1, v37, v35;
	v5 =	vbroadcast v38, $0xF  }
0x36b: {  	v28 =	vsel vm5, v21, v18;
	v41, _, _ =	vpop (xrf2);
	v3 =	vsel vm2, v3, v4;
	v1 =	vbroadcast v39, $0xF  }
0x36c: {  	v60 =	vbroadcast v60, $0xF;
	(xrf2) =	vadd.scan.msk.f32 $0xffff, v0;
	v3 =	vsel vm3, v3, v5;
	v43, _, _ =	vpop (xrf2);
	v44 =	vbroadcast v41, $0xF  }
0x36d: {  	v33 =	vsel vm6, v28, v25;
	v45, _, _ =	vpop (xrf2);
	v1 =	vsel vm4, v3, v1;
	v46 =	vbroadcast v43, $0xF  }
0x36e: {  	v57 =	vbroadcast v24, $0xF;
	v47, _, _ =	vpop (xrf2);
	v1 =	vsel vm5, v1, v44;
	v0 =	vbroadcast v45, $0xF  }
0x36f: {  	v36 =	vsel vm7, v33, v26;
	v49, _, _ =	vpop (xrf2);
	v1 =	vsel vm6, v1, v46;
	v51 =	vbroadcast v47, $0xF  }
0x370: {  	v2 =	vsel vm8, v36, v40;
	v52, _, _ =	vpop (xrf2);
	v0 =	vsel vm7, v1, v0;
	v53 =	vbroadcast v49, $0xF  }
0x371: {  	v2 =	vsel vm9, v2, v42;
	v54, _, _ =	vpop (xrf2);
	v0 =	vsel vm8, v0, v51;
	v55 =	vbroadcast v52, $0xF  }
0x372: {  	s17 =	sadd.s32 $0x1, s17;
	v2 =	vsel vm10, v2, v48;
	v56, _, _ =	vpop (xrf2);
	v0 =	vsel vm9, v0, v53;
	v58 =	vbroadcast v54, $0xF  }
0x373: {  	p0 =	sne.s32 s17, $0x5;
	v2 =	vsel vm11, v2, v50;
	v59, _, _ =	vpop (xrf2);
	v0 =	vsel vm10, v0, v55;
	v61 =	vbroadcast v56, $0xF  }
.Ltmp8:
0x374: {  	v2 =	vsel vm12, v2, v57;
	v0 =	vsel vm11, v0, v58;
	v62 =	vbroadcast v59, $0xF;
	(pc) =	sbr.rel @p0 .LBB2_2-.Ltmp8, $4  }
0x375: {  	v2 =	vsel vm13, v2, v60;
	v0 =	vsel vm12, v0, v61  }
0x376: {  	v2 =	vsel vm14, v2, v63;
	v63, _, _ =	vpop (xrf2);
	v0 =	vsel vm13, v0, v62  }
0x377: {  	[tilespmem:s18+$0x14700] =	vst v2;
	v0 =	vsel vm14, v0, v63  }
0x378: {  	[tilespmem:s18+$0x14780] =	vst v0  }
0x379: {  	s16 =	sadd.s32 $0x1, s16  }
0x37a: {  	p0 =	sne.s32 s16, s9  }
.Ltmp9:
0x37b: {  	_ = 	snop;
	(pc) =	sbr.rel @p0 .LBB2_1-.Ltmp9, $4  }
0x37c: {  	[hbm4b:s8+s4] =	stream.linear.scatter [tilespmem:s15], [sflag:$0x2], $0x2800, $0x38;
	[tilespmem:$0x16800] =	vst v63  }
0x37d: {  	_ =	swait.ge [sflag:s12], $0x2800  }
0x37e: {  	[sflag:s12] =	ssyncset.done $0x0  }
0x37f: {  	[sflag:s12] =	ssyncadd.s32 $0xFFFFD800  }
0x380: {  	_ =	sfence.sel $0x180000  }
0x381: {  	[bflag:$0x0] =	sbarrier.arrive $0xFFFF  }
0x382: {  	p0 =	sne.s32 s0, $0x0;
	_ =	strace $0x90000047  }
0x383: {  	s0 =	sadd.s32 @!p0 $0x100000, s3;
	[bflag:$0x2] =	sbarrier.arrive $0xFFFF  }
0x384: {  	[sflag:s0] =	ssyncadd.tile.s32 @!p0 $0x1;
	_ =	shalt  }
.Lfunc_end2:
_tile_overlayer_lowered:
.L_overlay_start_2:
0x385: {  	(tag) =	ssettag $0x2  }
0x386: {  	s0 =	rddreg [dreg:$0x0];
	s2 =	stileid.u32  }
0x387: {  	s1 =	rddreg [dreg:$0x1];
	p0 =	sne.s32 s2, $0x0  }
0x388: {  	s3 =	rddreg [dreg:$0x2];
	[bflag:$0x3] =	sbarrier.arrive $0xFFFF;
	s2 =	simm.s32 @!p0 $0x1C04  }
0x389: {  	[timem:s3], [sflag:s2] =	dma.local @!p0 [hbm:s0], s1  }
0x38a: {  	s0 =	simm.s32 @!p0 $0x4  }
0x38b: {  	_ =	swait.ge @!p0 [sflag:s0], s1  }
0x38c: {  	s1 =	ssub.s32 @!p0 $0x0, s1;
	[sflag:s0] =	ssyncset.done @!p0 $0x0  }
0x38d: {  	[sflag:s0] =	ssyncadd.s32 @!p0 s1  }
0x38e: {  	[bflag:$0x3] =	sbarrier.arrive $0xFFFF  }
0x38f: {  	_ =	shalt  }

</sc_bundles>
